<compile_context>
chip_gen: v7x
topology: tpu7x:2x2x1
jax: 0.10.2.dev20260603
libtpu: 0.0.44.dev20260713+nightly
codegen_flags: <defaults>
</compile_context>

<pallas_src>
import functools

import jax
import jax.numpy as jnp
from jax import lax
from jax.experimental import pallas as pl
from jax.experimental.pallas import tpu as pltpu
from jax.experimental.pallas import tpu_sc as plsc

N_NODES = 10000
D_IN = 128
HID = 64
HEADS = 3
F = HEADS * HID
FH = 96
FP = FH + 16
N_CLASSES = 40

NC = 2
NS = 16
CHUNK = 64
NP = 10240
RPT = NP // NS
NZCH = RPT // CHUNK

E_TOT = 330000
_NC0 = -(-E_TOT // (NS * CHUNK))
NCHUNK = _NC0 + (_NC0 % 2)
EPAD = NS * NCHUNK * CHUNK

BR = 1000

HEAD_MAP = ((0, 0, 0, 0, 1, 1), (1, 1, 2, 2, 2, 2))


def _proj_body(x_ref, w0_ref, w1_ref, wa_ref, hst_ref, atab_ref):
    x = x_ref[...]
    hst_ref[0] = jnp.dot(x, w0_ref[...], preferred_element_type=jnp.float32)
    hst_ref[1] = jnp.dot(x, w1_ref[...], preferred_element_type=jnp.float32)
    atab_ref[...] = jnp.dot(x, wa_ref[...], preferred_element_type=jnp.float32)


def _proj(x, wb0, wb1, wa):
    k = x.shape[1]
    return pl.pallas_call(
        _proj_body,
        grid=(N_NODES // BR,),
        in_specs=[
            pl.BlockSpec((BR, k), lambda i: (i, 0)),
            pl.BlockSpec((k, FP), lambda i: (0, 0)),
            pl.BlockSpec((k, FP), lambda i: (0, 0)),
            pl.BlockSpec((k, 16), lambda i: (0, 0)),
        ],
        out_specs=[
            pl.BlockSpec((2, BR, FP), lambda i: (0, i, 0)),
            pl.BlockSpec((BR, 16), lambda i: (i, 0)),
        ],
        out_shape=[
            jax.ShapeDtypeStruct((2, N_NODES, FP), jnp.float32),
            jax.ShapeDtypeStruct((N_NODES, 16), jnp.float32),
        ],
    )(x, wb0, wb1, wa)


def _normalize(acc_ref, sel_ref, eh_ref, b_ref):
    val0 = acc_ref[0]
    val1 = acc_ref[1]
    msg = jnp.concatenate([val0[:, :FH], val1[:, :FH]], axis=1)
    den = jnp.dot(val0, sel_ref[...], preferred_element_type=jnp.float32)
    dfull = jnp.dot(1.0 / (den + 1e-16), eh_ref[...],
                    preferred_element_type=jnp.float32)
    return jnp.maximum(msg * dfull + b_ref[...], 0.0)


def _combine_body(acc_ref, sel_ref, eh_ref, b_ref, w0_ref, w1_ref, wa_ref,
                  hst_ref, atab_ref):
    h1 = _normalize(acc_ref, sel_ref, eh_ref, b_ref)
    hst_ref[0] = jnp.dot(h1, w0_ref[...], preferred_element_type=jnp.float32)
    hst_ref[1] = jnp.dot(h1, w1_ref[...], preferred_element_type=jnp.float32)
    atab_ref[...] = jnp.dot(h1, wa_ref[...],
                            preferred_element_type=jnp.float32)


def _combine_proj(acc, sel, ehpad, bpad, wb0, wb1, wa):
    return pl.pallas_call(
        _combine_body,
        grid=(N_NODES // BR,),
        in_specs=[
            pl.BlockSpec((2, BR, FP), lambda i: (0, i, 0)),
            pl.BlockSpec((FP, HEADS), lambda i: (0, 0)),
            pl.BlockSpec((HEADS, F), lambda i: (0, 0)),
            pl.BlockSpec((1, F), lambda i: (0, 0)),
            pl.BlockSpec((F, FP), lambda i: (0, 0)),
            pl.BlockSpec((F, FP), lambda i: (0, 0)),
            pl.BlockSpec((F, 16), lambda i: (0, 0)),
        ],
        out_specs=[
            pl.BlockSpec((2, BR, FP), lambda i: (0, i, 0)),
            pl.BlockSpec((BR, 16), lambda i: (i, 0)),
        ],
        out_shape=[
            jax.ShapeDtypeStruct((2, N_NODES, FP), jnp.float32),
            jax.ShapeDtypeStruct((N_NODES, 16), jnp.float32),
        ],
    )(acc, sel, ehpad, bpad, wb0, wb1, wa)


def _final_body(acc_ref, sel_ref, eh_ref, b_ref, wo_ref, bo_ref, out_ref):
    h2 = _normalize(acc_ref, sel_ref, eh_ref, b_ref)
    out_ref[...] = jnp.dot(h2, wo_ref[...],
                           preferred_element_type=jnp.float32) + bo_ref[...]


def _final(acc, sel, ehpad, bpad, wo, bo):
    return pl.pallas_call(
        _final_body,
        grid=(N_NODES // BR,),
        in_specs=[
            pl.BlockSpec((2, BR, FP), lambda i: (0, i, 0)),
            pl.BlockSpec((FP, HEADS), lambda i: (0, 0)),
            pl.BlockSpec((HEADS, F), lambda i: (0, 0)),
            pl.BlockSpec((1, F), lambda i: (0, 0)),
            pl.BlockSpec((F, N_CLASSES), lambda i: (0, 0)),
            pl.BlockSpec((1, N_CLASSES), lambda i: (0, 0)),
        ],
        out_specs=pl.BlockSpec((BR, N_CLASSES), lambda i: (i, 0)),
        out_shape=jax.ShapeDtypeStruct((N_NODES, N_CLASSES), jnp.float32),
    )(acc, sel, ehpad, bpad, wo, bo)


def _edge_body(hs0_hbm, hs1_hbm, atab_hbm, src_hbm, dst_hbm, zeros_hbm,
               out_hbm, acc_sh, src_v, dst_v, m0, m1, a0, a1,
               sh0, sh1, sa0, sa1):
    c = lax.axis_index("c")
    s = lax.axis_index("s")
    row0 = s * RPT

    pltpu.sync_copy(zeros_hbm, m0)
    for k in range(NZCH):
        pltpu.sync_copy(m0, acc_sh.at[pl.ds(row0 + k * CHUNK, CHUNK)])
    plsc.subcore_barrier()

    pltpu.sync_copy(src_hbm.at[s], src_v)
    pltpu.sync_copy(dst_hbm.at[s], dst_v)

    lanes = lax.iota(jnp.int32, 16)
    wmask = lanes < HEADS

    def run(hs_hbm, head_map):
        def start(j, mb, ab, sh, sa):
            pltpu.async_copy(hs_hbm.at[src_v.at[j]], mb, sh)
            pltpu.async_copy(atab_hbm.at[dst_v.at[j]], ab, sa)

        def wait(j, mb, ab, sh, sa):
            pltpu.make_async_copy(hs_hbm.at[src_v.at[j]], mb, sh).wait()
            pltpu.make_async_copy(atab_hbm.at[dst_v.at[j]], ab, sa).wait()

        def process(j, mb, ab):
            def edge_step(e, carry2):
                a_s = mb[e, pl.ds(FH, 16)]
                a_d = ab[e, :]
                logit = a_s + a_d
                lrelu = jnp.where(logit >= 0.0, logit, 0.2 * logit)
                w = jnp.where(wmask, jnp.exp(lrelu), 0.0)
                mb[e, pl.ds(FH, 16)] = w
                ws = [jnp.full((16,), w[h]) for h in range(HEADS)]
                for j6 in range(FH // 16):
                    mb[e, pl.ds(j6 * 16, 16)] = (
                        mb[e, pl.ds(j6 * 16, 16)] * ws[head_map[j6]])
                return carry2

            lax.fori_loop(0, CHUNK, edge_step, 0)
            pltpu.sync_copy(mb, acc_sh.at[dst_v.at[j]], add=True)

        start(0, m0, a0, sh0, sa0)

        def pair_step(jj, carry):
            j0 = 2 * jj
            j1 = j0 + 1
            wait(j0, m0, a0, sh0, sa0)
            start(j1, m1, a1, sh1, sa1)
            process(j0, m0, a0)
            wait(j1, m1, a1, sh1, sa1)

            @pl.when(j1 + 1 < NCHUNK)
            def _():
                start(j1 + 1, m0, a0, sh0, sa0)

            process(j1, m1, a1)
            return carry

        lax.fori_loop(0, NCHUNK // 2, pair_step, 0)

    @pl.when(c == 0)
    def _():
        run(hs0_hbm, HEAD_MAP[0])

    @pl.when(c == 1)
    def _():
        run(hs1_hbm, HEAD_MAP[1])

    plsc.subcore_barrier()

    for k in range(NZCH):
        pltpu.sync_copy(acc_sh.at[pl.ds(row0 + k * CHUNK, CHUNK)], m0)
        pltpu.sync_copy(m0, out_hbm.at[c, pl.ds(row0 + k * CHUNK, CHUNK)])


@functools.cache
def _make_edge_pass():
    return functools.partial(
        pl.kernel,
        out_type=jax.ShapeDtypeStruct((NC, NP, FP), jnp.float32),
        mesh=plsc.VectorSubcoreMesh(core_axis_name="c", subcore_axis_name="s",
                                    num_cores=NC, num_subcores=NS),
        compiler_params=pltpu.CompilerParams(use_tc_tiling_on_sc=False),
        scratch_types=[
            pltpu.VMEM_SHARED((NP, FP), jnp.float32),
            pltpu.VMEM((NCHUNK, CHUNK), jnp.int32),
            pltpu.VMEM((NCHUNK, CHUNK), jnp.int32),
            pltpu.VMEM((CHUNK, FP), jnp.float32),
            pltpu.VMEM((CHUNK, FP), jnp.float32),
            pltpu.VMEM((CHUNK, 16), jnp.float32),
            pltpu.VMEM((CHUNK, 16), jnp.float32),
            pltpu.SemaphoreType.DMA,
            pltpu.SemaphoreType.DMA,
            pltpu.SemaphoreType.DMA,
            pltpu.SemaphoreType.DMA,
        ],
    )(_edge_body)


def _att_mat(att):
    return (jnp.eye(HEADS, dtype=att.dtype)[:, None, :]
            * att[:, :, None]).reshape(F, HEADS)


def kernel(x, edge_index, W1, att_src1, att_dst1, b1,
           W2, att_src2, att_dst2, b2, Wo, bo):
    f32 = jnp.float32

    def widen(W, att_src):
        k = W.shape[0]
        a = W @ _att_mat(att_src)
        pad = jnp.zeros((k, FP - FH - HEADS), f32)
        return (jnp.concatenate([W[:, :FH], a, pad], axis=1),
                jnp.concatenate([W[:, FH:], a, pad], axis=1))

    def narrow(W, att_dst):
        k = W.shape[0]
        return jnp.concatenate(
            [W @ _att_mat(att_dst), jnp.zeros((k, 16 - HEADS), f32)], axis=1)

    wb1_0, wb1_1 = widen(W1, att_src1)
    wa1 = narrow(W1, att_dst1)
    wb2_0, wb2_1 = widen(W2, att_src2)
    wa2 = narrow(W2, att_dst2)

    sel = (jnp.arange(FP)[:, None] == (FH + jnp.arange(HEADS))[None, :]
           ).astype(f32)
    ehpad = (jnp.arange(F)[None, :] // HID == jnp.arange(HEADS)[:, None]
             ).astype(f32)
    b1p = b1[None, :]
    b2p = b2[None, :]

    loop = jnp.arange(N_NODES, dtype=jnp.int32)
    src = jnp.concatenate([
        edge_index[0].astype(jnp.int32), loop,
        jnp.zeros((EPAD - E_TOT,), jnp.int32)]).reshape(NS, NCHUNK, CHUNK)
    dst = jnp.concatenate([
        edge_index[1].astype(jnp.int32), loop,
        jnp.full((EPAD - E_TOT,), N_NODES, jnp.int32)]).reshape(
            NS, NCHUNK, CHUNK)
    zeros_np = jnp.zeros((CHUNK, FP), f32)

    edge_pass = _make_edge_pass()
    hst1, atab1 = _proj(x, wb1_0, wb1_1, wa1)
    acc1 = edge_pass(hst1[0], hst1[1], atab1, src, dst, zeros_np)
    hst2, atab2 = _combine_proj(acc1, sel, ehpad, b1p, wb2_0, wb2_1, wa2)
    acc2 = edge_pass(hst2[0], hst2[1], atab2, src, dst, zeros_np)
    return _final(acc2, sel, ehpad, b2p, Wo, bo[None, :])

# --- scband reference (transcript-rebuilt; emitter-appended) ---
"""Pipeline reference for scband-gat-37056977830623 (READ-ONLY COPY).

The authoritative reference and input builder live on the scoring server;
editing this copy changes nothing except your own understanding.
"""

import jax, jax.numpy as jnp
import numpy as np

N = 10000
E = 320000
D_IN = 128
HID = 64
HEADS = 3
N_CLASSES = 40


def setup_inputs(seed: int = 0) -> dict:
    key = jax.random.key(seed)
    ks = jax.random.split(key, 16)
    x = jax.random.normal(ks[0], (N, D_IN), dtype=jnp.float32)
    edge_index = jax.random.randint(ks[1], (2, E), 0, N)
    s = 0.1
    W1 = jax.random.normal(ks[2], (D_IN, HEADS * HID), dtype=jnp.float32) * s
    att_src1 = jax.random.normal(ks[3], (HEADS, HID), dtype=jnp.float32) * s
    att_dst1 = jax.random.normal(ks[4], (HEADS, HID), dtype=jnp.float32) * s
    b1 = jnp.zeros((HEADS * HID,), dtype=jnp.float32)
    W2 = jax.random.normal(ks[5], (HEADS * HID, HEADS * HID), dtype=jnp.float32) * s
    att_src2 = jax.random.normal(ks[6], (HEADS, HID), dtype=jnp.float32) * s
    att_dst2 = jax.random.normal(ks[7], (HEADS, HID), dtype=jnp.float32) * s
    b2 = jnp.zeros((HEADS * HID,), dtype=jnp.float32)
    Wo = jax.random.normal(ks[8], (HEADS * HID, N_CLASSES), dtype=jnp.float32) * s
    bo = jnp.zeros((N_CLASSES,), dtype=jnp.float32)
    return {"x": x, "edge_index": edge_index, "W1": W1, "att_src1": att_src1,
            "att_dst1": att_dst1, "b1": b1, "W2": W2, "att_src2": att_src2,
            "att_dst2": att_dst2, "b2": b2, "Wo": Wo, "bo": bo}


def gat_conv(x, src, dst, W, att_src, att_dst, bias, n_nodes):
    # PyG GATConv (concat=True, negative_slope=0.2, add_self_loops handled by caller)
    h = (x @ W).reshape(n_nodes, HEADS, HID)
    a_src = (h * att_src[None, :, :]).sum(-1)  # [N, H]
    a_dst = (h * att_dst[None, :, :]).sum(-1)  # [N, H]
    e = a_src[src] + a_dst[dst]                # [E, H]
    e = jax.nn.leaky_relu(e, negative_slope=0.2)
    # softmax over incoming edges of each dst node
    e_max = jax.ops.segment_max(e, dst, num_segments=n_nodes)
    e = jnp.exp(e - e_max[dst])
    denom = jax.ops.segment_sum(e, dst, num_segments=n_nodes)
    alpha = e / (denom[dst] + 1e-16)           # [E, H]
    msg = h[src] * alpha[:, :, None]           # [E, H, C]
    out = jax.ops.segment_sum(msg, dst, num_segments=n_nodes)
    return out.reshape(n_nodes, HEADS * HID) + bias[None, :]


def reference(x, edge_index, W1, att_src1, att_dst1, b1, W2, att_src2, att_dst2, b2, Wo, bo):
    n_nodes = x.shape[0]
    loop = jnp.arange(n_nodes, dtype=edge_index.dtype)
    src = jnp.concatenate([edge_index[0], loop])
    dst = jnp.concatenate([edge_index[1], loop])
    h = gat_conv(x, src, dst, W1, att_src1, att_dst1, b1, n_nodes)
    h = jax.nn.relu(h)
    h = gat_conv(h, src, dst, W2, att_src2, att_dst2, b2, n_nodes)
    h = jax.nn.relu(h)
    out = h @ Wo + bo[None, :]
    return out

if __name__ == "__main__":
    import jax
    _d = setup_inputs()
    print(jax.jit(kernel)(*tuple(_d.values())))

</pallas_src>

<mosaic_0001>
#map = affine_map<(d0, d1) -> (0, 0)>
#map1 = affine_map<(d0, d1) -> (0, 0, 0)>
module attributes {stable_mosaic.version = 14 : i64} {
  func.func @_edge_body(%arg0: i32, %arg1: i32, %arg2: memref<10000x112xf32, #tpu.memory_space<hbm>>, %arg3: memref<10000x112xf32, #tpu.memory_space<hbm>>, %arg4: memref<10000x16xf32, #tpu.memory_space<hbm>>, %arg5: memref<16x324x64xi32, #tpu.memory_space<hbm>>, %arg6: memref<16x324x64xi32, #tpu.memory_space<hbm>>, %arg7: memref<64x112xf32, #tpu.memory_space<hbm>>, %arg8: memref<2x10240x112xf32, #tpu.memory_space<hbm>>, %arg9: memref<10240x112xf32, #tpu.memory_space<vmem_shared>>, %arg10: memref<324x64xi32, #tpu.memory_space<vmem>>, %arg11: memref<324x64xi32, #tpu.memory_space<vmem>>, %arg12: memref<64x112xf32, #tpu.memory_space<vmem>>, %arg13: memref<64x112xf32, #tpu.memory_space<vmem>>, %arg14: memref<64x16xf32, #tpu.memory_space<vmem>>, %arg15: memref<64x16xf32, #tpu.memory_space<vmem>>, %arg16: memref<!tpu.dma_semaphore, #tpu.memory_space<semaphore_mem>>, %arg17: memref<!tpu.dma_semaphore, #tpu.memory_space<semaphore_mem>>, %arg18: memref<!tpu.dma_semaphore, #tpu.memory_space<semaphore_mem>>, %arg19: memref<!tpu.dma_semaphore, #tpu.memory_space<semaphore_mem>>) attributes {dimension_semantics = [#tpu.dimension_semantics<core_parallel>, #tpu.dimension_semantics<subcore_parallel>], iteration_bounds = array<i64: 2, 16>, scalar_prefetch = 0 : i64, scratch_operands = 11 : i64, tpu.core_type = #tpu.core_type<sc_vector_subcore>, window_params = [{transform_indices = #map}, {transform_indices = #map}, {transform_indices = #map}, {transform_indices = #map1}, {transform_indices = #map1}, {transform_indices = #map}, {transform_indices = #map1}]} {
    %mul3A = arith.constant 640 : i32
    %mul3A_0 = arith.muli %arg1, %mul3A : i32
    "tpu.region"() ({
      %run_scoped3A = tpu.sem_alloc : memref<!tpu.dma_semaphore, #tpu.memory_space<semaphore_mem>>
      tpu.enqueue_dma source(%arg7 : memref<64x112xf32, #tpu.memory_space<hbm>>) target(%arg12 : memref<64x112xf32, #tpu.memory_space<vmem>>) target_semaphore(%run_scoped3A : memref<!tpu.dma_semaphore, #tpu.memory_space<semaphore_mem>>)
      tpu.wait_dma2 semaphore(%run_scoped3A : memref<!tpu.dma_semaphore, #tpu.memory_space<semaphore_mem>>) src(%arg7 : memref<64x112xf32, #tpu.memory_space<hbm>>) dst(%arg12 : memref<64x112xf32, #tpu.memory_space<vmem>>)
      tpu.yield
    }) : () -> ()
    %add3A = arith.constant 0 : i32
    %add3A_1 = arith.addi %mul3A_0, %add3A : i32
    "tpu.region"() ({
      %run_scoped3A = tpu.sem_alloc : memref<!tpu.dma_semaphore, #tpu.memory_space<semaphore_mem>>
      %dma_start3A = arith.constant 0 : i32
      %dma_start3A_70 = tpu.memref_slice %arg9[%add3A_1, %dma_start3A] : memref<10240x112xf32, #tpu.memory_space<vmem_shared>> -> memref<64x112xf32, #tpu.memory_space<vmem_shared>>
      %dma_start3A_71 = arith.constant 0 : i32
      %dma_start3A_72 = tpu.memref_slice %arg9[%add3A_1, %dma_start3A_71] : memref<10240x112xf32, #tpu.memory_space<vmem_shared>> -> memref<64x112xf32, #tpu.memory_space<vmem_shared>>
      tpu.enqueue_dma source(%arg12 : memref<64x112xf32, #tpu.memory_space<vmem>>) target(%dma_start3A_72 : memref<64x112xf32, #tpu.memory_space<vmem_shared>>) target_semaphore(%run_scoped3A : memref<!tpu.dma_semaphore, #tpu.memory_space<semaphore_mem>>)
      %dma_wait3A = arith.constant 0 : i32
      %dma_wait3A_73 = tpu.memref_slice %arg9[%add3A_1, %dma_wait3A] : memref<10240x112xf32, #tpu.memory_space<vmem_shared>> -> memref<64x112xf32, #tpu.memory_space<vmem_shared>>
      %dma_wait3A_74 = arith.constant 0 : i32
      %dma_wait3A_75 = tpu.memref_slice %arg9[%add3A_1, %dma_wait3A_74] : memref<10240x112xf32, #tpu.memory_space<vmem_shared>> -> memref<64x112xf32, #tpu.memory_space<vmem_shared>>
      tpu.wait_dma2 semaphore(%run_scoped3A : memref<!tpu.dma_semaphore, #tpu.memory_space<semaphore_mem>>) src(%arg12 : memref<64x112xf32, #tpu.memory_space<vmem>>) dst(%dma_wait3A_75 : memref<64x112xf32, #tpu.memory_space<vmem_shared>>)
      tpu.yield
    }) : () -> ()
    %add3A_2 = arith.constant 64 : i32
    %add3A_3 = arith.addi %mul3A_0, %add3A_2 : i32
    "tpu.region"() ({
      %run_scoped3A = tpu.sem_alloc : memref<!tpu.dma_semaphore, #tpu.memory_space<semaphore_mem>>
      %dma_start3A = arith.constant 0 : i32
      %dma_start3A_70 = tpu.memref_slice %arg9[%add3A_3, %dma_start3A] : memref<10240x112xf32, #tpu.memory_space<vmem_shared>> -> memref<64x112xf32, #tpu.memory_space<vmem_shared>>
      %dma_start3A_71 = arith.constant 0 : i32
      %dma_start3A_72 = tpu.memref_slice %arg9[%add3A_3, %dma_start3A_71] : memref<10240x112xf32, #tpu.memory_space<vmem_shared>> -> memref<64x112xf32, #tpu.memory_space<vmem_shared>>
      tpu.enqueue_dma source(%arg12 : memref<64x112xf32, #tpu.memory_space<vmem>>) target(%dma_start3A_72 : memref<64x112xf32, #tpu.memory_space<vmem_shared>>) target_semaphore(%run_scoped3A : memref<!tpu.dma_semaphore, #tpu.memory_space<semaphore_mem>>)
      %dma_wait3A = arith.constant 0 : i32
      %dma_wait3A_73 = tpu.memref_slice %arg9[%add3A_3, %dma_wait3A] : memref<10240x112xf32, #tpu.memory_space<vmem_shared>> -> memref<64x112xf32, #tpu.memory_space<vmem_shared>>
      %dma_wait3A_74 = arith.constant 0 : i32
      %dma_wait3A_75 = tpu.memref_slice %arg9[%add3A_3, %dma_wait3A_74] : memref<10240x112xf32, #tpu.memory_space<vmem_shared>> -> memref<64x112xf32, #tpu.memory_space<vmem_shared>>
      tpu.wait_dma2 semaphore(%run_scoped3A : memref<!tpu.dma_semaphore, #tpu.memory_space<semaphore_mem>>) src(%arg12 : memref<64x112xf32, #tpu.memory_space<vmem>>) dst(%dma_wait3A_75 : memref<64x112xf32, #tpu.memory_space<vmem_shared>>)
      tpu.yield
    }) : () -> ()
    %add3A_4 = arith.constant 128 : i32
    %add3A_5 = arith.addi %mul3A_0, %add3A_4 : i32
    "tpu.region"() ({
      %run_scoped3A = tpu.sem_alloc : memref<!tpu.dma_semaphore, #tpu.memory_space<semaphore_mem>>
      %dma_start3A = arith.constant 0 : i32
      %dma_start3A_70 = tpu.memref_slice %arg9[%add3A_5, %dma_start3A] : memref<10240x112xf32, #tpu.memory_space<vmem_shared>> -> memref<64x112xf32, #tpu.memory_space<vmem_shared>>
      %dma_start3A_71 = arith.constant 0 : i32
      %dma_start3A_72 = tpu.memref_slice %arg9[%add3A_5, %dma_start3A_71] : memref<10240x112xf32, #tpu.memory_space<vmem_shared>> -> memref<64x112xf32, #tpu.memory_space<vmem_shared>>
      tpu.enqueue_dma source(%arg12 : memref<64x112xf32, #tpu.memory_space<vmem>>) target(%dma_start3A_72 : memref<64x112xf32, #tpu.memory_space<vmem_shared>>) target_semaphore(%run_scoped3A : memref<!tpu.dma_semaphore, #tpu.memory_space<semaphore_mem>>)
      %dma_wait3A = arith.constant 0 : i32
      %dma_wait3A_73 = tpu.memref_slice %arg9[%add3A_5, %dma_wait3A] : memref<10240x112xf32, #tpu.memory_space<vmem_shared>> -> memref<64x112xf32, #tpu.memory_space<vmem_shared>>
      %dma_wait3A_74 = arith.constant 0 : i32
      %dma_wait3A_75 = tpu.memref_slice %arg9[%add3A_5, %dma_wait3A_74] : memref<10240x112xf32, #tpu.memory_space<vmem_shared>> -> memref<64x112xf32, #tpu.memory_space<vmem_shared>>
      tpu.wait_dma2 semaphore(%run_scoped3A : memref<!tpu.dma_semaphore, #tpu.memory_space<semaphore_mem>>) src(%arg12 : memref<64x112xf32, #tpu.memory_space<vmem>>) dst(%dma_wait3A_75 : memref<64x112xf32, #tpu.memory_space<vmem_shared>>)
      tpu.yield
    }) : () -> ()
    %add3A_6 = arith.constant 192 : i32
    %add3A_7 = arith.addi %mul3A_0, %add3A_6 : i32
    "tpu.region"() ({
      %run_scoped3A = tpu.sem_alloc : memref<!tpu.dma_semaphore, #tpu.memory_space<semaphore_mem>>
      %dma_start3A = arith.constant 0 : i32
      %dma_start3A_70 = tpu.memref_slice %arg9[%add3A_7, %dma_start3A] : memref<10240x112xf32, #tpu.memory_space<vmem_shared>> -> memref<64x112xf32, #tpu.memory_space<vmem_shared>>
      %dma_start3A_71 = arith.constant 0 : i32
      %dma_start3A_72 = tpu.memref_slice %arg9[%add3A_7, %dma_start3A_71] : memref<10240x112xf32, #tpu.memory_space<vmem_shared>> -> memref<64x112xf32, #tpu.memory_space<vmem_shared>>
      tpu.enqueue_dma source(%arg12 : memref<64x112xf32, #tpu.memory_space<vmem>>) target(%dma_start3A_72 : memref<64x112xf32, #tpu.memory_space<vmem_shared>>) target_semaphore(%run_scoped3A : memref<!tpu.dma_semaphore, #tpu.memory_space<semaphore_mem>>)
      %dma_wait3A = arith.constant 0 : i32
      %dma_wait3A_73 = tpu.memref_slice %arg9[%add3A_7, %dma_wait3A] : memref<10240x112xf32, #tpu.memory_space<vmem_shared>> -> memref<64x112xf32, #tpu.memory_space<vmem_shared>>
      %dma_wait3A_74 = arith.constant 0 : i32
      %dma_wait3A_75 = tpu.memref_slice %arg9[%add3A_7, %dma_wait3A_74] : memref<10240x112xf32, #tpu.memory_space<vmem_shared>> -> memref<64x112xf32, #tpu.memory_space<vmem_shared>>
      tpu.wait_dma2 semaphore(%run_scoped3A : memref<!tpu.dma_semaphore, #tpu.memory_space<semaphore_mem>>) src(%arg12 : memref<64x112xf32, #tpu.memory_space<vmem>>) dst(%dma_wait3A_75 : memref<64x112xf32, #tpu.memory_space<vmem_shared>>)
      tpu.yield
    }) : () -> ()
    %add3A_8 = arith.constant 256 : i32
    %add3A_9 = arith.addi %mul3A_0, %add3A_8 : i32
    "tpu.region"() ({
      %run_scoped3A = tpu.sem_alloc : memref<!tpu.dma_semaphore, #tpu.memory_space<semaphore_mem>>
      %dma_start3A = arith.constant 0 : i32
      %dma_start3A_70 = tpu.memref_slice %arg9[%add3A_9, %dma_start3A] : memref<10240x112xf32, #tpu.memory_space<vmem_shared>> -> memref<64x112xf32, #tpu.memory_space<vmem_shared>>
      %dma_start3A_71 = arith.constant 0 : i32
      %dma_start3A_72 = tpu.memref_slice %arg9[%add3A_9, %dma_start3A_71] : memref<10240x112xf32, #tpu.memory_space<vmem_shared>> -> memref<64x112xf32, #tpu.memory_space<vmem_shared>>
      tpu.enqueue_dma source(%arg12 : memref<64x112xf32, #tpu.memory_space<vmem>>) target(%dma_start3A_72 : memref<64x112xf32, #tpu.memory_space<vmem_shared>>) target_semaphore(%run_scoped3A : memref<!tpu.dma_semaphore, #tpu.memory_space<semaphore_mem>>)
      %dma_wait3A = arith.constant 0 : i32
      %dma_wait3A_73 = tpu.memref_slice %arg9[%add3A_9, %dma_wait3A] : memref<10240x112xf32, #tpu.memory_space<vmem_shared>> -> memref<64x112xf32, #tpu.memory_space<vmem_shared>>
      %dma_wait3A_74 = arith.constant 0 : i32
      %dma_wait3A_75 = tpu.memref_slice %arg9[%add3A_9, %dma_wait3A_74] : memref<10240x112xf32, #tpu.memory_space<vmem_shared>> -> memref<64x112xf32, #tpu.memory_space<vmem_shared>>
      tpu.wait_dma2 semaphore(%run_scoped3A : memref<!tpu.dma_semaphore, #tpu.memory_space<semaphore_mem>>) src(%arg12 : memref<64x112xf32, #tpu.memory_space<vmem>>) dst(%dma_wait3A_75 : memref<64x112xf32, #tpu.memory_space<vmem_shared>>)
      tpu.yield
    }) : () -> ()
    %add3A_10 = arith.constant 320 : i32
    %add3A_11 = arith.addi %mul3A_0, %add3A_10 : i32
    "tpu.region"() ({
      %run_scoped3A = tpu.sem_alloc : memref<!tpu.dma_semaphore, #tpu.memory_space<semaphore_mem>>
      %dma_start3A = arith.constant 0 : i32
      %dma_start3A_70 = tpu.memref_slice %arg9[%add3A_11, %dma_start3A] : memref<10240x112xf32, #tpu.memory_space<vmem_shared>> -> memref<64x112xf32, #tpu.memory_space<vmem_shared>>
      %dma_start3A_71 = arith.constant 0 : i32
      %dma_start3A_72 = tpu.memref_slice %arg9[%add3A_11, %dma_start3A_71] : memref<10240x112xf32, #tpu.memory_space<vmem_shared>> -> memref<64x112xf32, #tpu.memory_space<vmem_shared>>
      tpu.enqueue_dma source(%arg12 : memref<64x112xf32, #tpu.memory_space<vmem>>) target(%dma_start3A_72 : memref<64x112xf32, #tpu.memory_space<vmem_shared>>) target_semaphore(%run_scoped3A : memref<!tpu.dma_semaphore, #tpu.memory_space<semaphore_mem>>)
      %dma_wait3A = arith.constant 0 : i32
      %dma_wait3A_73 = tpu.memref_slice %arg9[%add3A_11, %dma_wait3A] : memref<10240x112xf32, #tpu.memory_space<vmem_shared>> -> memref<64x112xf32, #tpu.memory_space<vmem_shared>>
      %dma_wait3A_74 = arith.constant 0 : i32
      %dma_wait3A_75 = tpu.memref_slice %arg9[%add3A_11, %dma_wait3A_74] : memref<10240x112xf32, #tpu.memory_space<vmem_shared>> -> memref<64x112xf32, #tpu.memory_space<vmem_shared>>
      tpu.wait_dma2 semaphore(%run_scoped3A : memref<!tpu.dma_semaphore, #tpu.memory_space<semaphore_mem>>) src(%arg12 : memref<64x112xf32, #tpu.memory_space<vmem>>) dst(%dma_wait3A_75 : memref<64x112xf32, #tpu.memory_space<vmem_shared>>)
      tpu.yield
    }) : () -> ()
    %add3A_12 = arith.constant 384 : i32
    %add3A_13 = arith.addi %mul3A_0, %add3A_12 : i32
    "tpu.region"() ({
      %run_scoped3A = tpu.sem_alloc : memref<!tpu.dma_semaphore, #tpu.memory_space<semaphore_mem>>
      %dma_start3A = arith.constant 0 : i32
      %dma_start3A_70 = tpu.memref_slice %arg9[%add3A_13, %dma_start3A] : memref<10240x112xf32, #tpu.memory_space<vmem_shared>> -> memref<64x112xf32, #tpu.memory_space<vmem_shared>>
      %dma_start3A_71 = arith.constant 0 : i32
      %dma_start3A_72 = tpu.memref_slice %arg9[%add3A_13, %dma_start3A_71] : memref<10240x112xf32, #tpu.memory_space<vmem_shared>> -> memref<64x112xf32, #tpu.memory_space<vmem_shared>>
      tpu.enqueue_dma source(%arg12 : memref<64x112xf32, #tpu.memory_space<vmem>>) target(%dma_start3A_72 : memref<64x112xf32, #tpu.memory_space<vmem_shared>>) target_semaphore(%run_scoped3A : memref<!tpu.dma_semaphore, #tpu.memory_space<semaphore_mem>>)
      %dma_wait3A = arith.constant 0 : i32
      %dma_wait3A_73 = tpu.memref_slice %arg9[%add3A_13, %dma_wait3A] : memref<10240x112xf32, #tpu.memory_space<vmem_shared>> -> memref<64x112xf32, #tpu.memory_space<vmem_shared>>
      %dma_wait3A_74 = arith.constant 0 : i32
      %dma_wait3A_75 = tpu.memref_slice %arg9[%add3A_13, %dma_wait3A_74] : memref<10240x112xf32, #tpu.memory_space<vmem_shared>> -> memref<64x112xf32, #tpu.memory_space<vmem_shared>>
      tpu.wait_dma2 semaphore(%run_scoped3A : memref<!tpu.dma_semaphore, #tpu.memory_space<semaphore_mem>>) src(%arg12 : memref<64x112xf32, #tpu.memory_space<vmem>>) dst(%dma_wait3A_75 : memref<64x112xf32, #tpu.memory_space<vmem_shared>>)
      tpu.yield
    }) : () -> ()
    %add3A_14 = arith.constant 448 : i32
    %add3A_15 = arith.addi %mul3A_0, %add3A_14 : i32
    "tpu.region"() ({
      %run_scoped3A = tpu.sem_alloc : memref<!tpu.dma_semaphore, #tpu.memory_space<semaphore_mem>>
      %dma_start3A = arith.constant 0 : i32
      %dma_start3A_70 = tpu.memref_slice %arg9[%add3A_15, %dma_start3A] : memref<10240x112xf32, #tpu.memory_space<vmem_shared>> -> memref<64x112xf32, #tpu.memory_space<vmem_shared>>
      %dma_start3A_71 = arith.constant 0 : i32
      %dma_start3A_72 = tpu.memref_slice %arg9[%add3A_15, %dma_start3A_71] : memref<10240x112xf32, #tpu.memory_space<vmem_shared>> -> memref<64x112xf32, #tpu.memory_space<vmem_shared>>
      tpu.enqueue_dma source(%arg12 : memref<64x112xf32, #tpu.memory_space<vmem>>) target(%dma_start3A_72 : memref<64x112xf32, #tpu.memory_space<vmem_shared>>) target_semaphore(%run_scoped3A : memref<!tpu.dma_semaphore, #tpu.memory_space<semaphore_mem>>)
      %dma_wait3A = arith.constant 0 : i32
      %dma_wait3A_73 = tpu.memref_slice %arg9[%add3A_15, %dma_wait3A] : memref<10240x112xf32, #tpu.memory_space<vmem_shared>> -> memref<64x112xf32, #tpu.memory_space<vmem_shared>>
      %dma_wait3A_74 = arith.constant 0 : i32
      %dma_wait3A_75 = tpu.memref_slice %arg9[%add3A_15, %dma_wait3A_74] : memref<10240x112xf32, #tpu.memory_space<vmem_shared>> -> memref<64x112xf32, #tpu.memory_space<vmem_shared>>
      tpu.wait_dma2 semaphore(%run_scoped3A : memref<!tpu.dma_semaphore, #tpu.memory_space<semaphore_mem>>) src(%arg12 : memref<64x112xf32, #tpu.memory_space<vmem>>) dst(%dma_wait3A_75 : memref<64x112xf32, #tpu.memory_space<vmem_shared>>)
      tpu.yield
    }) : () -> ()
    %add3A_16 = arith.constant 512 : i32
    %add3A_17 = arith.addi %mul3A_0, %add3A_16 : i32
    "tpu.region"() ({
      %run_scoped3A = tpu.sem_alloc : memref<!tpu.dma_semaphore, #tpu.memory_space<semaphore_mem>>
      %dma_start3A = arith.constant 0 : i32
      %dma_start3A_70 = tpu.memref_slice %arg9[%add3A_17, %dma_start3A] : memref<10240x112xf32, #tpu.memory_space<vmem_shared>> -> memref<64x112xf32, #tpu.memory_space<vmem_shared>>
      %dma_start3A_71 = arith.constant 0 : i32
      %dma_start3A_72 = tpu.memref_slice %arg9[%add3A_17, %dma_start3A_71] : memref<10240x112xf32, #tpu.memory_space<vmem_shared>> -> memref<64x112xf32, #tpu.memory_space<vmem_shared>>
      tpu.enqueue_dma source(%arg12 : memref<64x112xf32, #tpu.memory_space<vmem>>) target(%dma_start3A_72 : memref<64x112xf32, #tpu.memory_space<vmem_shared>>) target_semaphore(%run_scoped3A : memref<!tpu.dma_semaphore, #tpu.memory_space<semaphore_mem>>)
      %dma_wait3A = arith.constant 0 : i32
      %dma_wait3A_73 = tpu.memref_slice %arg9[%add3A_17, %dma_wait3A] : memref<10240x112xf32, #tpu.memory_space<vmem_shared>> -> memref<64x112xf32, #tpu.memory_space<vmem_shared>>
      %dma_wait3A_74 = arith.constant 0 : i32
      %dma_wait3A_75 = tpu.memref_slice %arg9[%add3A_17, %dma_wait3A_74] : memref<10240x112xf32, #tpu.memory_space<vmem_shared>> -> memref<64x112xf32, #tpu.memory_space<vmem_shared>>
      tpu.wait_dma2 semaphore(%run_scoped3A : memref<!tpu.dma_semaphore, #tpu.memory_space<semaphore_mem>>) src(%arg12 : memref<64x112xf32, #tpu.memory_space<vmem>>) dst(%dma_wait3A_75 : memref<64x112xf32, #tpu.memory_space<vmem_shared>>)
      tpu.yield
    }) : () -> ()
    %add3A_18 = arith.constant 576 : i32
    %add3A_19 = arith.addi %mul3A_0, %add3A_18 : i32
    "tpu.region"() ({
      %run_scoped3A = tpu.sem_alloc : memref<!tpu.dma_semaphore, #tpu.memory_space<semaphore_mem>>
      %dma_start3A = arith.constant 0 : i32
      %dma_start3A_70 = tpu.memref_slice %arg9[%add3A_19, %dma_start3A] : memref<10240x112xf32, #tpu.memory_space<vmem_shared>> -> memref<64x112xf32, #tpu.memory_space<vmem_shared>>
      %dma_start3A_71 = arith.constant 0 : i32
      %dma_start3A_72 = tpu.memref_slice %arg9[%add3A_19, %dma_start3A_71] : memref<10240x112xf32, #tpu.memory_space<vmem_shared>> -> memref<64x112xf32, #tpu.memory_space<vmem_shared>>
      tpu.enqueue_dma source(%arg12 : memref<64x112xf32, #tpu.memory_space<vmem>>) target(%dma_start3A_72 : memref<64x112xf32, #tpu.memory_space<vmem_shared>>) target_semaphore(%run_scoped3A : memref<!tpu.dma_semaphore, #tpu.memory_space<semaphore_mem>>)
      %dma_wait3A = arith.constant 0 : i32
      %dma_wait3A_73 = tpu.memref_slice %arg9[%add3A_19, %dma_wait3A] : memref<10240x112xf32, #tpu.memory_space<vmem_shared>> -> memref<64x112xf32, #tpu.memory_space<vmem_shared>>
      %dma_wait3A_74 = arith.constant 0 : i32
      %dma_wait3A_75 = tpu.memref_slice %arg9[%add3A_19, %dma_wait3A_74] : memref<10240x112xf32, #tpu.memory_space<vmem_shared>> -> memref<64x112xf32, #tpu.memory_space<vmem_shared>>
      tpu.wait_dma2 semaphore(%run_scoped3A : memref<!tpu.dma_semaphore, #tpu.memory_space<semaphore_mem>>) src(%arg12 : memref<64x112xf32, #tpu.memory_space<vmem>>) dst(%dma_wait3A_75 : memref<64x112xf32, #tpu.memory_space<vmem_shared>>)
      tpu.yield
    }) : () -> ()
    %barrier3A = arith.constant 0 : index
    tpu.barrier barrier_id(%barrier3A)
    "tpu.region"() ({
      %run_scoped3A = tpu.sem_alloc : memref<!tpu.dma_semaphore, #tpu.memory_space<semaphore_mem>>
      %dma_start3A = arith.constant 0 : i32
      %dma_start3A_70 = arith.constant 0 : i32
      %dma_start3A_71 = tpu.memref_slice %arg5[%arg1, %dma_start3A, %dma_start3A_70] : memref<16x324x64xi32, #tpu.memory_space<hbm>> -> memref<1x324x64xi32, #tpu.memory_space<hbm>>
      %dma_start3A_72 = tpu.memref_squeeze %dma_start3A_71 : memref<1x324x64xi32, #tpu.memory_space<hbm>> -> memref<324x64xi32, #tpu.memory_space<hbm>>
      %dma_start3A_73 = arith.constant 0 : i32
      %dma_start3A_74 = arith.constant 0 : i32
      %dma_start3A_75 = tpu.memref_slice %arg5[%arg1, %dma_start3A_73, %dma_start3A_74] : memref<16x324x64xi32, #tpu.memory_space<hbm>> -> memref<1x324x64xi32, #tpu.memory_space<hbm>>
      %dma_start3A_76 = tpu.memref_squeeze %dma_start3A_75 : memref<1x324x64xi32, #tpu.memory_space<hbm>> -> memref<324x64xi32, #tpu.memory_space<hbm>>
      tpu.enqueue_dma source(%dma_start3A_76 : memref<324x64xi32, #tpu.memory_space<hbm>>) target(%arg10 : memref<324x64xi32, #tpu.memory_space<vmem>>) target_semaphore(%run_scoped3A : memref<!tpu.dma_semaphore, #tpu.memory_space<semaphore_mem>>)
      %dma_wait3A = arith.constant 0 : i32
      %dma_wait3A_77 = arith.constant 0 : i32
      %dma_wait3A_78 = tpu.memref_slice %arg5[%arg1, %dma_wait3A, %dma_wait3A_77] : memref<16x324x64xi32, #tpu.memory_space<hbm>> -> memref<1x324x64xi32, #tpu.memory_space<hbm>>
      %dma_wait3A_79 = tpu.memref_squeeze %dma_wait3A_78 : memref<1x324x64xi32, #tpu.memory_space<hbm>> -> memref<324x64xi32, #tpu.memory_space<hbm>>
      %dma_wait3A_80 = arith.constant 0 : i32
      %dma_wait3A_81 = arith.constant 0 : i32
      %dma_wait3A_82 = tpu.memref_slice %arg5[%arg1, %dma_wait3A_80, %dma_wait3A_81] : memref<16x324x64xi32, #tpu.memory_space<hbm>> -> memref<1x324x64xi32, #tpu.memory_space<hbm>>
      %dma_wait3A_83 = tpu.memref_squeeze %dma_wait3A_82 : memref<1x324x64xi32, #tpu.memory_space<hbm>> -> memref<324x64xi32, #tpu.memory_space<hbm>>
      tpu.wait_dma2 semaphore(%run_scoped3A : memref<!tpu.dma_semaphore, #tpu.memory_space<semaphore_mem>>) src(%dma_wait3A_83 : memref<324x64xi32, #tpu.memory_space<hbm>>) dst(%arg10 : memref<324x64xi32, #tpu.memory_space<vmem>>)
      tpu.yield
    }) : () -> ()
    "tpu.region"() ({
      %run_scoped3A = tpu.sem_alloc : memref<!tpu.dma_semaphore, #tpu.memory_space<semaphore_mem>>
      %dma_start3A = arith.constant 0 : i32
      %dma_start3A_70 = arith.constant 0 : i32
      %dma_start3A_71 = tpu.memref_slice %arg6[%arg1, %dma_start3A, %dma_start3A_70] : memref<16x324x64xi32, #tpu.memory_space<hbm>> -> memref<1x324x64xi32, #tpu.memory_space<hbm>>
      %dma_start3A_72 = tpu.memref_squeeze %dma_start3A_71 : memref<1x324x64xi32, #tpu.memory_space<hbm>> -> memref<324x64xi32, #tpu.memory_space<hbm>>
      %dma_start3A_73 = arith.constant 0 : i32
      %dma_start3A_74 = arith.constant 0 : i32
      %dma_start3A_75 = tpu.memref_slice %arg6[%arg1, %dma_start3A_73, %dma_start3A_74] : memref<16x324x64xi32, #tpu.memory_space<hbm>> -> memref<1x324x64xi32, #tpu.memory_space<hbm>>
      %dma_start3A_76 = tpu.memref_squeeze %dma_start3A_75 : memref<1x324x64xi32, #tpu.memory_space<hbm>> -> memref<324x64xi32, #tpu.memory_space<hbm>>
      tpu.enqueue_dma source(%dma_start3A_76 : memref<324x64xi32, #tpu.memory_space<hbm>>) target(%arg11 : memref<324x64xi32, #tpu.memory_space<vmem>>) target_semaphore(%run_scoped3A : memref<!tpu.dma_semaphore, #tpu.memory_space<semaphore_mem>>)
      %dma_wait3A = arith.constant 0 : i32
      %dma_wait3A_77 = arith.constant 0 : i32
      %dma_wait3A_78 = tpu.memref_slice %arg6[%arg1, %dma_wait3A, %dma_wait3A_77] : memref<16x324x64xi32, #tpu.memory_space<hbm>> -> memref<1x324x64xi32, #tpu.memory_space<hbm>>
      %dma_wait3A_79 = tpu.memref_squeeze %dma_wait3A_78 : memref<1x324x64xi32, #tpu.memory_space<hbm>> -> memref<324x64xi32, #tpu.memory_space<hbm>>
      %dma_wait3A_80 = arith.constant 0 : i32
      %dma_wait3A_81 = arith.constant 0 : i32
      %dma_wait3A_82 = tpu.memref_slice %arg6[%arg1, %dma_wait3A_80, %dma_wait3A_81] : memref<16x324x64xi32, #tpu.memory_space<hbm>> -> memref<1x324x64xi32, #tpu.memory_space<hbm>>
      %dma_wait3A_83 = tpu.memref_squeeze %dma_wait3A_82 : memref<1x324x64xi32, #tpu.memory_space<hbm>> -> memref<324x64xi32, #tpu.memory_space<hbm>>
      tpu.wait_dma2 semaphore(%run_scoped3A : memref<!tpu.dma_semaphore, #tpu.memory_space<semaphore_mem>>) src(%dma_wait3A_83 : memref<324x64xi32, #tpu.memory_space<hbm>>) dst(%arg11 : memref<324x64xi32, #tpu.memory_space<vmem>>)
      tpu.yield
    }) : () -> ()
    %iota3A = tpu.iota {dimensions = array<i32: 0>} : vector<16xi32>
    %lt3A = arith.constant 3 : i32
    %lt3A_20 = vector.broadcast %lt3A : i32 to vector<16xi32>
    %lt3A_21 = arith.cmpi slt, %iota3A, %lt3A_20 : vector<16xi32>
    %eq3A = arith.constant 0 : i32
    %eq3A_22 = arith.cmpi eq, %arg0, %eq3A : i32
    %convert_element_type3A = arith.extui %eq3A_22 : i1 to i32
    %cond3A = arith.constant 0 : i32
    %cond3A_23 = arith.cmpi ne, %convert_element_type3A, %cond3A : i32
    scf.if %cond3A_23 {
      %dma_start3A = arith.constant 0 : i32
      %dma_start3A_70 = arith.constant 0 : i32
      %dma_start3A_71 = tpu.memref_slice %arg10[%dma_start3A, %dma_start3A_70] : memref<324x64xi32, #tpu.memory_space<vmem>> -> memref<1x64xi32, #tpu.memory_space<vmem>>
      %dma_start3A_72 = tpu.memref_squeeze %dma_start3A_71 : memref<1x64xi32, #tpu.memory_space<vmem>> -> memref<64xi32, #tpu.memory_space<vmem>>
      %dma_start3A_73 = arith.constant 0 : i32
      %dma_start3A_74 = arith.constant 0 : i32
      %dma_start3A_75 = tpu.memref_slice %arg2[%dma_start3A_73, %dma_start3A_74] : memref<10000x112xf32, #tpu.memory_space<hbm>> -> memref<10000x112xf32, #tpu.memory_space<hbm>>
      tpu.enqueue_indirect_dma source(%dma_start3A_75 : memref<10000x112xf32, #tpu.memory_space<hbm>>) target(%arg12 : memref<64x112xf32, #tpu.memory_space<vmem>>) offsets(%dma_start3A_72 : memref<64xi32, #tpu.memory_space<vmem>>) semaphore(%arg16 : memref<!tpu.dma_semaphore, #tpu.memory_space<semaphore_mem>>)
      %dma_start3A_76 = arith.constant 0 : i32
      %dma_start3A_77 = arith.constant 0 : i32
      %dma_start3A_78 = tpu.memref_slice %arg11[%dma_start3A_76, %dma_start3A_77] : memref<324x64xi32, #tpu.memory_space<vmem>> -> memref<1x64xi32, #tpu.memory_space<vmem>>
      %dma_start3A_79 = tpu.memref_squeeze %dma_start3A_78 : memref<1x64xi32, #tpu.memory_space<vmem>> -> memref<64xi32, #tpu.memory_space<vmem>>
      %dma_start3A_80 = arith.constant 0 : i32
      %dma_start3A_81 = arith.constant 0 : i32
      %dma_start3A_82 = tpu.memref_slice %arg4[%dma_start3A_80, %dma_start3A_81] : memref<10000x16xf32, #tpu.memory_space<hbm>> -> memref<10000x16xf32, #tpu.memory_space<hbm>>
      tpu.enqueue_indirect_dma source(%dma_start3A_82 : memref<10000x16xf32, #tpu.memory_space<hbm>>) target(%arg14 : memref<64x16xf32, #tpu.memory_space<vmem>>) offsets(%dma_start3A_79 : memref<64xi32, #tpu.memory_space<vmem>>) semaphore(%arg18 : memref<!tpu.dma_semaphore, #tpu.memory_space<semaphore_mem>>)
      %scan3A = arith.constant 0 : i32
      %scan3A_83 = arith.constant 0 : i32
      %scan3A_84 = arith.constant 162 : i32
      %scan3A_85 = arith.addi %scan3A_83, %scan3A_84 : i32
      %scan3A_86 = arith.constant 1 : i32
      scf.for %scan3A_88 = %scan3A_83 to %scan3A_85 step %scan3A_86  : i32 {
        %mul3A_89 = arith.constant 2 : i32
        %mul3A_90 = arith.muli %mul3A_89, %scan3A_88 : i32
        %add3A_91 = arith.constant 1 : i32
        %add3A_92 = arith.addi %mul3A_90, %add3A_91 : i32
        %dma_wait3A = arith.constant 0 : i32
        %dma_wait3A_93 = tpu.memref_slice %arg10[%mul3A_90, %dma_wait3A] : memref<324x64xi32, #tpu.memory_space<vmem>> -> memref<1x64xi32, #tpu.memory_space<vmem>>
        %dma_wait3A_94 = tpu.memref_squeeze %dma_wait3A_93 : memref<1x64xi32, #tpu.memory_space<vmem>> -> memref<64xi32, #tpu.memory_space<vmem>>
        %dma_wait3A_95 = arith.constant 0 : i32
        %dma_wait3A_96 = arith.constant 0 : i32
        %dma_wait3A_97 = tpu.memref_slice %arg2[%dma_wait3A_95, %dma_wait3A_96] : memref<10000x112xf32, #tpu.memory_space<hbm>> -> memref<10000x112xf32, #tpu.memory_space<hbm>>
        tpu.wait_indirect_dma semaphore(%arg16 : memref<!tpu.dma_semaphore, #tpu.memory_space<semaphore_mem>>) src(%dma_wait3A_97 : memref<10000x112xf32, #tpu.memory_space<hbm>>) dst(%arg12 : memref<64x112xf32, #tpu.memory_space<vmem>>)
        %dma_wait3A_98 = arith.constant 0 : i32
        %dma_wait3A_99 = tpu.memref_slice %arg11[%mul3A_90, %dma_wait3A_98] : memref<324x64xi32, #tpu.memory_space<vmem>> -> memref<1x64xi32, #tpu.memory_space<vmem>>
        %dma_wait3A_100 = tpu.memref_squeeze %dma_wait3A_99 : memref<1x64xi32, #tpu.memory_space<vmem>> -> memref<64xi32, #tpu.memory_space<vmem>>
        %dma_wait3A_101 = arith.constant 0 : i32
        %dma_wait3A_102 = arith.constant 0 : i32
        %dma_wait3A_103 = tpu.memref_slice %arg4[%dma_wait3A_101, %dma_wait3A_102] : memref<10000x16xf32, #tpu.memory_space<hbm>> -> memref<10000x16xf32, #tpu.memory_space<hbm>>
        tpu.wait_indirect_dma semaphore(%arg18 : memref<!tpu.dma_semaphore, #tpu.memory_space<semaphore_mem>>) src(%dma_wait3A_103 : memref<10000x16xf32, #tpu.memory_space<hbm>>) dst(%arg14 : memref<64x16xf32, #tpu.memory_space<vmem>>)
        %dma_start3A_104 = arith.constant 0 : i32
        %dma_start3A_105 = tpu.memref_slice %arg10[%add3A_92, %dma_start3A_104] : memref<324x64xi32, #tpu.memory_space<vmem>> -> memref<1x64xi32, #tpu.memory_space<vmem>>
        %dma_start3A_106 = tpu.memref_squeeze %dma_start3A_105 : memref<1x64xi32, #tpu.memory_space<vmem>> -> memref<64xi32, #tpu.memory_space<vmem>>
        %dma_start3A_107 = arith.constant 0 : i32
        %dma_start3A_108 = arith.constant 0 : i32
        %dma_start3A_109 = tpu.memref_slice %arg2[%dma_start3A_107, %dma_start3A_108] : memref<10000x112xf32, #tpu.memory_space<hbm>> -> memref<10000x112xf32, #tpu.memory_space<hbm>>
        tpu.enqueue_indirect_dma source(%dma_start3A_109 : memref<10000x112xf32, #tpu.memory_space<hbm>>) target(%arg13 : memref<64x112xf32, #tpu.memory_space<vmem>>) offsets(%dma_start3A_106 : memref<64xi32, #tpu.memory_space<vmem>>) semaphore(%arg17 : memref<!tpu.dma_semaphore, #tpu.memory_space<semaphore_mem>>)
        %dma_start3A_110 = arith.constant 0 : i32
        %dma_start3A_111 = tpu.memref_slice %arg11[%add3A_92, %dma_start3A_110] : memref<324x64xi32, #tpu.memory_space<vmem>> -> memref<1x64xi32, #tpu.memory_space<vmem>>
        %dma_start3A_112 = tpu.memref_squeeze %dma_start3A_111 : memref<1x64xi32, #tpu.memory_space<vmem>> -> memref<64xi32, #tpu.memory_space<vmem>>
        %dma_start3A_113 = arith.constant 0 : i32
        %dma_start3A_114 = arith.constant 0 : i32
        %dma_start3A_115 = tpu.memref_slice %arg4[%dma_start3A_113, %dma_start3A_114] : memref<10000x16xf32, #tpu.memory_space<hbm>> -> memref<10000x16xf32, #tpu.memory_space<hbm>>
        tpu.enqueue_indirect_dma source(%dma_start3A_115 : memref<10000x16xf32, #tpu.memory_space<hbm>>) target(%arg15 : memref<64x16xf32, #tpu.memory_space<vmem>>) offsets(%dma_start3A_112 : memref<64xi32, #tpu.memory_space<vmem>>) semaphore(%arg19 : memref<!tpu.dma_semaphore, #tpu.memory_space<semaphore_mem>>)
        %scan3A_116 = arith.constant 0 : i32
        %scan3A_117 = arith.constant 0 : i32
        %scan3A_118 = arith.constant 64 : i32
        %scan3A_119 = arith.addi %scan3A_117, %scan3A_118 : i32
        %scan3A_120 = arith.constant 1 : i32
        scf.for %scan3A_147 = %scan3A_117 to %scan3A_119 step %scan3A_120  : i32 {
          %get3A = arith.index_cast %scan3A_147 : i32 to index
          %get3A_148 = arith.constant 96 : index
          %get3A_149 = tpu.vector_load %arg12[%get3A, %get3A_148] {strides = array<i32>} : memref<64x112xf32, #tpu.memory_space<vmem>>, vector<1x16xf32>,
          %get3A_150 = vector.shape_cast %get3A_149 : vector<1x16xf32> to vector<16xf32>
          %get3A_151 = arith.index_cast %scan3A_147 : i32 to index
          %get3A_152 = arith.constant 0 : index
          %get3A_153 = tpu.vector_load %arg14[%get3A_151, %get3A_152] {strides = array<i32>} : memref<64x16xf32, #tpu.memory_space<vmem>>, vector<1x16xf32>,
          %get3A_154 = vector.shape_cast %get3A_153 : vector<1x16xf32> to vector<16xf32>
          %add3A_155 = arith.addf %get3A_150, %get3A_154 : vector<16xf32>
          %ge3A = arith.constant 0.000000e+00 : f32
          %ge3A_156 = vector.broadcast %ge3A : f32 to vector<16xf32>
          %ge3A_157 = arith.cmpf oge, %add3A_155, %ge3A_156 : vector<16xf32>
          %mul3A_158 = arith.constant 2.000000e-01 : f32
          %mul3A_159 = vector.broadcast %mul3A_158 : f32 to vector<16xf32>
          %mul3A_160 = arith.mulf %mul3A_159, %add3A_155 : vector<16xf32>
          %select_n3A = arith.select %ge3A_157, %add3A_155, %mul3A_160 : vector<16xi1>, vector<16xf32>
          %exp3A = math.exp %select_n3A : vector<16xf32>
          %jit3A = arith.constant 0.000000e+00 : f32
          %broadcast_in_dim3A = vector.broadcast %jit3A : f32 to vector<16xf32>
          %select_n3A_161 = arith.select %lt3A_21, %exp3A, %broadcast_in_dim3A : vector<16xi1>, vector<16xf32>
          %swap3A = arith.index_cast %scan3A_147 : i32 to index
          %swap3A_162 = arith.constant 96 : index
          %swap3A_163 = tpu.vector_load %arg12[%swap3A, %swap3A_162] {strides = array<i32>} : memref<64x112xf32, #tpu.memory_space<vmem>>, vector<1x16xf32>,
          %swap3A_164 = vector.shape_cast %swap3A_163 : vector<1x16xf32> to vector<16xf32>
          %swap3A_165 = vector.shape_cast %select_n3A_161 : vector<16xf32> to vector<1x16xf32>
          tpu.vector_store %arg12[%swap3A, %swap3A_162], %swap3A_165 {strides = array<i32>} : memref<64x112xf32, #tpu.memory_space<vmem>>, vector<1x16xf32>,
          %slice3A = vector.extract_strided_slice %select_n3A_161 {offsets = [0], sizes = [1], strides = [1]} : vector<16xf32> to vector<1xf32>
          %squeeze3A = vector.extract %slice3A[0] : f32 from vector<1xf32>
          %broadcast_in_dim3A_166 = vector.broadcast %squeeze3A : f32 to vector<16xf32>
          %slice3A_167 = vector.extract_strided_slice %select_n3A_161 {offsets = [1], sizes = [1], strides = [1]} : vector<16xf32> to vector<1xf32>
          %squeeze3A_168 = vector.extract %slice3A_167[0] : f32 from vector<1xf32>
          %broadcast_in_dim3A_169 = vector.broadcast %squeeze3A_168 : f32 to vector<16xf32>
          %slice3A_170 = vector.extract_strided_slice %select_n3A_161 {offsets = [2], sizes = [1], strides = [1]} : vector<16xf32> to vector<1xf32>
          %squeeze3A_171 = vector.extract %slice3A_170[0] : f32 from vector<1xf32>
          %broadcast_in_dim3A_172 = vector.broadcast %squeeze3A_171 : f32 to vector<16xf32>
          %get3A_173 = arith.index_cast %scan3A_147 : i32 to index
          %get3A_174 = arith.constant 0 : index
          %get3A_175 = tpu.vector_load %arg12[%get3A_173, %get3A_174] {strides = array<i32>} : memref<64x112xf32, #tpu.memory_space<vmem>>, vector<1x16xf32>,
          %get3A_176 = vector.shape_cast %get3A_175 : vector<1x16xf32> to vector<16xf32>
          %mul3A_177 = arith.mulf %get3A_176, %broadcast_in_dim3A_166 : vector<16xf32>
          %swap3A_178 = arith.index_cast %scan3A_147 : i32 to index
          %swap3A_179 = arith.constant 0 : index
          %swap3A_180 = tpu.vector_load %arg12[%swap3A_178, %swap3A_179] {strides = array<i32>} : memref<64x112xf32, #tpu.memory_space<vmem>>, vector<1x16xf32>,
          %swap3A_181 = vector.shape_cast %swap3A_180 : vector<1x16xf32> to vector<16xf32>
          %swap3A_182 = vector.shape_cast %mul3A_177 : vector<16xf32> to vector<1x16xf32>
          tpu.vector_store %arg12[%swap3A_178, %swap3A_179], %swap3A_182 {strides = array<i32>} : memref<64x112xf32, #tpu.memory_space<vmem>>, vector<1x16xf32>,
          %get3A_183 = arith.index_cast %scan3A_147 : i32 to index
          %get3A_184 = arith.constant 16 : index
          %get3A_185 = tpu.vector_load %arg12[%get3A_183, %get3A_184] {strides = array<i32>} : memref<64x112xf32, #tpu.memory_space<vmem>>, vector<1x16xf32>,
          %get3A_186 = vector.shape_cast %get3A_185 : vector<1x16xf32> to vector<16xf32>
          %mul3A_187 = arith.mulf %get3A_186, %broadcast_in_dim3A_166 : vector<16xf32>
          %swap3A_188 = arith.index_cast %scan3A_147 : i32 to index
          %swap3A_189 = arith.constant 16 : index
          %swap3A_190 = tpu.vector_load %arg12[%swap3A_188, %swap3A_189] {strides = array<i32>} : memref<64x112xf32, #tpu.memory_space<vmem>>, vector<1x16xf32>,
          %swap3A_191 = vector.shape_cast %swap3A_190 : vector<1x16xf32> to vector<16xf32>
          %swap3A_192 = vector.shape_cast %mul3A_187 : vector<16xf32> to vector<1x16xf32>
          tpu.vector_store %arg12[%swap3A_188, %swap3A_189], %swap3A_192 {strides = array<i32>} : memref<64x112xf32, #tpu.memory_space<vmem>>, vector<1x16xf32>,
          %get3A_193 = arith.index_cast %scan3A_147 : i32 to index
          %get3A_194 = arith.constant 32 : index
          %get3A_195 = tpu.vector_load %arg12[%get3A_193, %get3A_194] {strides = array<i32>} : memref<64x112xf32, #tpu.memory_space<vmem>>, vector<1x16xf32>,
          %get3A_196 = vector.shape_cast %get3A_195 : vector<1x16xf32> to vector<16xf32>
          %mul3A_197 = arith.mulf %get3A_196, %broadcast_in_dim3A_166 : vector<16xf32>
          %swap3A_198 = arith.index_cast %scan3A_147 : i32 to index
          %swap3A_199 = arith.constant 32 : index
          %swap3A_200 = tpu.vector_load %arg12[%swap3A_198, %swap3A_199] {strides = array<i32>} : memref<64x112xf32, #tpu.memory_space<vmem>>, vector<1x16xf32>,
          %swap3A_201 = vector.shape_cast %swap3A_200 : vector<1x16xf32> to vector<16xf32>
          %swap3A_202 = vector.shape_cast %mul3A_197 : vector<16xf32> to vector<1x16xf32>
          tpu.vector_store %arg12[%swap3A_198, %swap3A_199], %swap3A_202 {strides = array<i32>} : memref<64x112xf32, #tpu.memory_space<vmem>>, vector<1x16xf32>,
          %get3A_203 = arith.index_cast %scan3A_147 : i32 to index
          %get3A_204 = arith.constant 48 : index
          %get3A_205 = tpu.vector_load %arg12[%get3A_203, %get3A_204] {strides = array<i32>} : memref<64x112xf32, #tpu.memory_space<vmem>>, vector<1x16xf32>,
          %get3A_206 = vector.shape_cast %get3A_205 : vector<1x16xf32> to vector<16xf32>
          %mul3A_207 = arith.mulf %get3A_206, %broadcast_in_dim3A_166 : vector<16xf32>
          %swap3A_208 = arith.index_cast %scan3A_147 : i32 to index
          %swap3A_209 = arith.constant 48 : index
          %swap3A_210 = tpu.vector_load %arg12[%swap3A_208, %swap3A_209] {strides = array<i32>} : memref<64x112xf32, #tpu.memory_space<vmem>>, vector<1x16xf32>,
          %swap3A_211 = vector.shape_cast %swap3A_210 : vector<1x16xf32> to vector<16xf32>
          %swap3A_212 = vector.shape_cast %mul3A_207 : vector<16xf32> to vector<1x16xf32>
          tpu.vector_store %arg12[%swap3A_208, %swap3A_209], %swap3A_212 {strides = array<i32>} : memref<64x112xf32, #tpu.memory_space<vmem>>, vector<1x16xf32>,
          %get3A_213 = arith.index_cast %scan3A_147 : i32 to index
          %get3A_214 = arith.constant 64 : index
          %get3A_215 = tpu.vector_load %arg12[%get3A_213, %get3A_214] {strides = array<i32>} : memref<64x112xf32, #tpu.memory_space<vmem>>, vector<1x16xf32>,
          %get3A_216 = vector.shape_cast %get3A_215 : vector<1x16xf32> to vector<16xf32>
          %mul3A_217 = arith.mulf %get3A_216, %broadcast_in_dim3A_169 : vector<16xf32>
          %swap3A_218 = arith.index_cast %scan3A_147 : i32 to index
          %swap3A_219 = arith.constant 64 : index
          %swap3A_220 = tpu.vector_load %arg12[%swap3A_218, %swap3A_219] {strides = array<i32>} : memref<64x112xf32, #tpu.memory_space<vmem>>, vector<1x16xf32>,
          %swap3A_221 = vector.shape_cast %swap3A_220 : vector<1x16xf32> to vector<16xf32>
          %swap3A_222 = vector.shape_cast %mul3A_217 : vector<16xf32> to vector<1x16xf32>
          tpu.vector_store %arg12[%swap3A_218, %swap3A_219], %swap3A_222 {strides = array<i32>} : memref<64x112xf32, #tpu.memory_space<vmem>>, vector<1x16xf32>,
          %get3A_223 = arith.index_cast %scan3A_147 : i32 to index
          %get3A_224 = arith.constant 80 : index
          %get3A_225 = tpu.vector_load %arg12[%get3A_223, %get3A_224] {strides = array<i32>} : memref<64x112xf32, #tpu.memory_space<vmem>>, vector<1x16xf32>,
          %get3A_226 = vector.shape_cast %get3A_225 : vector<1x16xf32> to vector<16xf32>
          %mul3A_227 = arith.mulf %get3A_226, %broadcast_in_dim3A_169 : vector<16xf32>
          %swap3A_228 = arith.index_cast %scan3A_147 : i32 to index
          %swap3A_229 = arith.constant 80 : index
          %swap3A_230 = tpu.vector_load %arg12[%swap3A_228, %swap3A_229] {strides = array<i32>} : memref<64x112xf32, #tpu.memory_space<vmem>>, vector<1x16xf32>,
          %swap3A_231 = vector.shape_cast %swap3A_230 : vector<1x16xf32> to vector<16xf32>
          %swap3A_232 = vector.shape_cast %mul3A_227 : vector<16xf32> to vector<1x16xf32>
          tpu.vector_store %arg12[%swap3A_228, %swap3A_229], %swap3A_232 {strides = array<i32>} : memref<64x112xf32, #tpu.memory_space<vmem>>, vector<1x16xf32>,
        }
        %scan3A_121 = arith.constant 64 : i32
        "tpu.region"() ({
          %run_scoped3A = tpu.sem_alloc : memref<!tpu.dma_semaphore, #tpu.memory_space<semaphore_mem>>
          %dma_start3A_147 = arith.constant 0 : i32
          %dma_start3A_148 = tpu.memref_slice %arg11[%mul3A_90, %dma_start3A_147] : memref<324x64xi32, #tpu.memory_space<vmem>> -> memref<1x64xi32, #tpu.memory_space<vmem>>
          %dma_start3A_149 = tpu.memref_squeeze %dma_start3A_148 : memref<1x64xi32, #tpu.memory_space<vmem>> -> memref<64xi32, #tpu.memory_space<vmem>>
          %dma_start3A_150 = arith.constant 0 : i32
          %dma_start3A_151 = arith.constant 0 : i32
          %dma_start3A_152 = tpu.memref_slice %arg9[%dma_start3A_150, %dma_start3A_151] : memref<10240x112xf32, #tpu.memory_space<vmem_shared>> -> memref<10240x112xf32, #tpu.memory_space<vmem_shared>>
          tpu.enqueue_indirect_dma source(%arg12 : memref<64x112xf32, #tpu.memory_space<vmem>>) target(%dma_start3A_152 : memref<10240x112xf32, #tpu.memory_space<vmem_shared>>) offsets(%dma_start3A_149 : memref<64xi32, #tpu.memory_space<vmem>>) semaphore(%run_scoped3A : memref<!tpu.dma_semaphore, #tpu.memory_space<semaphore_mem>>) {add = true}
          %dma_wait3A_153 = arith.constant 0 : i32
          %dma_wait3A_154 = tpu.memref_slice %arg11[%mul3A_90, %dma_wait3A_153] : memref<324x64xi32, #tpu.memory_space<vmem>> -> memref<1x64xi32, #tpu.memory_space<vmem>>
          %dma_wait3A_155 = tpu.memref_squeeze %dma_wait3A_154 : memref<1x64xi32, #tpu.memory_space<vmem>> -> memref<64xi32, #tpu.memory_space<vmem>>
          %dma_wait3A_156 = arith.constant 0 : i32
          %dma_wait3A_157 = arith.constant 0 : i32
          %dma_wait3A_158 = tpu.memref_slice %arg9[%dma_wait3A_156, %dma_wait3A_157] : memref<10240x112xf32, #tpu.memory_space<vmem_shared>> -> memref<10240x112xf32, #tpu.memory_space<vmem_shared>>
          tpu.wait_indirect_dma semaphore(%run_scoped3A : memref<!tpu.dma_semaphore, #tpu.memory_space<semaphore_mem>>) src(%arg12 : memref<64x112xf32, #tpu.memory_space<vmem>>) dst(%dma_wait3A_158 : memref<10240x112xf32, #tpu.memory_space<vmem_shared>>)
          tpu.yield
        }) : () -> ()
        %dma_wait3A_122 = arith.constant 0 : i32
        %dma_wait3A_123 = tpu.memref_slice %arg10[%add3A_92, %dma_wait3A_122] : memref<324x64xi32, #tpu.memory_space<vmem>> -> memref<1x64xi32, #tpu.memory_space<vmem>>
        %dma_wait3A_124 = tpu.memref_squeeze %dma_wait3A_123 : memref<1x64xi32, #tpu.memory_space<vmem>> -> memref<64xi32, #tpu.memory_space<vmem>>
        %dma_wait3A_125 = arith.constant 0 : i32
        %dma_wait3A_126 = arith.constant 0 : i32
        %dma_wait3A_127 = tpu.memref_slice %arg2[%dma_wait3A_125, %dma_wait3A_126] : memref<10000x112xf32, #tpu.memory_space<hbm>> -> memref<10000x112xf32, #tpu.memory_space<hbm>>
        tpu.wait_indirect_dma semaphore(%arg17 : memref<!tpu.dma_semaphore, #tpu.memory_space<semaphore_mem>>) src(%dma_wait3A_127 : memref<10000x112xf32, #tpu.memory_space<hbm>>) dst(%arg13 : memref<64x112xf32, #tpu.memory_space<vmem>>)
        %dma_wait3A_128 = arith.constant 0 : i32
        %dma_wait3A_129 = tpu.memref_slice %arg11[%add3A_92, %dma_wait3A_128] : memref<324x64xi32, #tpu.memory_space<vmem>> -> memref<1x64xi32, #tpu.memory_space<vmem>>
        %dma_wait3A_130 = tpu.memref_squeeze %dma_wait3A_129 : memref<1x64xi32, #tpu.memory_space<vmem>> -> memref<64xi32, #tpu.memory_space<vmem>>
        %dma_wait3A_131 = arith.constant 0 : i32
        %dma_wait3A_132 = arith.constant 0 : i32
        %dma_wait3A_133 = tpu.memref_slice %arg4[%dma_wait3A_131, %dma_wait3A_132] : memref<10000x16xf32, #tpu.memory_space<hbm>> -> memref<10000x16xf32, #tpu.memory_space<hbm>>
        tpu.wait_indirect_dma semaphore(%arg19 : memref<!tpu.dma_semaphore, #tpu.memory_space<semaphore_mem>>) src(%dma_wait3A_133 : memref<10000x16xf32, #tpu.memory_space<hbm>>) dst(%arg15 : memref<64x16xf32, #tpu.memory_space<vmem>>)
        %add3A_134 = arith.constant 1 : i32
        %add3A_135 = arith.addi %add3A_92, %add3A_134 : i32
        %lt3A_136 = arith.constant 324 : i32
        %lt3A_137 = arith.cmpi slt, %add3A_135, %lt3A_136 : i32
        %convert_element_type3A_138 = arith.extui %lt3A_137 : i1 to i32
        %cond3A_139 = arith.constant 0 : i32
        %cond3A_140 = arith.cmpi ne, %convert_element_type3A_138, %cond3A_139 : i32
        scf.if %cond3A_140 {
          %add3A_147 = arith.constant 1 : i32
          %add3A_148 = arith.addi %add3A_92, %add3A_147 : i32
          %dma_start3A_149 = arith.constant 0 : i32
          %dma_start3A_150 = tpu.memref_slice %arg10[%add3A_148, %dma_start3A_149] : memref<324x64xi32, #tpu.memory_space<vmem>> -> memref<1x64xi32, #tpu.memory_space<vmem>>
          %dma_start3A_151 = tpu.memref_squeeze %dma_start3A_150 : memref<1x64xi32, #tpu.memory_space<vmem>> -> memref<64xi32, #tpu.memory_space<vmem>>
          %dma_start3A_152 = arith.constant 0 : i32
          %dma_start3A_153 = arith.constant 0 : i32
          %dma_start3A_154 = tpu.memref_slice %arg2[%dma_start3A_152, %dma_start3A_153] : memref<10000x112xf32, #tpu.memory_space<hbm>> -> memref<10000x112xf32, #tpu.memory_space<hbm>>
          tpu.enqueue_indirect_dma source(%dma_start3A_154 : memref<10000x112xf32, #tpu.memory_space<hbm>>) target(%arg12 : memref<64x112xf32, #tpu.memory_space<vmem>>) offsets(%dma_start3A_151 : memref<64xi32, #tpu.memory_space<vmem>>) semaphore(%arg16 : memref<!tpu.dma_semaphore, #tpu.memory_space<semaphore_mem>>)
          %dma_start3A_155 = arith.constant 0 : i32
          %dma_start3A_156 = tpu.memref_slice %arg11[%add3A_148, %dma_start3A_155] : memref<324x64xi32, #tpu.memory_space<vmem>> -> memref<1x64xi32, #tpu.memory_space<vmem>>
          %dma_start3A_157 = tpu.memref_squeeze %dma_start3A_156 : memref<1x64xi32, #tpu.memory_space<vmem>> -> memref<64xi32, #tpu.memory_space<vmem>>
          %dma_start3A_158 = arith.constant 0 : i32
          %dma_start3A_159 = arith.constant 0 : i32
          %dma_start3A_160 = tpu.memref_slice %arg4[%dma_start3A_158, %dma_start3A_159] : memref<10000x16xf32, #tpu.memory_space<hbm>> -> memref<10000x16xf32, #tpu.memory_space<hbm>>
          tpu.enqueue_indirect_dma source(%dma_start3A_160 : memref<10000x16xf32, #tpu.memory_space<hbm>>) target(%arg14 : memref<64x16xf32, #tpu.memory_space<vmem>>) offsets(%dma_start3A_157 : memref<64xi32, #tpu.memory_space<vmem>>) semaphore(%arg18 : memref<!tpu.dma_semaphore, #tpu.memory_space<semaphore_mem>>)
        } else {
        }
        %scan3A_141 = arith.constant 0 : i32
        %scan3A_142 = arith.constant 0 : i32
        %scan3A_143 = arith.constant 64 : i32
        %scan3A_144 = arith.addi %scan3A_142, %scan3A_143 : i32
        %scan3A_145 = arith.constant 1 : i32
        scf.for %scan3A_147 = %scan3A_142 to %scan3A_144 step %scan3A_145  : i32 {
          %get3A = arith.index_cast %scan3A_147 : i32 to index
          %get3A_148 = arith.constant 96 : index
          %get3A_149 = tpu.vector_load %arg13[%get3A, %get3A_148] {strides = array<i32>} : memref<64x112xf32, #tpu.memory_space<vmem>>, vector<1x16xf32>,
          %get3A_150 = vector.shape_cast %get3A_149 : vector<1x16xf32> to vector<16xf32>
          %get3A_151 = arith.index_cast %scan3A_147 : i32 to index
          %get3A_152 = arith.constant 0 : index
          %get3A_153 = tpu.vector_load %arg15[%get3A_151, %get3A_152] {strides = array<i32>} : memref<64x16xf32, #tpu.memory_space<vmem>>, vector<1x16xf32>,
          %get3A_154 = vector.shape_cast %get3A_153 : vector<1x16xf32> to vector<16xf32>
          %add3A_155 = arith.addf %get3A_150, %get3A_154 : vector<16xf32>
          %ge3A = arith.constant 0.000000e+00 : f32
          %ge3A_156 = vector.broadcast %ge3A : f32 to vector<16xf32>
          %ge3A_157 = arith.cmpf oge, %add3A_155, %ge3A_156 : vector<16xf32>
          %mul3A_158 = arith.constant 2.000000e-01 : f32
          %mul3A_159 = vector.broadcast %mul3A_158 : f32 to vector<16xf32>
          %mul3A_160 = arith.mulf %mul3A_159, %add3A_155 : vector<16xf32>
          %select_n3A = arith.select %ge3A_157, %add3A_155, %mul3A_160 : vector<16xi1>, vector<16xf32>
          %exp3A = math.exp %select_n3A : vector<16xf32>
          %jit3A = arith.constant 0.000000e+00 : f32
          %broadcast_in_dim3A = vector.broadcast %jit3A : f32 to vector<16xf32>
          %select_n3A_161 = arith.select %lt3A_21, %exp3A, %broadcast_in_dim3A : vector<16xi1>, vector<16xf32>
          %swap3A = arith.index_cast %scan3A_147 : i32 to index
          %swap3A_162 = arith.constant 96 : index
          %swap3A_163 = tpu.vector_load %arg13[%swap3A, %swap3A_162] {strides = array<i32>} : memref<64x112xf32, #tpu.memory_space<vmem>>, vector<1x16xf32>,
          %swap3A_164 = vector.shape_cast %swap3A_163 : vector<1x16xf32> to vector<16xf32>
          %swap3A_165 = vector.shape_cast %select_n3A_161 : vector<16xf32> to vector<1x16xf32>
          tpu.vector_store %arg13[%swap3A, %swap3A_162], %swap3A_165 {strides = array<i32>} : memref<64x112xf32, #tpu.memory_space<vmem>>, vector<1x16xf32>,
          %slice3A = vector.extract_strided_slice %select_n3A_161 {offsets = [0], sizes = [1], strides = [1]} : vector<16xf32> to vector<1xf32>
          %squeeze3A = vector.extract %slice3A[0] : f32 from vector<1xf32>
          %broadcast_in_dim3A_166 = vector.broadcast %squeeze3A : f32 to vector<16xf32>
          %slice3A_167 = vector.extract_strided_slice %select_n3A_161 {offsets = [1], sizes = [1], strides = [1]} : vector<16xf32> to vector<1xf32>
          %squeeze3A_168 = vector.extract %slice3A_167[0] : f32 from vector<1xf32>
          %broadcast_in_dim3A_169 = vector.broadcast %squeeze3A_168 : f32 to vector<16xf32>
          %slice3A_170 = vector.extract_strided_slice %select_n3A_161 {offsets = [2], sizes = [1], strides = [1]} : vector<16xf32> to vector<1xf32>
          %squeeze3A_171 = vector.extract %slice3A_170[0] : f32 from vector<1xf32>
          %broadcast_in_dim3A_172 = vector.broadcast %squeeze3A_171 : f32 to vector<16xf32>
          %get3A_173 = arith.index_cast %scan3A_147 : i32 to index
          %get3A_174 = arith.constant 0 : index
          %get3A_175 = tpu.vector_load %arg13[%get3A_173, %get3A_174] {strides = array<i32>} : memref<64x112xf32, #tpu.memory_space<vmem>>, vector<1x16xf32>,
          %get3A_176 = vector.shape_cast %get3A_175 : vector<1x16xf32> to vector<16xf32>
          %mul3A_177 = arith.mulf %get3A_176, %broadcast_in_dim3A_166 : vector<16xf32>
          %swap3A_178 = arith.index_cast %scan3A_147 : i32 to index
          %swap3A_179 = arith.constant 0 : index
          %swap3A_180 = tpu.vector_load %arg13[%swap3A_178, %swap3A_179] {strides = array<i32>} : memref<64x112xf32, #tpu.memory_space<vmem>>, vector<1x16xf32>,
          %swap3A_181 = vector.shape_cast %swap3A_180 : vector<1x16xf32> to vector<16xf32>
          %swap3A_182 = vector.shape_cast %mul3A_177 : vector<16xf32> to vector<1x16xf32>
          tpu.vector_store %arg13[%swap3A_178, %swap3A_179], %swap3A_182 {strides = array<i32>} : memref<64x112xf32, #tpu.memory_space<vmem>>, vector<1x16xf32>,
          %get3A_183 = arith.index_cast %scan3A_147 : i32 to index
          %get3A_184 = arith.constant 16 : index
          %get3A_185 = tpu.vector_load %arg13[%get3A_183, %get3A_184] {strides = array<i32>} : memref<64x112xf32, #tpu.memory_space<vmem>>, vector<1x16xf32>,
          %get3A_186 = vector.shape_cast %get3A_185 : vector<1x16xf32> to vector<16xf32>
          %mul3A_187 = arith.mulf %get3A_186, %broadcast_in_dim3A_166 : vector<16xf32>
          %swap3A_188 = arith.index_cast %scan3A_147 : i32 to index
          %swap3A_189 = arith.constant 16 : index
          %swap3A_190 = tpu.vector_load %arg13[%swap3A_188, %swap3A_189] {strides = array<i32>} : memref<64x112xf32, #tpu.memory_space<vmem>>, vector<1x16xf32>,
          %swap3A_191 = vector.shape_cast %swap3A_190 : vector<1x16xf32> to vector<16xf32>
          %swap3A_192 = vector.shape_cast %mul3A_187 : vector<16xf32> to vector<1x16xf32>
          tpu.vector_store %arg13[%swap3A_188, %swap3A_189], %swap3A_192 {strides = array<i32>} : memref<64x112xf32, #tpu.memory_space<vmem>>, vector<1x16xf32>,
          %get3A_193 = arith.index_cast %scan3A_147 : i32 to index
          %get3A_194 = arith.constant 32 : index
          %get3A_195 = tpu.vector_load %arg13[%get3A_193, %get3A_194] {strides = array<i32>} : memref<64x112xf32, #tpu.memory_space<vmem>>, vector<1x16xf32>,
          %get3A_196 = vector.shape_cast %get3A_195 : vector<1x16xf32> to vector<16xf32>
          %mul3A_197 = arith.mulf %get3A_196, %broadcast_in_dim3A_166 : vector<16xf32>
          %swap3A_198 = arith.index_cast %scan3A_147 : i32 to index
          %swap3A_199 = arith.constant 32 : index
          %swap3A_200 = tpu.vector_load %arg13[%swap3A_198, %swap3A_199] {strides = array<i32>} : memref<64x112xf32, #tpu.memory_space<vmem>>, vector<1x16xf32>,
          %swap3A_201 = vector.shape_cast %swap3A_200 : vector<1x16xf32> to vector<16xf32>
          %swap3A_202 = vector.shape_cast %mul3A_197 : vector<16xf32> to vector<1x16xf32>
          tpu.vector_store %arg13[%swap3A_198, %swap3A_199], %swap3A_202 {strides = array<i32>} : memref<64x112xf32, #tpu.memory_space<vmem>>, vector<1x16xf32>,
          %get3A_203 = arith.index_cast %scan3A_147 : i32 to index
          %get3A_204 = arith.constant 48 : index
          %get3A_205 = tpu.vector_load %arg13[%get3A_203, %get3A_204] {strides = array<i32>} : memref<64x112xf32, #tpu.memory_space<vmem>>, vector<1x16xf32>,
          %get3A_206 = vector.shape_cast %get3A_205 : vector<1x16xf32> to vector<16xf32>
          %mul3A_207 = arith.mulf %get3A_206, %broadcast_in_dim3A_166 : vector<16xf32>
          %swap3A_208 = arith.index_cast %scan3A_147 : i32 to index
          %swap3A_209 = arith.constant 48 : index
          %swap3A_210 = tpu.vector_load %arg13[%swap3A_208, %swap3A_209] {strides = array<i32>} : memref<64x112xf32, #tpu.memory_space<vmem>>, vector<1x16xf32>,
          %swap3A_211 = vector.shape_cast %swap3A_210 : vector<1x16xf32> to vector<16xf32>
          %swap3A_212 = vector.shape_cast %mul3A_207 : vector<16xf32> to vector<1x16xf32>
          tpu.vector_store %arg13[%swap3A_208, %swap3A_209], %swap3A_212 {strides = array<i32>} : memref<64x112xf32, #tpu.memory_space<vmem>>, vector<1x16xf32>,
          %get3A_213 = arith.index_cast %scan3A_147 : i32 to index
          %get3A_214 = arith.constant 64 : index
          %get3A_215 = tpu.vector_load %arg13[%get3A_213, %get3A_214] {strides = array<i32>} : memref<64x112xf32, #tpu.memory_space<vmem>>, vector<1x16xf32>,
          %get3A_216 = vector.shape_cast %get3A_215 : vector<1x16xf32> to vector<16xf32>
          %mul3A_217 = arith.mulf %get3A_216, %broadcast_in_dim3A_169 : vector<16xf32>
          %swap3A_218 = arith.index_cast %scan3A_147 : i32 to index
          %swap3A_219 = arith.constant 64 : index
          %swap3A_220 = tpu.vector_load %arg13[%swap3A_218, %swap3A_219] {strides = array<i32>} : memref<64x112xf32, #tpu.memory_space<vmem>>, vector<1x16xf32>,
          %swap3A_221 = vector.shape_cast %swap3A_220 : vector<1x16xf32> to vector<16xf32>
          %swap3A_222 = vector.shape_cast %mul3A_217 : vector<16xf32> to vector<1x16xf32>
          tpu.vector_store %arg13[%swap3A_218, %swap3A_219], %swap3A_222 {strides = array<i32>} : memref<64x112xf32, #tpu.memory_space<vmem>>, vector<1x16xf32>,
          %get3A_223 = arith.index_cast %scan3A_147 : i32 to index
          %get3A_224 = arith.constant 80 : index
          %get3A_225 = tpu.vector_load %arg13[%get3A_223, %get3A_224] {strides = array<i32>} : memref<64x112xf32, #tpu.memory_space<vmem>>, vector<1x16xf32>,
          %get3A_226 = vector.shape_cast %get3A_225 : vector<1x16xf32> to vector<16xf32>
          %mul3A_227 = arith.mulf %get3A_226, %broadcast_in_dim3A_169 : vector<16xf32>
          %swap3A_228 = arith.index_cast %scan3A_147 : i32 to index
          %swap3A_229 = arith.constant 80 : index
          %swap3A_230 = tpu.vector_load %arg13[%swap3A_228, %swap3A_229] {strides = array<i32>} : memref<64x112xf32, #tpu.memory_space<vmem>>, vector<1x16xf32>,
          %swap3A_231 = vector.shape_cast %swap3A_230 : vector<1x16xf32> to vector<16xf32>
          %swap3A_232 = vector.shape_cast %mul3A_227 : vector<16xf32> to vector<1x16xf32>
          tpu.vector_store %arg13[%swap3A_228, %swap3A_229], %swap3A_232 {strides = array<i32>} : memref<64x112xf32, #tpu.memory_space<vmem>>, vector<1x16xf32>,
        }
        %scan3A_146 = arith.constant 64 : i32
        "tpu.region"() ({
          %run_scoped3A = tpu.sem_alloc : memref<!tpu.dma_semaphore, #tpu.memory_space<semaphore_mem>>
          %dma_start3A_147 = arith.constant 0 : i32
          %dma_start3A_148 = tpu.memref_slice %arg11[%add3A_92, %dma_start3A_147] : memref<324x64xi32, #tpu.memory_space<vmem>> -> memref<1x64xi32, #tpu.memory_space<vmem>>
          %dma_start3A_149 = tpu.memref_squeeze %dma_start3A_148 : memref<1x64xi32, #tpu.memory_space<vmem>> -> memref<64xi32, #tpu.memory_space<vmem>>
          %dma_start3A_150 = arith.constant 0 : i32
          %dma_start3A_151 = arith.constant 0 : i32
          %dma_start3A_152 = tpu.memref_slice %arg9[%dma_start3A_150, %dma_start3A_151] : memref<10240x112xf32, #tpu.memory_space<vmem_shared>> -> memref<10240x112xf32, #tpu.memory_space<vmem_shared>>
          tpu.enqueue_indirect_dma source(%arg13 : memref<64x112xf32, #tpu.memory_space<vmem>>) target(%dma_start3A_152 : memref<10240x112xf32, #tpu.memory_space<vmem_shared>>) offsets(%dma_start3A_149 : memref<64xi32, #tpu.memory_space<vmem>>) semaphore(%run_scoped3A : memref<!tpu.dma_semaphore, #tpu.memory_space<semaphore_mem>>) {add = true}
          %dma_wait3A_153 = arith.constant 0 : i32
          %dma_wait3A_154 = tpu.memref_slice %arg11[%add3A_92, %dma_wait3A_153] : memref<324x64xi32, #tpu.memory_space<vmem>> -> memref<1x64xi32, #tpu.memory_space<vmem>>
          %dma_wait3A_155 = tpu.memref_squeeze %dma_wait3A_154 : memref<1x64xi32, #tpu.memory_space<vmem>> -> memref<64xi32, #tpu.memory_space<vmem>>
          %dma_wait3A_156 = arith.constant 0 : i32
          %dma_wait3A_157 = arith.constant 0 : i32
          %dma_wait3A_158 = tpu.memref_slice %arg9[%dma_wait3A_156, %dma_wait3A_157] : memref<10240x112xf32, #tpu.memory_space<vmem_shared>> -> memref<10240x112xf32, #tpu.memory_space<vmem_shared>>
          tpu.wait_indirect_dma semaphore(%run_scoped3A : memref<!tpu.dma_semaphore, #tpu.memory_space<semaphore_mem>>) src(%arg13 : memref<64x112xf32, #tpu.memory_space<vmem>>) dst(%dma_wait3A_158 : memref<10240x112xf32, #tpu.memory_space<vmem_shared>>)
          tpu.yield
        }) : () -> ()
      }
      %scan3A_87 = arith.constant 162 : i32
    } else {
    }
    %eq3A_24 = arith.constant 1 : i32
    %eq3A_25 = arith.cmpi eq, %arg0, %eq3A_24 : i32
    %convert_element_type3A_26 = arith.extui %eq3A_25 : i1 to i32
    %cond3A_27 = arith.constant 0 : i32
    %cond3A_28 = arith.cmpi ne, %convert_element_type3A_26, %cond3A_27 : i32
    scf.if %cond3A_28 {
      %dma_start3A = arith.constant 0 : i32
      %dma_start3A_70 = arith.constant 0 : i32
      %dma_start3A_71 = tpu.memref_slice %arg10[%dma_start3A, %dma_start3A_70] : memref<324x64xi32, #tpu.memory_space<vmem>> -> memref<1x64xi32, #tpu.memory_space<vmem>>
      %dma_start3A_72 = tpu.memref_squeeze %dma_start3A_71 : memref<1x64xi32, #tpu.memory_space<vmem>> -> memref<64xi32, #tpu.memory_space<vmem>>
      %dma_start3A_73 = arith.constant 0 : i32
      %dma_start3A_74 = arith.constant 0 : i32
      %dma_start3A_75 = tpu.memref_slice %arg3[%dma_start3A_73, %dma_start3A_74] : memref<10000x112xf32, #tpu.memory_space<hbm>> -> memref<10000x112xf32, #tpu.memory_space<hbm>>
      tpu.enqueue_indirect_dma source(%dma_start3A_75 : memref<10000x112xf32, #tpu.memory_space<hbm>>) target(%arg12 : memref<64x112xf32, #tpu.memory_space<vmem>>) offsets(%dma_start3A_72 : memref<64xi32, #tpu.memory_space<vmem>>) semaphore(%arg16 : memref<!tpu.dma_semaphore, #tpu.memory_space<semaphore_mem>>)
      %dma_start3A_76 = arith.constant 0 : i32
      %dma_start3A_77 = arith.constant 0 : i32
      %dma_start3A_78 = tpu.memref_slice %arg11[%dma_start3A_76, %dma_start3A_77] : memref<324x64xi32, #tpu.memory_space<vmem>> -> memref<1x64xi32, #tpu.memory_space<vmem>>
      %dma_start3A_79 = tpu.memref_squeeze %dma_start3A_78 : memref<1x64xi32, #tpu.memory_space<vmem>> -> memref<64xi32, #tpu.memory_space<vmem>>
      %dma_start3A_80 = arith.constant 0 : i32
      %dma_start3A_81 = arith.constant 0 : i32
      %dma_start3A_82 = tpu.memref_slice %arg4[%dma_start3A_80, %dma_start3A_81] : memref<10000x16xf32, #tpu.memory_space<hbm>> -> memref<10000x16xf32, #tpu.memory_space<hbm>>
      tpu.enqueue_indirect_dma source(%dma_start3A_82 : memref<10000x16xf32, #tpu.memory_space<hbm>>) target(%arg14 : memref<64x16xf32, #tpu.memory_space<vmem>>) offsets(%dma_start3A_79 : memref<64xi32, #tpu.memory_space<vmem>>) semaphore(%arg18 : memref<!tpu.dma_semaphore, #tpu.memory_space<semaphore_mem>>)
      %scan3A = arith.constant 0 : i32
      %scan3A_83 = arith.constant 0 : i32
      %scan3A_84 = arith.constant 162 : i32
      %scan3A_85 = arith.addi %scan3A_83, %scan3A_84 : i32
      %scan3A_86 = arith.constant 1 : i32
      scf.for %scan3A_88 = %scan3A_83 to %scan3A_85 step %scan3A_86  : i32 {
        %mul3A_89 = arith.constant 2 : i32
        %mul3A_90 = arith.muli %mul3A_89, %scan3A_88 : i32
        %add3A_91 = arith.constant 1 : i32
        %add3A_92 = arith.addi %mul3A_90, %add3A_91 : i32
        %dma_wait3A = arith.constant 0 : i32
        %dma_wait3A_93 = tpu.memref_slice %arg10[%mul3A_90, %dma_wait3A] : memref<324x64xi32, #tpu.memory_space<vmem>> -> memref<1x64xi32, #tpu.memory_space<vmem>>
        %dma_wait3A_94 = tpu.memref_squeeze %dma_wait3A_93 : memref<1x64xi32, #tpu.memory_space<vmem>> -> memref<64xi32, #tpu.memory_space<vmem>>
        %dma_wait3A_95 = arith.constant 0 : i32
        %dma_wait3A_96 = arith.constant 0 : i32
        %dma_wait3A_97 = tpu.memref_slice %arg3[%dma_wait3A_95, %dma_wait3A_96] : memref<10000x112xf32, #tpu.memory_space<hbm>> -> memref<10000x112xf32, #tpu.memory_space<hbm>>
        tpu.wait_indirect_dma semaphore(%arg16 : memref<!tpu.dma_semaphore, #tpu.memory_space<semaphore_mem>>) src(%dma_wait3A_97 : memref<10000x112xf32, #tpu.memory_space<hbm>>) dst(%arg12 : memref<64x112xf32, #tpu.memory_space<vmem>>)
        %dma_wait3A_98 = arith.constant 0 : i32
        %dma_wait3A_99 = tpu.memref_slice %arg11[%mul3A_90, %dma_wait3A_98] : memref<324x64xi32, #tpu.memory_space<vmem>> -> memref<1x64xi32, #tpu.memory_space<vmem>>
        %dma_wait3A_100 = tpu.memref_squeeze %dma_wait3A_99 : memref<1x64xi32, #tpu.memory_space<vmem>> -> memref<64xi32, #tpu.memory_space<vmem>>
        %dma_wait3A_101 = arith.constant 0 : i32
        %dma_wait3A_102 = arith.constant 0 : i32
        %dma_wait3A_103 = tpu.memref_slice %arg4[%dma_wait3A_101, %dma_wait3A_102] : memref<10000x16xf32, #tpu.memory_space<hbm>> -> memref<10000x16xf32, #tpu.memory_space<hbm>>
        tpu.wait_indirect_dma semaphore(%arg18 : memref<!tpu.dma_semaphore, #tpu.memory_space<semaphore_mem>>) src(%dma_wait3A_103 : memref<10000x16xf32, #tpu.memory_space<hbm>>) dst(%arg14 : memref<64x16xf32, #tpu.memory_space<vmem>>)
        %dma_start3A_104 = arith.constant 0 : i32
        %dma_start3A_105 = tpu.memref_slice %arg10[%add3A_92, %dma_start3A_104] : memref<324x64xi32, #tpu.memory_space<vmem>> -> memref<1x64xi32, #tpu.memory_space<vmem>>
        %dma_start3A_106 = tpu.memref_squeeze %dma_start3A_105 : memref<1x64xi32, #tpu.memory_space<vmem>> -> memref<64xi32, #tpu.memory_space<vmem>>
        %dma_start3A_107 = arith.constant 0 : i32
        %dma_start3A_108 = arith.constant 0 : i32
        %dma_start3A_109 = tpu.memref_slice %arg3[%dma_start3A_107, %dma_start3A_108] : memref<10000x112xf32, #tpu.memory_space<hbm>> -> memref<10000x112xf32, #tpu.memory_space<hbm>>
        tpu.enqueue_indirect_dma source(%dma_start3A_109 : memref<10000x112xf32, #tpu.memory_space<hbm>>) target(%arg13 : memref<64x112xf32, #tpu.memory_space<vmem>>) offsets(%dma_start3A_106 : memref<64xi32, #tpu.memory_space<vmem>>) semaphore(%arg17 : memref<!tpu.dma_semaphore, #tpu.memory_space<semaphore_mem>>)
        %dma_start3A_110 = arith.constant 0 : i32
        %dma_start3A_111 = tpu.memref_slice %arg11[%add3A_92, %dma_start3A_110] : memref<324x64xi32, #tpu.memory_space<vmem>> -> memref<1x64xi32, #tpu.memory_space<vmem>>
        %dma_start3A_112 = tpu.memref_squeeze %dma_start3A_111 : memref<1x64xi32, #tpu.memory_space<vmem>> -> memref<64xi32, #tpu.memory_space<vmem>>
        %dma_start3A_113 = arith.constant 0 : i32
        %dma_start3A_114 = arith.constant 0 : i32
        %dma_start3A_115 = tpu.memref_slice %arg4[%dma_start3A_113, %dma_start3A_114] : memref<10000x16xf32, #tpu.memory_space<hbm>> -> memref<10000x16xf32, #tpu.memory_space<hbm>>
        tpu.enqueue_indirect_dma source(%dma_start3A_115 : memref<10000x16xf32, #tpu.memory_space<hbm>>) target(%arg15 : memref<64x16xf32, #tpu.memory_space<vmem>>) offsets(%dma_start3A_112 : memref<64xi32, #tpu.memory_space<vmem>>) semaphore(%arg19 : memref<!tpu.dma_semaphore, #tpu.memory_space<semaphore_mem>>)
        %scan3A_116 = arith.constant 0 : i32
        %scan3A_117 = arith.constant 0 : i32
        %scan3A_118 = arith.constant 64 : i32
        %scan3A_119 = arith.addi %scan3A_117, %scan3A_118 : i32
        %scan3A_120 = arith.constant 1 : i32
        scf.for %scan3A_147 = %scan3A_117 to %scan3A_119 step %scan3A_120  : i32 {
          %get3A = arith.index_cast %scan3A_147 : i32 to index
          %get3A_148 = arith.constant 96 : index
          %get3A_149 = tpu.vector_load %arg12[%get3A, %get3A_148] {strides = array<i32>} : memref<64x112xf32, #tpu.memory_space<vmem>>, vector<1x16xf32>,
          %get3A_150 = vector.shape_cast %get3A_149 : vector<1x16xf32> to vector<16xf32>
          %get3A_151 = arith.index_cast %scan3A_147 : i32 to index
          %get3A_152 = arith.constant 0 : index
          %get3A_153 = tpu.vector_load %arg14[%get3A_151, %get3A_152] {strides = array<i32>} : memref<64x16xf32, #tpu.memory_space<vmem>>, vector<1x16xf32>,
          %get3A_154 = vector.shape_cast %get3A_153 : vector<1x16xf32> to vector<16xf32>
          %add3A_155 = arith.addf %get3A_150, %get3A_154 : vector<16xf32>
          %ge3A = arith.constant 0.000000e+00 : f32
          %ge3A_156 = vector.broadcast %ge3A : f32 to vector<16xf32>
          %ge3A_157 = arith.cmpf oge, %add3A_155, %ge3A_156 : vector<16xf32>
          %mul3A_158 = arith.constant 2.000000e-01 : f32
          %mul3A_159 = vector.broadcast %mul3A_158 : f32 to vector<16xf32>
          %mul3A_160 = arith.mulf %mul3A_159, %add3A_155 : vector<16xf32>
          %select_n3A = arith.select %ge3A_157, %add3A_155, %mul3A_160 : vector<16xi1>, vector<16xf32>
          %exp3A = math.exp %select_n3A : vector<16xf32>
          %jit3A = arith.constant 0.000000e+00 : f32
          %broadcast_in_dim3A = vector.broadcast %jit3A : f32 to vector<16xf32>
          %select_n3A_161 = arith.select %lt3A_21, %exp3A, %broadcast_in_dim3A : vector<16xi1>, vector<16xf32>
          %swap3A = arith.index_cast %scan3A_147 : i32 to index
          %swap3A_162 = arith.constant 96 : index
          %swap3A_163 = tpu.vector_load %arg12[%swap3A, %swap3A_162] {strides = array<i32>} : memref<64x112xf32, #tpu.memory_space<vmem>>, vector<1x16xf32>,
          %swap3A_164 = vector.shape_cast %swap3A_163 : vector<1x16xf32> to vector<16xf32>
          %swap3A_165 = vector.shape_cast %select_n3A_161 : vector<16xf32> to vector<1x16xf32>
          tpu.vector_store %arg12[%swap3A, %swap3A_162], %swap3A_165 {strides = array<i32>} : memref<64x112xf32, #tpu.memory_space<vmem>>, vector<1x16xf32>,
          %slice3A = vector.extract_strided_slice %select_n3A_161 {offsets = [0], sizes = [1], strides = [1]} : vector<16xf32> to vector<1xf32>
          %squeeze3A = vector.extract %slice3A[0] : f32 from vector<1xf32>
          %broadcast_in_dim3A_166 = vector.broadcast %squeeze3A : f32 to vector<16xf32>
          %slice3A_167 = vector.extract_strided_slice %select_n3A_161 {offsets = [1], sizes = [1], strides = [1]} : vector<16xf32> to vector<1xf32>
          %squeeze3A_168 = vector.extract %slice3A_167[0] : f32 from vector<1xf32>
          %broadcast_in_dim3A_169 = vector.broadcast %squeeze3A_168 : f32 to vector<16xf32>
          %slice3A_170 = vector.extract_strided_slice %select_n3A_161 {offsets = [2], sizes = [1], strides = [1]} : vector<16xf32> to vector<1xf32>
          %squeeze3A_171 = vector.extract %slice3A_170[0] : f32 from vector<1xf32>
          %broadcast_in_dim3A_172 = vector.broadcast %squeeze3A_171 : f32 to vector<16xf32>
          %get3A_173 = arith.index_cast %scan3A_147 : i32 to index
          %get3A_174 = arith.constant 0 : index
          %get3A_175 = tpu.vector_load %arg12[%get3A_173, %get3A_174] {strides = array<i32>} : memref<64x112xf32, #tpu.memory_space<vmem>>, vector<1x16xf32>,
          %get3A_176 = vector.shape_cast %get3A_175 : vector<1x16xf32> to vector<16xf32>
          %mul3A_177 = arith.mulf %get3A_176, %broadcast_in_dim3A_169 : vector<16xf32>
          %swap3A_178 = arith.index_cast %scan3A_147 : i32 to index
          %swap3A_179 = arith.constant 0 : index
          %swap3A_180 = tpu.vector_load %arg12[%swap3A_178, %swap3A_179] {strides = array<i32>} : memref<64x112xf32, #tpu.memory_space<vmem>>, vector<1x16xf32>,
          %swap3A_181 = vector.shape_cast %swap3A_180 : vector<1x16xf32> to vector<16xf32>
          %swap3A_182 = vector.shape_cast %mul3A_177 : vector<16xf32> to vector<1x16xf32>
          tpu.vector_store %arg12[%swap3A_178, %swap3A_179], %swap3A_182 {strides = array<i32>} : memref<64x112xf32, #tpu.memory_space<vmem>>, vector<1x16xf32>,
          %get3A_183 = arith.index_cast %scan3A_147 : i32 to index
          %get3A_184 = arith.constant 16 : index
          %get3A_185 = tpu.vector_load %arg12[%get3A_183, %get3A_184] {strides = array<i32>} : memref<64x112xf32, #tpu.memory_space<vmem>>, vector<1x16xf32>,
          %get3A_186 = vector.shape_cast %get3A_185 : vector<1x16xf32> to vector<16xf32>
          %mul3A_187 = arith.mulf %get3A_186, %broadcast_in_dim3A_169 : vector<16xf32>
          %swap3A_188 = arith.index_cast %scan3A_147 : i32 to index
          %swap3A_189 = arith.constant 16 : index
          %swap3A_190 = tpu.vector_load %arg12[%swap3A_188, %swap3A_189] {strides = array<i32>} : memref<64x112xf32, #tpu.memory_space<vmem>>, vector<1x16xf32>,
          %swap3A_191 = vector.shape_cast %swap3A_190 : vector<1x16xf32> to vector<16xf32>
          %swap3A_192 = vector.shape_cast %mul3A_187 : vector<16xf32> to vector<1x16xf32>
          tpu.vector_store %arg12[%swap3A_188, %swap3A_189], %swap3A_192 {strides = array<i32>} : memref<64x112xf32, #tpu.memory_space<vmem>>, vector<1x16xf32>,
          %get3A_193 = arith.index_cast %scan3A_147 : i32 to index
          %get3A_194 = arith.constant 32 : index
          %get3A_195 = tpu.vector_load %arg12[%get3A_193, %get3A_194] {strides = array<i32>} : memref<64x112xf32, #tpu.memory_space<vmem>>, vector<1x16xf32>,
          %get3A_196 = vector.shape_cast %get3A_195 : vector<1x16xf32> to vector<16xf32>
          %mul3A_197 = arith.mulf %get3A_196, %broadcast_in_dim3A_172 : vector<16xf32>
          %swap3A_198 = arith.index_cast %scan3A_147 : i32 to index
          %swap3A_199 = arith.constant 32 : index
          %swap3A_200 = tpu.vector_load %arg12[%swap3A_198, %swap3A_199] {strides = array<i32>} : memref<64x112xf32, #tpu.memory_space<vmem>>, vector<1x16xf32>,
          %swap3A_201 = vector.shape_cast %swap3A_200 : vector<1x16xf32> to vector<16xf32>
          %swap3A_202 = vector.shape_cast %mul3A_197 : vector<16xf32> to vector<1x16xf32>
          tpu.vector_store %arg12[%swap3A_198, %swap3A_199], %swap3A_202 {strides = array<i32>} : memref<64x112xf32, #tpu.memory_space<vmem>>, vector<1x16xf32>,
          %get3A_203 = arith.index_cast %scan3A_147 : i32 to index
          %get3A_204 = arith.constant 48 : index
          %get3A_205 = tpu.vector_load %arg12[%get3A_203, %get3A_204] {strides = array<i32>} : memref<64x112xf32, #tpu.memory_space<vmem>>, vector<1x16xf32>,
          %get3A_206 = vector.shape_cast %get3A_205 : vector<1x16xf32> to vector<16xf32>
          %mul3A_207 = arith.mulf %get3A_206, %broadcast_in_dim3A_172 : vector<16xf32>
          %swap3A_208 = arith.index_cast %scan3A_147 : i32 to index
          %swap3A_209 = arith.constant 48 : index
          %swap3A_210 = tpu.vector_load %arg12[%swap3A_208, %swap3A_209] {strides = array<i32>} : memref<64x112xf32, #tpu.memory_space<vmem>>, vector<1x16xf32>,
          %swap3A_211 = vector.shape_cast %swap3A_210 : vector<1x16xf32> to vector<16xf32>
          %swap3A_212 = vector.shape_cast %mul3A_207 : vector<16xf32> to vector<1x16xf32>
          tpu.vector_store %arg12[%swap3A_208, %swap3A_209], %swap3A_212 {strides = array<i32>} : memref<64x112xf32, #tpu.memory_space<vmem>>, vector<1x16xf32>,
          %get3A_213 = arith.index_cast %scan3A_147 : i32 to index
          %get3A_214 = arith.constant 64 : index
          %get3A_215 = tpu.vector_load %arg12[%get3A_213, %get3A_214] {strides = array<i32>} : memref<64x112xf32, #tpu.memory_space<vmem>>, vector<1x16xf32>,
          %get3A_216 = vector.shape_cast %get3A_215 : vector<1x16xf32> to vector<16xf32>
          %mul3A_217 = arith.mulf %get3A_216, %broadcast_in_dim3A_172 : vector<16xf32>
          %swap3A_218 = arith.index_cast %scan3A_147 : i32 to index
          %swap3A_219 = arith.constant 64 : index
          %swap3A_220 = tpu.vector_load %arg12[%swap3A_218, %swap3A_219] {strides = array<i32>} : memref<64x112xf32, #tpu.memory_space<vmem>>, vector<1x16xf32>,
          %swap3A_221 = vector.shape_cast %swap3A_220 : vector<1x16xf32> to vector<16xf32>
          %swap3A_222 = vector.shape_cast %mul3A_217 : vector<16xf32> to vector<1x16xf32>
          tpu.vector_store %arg12[%swap3A_218, %swap3A_219], %swap3A_222 {strides = array<i32>} : memref<64x112xf32, #tpu.memory_space<vmem>>, vector<1x16xf32>,
          %get3A_223 = arith.index_cast %scan3A_147 : i32 to index
          %get3A_224 = arith.constant 80 : index
          %get3A_225 = tpu.vector_load %arg12[%get3A_223, %get3A_224] {strides = array<i32>} : memref<64x112xf32, #tpu.memory_space<vmem>>, vector<1x16xf32>,
          %get3A_226 = vector.shape_cast %get3A_225 : vector<1x16xf32> to vector<16xf32>
          %mul3A_227 = arith.mulf %get3A_226, %broadcast_in_dim3A_172 : vector<16xf32>
          %swap3A_228 = arith.index_cast %scan3A_147 : i32 to index
          %swap3A_229 = arith.constant 80 : index
          %swap3A_230 = tpu.vector_load %arg12[%swap3A_228, %swap3A_229] {strides = array<i32>} : memref<64x112xf32, #tpu.memory_space<vmem>>, vector<1x16xf32>,
          %swap3A_231 = vector.shape_cast %swap3A_230 : vector<1x16xf32> to vector<16xf32>
          %swap3A_232 = vector.shape_cast %mul3A_227 : vector<16xf32> to vector<1x16xf32>
          tpu.vector_store %arg12[%swap3A_228, %swap3A_229], %swap3A_232 {strides = array<i32>} : memref<64x112xf32, #tpu.memory_space<vmem>>, vector<1x16xf32>,
        }
        %scan3A_121 = arith.constant 64 : i32
        "tpu.region"() ({
          %run_scoped3A = tpu.sem_alloc : memref<!tpu.dma_semaphore, #tpu.memory_space<semaphore_mem>>
          %dma_start3A_147 = arith.constant 0 : i32
          %dma_start3A_148 = tpu.memref_slice %arg11[%mul3A_90, %dma_start3A_147] : memref<324x64xi32, #tpu.memory_space<vmem>> -> memref<1x64xi32, #tpu.memory_space<vmem>>
          %dma_start3A_149 = tpu.memref_squeeze %dma_start3A_148 : memref<1x64xi32, #tpu.memory_space<vmem>> -> memref<64xi32, #tpu.memory_space<vmem>>
          %dma_start3A_150 = arith.constant 0 : i32
          %dma_start3A_151 = arith.constant 0 : i32
          %dma_start3A_152 = tpu.memref_slice %arg9[%dma_start3A_150, %dma_start3A_151] : memref<10240x112xf32, #tpu.memory_space<vmem_shared>> -> memref<10240x112xf32, #tpu.memory_space<vmem_shared>>
          tpu.enqueue_indirect_dma source(%arg12 : memref<64x112xf32, #tpu.memory_space<vmem>>) target(%dma_start3A_152 : memref<10240x112xf32, #tpu.memory_space<vmem_shared>>) offsets(%dma_start3A_149 : memref<64xi32, #tpu.memory_space<vmem>>) semaphore(%run_scoped3A : memref<!tpu.dma_semaphore, #tpu.memory_space<semaphore_mem>>) {add = true}
          %dma_wait3A_153 = arith.constant 0 : i32
          %dma_wait3A_154 = tpu.memref_slice %arg11[%mul3A_90, %dma_wait3A_153] : memref<324x64xi32, #tpu.memory_space<vmem>> -> memref<1x64xi32, #tpu.memory_space<vmem>>
          %dma_wait3A_155 = tpu.memref_squeeze %dma_wait3A_154 : memref<1x64xi32, #tpu.memory_space<vmem>> -> memref<64xi32, #tpu.memory_space<vmem>>
          %dma_wait3A_156 = arith.constant 0 : i32
          %dma_wait3A_157 = arith.constant 0 : i32
          %dma_wait3A_158 = tpu.memref_slice %arg9[%dma_wait3A_156, %dma_wait3A_157] : memref<10240x112xf32, #tpu.memory_space<vmem_shared>> -> memref<10240x112xf32, #tpu.memory_space<vmem_shared>>
          tpu.wait_indirect_dma semaphore(%run_scoped3A : memref<!tpu.dma_semaphore, #tpu.memory_space<semaphore_mem>>) src(%arg12 : memref<64x112xf32, #tpu.memory_space<vmem>>) dst(%dma_wait3A_158 : memref<10240x112xf32, #tpu.memory_space<vmem_shared>>)
          tpu.yield
        }) : () -> ()
        %dma_wait3A_122 = arith.constant 0 : i32
        %dma_wait3A_123 = tpu.memref_slice %arg10[%add3A_92, %dma_wait3A_122] : memref<324x64xi32, #tpu.memory_space<vmem>> -> memref<1x64xi32, #tpu.memory_space<vmem>>
        %dma_wait3A_124 = tpu.memref_squeeze %dma_wait3A_123 : memref<1x64xi32, #tpu.memory_space<vmem>> -> memref<64xi32, #tpu.memory_space<vmem>>
        %dma_wait3A_125 = arith.constant 0 : i32
        %dma_wait3A_126 = arith.constant 0 : i32
        %dma_wait3A_127 = tpu.memref_slice %arg3[%dma_wait3A_125, %dma_wait3A_126] : memref<10000x112xf32, #tpu.memory_space<hbm>> -> memref<10000x112xf32, #tpu.memory_space<hbm>>
        tpu.wait_indirect_dma semaphore(%arg17 : memref<!tpu.dma_semaphore, #tpu.memory_space<semaphore_mem>>) src(%dma_wait3A_127 : memref<10000x112xf32, #tpu.memory_space<hbm>>) dst(%arg13 : memref<64x112xf32, #tpu.memory_space<vmem>>)
        %dma_wait3A_128 = arith.constant 0 : i32
        %dma_wait3A_129 = tpu.memref_slice %arg11[%add3A_92, %dma_wait3A_128] : memref<324x64xi32, #tpu.memory_space<vmem>> -> memref<1x64xi32, #tpu.memory_space<vmem>>
        %dma_wait3A_130 = tpu.memref_squeeze %dma_wait3A_129 : memref<1x64xi32, #tpu.memory_space<vmem>> -> memref<64xi32, #tpu.memory_space<vmem>>
        %dma_wait3A_131 = arith.constant 0 : i32
        %dma_wait3A_132 = arith.constant 0 : i32
        %dma_wait3A_133 = tpu.memref_slice %arg4[%dma_wait3A_131, %dma_wait3A_132] : memref<10000x16xf32, #tpu.memory_space<hbm>> -> memref<10000x16xf32, #tpu.memory_space<hbm>>
        tpu.wait_indirect_dma semaphore(%arg19 : memref<!tpu.dma_semaphore, #tpu.memory_space<semaphore_mem>>) src(%dma_wait3A_133 : memref<10000x16xf32, #tpu.memory_space<hbm>>) dst(%arg15 : memref<64x16xf32, #tpu.memory_space<vmem>>)
        %add3A_134 = arith.constant 1 : i32
        %add3A_135 = arith.addi %add3A_92, %add3A_134 : i32
        %lt3A_136 = arith.constant 324 : i32
        %lt3A_137 = arith.cmpi slt, %add3A_135, %lt3A_136 : i32
        %convert_element_type3A_138 = arith.extui %lt3A_137 : i1 to i32
        %cond3A_139 = arith.constant 0 : i32
        %cond3A_140 = arith.cmpi ne, %convert_element_type3A_138, %cond3A_139 : i32
        scf.if %cond3A_140 {
          %add3A_147 = arith.constant 1 : i32
          %add3A_148 = arith.addi %add3A_92, %add3A_147 : i32
          %dma_start3A_149 = arith.constant 0 : i32
          %dma_start3A_150 = tpu.memref_slice %arg10[%add3A_148, %dma_start3A_149] : memref<324x64xi32, #tpu.memory_space<vmem>> -> memref<1x64xi32, #tpu.memory_space<vmem>>
          %dma_start3A_151 = tpu.memref_squeeze %dma_start3A_150 : memref<1x64xi32, #tpu.memory_space<vmem>> -> memref<64xi32, #tpu.memory_space<vmem>>
          %dma_start3A_152 = arith.constant 0 : i32
          %dma_start3A_153 = arith.constant 0 : i32
          %dma_start3A_154 = tpu.memref_slice %arg3[%dma_start3A_152, %dma_start3A_153] : memref<10000x112xf32, #tpu.memory_space<hbm>> -> memref<10000x112xf32, #tpu.memory_space<hbm>>
          tpu.enqueue_indirect_dma source(%dma_start3A_154 : memref<10000x112xf32, #tpu.memory_space<hbm>>) target(%arg12 : memref<64x112xf32, #tpu.memory_space<vmem>>) offsets(%dma_start3A_151 : memref<64xi32, #tpu.memory_space<vmem>>) semaphore(%arg16 : memref<!tpu.dma_semaphore, #tpu.memory_space<semaphore_mem>>)
          %dma_start3A_155 = arith.constant 0 : i32
          %dma_start3A_156 = tpu.memref_slice %arg11[%add3A_148, %dma_start3A_155] : memref<324x64xi32, #tpu.memory_space<vmem>> -> memref<1x64xi32, #tpu.memory_space<vmem>>
          %dma_start3A_157 = tpu.memref_squeeze %dma_start3A_156 : memref<1x64xi32, #tpu.memory_space<vmem>> -> memref<64xi32, #tpu.memory_space<vmem>>
          %dma_start3A_158 = arith.constant 0 : i32
          %dma_start3A_159 = arith.constant 0 : i32
          %dma_start3A_160 = tpu.memref_slice %arg4[%dma_start3A_158, %dma_start3A_159] : memref<10000x16xf32, #tpu.memory_space<hbm>> -> memref<10000x16xf32, #tpu.memory_space<hbm>>
          tpu.enqueue_indirect_dma source(%dma_start3A_160 : memref<10000x16xf32, #tpu.memory_space<hbm>>) target(%arg14 : memref<64x16xf32, #tpu.memory_space<vmem>>) offsets(%dma_start3A_157 : memref<64xi32, #tpu.memory_space<vmem>>) semaphore(%arg18 : memref<!tpu.dma_semaphore, #tpu.memory_space<semaphore_mem>>)
        } else {
        }
        %scan3A_141 = arith.constant 0 : i32
        %scan3A_142 = arith.constant 0 : i32
        %scan3A_143 = arith.constant 64 : i32
        %scan3A_144 = arith.addi %scan3A_142, %scan3A_143 : i32
        %scan3A_145 = arith.constant 1 : i32
        scf.for %scan3A_147 = %scan3A_142 to %scan3A_144 step %scan3A_145  : i32 {
          %get3A = arith.index_cast %scan3A_147 : i32 to index
          %get3A_148 = arith.constant 96 : index
          %get3A_149 = tpu.vector_load %arg13[%get3A, %get3A_148] {strides = array<i32>} : memref<64x112xf32, #tpu.memory_space<vmem>>, vector<1x16xf32>,
          %get3A_150 = vector.shape_cast %get3A_149 : vector<1x16xf32> to vector<16xf32>
          %get3A_151 = arith.index_cast %scan3A_147 : i32 to index
          %get3A_152 = arith.constant 0 : index
          %get3A_153 = tpu.vector_load %arg15[%get3A_151, %get3A_152] {strides = array<i32>} : memref<64x16xf32, #tpu.memory_space<vmem>>, vector<1x16xf32>,
          %get3A_154 = vector.shape_cast %get3A_153 : vector<1x16xf32> to vector<16xf32>
          %add3A_155 = arith.addf %get3A_150, %get3A_154 : vector<16xf32>
          %ge3A = arith.constant 0.000000e+00 : f32
          %ge3A_156 = vector.broadcast %ge3A : f32 to vector<16xf32>
          %ge3A_157 = arith.cmpf oge, %add3A_155, %ge3A_156 : vector<16xf32>
          %mul3A_158 = arith.constant 2.000000e-01 : f32
          %mul3A_159 = vector.broadcast %mul3A_158 : f32 to vector<16xf32>
          %mul3A_160 = arith.mulf %mul3A_159, %add3A_155 : vector<16xf32>
          %select_n3A = arith.select %ge3A_157, %add3A_155, %mul3A_160 : vector<16xi1>, vector<16xf32>
          %exp3A = math.exp %select_n3A : vector<16xf32>
          %jit3A = arith.constant 0.000000e+00 : f32
          %broadcast_in_dim3A = vector.broadcast %jit3A : f32 to vector<16xf32>
          %select_n3A_161 = arith.select %lt3A_21, %exp3A, %broadcast_in_dim3A : vector<16xi1>, vector<16xf32>
          %swap3A = arith.index_cast %scan3A_147 : i32 to index
          %swap3A_162 = arith.constant 96 : index
          %swap3A_163 = tpu.vector_load %arg13[%swap3A, %swap3A_162] {strides = array<i32>} : memref<64x112xf32, #tpu.memory_space<vmem>>, vector<1x16xf32>,
          %swap3A_164 = vector.shape_cast %swap3A_163 : vector<1x16xf32> to vector<16xf32>
          %swap3A_165 = vector.shape_cast %select_n3A_161 : vector<16xf32> to vector<1x16xf32>
          tpu.vector_store %arg13[%swap3A, %swap3A_162], %swap3A_165 {strides = array<i32>} : memref<64x112xf32, #tpu.memory_space<vmem>>, vector<1x16xf32>,
          %slice3A = vector.extract_strided_slice %select_n3A_161 {offsets = [0], sizes = [1], strides = [1]} : vector<16xf32> to vector<1xf32>
          %squeeze3A = vector.extract %slice3A[0] : f32 from vector<1xf32>
          %broadcast_in_dim3A_166 = vector.broadcast %squeeze3A : f32 to vector<16xf32>
          %slice3A_167 = vector.extract_strided_slice %select_n3A_161 {offsets = [1], sizes = [1], strides = [1]} : vector<16xf32> to vector<1xf32>
          %squeeze3A_168 = vector.extract %slice3A_167[0] : f32 from vector<1xf32>
          %broadcast_in_dim3A_169 = vector.broadcast %squeeze3A_168 : f32 to vector<16xf32>
          %slice3A_170 = vector.extract_strided_slice %select_n3A_161 {offsets = [2], sizes = [1], strides = [1]} : vector<16xf32> to vector<1xf32>
          %squeeze3A_171 = vector.extract %slice3A_170[0] : f32 from vector<1xf32>
          %broadcast_in_dim3A_172 = vector.broadcast %squeeze3A_171 : f32 to vector<16xf32>
          %get3A_173 = arith.index_cast %scan3A_147 : i32 to index
          %get3A_174 = arith.constant 0 : index
          %get3A_175 = tpu.vector_load %arg13[%get3A_173, %get3A_174] {strides = array<i32>} : memref<64x112xf32, #tpu.memory_space<vmem>>, vector<1x16xf32>,
          %get3A_176 = vector.shape_cast %get3A_175 : vector<1x16xf32> to vector<16xf32>
          %mul3A_177 = arith.mulf %get3A_176, %broadcast_in_dim3A_169 : vector<16xf32>
          %swap3A_178 = arith.index_cast %scan3A_147 : i32 to index
          %swap3A_179 = arith.constant 0 : index
          %swap3A_180 = tpu.vector_load %arg13[%swap3A_178, %swap3A_179] {strides = array<i32>} : memref<64x112xf32, #tpu.memory_space<vmem>>, vector<1x16xf32>,
          %swap3A_181 = vector.shape_cast %swap3A_180 : vector<1x16xf32> to vector<16xf32>
          %swap3A_182 = vector.shape_cast %mul3A_177 : vector<16xf32> to vector<1x16xf32>
          tpu.vector_store %arg13[%swap3A_178, %swap3A_179], %swap3A_182 {strides = array<i32>} : memref<64x112xf32, #tpu.memory_space<vmem>>, vector<1x16xf32>,
          %get3A_183 = arith.index_cast %scan3A_147 : i32 to index
          %get3A_184 = arith.constant 16 : index
          %get3A_185 = tpu.vector_load %arg13[%get3A_183, %get3A_184] {strides = array<i32>} : memref<64x112xf32, #tpu.memory_space<vmem>>, vector<1x16xf32>,
          %get3A_186 = vector.shape_cast %get3A_185 : vector<1x16xf32> to vector<16xf32>
          %mul3A_187 = arith.mulf %get3A_186, %broadcast_in_dim3A_169 : vector<16xf32>
          %swap3A_188 = arith.index_cast %scan3A_147 : i32 to index
          %swap3A_189 = arith.constant 16 : index
          %swap3A_190 = tpu.vector_load %arg13[%swap3A_188, %swap3A_189] {strides = array<i32>} : memref<64x112xf32, #tpu.memory_space<vmem>>, vector<1x16xf32>,
          %swap3A_191 = vector.shape_cast %swap3A_190 : vector<1x16xf32> to vector<16xf32>
          %swap3A_192 = vector.shape_cast %mul3A_187 : vector<16xf32> to vector<1x16xf32>
          tpu.vector_store %arg13[%swap3A_188, %swap3A_189], %swap3A_192 {strides = array<i32>} : memref<64x112xf32, #tpu.memory_space<vmem>>, vector<1x16xf32>,
          %get3A_193 = arith.index_cast %scan3A_147 : i32 to index
          %get3A_194 = arith.constant 32 : index
          %get3A_195 = tpu.vector_load %arg13[%get3A_193, %get3A_194] {strides = array<i32>} : memref<64x112xf32, #tpu.memory_space<vmem>>, vector<1x16xf32>,
          %get3A_196 = vector.shape_cast %get3A_195 : vector<1x16xf32> to vector<16xf32>
          %mul3A_197 = arith.mulf %get3A_196, %broadcast_in_dim3A_172 : vector<16xf32>
          %swap3A_198 = arith.index_cast %scan3A_147 : i32 to index
          %swap3A_199 = arith.constant 32 : index
          %swap3A_200 = tpu.vector_load %arg13[%swap3A_198, %swap3A_199] {strides = array<i32>} : memref<64x112xf32, #tpu.memory_space<vmem>>, vector<1x16xf32>,
          %swap3A_201 = vector.shape_cast %swap3A_200 : vector<1x16xf32> to vector<16xf32>
          %swap3A_202 = vector.shape_cast %mul3A_197 : vector<16xf32> to vector<1x16xf32>
          tpu.vector_store %arg13[%swap3A_198, %swap3A_199], %swap3A_202 {strides = array<i32>} : memref<64x112xf32, #tpu.memory_space<vmem>>, vector<1x16xf32>,
          %get3A_203 = arith.index_cast %scan3A_147 : i32 to index
          %get3A_204 = arith.constant 48 : index
          %get3A_205 = tpu.vector_load %arg13[%get3A_203, %get3A_204] {strides = array<i32>} : memref<64x112xf32, #tpu.memory_space<vmem>>, vector<1x16xf32>,
          %get3A_206 = vector.shape_cast %get3A_205 : vector<1x16xf32> to vector<16xf32>
          %mul3A_207 = arith.mulf %get3A_206, %broadcast_in_dim3A_172 : vector<16xf32>
          %swap3A_208 = arith.index_cast %scan3A_147 : i32 to index
          %swap3A_209 = arith.constant 48 : index
          %swap3A_210 = tpu.vector_load %arg13[%swap3A_208, %swap3A_209] {strides = array<i32>} : memref<64x112xf32, #tpu.memory_space<vmem>>, vector<1x16xf32>,
          %swap3A_211 = vector.shape_cast %swap3A_210 : vector<1x16xf32> to vector<16xf32>
          %swap3A_212 = vector.shape_cast %mul3A_207 : vector<16xf32> to vector<1x16xf32>
          tpu.vector_store %arg13[%swap3A_208, %swap3A_209], %swap3A_212 {strides = array<i32>} : memref<64x112xf32, #tpu.memory_space<vmem>>, vector<1x16xf32>,
          %get3A_213 = arith.index_cast %scan3A_147 : i32 to index
          %get3A_214 = arith.constant 64 : index
          %get3A_215 = tpu.vector_load %arg13[%get3A_213, %get3A_214] {strides = array<i32>} : memref<64x112xf32, #tpu.memory_space<vmem>>, vector<1x16xf32>,
          %get3A_216 = vector.shape_cast %get3A_215 : vector<1x16xf32> to vector<16xf32>
          %mul3A_217 = arith.mulf %get3A_216, %broadcast_in_dim3A_172 : vector<16xf32>
          %swap3A_218 = arith.index_cast %scan3A_147 : i32 to index
          %swap3A_219 = arith.constant 64 : index
          %swap3A_220 = tpu.vector_load %arg13[%swap3A_218, %swap3A_219] {strides = array<i32>} : memref<64x112xf32, #tpu.memory_space<vmem>>, vector<1x16xf32>,
          %swap3A_221 = vector.shape_cast %swap3A_220 : vector<1x16xf32> to vector<16xf32>
          %swap3A_222 = vector.shape_cast %mul3A_217 : vector<16xf32> to vector<1x16xf32>
          tpu.vector_store %arg13[%swap3A_218, %swap3A_219], %swap3A_222 {strides = array<i32>} : memref<64x112xf32, #tpu.memory_space<vmem>>, vector<1x16xf32>,
          %get3A_223 = arith.index_cast %scan3A_147 : i32 to index
          %get3A_224 = arith.constant 80 : index
          %get3A_225 = tpu.vector_load %arg13[%get3A_223, %get3A_224] {strides = array<i32>} : memref<64x112xf32, #tpu.memory_space<vmem>>, vector<1x16xf32>,
          %get3A_226 = vector.shape_cast %get3A_225 : vector<1x16xf32> to vector<16xf32>
          %mul3A_227 = arith.mulf %get3A_226, %broadcast_in_dim3A_172 : vector<16xf32>
          %swap3A_228 = arith.index_cast %scan3A_147 : i32 to index
          %swap3A_229 = arith.constant 80 : index
          %swap3A_230 = tpu.vector_load %arg13[%swap3A_228, %swap3A_229] {strides = array<i32>} : memref<64x112xf32, #tpu.memory_space<vmem>>, vector<1x16xf32>,
          %swap3A_231 = vector.shape_cast %swap3A_230 : vector<1x16xf32> to vector<16xf32>
          %swap3A_232 = vector.shape_cast %mul3A_227 : vector<16xf32> to vector<1x16xf32>
          tpu.vector_store %arg13[%swap3A_228, %swap3A_229], %swap3A_232 {strides = array<i32>} : memref<64x112xf32, #tpu.memory_space<vmem>>, vector<1x16xf32>,
        }
        %scan3A_146 = arith.constant 64 : i32
        "tpu.region"() ({
          %run_scoped3A = tpu.sem_alloc : memref<!tpu.dma_semaphore, #tpu.memory_space<semaphore_mem>>
          %dma_start3A_147 = arith.constant 0 : i32
          %dma_start3A_148 = tpu.memref_slice %arg11[%add3A_92, %dma_start3A_147] : memref<324x64xi32, #tpu.memory_space<vmem>> -> memref<1x64xi32, #tpu.memory_space<vmem>>
          %dma_start3A_149 = tpu.memref_squeeze %dma_start3A_148 : memref<1x64xi32, #tpu.memory_space<vmem>> -> memref<64xi32, #tpu.memory_space<vmem>>
          %dma_start3A_150 = arith.constant 0 : i32
          %dma_start3A_151 = arith.constant 0 : i32
          %dma_start3A_152 = tpu.memref_slice %arg9[%dma_start3A_150, %dma_start3A_151] : memref<10240x112xf32, #tpu.memory_space<vmem_shared>> -> memref<10240x112xf32, #tpu.memory_space<vmem_shared>>
          tpu.enqueue_indirect_dma source(%arg13 : memref<64x112xf32, #tpu.memory_space<vmem>>) target(%dma_start3A_152 : memref<10240x112xf32, #tpu.memory_space<vmem_shared>>) offsets(%dma_start3A_149 : memref<64xi32, #tpu.memory_space<vmem>>) semaphore(%run_scoped3A : memref<!tpu.dma_semaphore, #tpu.memory_space<semaphore_mem>>) {add = true}
          %dma_wait3A_153 = arith.constant 0 : i32
          %dma_wait3A_154 = tpu.memref_slice %arg11[%add3A_92, %dma_wait3A_153] : memref<324x64xi32, #tpu.memory_space<vmem>> -> memref<1x64xi32, #tpu.memory_space<vmem>>
          %dma_wait3A_155 = tpu.memref_squeeze %dma_wait3A_154 : memref<1x64xi32, #tpu.memory_space<vmem>> -> memref<64xi32, #tpu.memory_space<vmem>>
          %dma_wait3A_156 = arith.constant 0 : i32
          %dma_wait3A_157 = arith.constant 0 : i32
          %dma_wait3A_158 = tpu.memref_slice %arg9[%dma_wait3A_156, %dma_wait3A_157] : memref<10240x112xf32, #tpu.memory_space<vmem_shared>> -> memref<10240x112xf32, #tpu.memory_space<vmem_shared>>
          tpu.wait_indirect_dma semaphore(%run_scoped3A : memref<!tpu.dma_semaphore, #tpu.memory_space<semaphore_mem>>) src(%arg13 : memref<64x112xf32, #tpu.memory_space<vmem>>) dst(%dma_wait3A_158 : memref<10240x112xf32, #tpu.memory_space<vmem_shared>>)
          tpu.yield
        }) : () -> ()
      }
      %scan3A_87 = arith.constant 162 : i32
    } else {
    }
    %barrier3A_29 = arith.constant 0 : index
    tpu.barrier barrier_id(%barrier3A_29)
    %add3A_30 = arith.constant 0 : i32
    %add3A_31 = arith.addi %mul3A_0, %add3A_30 : i32
    "tpu.region"() ({
      %run_scoped3A = tpu.sem_alloc : memref<!tpu.dma_semaphore, #tpu.memory_space<semaphore_mem>>
      %dma_start3A = arith.constant 0 : i32
      %dma_start3A_70 = tpu.memref_slice %arg9[%add3A_31, %dma_start3A] : memref<10240x112xf32, #tpu.memory_space<vmem_shared>> -> memref<64x112xf32, #tpu.memory_space<vmem_shared>>
      %dma_start3A_71 = arith.constant 0 : i32
      %dma_start3A_72 = tpu.memref_slice %arg9[%add3A_31, %dma_start3A_71] : memref<10240x112xf32, #tpu.memory_space<vmem_shared>> -> memref<64x112xf32, #tpu.memory_space<vmem_shared>>
      tpu.enqueue_dma source(%dma_start3A_72 : memref<64x112xf32, #tpu.memory_space<vmem_shared>>) target(%arg12 : memref<64x112xf32, #tpu.memory_space<vmem>>) target_semaphore(%run_scoped3A : memref<!tpu.dma_semaphore, #tpu.memory_space<semaphore_mem>>)
      %dma_wait3A = arith.constant 0 : i32
      %dma_wait3A_73 = tpu.memref_slice %arg9[%add3A_31, %dma_wait3A] : memref<10240x112xf32, #tpu.memory_space<vmem_shared>> -> memref<64x112xf32, #tpu.memory_space<vmem_shared>>
      %dma_wait3A_74 = arith.constant 0 : i32
      %dma_wait3A_75 = tpu.memref_slice %arg9[%add3A_31, %dma_wait3A_74] : memref<10240x112xf32, #tpu.memory_space<vmem_shared>> -> memref<64x112xf32, #tpu.memory_space<vmem_shared>>
      tpu.wait_dma2 semaphore(%run_scoped3A : memref<!tpu.dma_semaphore, #tpu.memory_space<semaphore_mem>>) src(%dma_wait3A_75 : memref<64x112xf32, #tpu.memory_space<vmem_shared>>) dst(%arg12 : memref<64x112xf32, #tpu.memory_space<vmem>>)
      tpu.yield
    }) : () -> ()
    %add3A_32 = arith.constant 0 : i32
    %add3A_33 = arith.addi %mul3A_0, %add3A_32 : i32
    "tpu.region"() ({
      %run_scoped3A = tpu.sem_alloc : memref<!tpu.dma_semaphore, #tpu.memory_space<semaphore_mem>>
      %dma_start3A = arith.constant 0 : i32
      %dma_start3A_70 = tpu.memref_slice %arg8[%arg0, %add3A_33, %dma_start3A] : memref<2x10240x112xf32, #tpu.memory_space<hbm>> -> memref<1x64x112xf32, #tpu.memory_space<hbm>>
      %dma_start3A_71 = tpu.memref_squeeze %dma_start3A_70 : memref<1x64x112xf32, #tpu.memory_space<hbm>> -> memref<64x112xf32, #tpu.memory_space<hbm>>
      %dma_start3A_72 = arith.constant 0 : i32
      %dma_start3A_73 = tpu.memref_slice %arg8[%arg0, %add3A_33, %dma_start3A_72] : memref<2x10240x112xf32, #tpu.memory_space<hbm>> -> memref<1x64x112xf32, #tpu.memory_space<hbm>>
      %dma_start3A_74 = tpu.memref_squeeze %dma_start3A_73 : memref<1x64x112xf32, #tpu.memory_space<hbm>> -> memref<64x112xf32, #tpu.memory_space<hbm>>
      tpu.enqueue_dma source(%arg12 : memref<64x112xf32, #tpu.memory_space<vmem>>) target(%dma_start3A_74 : memref<64x112xf32, #tpu.memory_space<hbm>>) target_semaphore(%run_scoped3A : memref<!tpu.dma_semaphore, #tpu.memory_space<semaphore_mem>>)
      %dma_wait3A = arith.constant 0 : i32
      %dma_wait3A_75 = tpu.memref_slice %arg8[%arg0, %add3A_33, %dma_wait3A] : memref<2x10240x112xf32, #tpu.memory_space<hbm>> -> memref<1x64x112xf32, #tpu.memory_space<hbm>>
      %dma_wait3A_76 = tpu.memref_squeeze %dma_wait3A_75 : memref<1x64x112xf32, #tpu.memory_space<hbm>> -> memref<64x112xf32, #tpu.memory_space<hbm>>
      %dma_wait3A_77 = arith.constant 0 : i32
      %dma_wait3A_78 = tpu.memref_slice %arg8[%arg0, %add3A_33, %dma_wait3A_77] : memref<2x10240x112xf32, #tpu.memory_space<hbm>> -> memref<1x64x112xf32, #tpu.memory_space<hbm>>
      %dma_wait3A_79 = tpu.memref_squeeze %dma_wait3A_78 : memref<1x64x112xf32, #tpu.memory_space<hbm>> -> memref<64x112xf32, #tpu.memory_space<hbm>>
      tpu.wait_dma2 semaphore(%run_scoped3A : memref<!tpu.dma_semaphore, #tpu.memory_space<semaphore_mem>>) src(%arg12 : memref<64x112xf32, #tpu.memory_space<vmem>>) dst(%dma_wait3A_79 : memref<64x112xf32, #tpu.memory_space<hbm>>)
      tpu.yield
    }) : () -> ()
    %add3A_34 = arith.constant 64 : i32
    %add3A_35 = arith.addi %mul3A_0, %add3A_34 : i32
    "tpu.region"() ({
      %run_scoped3A = tpu.sem_alloc : memref<!tpu.dma_semaphore, #tpu.memory_space<semaphore_mem>>
      %dma_start3A = arith.constant 0 : i32
      %dma_start3A_70 = tpu.memref_slice %arg9[%add3A_35, %dma_start3A] : memref<10240x112xf32, #tpu.memory_space<vmem_shared>> -> memref<64x112xf32, #tpu.memory_space<vmem_shared>>
      %dma_start3A_71 = arith.constant 0 : i32
      %dma_start3A_72 = tpu.memref_slice %arg9[%add3A_35, %dma_start3A_71] : memref<10240x112xf32, #tpu.memory_space<vmem_shared>> -> memref<64x112xf32, #tpu.memory_space<vmem_shared>>
      tpu.enqueue_dma source(%dma_start3A_72 : memref<64x112xf32, #tpu.memory_space<vmem_shared>>) target(%arg12 : memref<64x112xf32, #tpu.memory_space<vmem>>) target_semaphore(%run_scoped3A : memref<!tpu.dma_semaphore, #tpu.memory_space<semaphore_mem>>)
      %dma_wait3A = arith.constant 0 : i32
      %dma_wait3A_73 = tpu.memref_slice %arg9[%add3A_35, %dma_wait3A] : memref<10240x112xf32, #tpu.memory_space<vmem_shared>> -> memref<64x112xf32, #tpu.memory_space<vmem_shared>>
      %dma_wait3A_74 = arith.constant 0 : i32
      %dma_wait3A_75 = tpu.memref_slice %arg9[%add3A_35, %dma_wait3A_74] : memref<10240x112xf32, #tpu.memory_space<vmem_shared>> -> memref<64x112xf32, #tpu.memory_space<vmem_shared>>
      tpu.wait_dma2 semaphore(%run_scoped3A : memref<!tpu.dma_semaphore, #tpu.memory_space<semaphore_mem>>) src(%dma_wait3A_75 : memref<64x112xf32, #tpu.memory_space<vmem_shared>>) dst(%arg12 : memref<64x112xf32, #tpu.memory_space<vmem>>)
      tpu.yield
    }) : () -> ()
    %add3A_36 = arith.constant 64 : i32
    %add3A_37 = arith.addi %mul3A_0, %add3A_36 : i32
    "tpu.region"() ({
      %run_scoped3A = tpu.sem_alloc : memref<!tpu.dma_semaphore, #tpu.memory_space<semaphore_mem>>
      %dma_start3A = arith.constant 0 : i32
      %dma_start3A_70 = tpu.memref_slice %arg8[%arg0, %add3A_37, %dma_start3A] : memref<2x10240x112xf32, #tpu.memory_space<hbm>> -> memref<1x64x112xf32, #tpu.memory_space<hbm>>
      %dma_start3A_71 = tpu.memref_squeeze %dma_start3A_70 : memref<1x64x112xf32, #tpu.memory_space<hbm>> -> memref<64x112xf32, #tpu.memory_space<hbm>>
      %dma_start3A_72 = arith.constant 0 : i32
      %dma_start3A_73 = tpu.memref_slice %arg8[%arg0, %add3A_37, %dma_start3A_72] : memref<2x10240x112xf32, #tpu.memory_space<hbm>> -> memref<1x64x112xf32, #tpu.memory_space<hbm>>
      %dma_start3A_74 = tpu.memref_squeeze %dma_start3A_73 : memref<1x64x112xf32, #tpu.memory_space<hbm>> -> memref<64x112xf32, #tpu.memory_space<hbm>>
      tpu.enqueue_dma source(%arg12 : memref<64x112xf32, #tpu.memory_space<vmem>>) target(%dma_start3A_74 : memref<64x112xf32, #tpu.memory_space<hbm>>) target_semaphore(%run_scoped3A : memref<!tpu.dma_semaphore, #tpu.memory_space<semaphore_mem>>)
      %dma_wait3A = arith.constant 0 : i32
      %dma_wait3A_75 = tpu.memref_slice %arg8[%arg0, %add3A_37, %dma_wait3A] : memref<2x10240x112xf32, #tpu.memory_space<hbm>> -> memref<1x64x112xf32, #tpu.memory_space<hbm>>
      %dma_wait3A_76 = tpu.memref_squeeze %dma_wait3A_75 : memref<1x64x112xf32, #tpu.memory_space<hbm>> -> memref<64x112xf32, #tpu.memory_space<hbm>>
      %dma_wait3A_77 = arith.constant 0 : i32
      %dma_wait3A_78 = tpu.memref_slice %arg8[%arg0, %add3A_37, %dma_wait3A_77] : memref<2x10240x112xf32, #tpu.memory_space<hbm>> -> memref<1x64x112xf32, #tpu.memory_space<hbm>>
      %dma_wait3A_79 = tpu.memref_squeeze %dma_wait3A_78 : memref<1x64x112xf32, #tpu.memory_space<hbm>> -> memref<64x112xf32, #tpu.memory_space<hbm>>
      tpu.wait_dma2 semaphore(%run_scoped3A : memref<!tpu.dma_semaphore, #tpu.memory_space<semaphore_mem>>) src(%arg12 : memref<64x112xf32, #tpu.memory_space<vmem>>) dst(%dma_wait3A_79 : memref<64x112xf32, #tpu.memory_space<hbm>>)
      tpu.yield
    }) : () -> ()
    %add3A_38 = arith.constant 128 : i32
    %add3A_39 = arith.addi %mul3A_0, %add3A_38 : i32
    "tpu.region"() ({
      %run_scoped3A = tpu.sem_alloc : memref<!tpu.dma_semaphore, #tpu.memory_space<semaphore_mem>>
      %dma_start3A = arith.constant 0 : i32
      %dma_start3A_70 = tpu.memref_slice %arg9[%add3A_39, %dma_start3A] : memref<10240x112xf32, #tpu.memory_space<vmem_shared>> -> memref<64x112xf32, #tpu.memory_space<vmem_shared>>
      %dma_start3A_71 = arith.constant 0 : i32
      %dma_start3A_72 = tpu.memref_slice %arg9[%add3A_39, %dma_start3A_71] : memref<10240x112xf32, #tpu.memory_space<vmem_shared>> -> memref<64x112xf32, #tpu.memory_space<vmem_shared>>
      tpu.enqueue_dma source(%dma_start3A_72 : memref<64x112xf32, #tpu.memory_space<vmem_shared>>) target(%arg12 : memref<64x112xf32, #tpu.memory_space<vmem>>) target_semaphore(%run_scoped3A : memref<!tpu.dma_semaphore, #tpu.memory_space<semaphore_mem>>)
      %dma_wait3A = arith.constant 0 : i32
      %dma_wait3A_73 = tpu.memref_slice %arg9[%add3A_39, %dma_wait3A] : memref<10240x112xf32, #tpu.memory_space<vmem_shared>> -> memref<64x112xf32, #tpu.memory_space<vmem_shared>>
      %dma_wait3A_74 = arith.constant 0 : i32
      %dma_wait3A_75 = tpu.memref_slice %arg9[%add3A_39, %dma_wait3A_74] : memref<10240x112xf32, #tpu.memory_space<vmem_shared>> -> memref<64x112xf32, #tpu.memory_space<vmem_shared>>
      tpu.wait_dma2 semaphore(%run_scoped3A : memref<!tpu.dma_semaphore, #tpu.memory_space<semaphore_mem>>) src(%dma_wait3A_75 : memref<64x112xf32, #tpu.memory_space<vmem_shared>>) dst(%arg12 : memref<64x112xf32, #tpu.memory_space<vmem>>)
      tpu.yield
    }) : () -> ()
    %add3A_40 = arith.constant 128 : i32
    %add3A_41 = arith.addi %mul3A_0, %add3A_40 : i32
    "tpu.region"() ({
      %run_scoped3A = tpu.sem_alloc : memref<!tpu.dma_semaphore, #tpu.memory_space<semaphore_mem>>
      %dma_start3A = arith.constant 0 : i32
      %dma_start3A_70 = tpu.memref_slice %arg8[%arg0, %add3A_41, %dma_start3A] : memref<2x10240x112xf32, #tpu.memory_space<hbm>> -> memref<1x64x112xf32, #tpu.memory_space<hbm>>
      %dma_start3A_71 = tpu.memref_squeeze %dma_start3A_70 : memref<1x64x112xf32, #tpu.memory_space<hbm>> -> memref<64x112xf32, #tpu.memory_space<hbm>>
      %dma_start3A_72 = arith.constant 0 : i32
      %dma_start3A_73 = tpu.memref_slice %arg8[%arg0, %add3A_41, %dma_start3A_72] : memref<2x10240x112xf32, #tpu.memory_space<hbm>> -> memref<1x64x112xf32, #tpu.memory_space<hbm>>
      %dma_start3A_74 = tpu.memref_squeeze %dma_start3A_73 : memref<1x64x112xf32, #tpu.memory_space<hbm>> -> memref<64x112xf32, #tpu.memory_space<hbm>>
      tpu.enqueue_dma source(%arg12 : memref<64x112xf32, #tpu.memory_space<vmem>>) target(%dma_start3A_74 : memref<64x112xf32, #tpu.memory_space<hbm>>) target_semaphore(%run_scoped3A : memref<!tpu.dma_semaphore, #tpu.memory_space<semaphore_mem>>)
      %dma_wait3A = arith.constant 0 : i32
      %dma_wait3A_75 = tpu.memref_slice %arg8[%arg0, %add3A_41, %dma_wait3A] : memref<2x10240x112xf32, #tpu.memory_space<hbm>> -> memref<1x64x112xf32, #tpu.memory_space<hbm>>
      %dma_wait3A_76 = tpu.memref_squeeze %dma_wait3A_75 : memref<1x64x112xf32, #tpu.memory_space<hbm>> -> memref<64x112xf32, #tpu.memory_space<hbm>>
      %dma_wait3A_77 = arith.constant 0 : i32
      %dma_wait3A_78 = tpu.memref_slice %arg8[%arg0, %add3A_41, %dma_wait3A_77] : memref<2x10240x112xf32, #tpu.memory_space<hbm>> -> memref<1x64x112xf32, #tpu.memory_space<hbm>>
      %dma_wait3A_79 = tpu.memref_squeeze %dma_wait3A_78 : memref<1x64x112xf32, #tpu.memory_space<hbm>> -> memref<64x112xf32, #tpu.memory_space<hbm>>
      tpu.wait_dma2 semaphore(%run_scoped3A : memref<!tpu.dma_semaphore, #tpu.memory_space<semaphore_mem>>) src(%arg12 : memref<64x112xf32, #tpu.memory_space<vmem>>) dst(%dma_wait3A_79 : memref<64x112xf32, #tpu.memory_space<hbm>>)
      tpu.yield
    }) : () -> ()
    %add3A_42 = arith.constant 192 : i32
    %add3A_43 = arith.addi %mul3A_0, %add3A_42 : i32
    "tpu.region"() ({
      %run_scoped3A = tpu.sem_alloc : memref<!tpu.dma_semaphore, #tpu.memory_space<semaphore_mem>>
      %dma_start3A = arith.constant 0 : i32
      %dma_start3A_70 = tpu.memref_slice %arg9[%add3A_43, %dma_start3A] : memref<10240x112xf32, #tpu.memory_space<vmem_shared>> -> memref<64x112xf32, #tpu.memory_space<vmem_shared>>
      %dma_start3A_71 = arith.constant 0 : i32
      %dma_start3A_72 = tpu.memref_slice %arg9[%add3A_43, %dma_start3A_71] : memref<10240x112xf32, #tpu.memory_space<vmem_shared>> -> memref<64x112xf32, #tpu.memory_space<vmem_shared>>
      tpu.enqueue_dma source(%dma_start3A_72 : memref<64x112xf32, #tpu.memory_space<vmem_shared>>) target(%arg12 : memref<64x112xf32, #tpu.memory_space<vmem>>) target_semaphore(%run_scoped3A : memref<!tpu.dma_semaphore, #tpu.memory_space<semaphore_mem>>)
      %dma_wait3A = arith.constant 0 : i32
      %dma_wait3A_73 = tpu.memref_slice %arg9[%add3A_43, %dma_wait3A] : memref<10240x112xf32, #tpu.memory_space<vmem_shared>> -> memref<64x112xf32, #tpu.memory_space<vmem_shared>>
      %dma_wait3A_74 = arith.constant 0 : i32
      %dma_wait3A_75 = tpu.memref_slice %arg9[%add3A_43, %dma_wait3A_74] : memref<10240x112xf32, #tpu.memory_space<vmem_shared>> -> memref<64x112xf32, #tpu.memory_space<vmem_shared>>
      tpu.wait_dma2 semaphore(%run_scoped3A : memref<!tpu.dma_semaphore, #tpu.memory_space<semaphore_mem>>) src(%dma_wait3A_75 : memref<64x112xf32, #tpu.memory_space<vmem_shared>>) dst(%arg12 : memref<64x112xf32, #tpu.memory_space<vmem>>)
      tpu.yield
    }) : () -> ()
    %add3A_44 = arith.constant 192 : i32
    %add3A_45 = arith.addi %mul3A_0, %add3A_44 : i32
    "tpu.region"() ({
      %run_scoped3A = tpu.sem_alloc : memref<!tpu.dma_semaphore, #tpu.memory_space<semaphore_mem>>
      %dma_start3A = arith.constant 0 : i32
      %dma_start3A_70 = tpu.memref_slice %arg8[%arg0, %add3A_45, %dma_start3A] : memref<2x10240x112xf32, #tpu.memory_space<hbm>> -> memref<1x64x112xf32, #tpu.memory_space<hbm>>
      %dma_start3A_71 = tpu.memref_squeeze %dma_start3A_70 : memref<1x64x112xf32, #tpu.memory_space<hbm>> -> memref<64x112xf32, #tpu.memory_space<hbm>>
      %dma_start3A_72 = arith.constant 0 : i32
      %dma_start3A_73 = tpu.memref_slice %arg8[%arg0, %add3A_45, %dma_start3A_72] : memref<2x10240x112xf32, #tpu.memory_space<hbm>> -> memref<1x64x112xf32, #tpu.memory_space<hbm>>
      %dma_start3A_74 = tpu.memref_squeeze %dma_start3A_73 : memref<1x64x112xf32, #tpu.memory_space<hbm>> -> memref<64x112xf32, #tpu.memory_space<hbm>>
      tpu.enqueue_dma source(%arg12 : memref<64x112xf32, #tpu.memory_space<vmem>>) target(%dma_start3A_74 : memref<64x112xf32, #tpu.memory_space<hbm>>) target_semaphore(%run_scoped3A : memref<!tpu.dma_semaphore, #tpu.memory_space<semaphore_mem>>)
      %dma_wait3A = arith.constant 0 : i32
      %dma_wait3A_75 = tpu.memref_slice %arg8[%arg0, %add3A_45, %dma_wait3A] : memref<2x10240x112xf32, #tpu.memory_space<hbm>> -> memref<1x64x112xf32, #tpu.memory_space<hbm>>
      %dma_wait3A_76 = tpu.memref_squeeze %dma_wait3A_75 : memref<1x64x112xf32, #tpu.memory_space<hbm>> -> memref<64x112xf32, #tpu.memory_space<hbm>>
      %dma_wait3A_77 = arith.constant 0 : i32
      %dma_wait3A_78 = tpu.memref_slice %arg8[%arg0, %add3A_45, %dma_wait3A_77] : memref<2x10240x112xf32, #tpu.memory_space<hbm>> -> memref<1x64x112xf32, #tpu.memory_space<hbm>>
      %dma_wait3A_79 = tpu.memref_squeeze %dma_wait3A_78 : memref<1x64x112xf32, #tpu.memory_space<hbm>> -> memref<64x112xf32, #tpu.memory_space<hbm>>
      tpu.wait_dma2 semaphore(%run_scoped3A : memref<!tpu.dma_semaphore, #tpu.memory_space<semaphore_mem>>) src(%arg12 : memref<64x112xf32, #tpu.memory_space<vmem>>) dst(%dma_wait3A_79 : memref<64x112xf32, #tpu.memory_space<hbm>>)
      tpu.yield
    }) : () -> ()
    %add3A_46 = arith.constant 256 : i32
    %add3A_47 = arith.addi %mul3A_0, %add3A_46 : i32
    "tpu.region"() ({
      %run_scoped3A = tpu.sem_alloc : memref<!tpu.dma_semaphore, #tpu.memory_space<semaphore_mem>>
      %dma_start3A = arith.constant 0 : i32
      %dma_start3A_70 = tpu.memref_slice %arg9[%add3A_47, %dma_start3A] : memref<10240x112xf32, #tpu.memory_space<vmem_shared>> -> memref<64x112xf32, #tpu.memory_space<vmem_shared>>
      %dma_start3A_71 = arith.constant 0 : i32
      %dma_start3A_72 = tpu.memref_slice %arg9[%add3A_47, %dma_start3A_71] : memref<10240x112xf32, #tpu.memory_space<vmem_shared>> -> memref<64x112xf32, #tpu.memory_space<vmem_shared>>
      tpu.enqueue_dma source(%dma_start3A_72 : memref<64x112xf32, #tpu.memory_space<vmem_shared>>) target(%arg12 : memref<64x112xf32, #tpu.memory_space<vmem>>) target_semaphore(%run_scoped3A : memref<!tpu.dma_semaphore, #tpu.memory_space<semaphore_mem>>)
      %dma_wait3A = arith.constant 0 : i32
      %dma_wait3A_73 = tpu.memref_slice %arg9[%add3A_47, %dma_wait3A] : memref<10240x112xf32, #tpu.memory_space<vmem_shared>> -> memref<64x112xf32, #tpu.memory_space<vmem_shared>>
      %dma_wait3A_74 = arith.constant 0 : i32
      %dma_wait3A_75 = tpu.memref_slice %arg9[%add3A_47, %dma_wait3A_74] : memref<10240x112xf32, #tpu.memory_space<vmem_shared>> -> memref<64x112xf32, #tpu.memory_space<vmem_shared>>
      tpu.wait_dma2 semaphore(%run_scoped3A : memref<!tpu.dma_semaphore, #tpu.memory_space<semaphore_mem>>) src(%dma_wait3A_75 : memref<64x112xf32, #tpu.memory_space<vmem_shared>>) dst(%arg12 : memref<64x112xf32, #tpu.memory_space<vmem>>)
      tpu.yield
    }) : () -> ()
    %add3A_48 = arith.constant 256 : i32
    %add3A_49 = arith.addi %mul3A_0, %add3A_48 : i32
    "tpu.region"() ({
      %run_scoped3A = tpu.sem_alloc : memref<!tpu.dma_semaphore, #tpu.memory_space<semaphore_mem>>
      %dma_start3A = arith.constant 0 : i32
      %dma_start3A_70 = tpu.memref_slice %arg8[%arg0, %add3A_49, %dma_start3A] : memref<2x10240x112xf32, #tpu.memory_space<hbm>> -> memref<1x64x112xf32, #tpu.memory_space<hbm>>
      %dma_start3A_71 = tpu.memref_squeeze %dma_start3A_70 : memref<1x64x112xf32, #tpu.memory_space<hbm>> -> memref<64x112xf32, #tpu.memory_space<hbm>>
      %dma_start3A_72 = arith.constant 0 : i32
      %dma_start3A_73 = tpu.memref_slice %arg8[%arg0, %add3A_49, %dma_start3A_72] : memref<2x10240x112xf32, #tpu.memory_space<hbm>> -> memref<1x64x112xf32, #tpu.memory_space<hbm>>
      %dma_start3A_74 = tpu.memref_squeeze %dma_start3A_73 : memref<1x64x112xf32, #tpu.memory_space<hbm>> -> memref<64x112xf32, #tpu.memory_space<hbm>>
      tpu.enqueue_dma source(%arg12 : memref<64x112xf32, #tpu.memory_space<vmem>>) target(%dma_start3A_74 : memref<64x112xf32, #tpu.memory_space<hbm>>) target_semaphore(%run_scoped3A : memref<!tpu.dma_semaphore, #tpu.memory_space<semaphore_mem>>)
      %dma_wait3A = arith.constant 0 : i32
      %dma_wait3A_75 = tpu.memref_slice %arg8[%arg0, %add3A_49, %dma_wait3A] : memref<2x10240x112xf32, #tpu.memory_space<hbm>> -> memref<1x64x112xf32, #tpu.memory_space<hbm>>
      %dma_wait3A_76 = tpu.memref_squeeze %dma_wait3A_75 : memref<1x64x112xf32, #tpu.memory_space<hbm>> -> memref<64x112xf32, #tpu.memory_space<hbm>>
      %dma_wait3A_77 = arith.constant 0 : i32
      %dma_wait3A_78 = tpu.memref_slice %arg8[%arg0, %add3A_49, %dma_wait3A_77] : memref<2x10240x112xf32, #tpu.memory_space<hbm>> -> memref<1x64x112xf32, #tpu.memory_space<hbm>>
      %dma_wait3A_79 = tpu.memref_squeeze %dma_wait3A_78 : memref<1x64x112xf32, #tpu.memory_space<hbm>> -> memref<64x112xf32, #tpu.memory_space<hbm>>
      tpu.wait_dma2 semaphore(%run_scoped3A : memref<!tpu.dma_semaphore, #tpu.memory_space<semaphore_mem>>) src(%arg12 : memref<64x112xf32, #tpu.memory_space<vmem>>) dst(%dma_wait3A_79 : memref<64x112xf32, #tpu.memory_space<hbm>>)
      tpu.yield
    }) : () -> ()
    %add3A_50 = arith.constant 320 : i32
    %add3A_51 = arith.addi %mul3A_0, %add3A_50 : i32
    "tpu.region"() ({
      %run_scoped3A = tpu.sem_alloc : memref<!tpu.dma_semaphore, #tpu.memory_space<semaphore_mem>>
      %dma_start3A = arith.constant 0 : i32
      %dma_start3A_70 = tpu.memref_slice %arg9[%add3A_51, %dma_start3A] : memref<10240x112xf32, #tpu.memory_space<vmem_shared>> -> memref<64x112xf32, #tpu.memory_space<vmem_shared>>
      %dma_start3A_71 = arith.constant 0 : i32
      %dma_start3A_72 = tpu.memref_slice %arg9[%add3A_51, %dma_start3A_71] : memref<10240x112xf32, #tpu.memory_space<vmem_shared>> -> memref<64x112xf32, #tpu.memory_space<vmem_shared>>
      tpu.enqueue_dma source(%dma_start3A_72 : memref<64x112xf32, #tpu.memory_space<vmem_shared>>) target(%arg12 : memref<64x112xf32, #tpu.memory_space<vmem>>) target_semaphore(%run_scoped3A : memref<!tpu.dma_semaphore, #tpu.memory_space<semaphore_mem>>)
      %dma_wait3A = arith.constant 0 : i32
      %dma_wait3A_73 = tpu.memref_slice %arg9[%add3A_51, %dma_wait3A] : memref<10240x112xf32, #tpu.memory_space<vmem_shared>> -> memref<64x112xf32, #tpu.memory_space<vmem_shared>>
      %dma_wait3A_74 = arith.constant 0 : i32
      %dma_wait3A_75 = tpu.memref_slice %arg9[%add3A_51, %dma_wait3A_74] : memref<10240x112xf32, #tpu.memory_space<vmem_shared>> -> memref<64x112xf32, #tpu.memory_space<vmem_shared>>
      tpu.wait_dma2 semaphore(%run_scoped3A : memref<!tpu.dma_semaphore, #tpu.memory_space<semaphore_mem>>) src(%dma_wait3A_75 : memref<64x112xf32, #tpu.memory_space<vmem_shared>>) dst(%arg12 : memref<64x112xf32, #tpu.memory_space<vmem>>)
      tpu.yield
    }) : () -> ()
    %add3A_52 = arith.constant 320 : i32
    %add3A_53 = arith.addi %mul3A_0, %add3A_52 : i32
    "tpu.region"() ({
      %run_scoped3A = tpu.sem_alloc : memref<!tpu.dma_semaphore, #tpu.memory_space<semaphore_mem>>
      %dma_start3A = arith.constant 0 : i32
      %dma_start3A_70 = tpu.memref_slice %arg8[%arg0, %add3A_53, %dma_start3A] : memref<2x10240x112xf32, #tpu.memory_space<hbm>> -> memref<1x64x112xf32, #tpu.memory_space<hbm>>
      %dma_start3A_71 = tpu.memref_squeeze %dma_start3A_70 : memref<1x64x112xf32, #tpu.memory_space<hbm>> -> memref<64x112xf32, #tpu.memory_space<hbm>>
      %dma_start3A_72 = arith.constant 0 : i32
      %dma_start3A_73 = tpu.memref_slice %arg8[%arg0, %add3A_53, %dma_start3A_72] : memref<2x10240x112xf32, #tpu.memory_space<hbm>> -> memref<1x64x112xf32, #tpu.memory_space<hbm>>
      %dma_start3A_74 = tpu.memref_squeeze %dma_start3A_73 : memref<1x64x112xf32, #tpu.memory_space<hbm>> -> memref<64x112xf32, #tpu.memory_space<hbm>>
      tpu.enqueue_dma source(%arg12 : memref<64x112xf32, #tpu.memory_space<vmem>>) target(%dma_start3A_74 : memref<64x112xf32, #tpu.memory_space<hbm>>) target_semaphore(%run_scoped3A : memref<!tpu.dma_semaphore, #tpu.memory_space<semaphore_mem>>)
      %dma_wait3A = arith.constant 0 : i32
      %dma_wait3A_75 = tpu.memref_slice %arg8[%arg0, %add3A_53, %dma_wait3A] : memref<2x10240x112xf32, #tpu.memory_space<hbm>> -> memref<1x64x112xf32, #tpu.memory_space<hbm>>
      %dma_wait3A_76 = tpu.memref_squeeze %dma_wait3A_75 : memref<1x64x112xf32, #tpu.memory_space<hbm>> -> memref<64x112xf32, #tpu.memory_space<hbm>>
      %dma_wait3A_77 = arith.constant 0 : i32
      %dma_wait3A_78 = tpu.memref_slice %arg8[%arg0, %add3A_53, %dma_wait3A_77] : memref<2x10240x112xf32, #tpu.memory_space<hbm>> -> memref<1x64x112xf32, #tpu.memory_space<hbm>>
      %dma_wait3A_79 = tpu.memref_squeeze %dma_wait3A_78 : memref<1x64x112xf32, #tpu.memory_space<hbm>> -> memref<64x112xf32, #tpu.memory_space<hbm>>
      tpu.wait_dma2 semaphore(%run_scoped3A : memref<!tpu.dma_semaphore, #tpu.memory_space<semaphore_mem>>) src(%arg12 : memref<64x112xf32, #tpu.memory_space<vmem>>) dst(%dma_wait3A_79 : memref<64x112xf32, #tpu.memory_space<hbm>>)
      tpu.yield
    }) : () -> ()
    %add3A_54 = arith.constant 384 : i32
    %add3A_55 = arith.addi %mul3A_0, %add3A_54 : i32
    "tpu.region"() ({
      %run_scoped3A = tpu.sem_alloc : memref<!tpu.dma_semaphore, #tpu.memory_space<semaphore_mem>>
      %dma_start3A = arith.constant 0 : i32
      %dma_start3A_70 = tpu.memref_slice %arg9[%add3A_55, %dma_start3A] : memref<10240x112xf32, #tpu.memory_space<vmem_shared>> -> memref<64x112xf32, #tpu.memory_space<vmem_shared>>
      %dma_start3A_71 = arith.constant 0 : i32
      %dma_start3A_72 = tpu.memref_slice %arg9[%add3A_55, %dma_start3A_71] : memref<10240x112xf32, #tpu.memory_space<vmem_shared>> -> memref<64x112xf32, #tpu.memory_space<vmem_shared>>
      tpu.enqueue_dma source(%dma_start3A_72 : memref<64x112xf32, #tpu.memory_space<vmem_shared>>) target(%arg12 : memref<64x112xf32, #tpu.memory_space<vmem>>) target_semaphore(%run_scoped3A : memref<!tpu.dma_semaphore, #tpu.memory_space<semaphore_mem>>)
      %dma_wait3A = arith.constant 0 : i32
      %dma_wait3A_73 = tpu.memref_slice %arg9[%add3A_55, %dma_wait3A] : memref<10240x112xf32, #tpu.memory_space<vmem_shared>> -> memref<64x112xf32, #tpu.memory_space<vmem_shared>>
      %dma_wait3A_74 = arith.constant 0 : i32
      %dma_wait3A_75 = tpu.memref_slice %arg9[%add3A_55, %dma_wait3A_74] : memref<10240x112xf32, #tpu.memory_space<vmem_shared>> -> memref<64x112xf32, #tpu.memory_space<vmem_shared>>
      tpu.wait_dma2 semaphore(%run_scoped3A : memref<!tpu.dma_semaphore, #tpu.memory_space<semaphore_mem>>) src(%dma_wait3A_75 : memref<64x112xf32, #tpu.memory_space<vmem_shared>>) dst(%arg12 : memref<64x112xf32, #tpu.memory_space<vmem>>)
      tpu.yield
    }) : () -> ()
    %add3A_56 = arith.constant 384 : i32
    %add3A_57 = arith.addi %mul3A_0, %add3A_56 : i32
    "tpu.region"() ({
      %run_scoped3A = tpu.sem_alloc : memref<!tpu.dma_semaphore, #tpu.memory_space<semaphore_mem>>
      %dma_start3A = arith.constant 0 : i32
      %dma_start3A_70 = tpu.memref_slice %arg8[%arg0, %add3A_57, %dma_start3A] : memref<2x10240x112xf32, #tpu.memory_space<hbm>> -> memref<1x64x112xf32, #tpu.memory_space<hbm>>
      %dma_start3A_71 = tpu.memref_squeeze %dma_start3A_70 : memref<1x64x112xf32, #tpu.memory_space<hbm>> -> memref<64x112xf32, #tpu.memory_space<hbm>>
      %dma_start3A_72 = arith.constant 0 : i32
      %dma_start3A_73 = tpu.memref_slice %arg8[%arg0, %add3A_57, %dma_start3A_72] : memref<2x10240x112xf32, #tpu.memory_space<hbm>> -> memref<1x64x112xf32, #tpu.memory_space<hbm>>
      %dma_start3A_74 = tpu.memref_squeeze %dma_start3A_73 : memref<1x64x112xf32, #tpu.memory_space<hbm>> -> memref<64x112xf32, #tpu.memory_space<hbm>>
      tpu.enqueue_dma source(%arg12 : memref<64x112xf32, #tpu.memory_space<vmem>>) target(%dma_start3A_74 : memref<64x112xf32, #tpu.memory_space<hbm>>) target_semaphore(%run_scoped3A : memref<!tpu.dma_semaphore, #tpu.memory_space<semaphore_mem>>)
      %dma_wait3A = arith.constant 0 : i32
      %dma_wait3A_75 = tpu.memref_slice %arg8[%arg0, %add3A_57, %dma_wait3A] : memref<2x10240x112xf32, #tpu.memory_space<hbm>> -> memref<1x64x112xf32, #tpu.memory_space<hbm>>
      %dma_wait3A_76 = tpu.memref_squeeze %dma_wait3A_75 : memref<1x64x112xf32, #tpu.memory_space<hbm>> -> memref<64x112xf32, #tpu.memory_space<hbm>>
      %dma_wait3A_77 = arith.constant 0 : i32
      %dma_wait3A_78 = tpu.memref_slice %arg8[%arg0, %add3A_57, %dma_wait3A_77] : memref<2x10240x112xf32, #tpu.memory_space<hbm>> -> memref<1x64x112xf32, #tpu.memory_space<hbm>>
      %dma_wait3A_79 = tpu.memref_squeeze %dma_wait3A_78 : memref<1x64x112xf32, #tpu.memory_space<hbm>> -> memref<64x112xf32, #tpu.memory_space<hbm>>
      tpu.wait_dma2 semaphore(%run_scoped3A : memref<!tpu.dma_semaphore, #tpu.memory_space<semaphore_mem>>) src(%arg12 : memref<64x112xf32, #tpu.memory_space<vmem>>) dst(%dma_wait3A_79 : memref<64x112xf32, #tpu.memory_space<hbm>>)
      tpu.yield
    }) : () -> ()
    %add3A_58 = arith.constant 448 : i32
    %add3A_59 = arith.addi %mul3A_0, %add3A_58 : i32
    "tpu.region"() ({
      %run_scoped3A = tpu.sem_alloc : memref<!tpu.dma_semaphore, #tpu.memory_space<semaphore_mem>>
      %dma_start3A = arith.constant 0 : i32
      %dma_start3A_70 = tpu.memref_slice %arg9[%add3A_59, %dma_start3A] : memref<10240x112xf32, #tpu.memory_space<vmem_shared>> -> memref<64x112xf32, #tpu.memory_space<vmem_shared>>
      %dma_start3A_71 = arith.constant 0 : i32
      %dma_start3A_72 = tpu.memref_slice %arg9[%add3A_59, %dma_start3A_71] : memref<10240x112xf32, #tpu.memory_space<vmem_shared>> -> memref<64x112xf32, #tpu.memory_space<vmem_shared>>
      tpu.enqueue_dma source(%dma_start3A_72 : memref<64x112xf32, #tpu.memory_space<vmem_shared>>) target(%arg12 : memref<64x112xf32, #tpu.memory_space<vmem>>) target_semaphore(%run_scoped3A : memref<!tpu.dma_semaphore, #tpu.memory_space<semaphore_mem>>)
      %dma_wait3A = arith.constant 0 : i32
      %dma_wait3A_73 = tpu.memref_slice %arg9[%add3A_59, %dma_wait3A] : memref<10240x112xf32, #tpu.memory_space<vmem_shared>> -> memref<64x112xf32, #tpu.memory_space<vmem_shared>>
      %dma_wait3A_74 = arith.constant 0 : i32
      %dma_wait3A_75 = tpu.memref_slice %arg9[%add3A_59, %dma_wait3A_74] : memref<10240x112xf32, #tpu.memory_space<vmem_shared>> -> memref<64x112xf32, #tpu.memory_space<vmem_shared>>
      tpu.wait_dma2 semaphore(%run_scoped3A : memref<!tpu.dma_semaphore, #tpu.memory_space<semaphore_mem>>) src(%dma_wait3A_75 : memref<64x112xf32, #tpu.memory_space<vmem_shared>>) dst(%arg12 : memref<64x112xf32, #tpu.memory_space<vmem>>)
      tpu.yield
    }) : () -> ()
    %add3A_60 = arith.constant 448 : i32
    %add3A_61 = arith.addi %mul3A_0, %add3A_60 : i32
    "tpu.region"() ({
      %run_scoped3A = tpu.sem_alloc : memref<!tpu.dma_semaphore, #tpu.memory_space<semaphore_mem>>
      %dma_start3A = arith.constant 0 : i32
      %dma_start3A_70 = tpu.memref_slice %arg8[%arg0, %add3A_61, %dma_start3A] : memref<2x10240x112xf32, #tpu.memory_space<hbm>> -> memref<1x64x112xf32, #tpu.memory_space<hbm>>
      %dma_start3A_71 = tpu.memref_squeeze %dma_start3A_70 : memref<1x64x112xf32, #tpu.memory_space<hbm>> -> memref<64x112xf32, #tpu.memory_space<hbm>>
      %dma_start3A_72 = arith.constant 0 : i32
      %dma_start3A_73 = tpu.memref_slice %arg8[%arg0, %add3A_61, %dma_start3A_72] : memref<2x10240x112xf32, #tpu.memory_space<hbm>> -> memref<1x64x112xf32, #tpu.memory_space<hbm>>
      %dma_start3A_74 = tpu.memref_squeeze %dma_start3A_73 : memref<1x64x112xf32, #tpu.memory_space<hbm>> -> memref<64x112xf32, #tpu.memory_space<hbm>>
      tpu.enqueue_dma source(%arg12 : memref<64x112xf32, #tpu.memory_space<vmem>>) target(%dma_start3A_74 : memref<64x112xf32, #tpu.memory_space<hbm>>) target_semaphore(%run_scoped3A : memref<!tpu.dma_semaphore, #tpu.memory_space<semaphore_mem>>)
      %dma_wait3A = arith.constant 0 : i32
      %dma_wait3A_75 = tpu.memref_slice %arg8[%arg0, %add3A_61, %dma_wait3A] : memref<2x10240x112xf32, #tpu.memory_space<hbm>> -> memref<1x64x112xf32, #tpu.memory_space<hbm>>
      %dma_wait3A_76 = tpu.memref_squeeze %dma_wait3A_75 : memref<1x64x112xf32, #tpu.memory_space<hbm>> -> memref<64x112xf32, #tpu.memory_space<hbm>>
      %dma_wait3A_77 = arith.constant 0 : i32
      %dma_wait3A_78 = tpu.memref_slice %arg8[%arg0, %add3A_61, %dma_wait3A_77] : memref<2x10240x112xf32, #tpu.memory_space<hbm>> -> memref<1x64x112xf32, #tpu.memory_space<hbm>>
      %dma_wait3A_79 = tpu.memref_squeeze %dma_wait3A_78 : memref<1x64x112xf32, #tpu.memory_space<hbm>> -> memref<64x112xf32, #tpu.memory_space<hbm>>
      tpu.wait_dma2 semaphore(%run_scoped3A : memref<!tpu.dma_semaphore, #tpu.memory_space<semaphore_mem>>) src(%arg12 : memref<64x112xf32, #tpu.memory_space<vmem>>) dst(%dma_wait3A_79 : memref<64x112xf32, #tpu.memory_space<hbm>>)
      tpu.yield
    }) : () -> ()
    %add3A_62 = arith.constant 512 : i32
    %add3A_63 = arith.addi %mul3A_0, %add3A_62 : i32
    "tpu.region"() ({
      %run_scoped3A = tpu.sem_alloc : memref<!tpu.dma_semaphore, #tpu.memory_space<semaphore_mem>>
      %dma_start3A = arith.constant 0 : i32
      %dma_start3A_70 = tpu.memref_slice %arg9[%add3A_63, %dma_start3A] : memref<10240x112xf32, #tpu.memory_space<vmem_shared>> -> memref<64x112xf32, #tpu.memory_space<vmem_shared>>
      %dma_start3A_71 = arith.constant 0 : i32
      %dma_start3A_72 = tpu.memref_slice %arg9[%add3A_63, %dma_start3A_71] : memref<10240x112xf32, #tpu.memory_space<vmem_shared>> -> memref<64x112xf32, #tpu.memory_space<vmem_shared>>
      tpu.enqueue_dma source(%dma_start3A_72 : memref<64x112xf32, #tpu.memory_space<vmem_shared>>) target(%arg12 : memref<64x112xf32, #tpu.memory_space<vmem>>) target_semaphore(%run_scoped3A : memref<!tpu.dma_semaphore, #tpu.memory_space<semaphore_mem>>)
      %dma_wait3A = arith.constant 0 : i32
      %dma_wait3A_73 = tpu.memref_slice %arg9[%add3A_63, %dma_wait3A] : memref<10240x112xf32, #tpu.memory_space<vmem_shared>> -> memref<64x112xf32, #tpu.memory_space<vmem_shared>>
      %dma_wait3A_74 = arith.constant 0 : i32
      %dma_wait3A_75 = tpu.memref_slice %arg9[%add3A_63, %dma_wait3A_74] : memref<10240x112xf32, #tpu.memory_space<vmem_shared>> -> memref<64x112xf32, #tpu.memory_space<vmem_shared>>
      tpu.wait_dma2 semaphore(%run_scoped3A : memref<!tpu.dma_semaphore, #tpu.memory_space<semaphore_mem>>) src(%dma_wait3A_75 : memref<64x112xf32, #tpu.memory_space<vmem_shared>>) dst(%arg12 : memref<64x112xf32, #tpu.memory_space<vmem>>)
      tpu.yield
    }) : () -> ()
    %add3A_64 = arith.constant 512 : i32
    %add3A_65 = arith.addi %mul3A_0, %add3A_64 : i32
    "tpu.region"() ({
      %run_scoped3A = tpu.sem_alloc : memref<!tpu.dma_semaphore, #tpu.memory_space<semaphore_mem>>
      %dma_start3A = arith.constant 0 : i32
      %dma_start3A_70 = tpu.memref_slice %arg8[%arg0, %add3A_65, %dma_start3A] : memref<2x10240x112xf32, #tpu.memory_space<hbm>> -> memref<1x64x112xf32, #tpu.memory_space<hbm>>
      %dma_start3A_71 = tpu.memref_squeeze %dma_start3A_70 : memref<1x64x112xf32, #tpu.memory_space<hbm>> -> memref<64x112xf32, #tpu.memory_space<hbm>>
      %dma_start3A_72 = arith.constant 0 : i32
      %dma_start3A_73 = tpu.memref_slice %arg8[%arg0, %add3A_65, %dma_start3A_72] : memref<2x10240x112xf32, #tpu.memory_space<hbm>> -> memref<1x64x112xf32, #tpu.memory_space<hbm>>
      %dma_start3A_74 = tpu.memref_squeeze %dma_start3A_73 : memref<1x64x112xf32, #tpu.memory_space<hbm>> -> memref<64x112xf32, #tpu.memory_space<hbm>>
      tpu.enqueue_dma source(%arg12 : memref<64x112xf32, #tpu.memory_space<vmem>>) target(%dma_start3A_74 : memref<64x112xf32, #tpu.memory_space<hbm>>) target_semaphore(%run_scoped3A : memref<!tpu.dma_semaphore, #tpu.memory_space<semaphore_mem>>)
      %dma_wait3A = arith.constant 0 : i32
      %dma_wait3A_75 = tpu.memref_slice %arg8[%arg0, %add3A_65, %dma_wait3A] : memref<2x10240x112xf32, #tpu.memory_space<hbm>> -> memref<1x64x112xf32, #tpu.memory_space<hbm>>
      %dma_wait3A_76 = tpu.memref_squeeze %dma_wait3A_75 : memref<1x64x112xf32, #tpu.memory_space<hbm>> -> memref<64x112xf32, #tpu.memory_space<hbm>>
      %dma_wait3A_77 = arith.constant 0 : i32
      %dma_wait3A_78 = tpu.memref_slice %arg8[%arg0, %add3A_65, %dma_wait3A_77] : memref<2x10240x112xf32, #tpu.memory_space<hbm>> -> memref<1x64x112xf32, #tpu.memory_space<hbm>>
      %dma_wait3A_79 = tpu.memref_squeeze %dma_wait3A_78 : memref<1x64x112xf32, #tpu.memory_space<hbm>> -> memref<64x112xf32, #tpu.memory_space<hbm>>
      tpu.wait_dma2 semaphore(%run_scoped3A : memref<!tpu.dma_semaphore, #tpu.memory_space<semaphore_mem>>) src(%arg12 : memref<64x112xf32, #tpu.memory_space<vmem>>) dst(%dma_wait3A_79 : memref<64x112xf32, #tpu.memory_space<hbm>>)
      tpu.yield
    }) : () -> ()
    %add3A_66 = arith.constant 576 : i32
    %add3A_67 = arith.addi %mul3A_0, %add3A_66 : i32
    "tpu.region"() ({
      %run_scoped3A = tpu.sem_alloc : memref<!tpu.dma_semaphore, #tpu.memory_space<semaphore_mem>>
      %dma_start3A = arith.constant 0 : i32
      %dma_start3A_70 = tpu.memref_slice %arg9[%add3A_67, %dma_start3A] : memref<10240x112xf32, #tpu.memory_space<vmem_shared>> -> memref<64x112xf32, #tpu.memory_space<vmem_shared>>
      %dma_start3A_71 = arith.constant 0 : i32
      %dma_start3A_72 = tpu.memref_slice %arg9[%add3A_67, %dma_start3A_71] : memref<10240x112xf32, #tpu.memory_space<vmem_shared>> -> memref<64x112xf32, #tpu.memory_space<vmem_shared>>
      tpu.enqueue_dma source(%dma_start3A_72 : memref<64x112xf32, #tpu.memory_space<vmem_shared>>) target(%arg12 : memref<64x112xf32, #tpu.memory_space<vmem>>) target_semaphore(%run_scoped3A : memref<!tpu.dma_semaphore, #tpu.memory_space<semaphore_mem>>)
      %dma_wait3A = arith.constant 0 : i32
      %dma_wait3A_73 = tpu.memref_slice %arg9[%add3A_67, %dma_wait3A] : memref<10240x112xf32, #tpu.memory_space<vmem_shared>> -> memref<64x112xf32, #tpu.memory_space<vmem_shared>>
      %dma_wait3A_74 = arith.constant 0 : i32
      %dma_wait3A_75 = tpu.memref_slice %arg9[%add3A_67, %dma_wait3A_74] : memref<10240x112xf32, #tpu.memory_space<vmem_shared>> -> memref<64x112xf32, #tpu.memory_space<vmem_shared>>
      tpu.wait_dma2 semaphore(%run_scoped3A : memref<!tpu.dma_semaphore, #tpu.memory_space<semaphore_mem>>) src(%dma_wait3A_75 : memref<64x112xf32, #tpu.memory_space<vmem_shared>>) dst(%arg12 : memref<64x112xf32, #tpu.memory_space<vmem>>)
      tpu.yield
    }) : () -> ()
    %add3A_68 = arith.constant 576 : i32
    %add3A_69 = arith.addi %mul3A_0, %add3A_68 : i32
    "tpu.region"() ({
      %run_scoped3A = tpu.sem_alloc : memref<!tpu.dma_semaphore, #tpu.memory_space<semaphore_mem>>
      %dma_start3A = arith.constant 0 : i32
      %dma_start3A_70 = tpu.memref_slice %arg8[%arg0, %add3A_69, %dma_start3A] : memref<2x10240x112xf32, #tpu.memory_space<hbm>> -> memref<1x64x112xf32, #tpu.memory_space<hbm>>
      %dma_start3A_71 = tpu.memref_squeeze %dma_start3A_70 : memref<1x64x112xf32, #tpu.memory_space<hbm>> -> memref<64x112xf32, #tpu.memory_space<hbm>>
      %dma_start3A_72 = arith.constant 0 : i32
      %dma_start3A_73 = tpu.memref_slice %arg8[%arg0, %add3A_69, %dma_start3A_72] : memref<2x10240x112xf32, #tpu.memory_space<hbm>> -> memref<1x64x112xf32, #tpu.memory_space<hbm>>
      %dma_start3A_74 = tpu.memref_squeeze %dma_start3A_73 : memref<1x64x112xf32, #tpu.memory_space<hbm>> -> memref<64x112xf32, #tpu.memory_space<hbm>>
      tpu.enqueue_dma source(%arg12 : memref<64x112xf32, #tpu.memory_space<vmem>>) target(%dma_start3A_74 : memref<64x112xf32, #tpu.memory_space<hbm>>) target_semaphore(%run_scoped3A : memref<!tpu.dma_semaphore, #tpu.memory_space<semaphore_mem>>)
      %dma_wait3A = arith.constant 0 : i32
      %dma_wait3A_75 = tpu.memref_slice %arg8[%arg0, %add3A_69, %dma_wait3A] : memref<2x10240x112xf32, #tpu.memory_space<hbm>> -> memref<1x64x112xf32, #tpu.memory_space<hbm>>
      %dma_wait3A_76 = tpu.memref_squeeze %dma_wait3A_75 : memref<1x64x112xf32, #tpu.memory_space<hbm>> -> memref<64x112xf32, #tpu.memory_space<hbm>>
      %dma_wait3A_77 = arith.constant 0 : i32
      %dma_wait3A_78 = tpu.memref_slice %arg8[%arg0, %add3A_69, %dma_wait3A_77] : memref<2x10240x112xf32, #tpu.memory_space<hbm>> -> memref<1x64x112xf32, #tpu.memory_space<hbm>>
      %dma_wait3A_79 = tpu.memref_squeeze %dma_wait3A_78 : memref<1x64x112xf32, #tpu.memory_space<hbm>> -> memref<64x112xf32, #tpu.memory_space<hbm>>
      tpu.wait_dma2 semaphore(%run_scoped3A : memref<!tpu.dma_semaphore, #tpu.memory_space<semaphore_mem>>) src(%arg12 : memref<64x112xf32, #tpu.memory_space<vmem>>) dst(%dma_wait3A_79 : memref<64x112xf32, #tpu.memory_space<hbm>>)
      tpu.yield
    }) : () -> ()
    return
  }
}

#map = affine_map<(d0, d1) -> (0, 0)>
#map1 = affine_map<(d0, d1) -> (0, 0, 0)>
module attributes {stable_mosaic.version = 14 : i64} {
  func.func @_edge_body(%arg0: i32, %arg1: i32, %arg2: memref<10000x112xf32, #tpu.memory_space<hbm>>, %arg3: memref<10000x112xf32, #tpu.memory_space<hbm>>, %arg4: memref<10000x16xf32, #tpu.memory_space<hbm>>, %arg5: memref<16x324x64xi32, #tpu.memory_space<hbm>>, %arg6: memref<16x324x64xi32, #tpu.memory_space<hbm>>, %arg7: memref<64x112xf32, #tpu.memory_space<hbm>>, %arg8: memref<2x10240x112xf32, #tpu.memory_space<hbm>>, %arg9: memref<10240x112xf32, #tpu.memory_space<vmem_shared>>, %arg10: memref<324x64xi32, #tpu.memory_space<vmem>>, %arg11: memref<324x64xi32, #tpu.memory_space<vmem>>, %arg12: memref<64x112xf32, #tpu.memory_space<vmem>>, %arg13: memref<64x112xf32, #tpu.memory_space<vmem>>, %arg14: memref<64x16xf32, #tpu.memory_space<vmem>>, %arg15: memref<64x16xf32, #tpu.memory_space<vmem>>, %arg16: memref<!tpu.dma_semaphore, #tpu.memory_space<semaphore_mem>>, %arg17: memref<!tpu.dma_semaphore, #tpu.memory_space<semaphore_mem>>, %arg18: memref<!tpu.dma_semaphore, #tpu.memory_space<semaphore_mem>>, %arg19: memref<!tpu.dma_semaphore, #tpu.memory_space<semaphore_mem>>) attributes {dimension_semantics = [#tpu.dimension_semantics<core_parallel>, #tpu.dimension_semantics<subcore_parallel>], iteration_bounds = array<i64: 2, 16>, scalar_prefetch = 0 : i64, scratch_operands = 11 : i64, tpu.core_type = #tpu.core_type<sc_vector_subcore>, window_params = [{transform_indices = #map}, {transform_indices = #map}, {transform_indices = #map}, {transform_indices = #map1}, {transform_indices = #map1}, {transform_indices = #map}, {transform_indices = #map1}]} {
    %mul3A = arith.constant 640 : i32
    %mul3A_0 = arith.muli %arg1, %mul3A : i32
    "tpu.region"() ({
      %run_scoped3A = tpu.sem_alloc : memref<!tpu.dma_semaphore, #tpu.memory_space<semaphore_mem>>
      tpu.enqueue_dma source(%arg7 : memref<64x112xf32, #tpu.memory_space<hbm>>) target(%arg12 : memref<64x112xf32, #tpu.memory_space<vmem>>) target_semaphore(%run_scoped3A : memref<!tpu.dma_semaphore, #tpu.memory_space<semaphore_mem>>)
      tpu.wait_dma2 semaphore(%run_scoped3A : memref<!tpu.dma_semaphore, #tpu.memory_space<semaphore_mem>>) src(%arg7 : memref<64x112xf32, #tpu.memory_space<hbm>>) dst(%arg12 : memref<64x112xf32, #tpu.memory_space<vmem>>)
      tpu.yield
    }) : () -> ()
    %add3A = arith.constant 0 : i32
    %add3A_1 = arith.addi %mul3A_0, %add3A : i32
    "tpu.region"() ({
      %run_scoped3A = tpu.sem_alloc : memref<!tpu.dma_semaphore, #tpu.memory_space<semaphore_mem>>
      %dma_start3A = arith.constant 0 : i32
      %dma_start3A_70 = tpu.memref_slice %arg9[%add3A_1, %dma_start3A] : memref<10240x112xf32, #tpu.memory_space<vmem_shared>> -> memref<64x112xf32, #tpu.memory_space<vmem_shared>>
      %dma_start3A_71 = arith.constant 0 : i32
      %dma_start3A_72 = tpu.memref_slice %arg9[%add3A_1, %dma_start3A_71] : memref<10240x112xf32, #tpu.memory_space<vmem_shared>> -> memref<64x112xf32, #tpu.memory_space<vmem_shared>>
      tpu.enqueue_dma source(%arg12 : memref<64x112xf32, #tpu.memory_space<vmem>>) target(%dma_start3A_72 : memref<64x112xf32, #tpu.memory_space<vmem_shared>>) target_semaphore(%run_scoped3A : memref<!tpu.dma_semaphore, #tpu.memory_space<semaphore_mem>>)
      %dma_wait3A = arith.constant 0 : i32
      %dma_wait3A_73 = tpu.memref_slice %arg9[%add3A_1, %dma_wait3A] : memref<10240x112xf32, #tpu.memory_space<vmem_shared>> -> memref<64x112xf32, #tpu.memory_space<vmem_shared>>
      %dma_wait3A_74 = arith.constant 0 : i32
      %dma_wait3A_75 = tpu.memref_slice %arg9[%add3A_1, %dma_wait3A_74] : memref<10240x112xf32, #tpu.memory_space<vmem_shared>> -> memref<64x112xf32, #tpu.memory_space<vmem_shared>>
      tpu.wait_dma2 semaphore(%run_scoped3A : memref<!tpu.dma_semaphore, #tpu.memory_space<semaphore_mem>>) src(%arg12 : memref<64x112xf32, #tpu.memory_space<vmem>>) dst(%dma_wait3A_75 : memref<64x112xf32, #tpu.memory_space<vmem_shared>>)
      tpu.yield
    }) : () -> ()
    %add3A_2 = arith.constant 64 : i32
    %add3A_3 = arith.addi %mul3A_0, %add3A_2 : i32
    "tpu.region"() ({
      %run_scoped3A = tpu.sem_alloc : memref<!tpu.dma_semaphore, #tpu.memory_space<semaphore_mem>>
      %dma_start3A = arith.constant 0 : i32
      %dma_start3A_70 = tpu.memref_slice %arg9[%add3A_3, %dma_start3A] : memref<10240x112xf32, #tpu.memory_space<vmem_shared>> -> memref<64x112xf32, #tpu.memory_space<vmem_shared>>
      %dma_start3A_71 = arith.constant 0 : i32
      %dma_start3A_72 = tpu.memref_slice %arg9[%add3A_3, %dma_start3A_71] : memref<10240x112xf32, #tpu.memory_space<vmem_shared>> -> memref<64x112xf32, #tpu.memory_space<vmem_shared>>
      tpu.enqueue_dma source(%arg12 : memref<64x112xf32, #tpu.memory_space<vmem>>) target(%dma_start3A_72 : memref<64x112xf32, #tpu.memory_space<vmem_shared>>) target_semaphore(%run_scoped3A : memref<!tpu.dma_semaphore, #tpu.memory_space<semaphore_mem>>)
      %dma_wait3A = arith.constant 0 : i32
      %dma_wait3A_73 = tpu.memref_slice %arg9[%add3A_3, %dma_wait3A] : memref<10240x112xf32, #tpu.memory_space<vmem_shared>> -> memref<64x112xf32, #tpu.memory_space<vmem_shared>>
      %dma_wait3A_74 = arith.constant 0 : i32
      %dma_wait3A_75 = tpu.memref_slice %arg9[%add3A_3, %dma_wait3A_74] : memref<10240x112xf32, #tpu.memory_space<vmem_shared>> -> memref<64x112xf32, #tpu.memory_space<vmem_shared>>
      tpu.wait_dma2 semaphore(%run_scoped3A : memref<!tpu.dma_semaphore, #tpu.memory_space<semaphore_mem>>) src(%arg12 : memref<64x112xf32, #tpu.memory_space<vmem>>) dst(%dma_wait3A_75 : memref<64x112xf32, #tpu.memory_space<vmem_shared>>)
      tpu.yield
    }) : () -> ()
    %add3A_4 = arith.constant 128 : i32
    %add3A_5 = arith.addi %mul3A_0, %add3A_4 : i32
    "tpu.region"() ({
      %run_scoped3A = tpu.sem_alloc : memref<!tpu.dma_semaphore, #tpu.memory_space<semaphore_mem>>
      %dma_start3A = arith.constant 0 : i32
      %dma_start3A_70 = tpu.memref_slice %arg9[%add3A_5, %dma_start3A] : memref<10240x112xf32, #tpu.memory_space<vmem_shared>> -> memref<64x112xf32, #tpu.memory_space<vmem_shared>>
      %dma_start3A_71 = arith.constant 0 : i32
      %dma_start3A_72 = tpu.memref_slice %arg9[%add3A_5, %dma_start3A_71] : memref<10240x112xf32, #tpu.memory_space<vmem_shared>> -> memref<64x112xf32, #tpu.memory_space<vmem_shared>>
      tpu.enqueue_dma source(%arg12 : memref<64x112xf32, #tpu.memory_space<vmem>>) target(%dma_start3A_72 : memref<64x112xf32, #tpu.memory_space<vmem_shared>>) target_semaphore(%run_scoped3A : memref<!tpu.dma_semaphore, #tpu.memory_space<semaphore_mem>>)
      %dma_wait3A = arith.constant 0 : i32
      %dma_wait3A_73 = tpu.memref_slice %arg9[%add3A_5, %dma_wait3A] : memref<10240x112xf32, #tpu.memory_space<vmem_shared>> -> memref<64x112xf32, #tpu.memory_space<vmem_shared>>
      %dma_wait3A_74 = arith.constant 0 : i32
      %dma_wait3A_75 = tpu.memref_slice %arg9[%add3A_5, %dma_wait3A_74] : memref<10240x112xf32, #tpu.memory_space<vmem_shared>> -> memref<64x112xf32, #tpu.memory_space<vmem_shared>>
      tpu.wait_dma2 semaphore(%run_scoped3A : memref<!tpu.dma_semaphore, #tpu.memory_space<semaphore_mem>>) src(%arg12 : memref<64x112xf32, #tpu.memory_space<vmem>>) dst(%dma_wait3A_75 : memref<64x112xf32, #tpu.memory_space<vmem_shared>>)
      tpu.yield
    }) : () -> ()
    %add3A_6 = arith.constant 192 : i32
    %add3A_7 = arith.addi %mul3A_0, %add3A_6 : i32
    "tpu.region"() ({
      %run_scoped3A = tpu.sem_alloc : memref<!tpu.dma_semaphore, #tpu.memory_space<semaphore_mem>>
      %dma_start3A = arith.constant 0 : i32
      %dma_start3A_70 = tpu.memref_slice %arg9[%add3A_7, %dma_start3A] : memref<10240x112xf32, #tpu.memory_space<vmem_shared>> -> memref<64x112xf32, #tpu.memory_space<vmem_shared>>
      %dma_start3A_71 = arith.constant 0 : i32
      %dma_start3A_72 = tpu.memref_slice %arg9[%add3A_7, %dma_start3A_71] : memref<10240x112xf32, #tpu.memory_space<vmem_shared>> -> memref<64x112xf32, #tpu.memory_space<vmem_shared>>
      tpu.enqueue_dma source(%arg12 : memref<64x112xf32, #tpu.memory_space<vmem>>) target(%dma_start3A_72 : memref<64x112xf32, #tpu.memory_space<vmem_shared>>) target_semaphore(%run_scoped3A : memref<!tpu.dma_semaphore, #tpu.memory_space<semaphore_mem>>)
      %dma_wait3A = arith.constant 0 : i32
      %dma_wait3A_73 = tpu.memref_slice %arg9[%add3A_7, %dma_wait3A] : memref<10240x112xf32, #tpu.memory_space<vmem_shared>> -> memref<64x112xf32, #tpu.memory_space<vmem_shared>>
      %dma_wait3A_74 = arith.constant 0 : i32
      %dma_wait3A_75 = tpu.memref_slice %arg9[%add3A_7, %dma_wait3A_74] : memref<10240x112xf32, #tpu.memory_space<vmem_shared>> -> memref<64x112xf32, #tpu.memory_space<vmem_shared>>
      tpu.wait_dma2 semaphore(%run_scoped3A : memref<!tpu.dma_semaphore, #tpu.memory_space<semaphore_mem>>) src(%arg12 : memref<64x112xf32, #tpu.memory_space<vmem>>) dst(%dma_wait3A_75 : memref<64x112xf32, #tpu.memory_space<vmem_shared>>)
      tpu.yield
    }) : () -> ()
    %add3A_8 = arith.constant 256 : i32
    %add3A_9 = arith.addi %mul3A_0, %add3A_8 : i32
    "tpu.region"() ({
      %run_scoped3A = tpu.sem_alloc : memref<!tpu.dma_semaphore, #tpu.memory_space<semaphore_mem>>
      %dma_start3A = arith.constant 0 : i32
      %dma_start3A_70 = tpu.memref_slice %arg9[%add3A_9, %dma_start3A] : memref<10240x112xf32, #tpu.memory_space<vmem_shared>> -> memref<64x112xf32, #tpu.memory_space<vmem_shared>>
      %dma_start3A_71 = arith.constant 0 : i32
      %dma_start3A_72 = tpu.memref_slice %arg9[%add3A_9, %dma_start3A_71] : memref<10240x112xf32, #tpu.memory_space<vmem_shared>> -> memref<64x112xf32, #tpu.memory_space<vmem_shared>>
      tpu.enqueue_dma source(%arg12 : memref<64x112xf32, #tpu.memory_space<vmem>>) target(%dma_start3A_72 : memref<64x112xf32, #tpu.memory_space<vmem_shared>>) target_semaphore(%run_scoped3A : memref<!tpu.dma_semaphore, #tpu.memory_space<semaphore_mem>>)
      %dma_wait3A = arith.constant 0 : i32
      %dma_wait3A_73 = tpu.memref_slice %arg9[%add3A_9, %dma_wait3A] : memref<10240x112xf32, #tpu.memory_space<vmem_shared>> -> memref<64x112xf32, #tpu.memory_space<vmem_shared>>
      %dma_wait3A_74 = arith.constant 0 : i32
      %dma_wait3A_75 = tpu.memref_slice %arg9[%add3A_9, %dma_wait3A_74] : memref<10240x112xf32, #tpu.memory_space<vmem_shared>> -> memref<64x112xf32, #tpu.memory_space<vmem_shared>>
      tpu.wait_dma2 semaphore(%run_scoped3A : memref<!tpu.dma_semaphore, #tpu.memory_space<semaphore_mem>>) src(%arg12 : memref<64x112xf32, #tpu.memory_space<vmem>>) dst(%dma_wait3A_75 : memref<64x112xf32, #tpu.memory_space<vmem_shared>>)
      tpu.yield
    }) : () -> ()
    %add3A_10 = arith.constant 320 : i32
    %add3A_11 = arith.addi %mul3A_0, %add3A_10 : i32
    "tpu.region"() ({
      %run_scoped3A = tpu.sem_alloc : memref<!tpu.dma_semaphore, #tpu.memory_space<semaphore_mem>>
      %dma_start3A = arith.constant 0 : i32
      %dma_start3A_70 = tpu.memref_slice %arg9[%add3A_11, %dma_start3A] : memref<10240x112xf32, #tpu.memory_space<vmem_shared>> -> memref<64x112xf32, #tpu.memory_space<vmem_shared>>
      %dma_start3A_71 = arith.constant 0 : i32
      %dma_start3A_72 = tpu.memref_slice %arg9[%add3A_11, %dma_start3A_71] : memref<10240x112xf32, #tpu.memory_space<vmem_shared>> -> memref<64x112xf32, #tpu.memory_space<vmem_shared>>
      tpu.enqueue_dma source(%arg12 : memref<64x112xf32, #tpu.memory_space<vmem>>) target(%dma_start3A_72 : memref<64x112xf32, #tpu.memory_space<vmem_shared>>) target_semaphore(%run_scoped3A : memref<!tpu.dma_semaphore, #tpu.memory_space<semaphore_mem>>)
      %dma_wait3A = arith.constant 0 : i32
      %dma_wait3A_73 = tpu.memref_slice %arg9[%add3A_11, %dma_wait3A] : memref<10240x112xf32, #tpu.memory_space<vmem_shared>> -> memref<64x112xf32, #tpu.memory_space<vmem_shared>>
      %dma_wait3A_74 = arith.constant 0 : i32
      %dma_wait3A_75 = tpu.memref_slice %arg9[%add3A_11, %dma_wait3A_74] : memref<10240x112xf32, #tpu.memory_space<vmem_shared>> -> memref<64x112xf32, #tpu.memory_space<vmem_shared>>
      tpu.wait_dma2 semaphore(%run_scoped3A : memref<!tpu.dma_semaphore, #tpu.memory_space<semaphore_mem>>) src(%arg12 : memref<64x112xf32, #tpu.memory_space<vmem>>) dst(%dma_wait3A_75 : memref<64x112xf32, #tpu.memory_space<vmem_shared>>)
      tpu.yield
    }) : () -> ()
    %add3A_12 = arith.constant 384 : i32
    %add3A_13 = arith.addi %mul3A_0, %add3A_12 : i32
    "tpu.region"() ({
      %run_scoped3A = tpu.sem_alloc : memref<!tpu.dma_semaphore, #tpu.memory_space<semaphore_mem>>
      %dma_start3A = arith.constant 0 : i32
      %dma_start3A_70 = tpu.memref_slice %arg9[%add3A_13, %dma_start3A] : memref<10240x112xf32, #tpu.memory_space<vmem_shared>> -> memref<64x112xf32, #tpu.memory_space<vmem_shared>>
      %dma_start3A_71 = arith.constant 0 : i32
      %dma_start3A_72 = tpu.memref_slice %arg9[%add3A_13, %dma_start3A_71] : memref<10240x112xf32, #tpu.memory_space<vmem_shared>> -> memref<64x112xf32, #tpu.memory_space<vmem_shared>>
      tpu.enqueue_dma source(%arg12 : memref<64x112xf32, #tpu.memory_space<vmem>>) target(%dma_start3A_72 : memref<64x112xf32, #tpu.memory_space<vmem_shared>>) target_semaphore(%run_scoped3A : memref<!tpu.dma_semaphore, #tpu.memory_space<semaphore_mem>>)
      %dma_wait3A = arith.constant 0 : i32
      %dma_wait3A_73 = tpu.memref_slice %arg9[%add3A_13, %dma_wait3A] : memref<10240x112xf32, #tpu.memory_space<vmem_shared>> -> memref<64x112xf32, #tpu.memory_space<vmem_shared>>
      %dma_wait3A_74 = arith.constant 0 : i32
      %dma_wait3A_75 = tpu.memref_slice %arg9[%add3A_13, %dma_wait3A_74] : memref<10240x112xf32, #tpu.memory_space<vmem_shared>> -> memref<64x112xf32, #tpu.memory_space<vmem_shared>>
      tpu.wait_dma2 semaphore(%run_scoped3A : memref<!tpu.dma_semaphore, #tpu.memory_space<semaphore_mem>>) src(%arg12 : memref<64x112xf32, #tpu.memory_space<vmem>>) dst(%dma_wait3A_75 : memref<64x112xf32, #tpu.memory_space<vmem_shared>>)
      tpu.yield
    }) : () -> ()
    %add3A_14 = arith.constant 448 : i32
    %add3A_15 = arith.addi %mul3A_0, %add3A_14 : i32
    "tpu.region"() ({
      %run_scoped3A = tpu.sem_alloc : memref<!tpu.dma_semaphore, #tpu.memory_space<semaphore_mem>>
      %dma_start3A = arith.constant 0 : i32
      %dma_start3A_70 = tpu.memref_slice %arg9[%add3A_15, %dma_start3A] : memref<10240x112xf32, #tpu.memory_space<vmem_shared>> -> memref<64x112xf32, #tpu.memory_space<vmem_shared>>
      %dma_start3A_71 = arith.constant 0 : i32
      %dma_start3A_72 = tpu.memref_slice %arg9[%add3A_15, %dma_start3A_71] : memref<10240x112xf32, #tpu.memory_space<vmem_shared>> -> memref<64x112xf32, #tpu.memory_space<vmem_shared>>
      tpu.enqueue_dma source(%arg12 : memref<64x112xf32, #tpu.memory_space<vmem>>) target(%dma_start3A_72 : memref<64x112xf32, #tpu.memory_space<vmem_shared>>) target_semaphore(%run_scoped3A : memref<!tpu.dma_semaphore, #tpu.memory_space<semaphore_mem>>)
      %dma_wait3A = arith.constant 0 : i32
      %dma_wait3A_73 = tpu.memref_slice %arg9[%add3A_15, %dma_wait3A] : memref<10240x112xf32, #tpu.memory_space<vmem_shared>> -> memref<64x112xf32, #tpu.memory_space<vmem_shared>>
      %dma_wait3A_74 = arith.constant 0 : i32
      %dma_wait3A_75 = tpu.memref_slice %arg9[%add3A_15, %dma_wait3A_74] : memref<10240x112xf32, #tpu.memory_space<vmem_shared>> -> memref<64x112xf32, #tpu.memory_space<vmem_shared>>
      tpu.wait_dma2 semaphore(%run_scoped3A : memref<!tpu.dma_semaphore, #tpu.memory_space<semaphore_mem>>) src(%arg12 : memref<64x112xf32, #tpu.memory_space<vmem>>) dst(%dma_wait3A_75 : memref<64x112xf32, #tpu.memory_space<vmem_shared>>)
      tpu.yield
    }) : () -> ()
    %add3A_16 = arith.constant 512 : i32
    %add3A_17 = arith.addi %mul3A_0, %add3A_16 : i32
    "tpu.region"() ({
      %run_scoped3A = tpu.sem_alloc : memref<!tpu.dma_semaphore, #tpu.memory_space<semaphore_mem>>
      %dma_start3A = arith.constant 0 : i32
      %dma_start3A_70 = tpu.memref_slice %arg9[%add3A_17, %dma_start3A] : memref<10240x112xf32, #tpu.memory_space<vmem_shared>> -> memref<64x112xf32, #tpu.memory_space<vmem_shared>>
      %dma_start3A_71 = arith.constant 0 : i32
      %dma_start3A_72 = tpu.memref_slice %arg9[%add3A_17, %dma_start3A_71] : memref<10240x112xf32, #tpu.memory_space<vmem_shared>> -> memref<64x112xf32, #tpu.memory_space<vmem_shared>>
      tpu.enqueue_dma source(%arg12 : memref<64x112xf32, #tpu.memory_space<vmem>>) target(%dma_start3A_72 : memref<64x112xf32, #tpu.memory_space<vmem_shared>>) target_semaphore(%run_scoped3A : memref<!tpu.dma_semaphore, #tpu.memory_space<semaphore_mem>>)
      %dma_wait3A = arith.constant 0 : i32
      %dma_wait3A_73 = tpu.memref_slice %arg9[%add3A_17, %dma_wait3A] : memref<10240x112xf32, #tpu.memory_space<vmem_shared>> -> memref<64x112xf32, #tpu.memory_space<vmem_shared>>
      %dma_wait3A_74 = arith.constant 0 : i32
      %dma_wait3A_75 = tpu.memref_slice %arg9[%add3A_17, %dma_wait3A_74] : memref<10240x112xf32, #tpu.memory_space<vmem_shared>> -> memref<64x112xf32, #tpu.memory_space<vmem_shared>>
      tpu.wait_dma2 semaphore(%run_scoped3A : memref<!tpu.dma_semaphore, #tpu.memory_space<semaphore_mem>>) src(%arg12 : memref<64x112xf32, #tpu.memory_space<vmem>>) dst(%dma_wait3A_75 : memref<64x112xf32, #tpu.memory_space<vmem_shared>>)
      tpu.yield
    }) : () -> ()
    %add3A_18 = arith.constant 576 : i32
    %add3A_19 = arith.addi %mul3A_0, %add3A_18 : i32
    "tpu.region"() ({
      %run_scoped3A = tpu.sem_alloc : memref<!tpu.dma_semaphore, #tpu.memory_space<semaphore_mem>>
      %dma_start3A = arith.constant 0 : i32
      %dma_start3A_70 = tpu.memref_slice %arg9[%add3A_19, %dma_start3A] : memref<10240x112xf32, #tpu.memory_space<vmem_shared>> -> memref<64x112xf32, #tpu.memory_space<vmem_shared>>
      %dma_start3A_71 = arith.constant 0 : i32
      %dma_start3A_72 = tpu.memref_slice %arg9[%add3A_19, %dma_start3A_71] : memref<10240x112xf32, #tpu.memory_space<vmem_shared>> -> memref<64x112xf32, #tpu.memory_space<vmem_shared>>
      tpu.enqueue_dma source(%arg12 : memref<64x112xf32, #tpu.memory_space<vmem>>) target(%dma_start3A_72 : memref<64x112xf32, #tpu.memory_space<vmem_shared>>) target_semaphore(%run_scoped3A : memref<!tpu.dma_semaphore, #tpu.memory_space<semaphore_mem>>)
      %dma_wait3A = arith.constant 0 : i32
      %dma_wait3A_73 = tpu.memref_slice %arg9[%add3A_19, %dma_wait3A] : memref<10240x112xf32, #tpu.memory_space<vmem_shared>> -> memref<64x112xf32, #tpu.memory_space<vmem_shared>>
      %dma_wait3A_74 = arith.constant 0 : i32
      %dma_wait3A_75 = tpu.memref_slice %arg9[%add3A_19, %dma_wait3A_74] : memref<10240x112xf32, #tpu.memory_space<vmem_shared>> -> memref<64x112xf32, #tpu.memory_space<vmem_shared>>
      tpu.wait_dma2 semaphore(%run_scoped3A : memref<!tpu.dma_semaphore, #tpu.memory_space<semaphore_mem>>) src(%arg12 : memref<64x112xf32, #tpu.memory_space<vmem>>) dst(%dma_wait3A_75 : memref<64x112xf32, #tpu.memory_space<vmem_shared>>)
      tpu.yield
    }) : () -> ()
    %barrier3A = arith.constant 0 : index
    tpu.barrier barrier_id(%barrier3A)
    "tpu.region"() ({
      %run_scoped3A = tpu.sem_alloc : memref<!tpu.dma_semaphore, #tpu.memory_space<semaphore_mem>>
      %dma_start3A = arith.constant 0 : i32
      %dma_start3A_70 = arith.constant 0 : i32
      %dma_start3A_71 = tpu.memref_slice %arg5[%arg1, %dma_start3A, %dma_start3A_70] : memref<16x324x64xi32, #tpu.memory_space<hbm>> -> memref<1x324x64xi32, #tpu.memory_space<hbm>>
      %dma_start3A_72 = tpu.memref_squeeze %dma_start3A_71 : memref<1x324x64xi32, #tpu.memory_space<hbm>> -> memref<324x64xi32, #tpu.memory_space<hbm>>
      %dma_start3A_73 = arith.constant 0 : i32
      %dma_start3A_74 = arith.constant 0 : i32
      %dma_start3A_75 = tpu.memref_slice %arg5[%arg1, %dma_start3A_73, %dma_start3A_74] : memref<16x324x64xi32, #tpu.memory_space<hbm>> -> memref<1x324x64xi32, #tpu.memory_space<hbm>>
      %dma_start3A_76 = tpu.memref_squeeze %dma_start3A_75 : memref<1x324x64xi32, #tpu.memory_space<hbm>> -> memref<324x64xi32, #tpu.memory_space<hbm>>
      tpu.enqueue_dma source(%dma_start3A_76 : memref<324x64xi32, #tpu.memory_space<hbm>>) target(%arg10 : memref<324x64xi32, #tpu.memory_space<vmem>>) target_semaphore(%run_scoped3A : memref<!tpu.dma_semaphore, #tpu.memory_space<semaphore_mem>>)
      %dma_wait3A = arith.constant 0 : i32
      %dma_wait3A_77 = arith.constant 0 : i32
      %dma_wait3A_78 = tpu.memref_slice %arg5[%arg1, %dma_wait3A, %dma_wait3A_77] : memref<16x324x64xi32, #tpu.memory_space<hbm>> -> memref<1x324x64xi32, #tpu.memory_space<hbm>>
      %dma_wait3A_79 = tpu.memref_squeeze %dma_wait3A_78 : memref<1x324x64xi32, #tpu.memory_space<hbm>> -> memref<324x64xi32, #tpu.memory_space<hbm>>
      %dma_wait3A_80 = arith.constant 0 : i32
      %dma_wait3A_81 = arith.constant 0 : i32
      %dma_wait3A_82 = tpu.memref_slice %arg5[%arg1, %dma_wait3A_80, %dma_wait3A_81] : memref<16x324x64xi32, #tpu.memory_space<hbm>> -> memref<1x324x64xi32, #tpu.memory_space<hbm>>
      %dma_wait3A_83 = tpu.memref_squeeze %dma_wait3A_82 : memref<1x324x64xi32, #tpu.memory_space<hbm>> -> memref<324x64xi32, #tpu.memory_space<hbm>>
      tpu.wait_dma2 semaphore(%run_scoped3A : memref<!tpu.dma_semaphore, #tpu.memory_space<semaphore_mem>>) src(%dma_wait3A_83 : memref<324x64xi32, #tpu.memory_space<hbm>>) dst(%arg10 : memref<324x64xi32, #tpu.memory_space<vmem>>)
      tpu.yield
    }) : () -> ()
    "tpu.region"() ({
      %run_scoped3A = tpu.sem_alloc : memref<!tpu.dma_semaphore, #tpu.memory_space<semaphore_mem>>
      %dma_start3A = arith.constant 0 : i32
      %dma_start3A_70 = arith.constant 0 : i32
      %dma_start3A_71 = tpu.memref_slice %arg6[%arg1, %dma_start3A, %dma_start3A_70] : memref<16x324x64xi32, #tpu.memory_space<hbm>> -> memref<1x324x64xi32, #tpu.memory_space<hbm>>
      %dma_start3A_72 = tpu.memref_squeeze %dma_start3A_71 : memref<1x324x64xi32, #tpu.memory_space<hbm>> -> memref<324x64xi32, #tpu.memory_space<hbm>>
      %dma_start3A_73 = arith.constant 0 : i32
      %dma_start3A_74 = arith.constant 0 : i32
      %dma_start3A_75 = tpu.memref_slice %arg6[%arg1, %dma_start3A_73, %dma_start3A_74] : memref<16x324x64xi32, #tpu.memory_space<hbm>> -> memref<1x324x64xi32, #tpu.memory_space<hbm>>
      %dma_start3A_76 = tpu.memref_squeeze %dma_start3A_75 : memref<1x324x64xi32, #tpu.memory_space<hbm>> -> memref<324x64xi32, #tpu.memory_space<hbm>>
      tpu.enqueue_dma source(%dma_start3A_76 : memref<324x64xi32, #tpu.memory_space<hbm>>) target(%arg11 : memref<324x64xi32, #tpu.memory_space<vmem>>) target_semaphore(%run_scoped3A : memref<!tpu.dma_semaphore, #tpu.memory_space<semaphore_mem>>)
      %dma_wait3A = arith.constant 0 : i32
      %dma_wait3A_77 = arith.constant 0 : i32
      %dma_wait3A_78 = tpu.memref_slice %arg6[%arg1, %dma_wait3A, %dma_wait3A_77] : memref<16x324x64xi32, #tpu.memory_space<hbm>> -> memref<1x324x64xi32, #tpu.memory_space<hbm>>
      %dma_wait3A_79 = tpu.memref_squeeze %dma_wait3A_78 : memref<1x324x64xi32, #tpu.memory_space<hbm>> -> memref<324x64xi32, #tpu.memory_space<hbm>>
      %dma_wait3A_80 = arith.constant 0 : i32
      %dma_wait3A_81 = arith.constant 0 : i32
      %dma_wait3A_82 = tpu.memref_slice %arg6[%arg1, %dma_wait3A_80, %dma_wait3A_81] : memref<16x324x64xi32, #tpu.memory_space<hbm>> -> memref<1x324x64xi32, #tpu.memory_space<hbm>>
      %dma_wait3A_83 = tpu.memref_squeeze %dma_wait3A_82 : memref<1x324x64xi32, #tpu.memory_space<hbm>> -> memref<324x64xi32, #tpu.memory_space<hbm>>
      tpu.wait_dma2 semaphore(%run_scoped3A : memref<!tpu.dma_semaphore, #tpu.memory_space<semaphore_mem>>) src(%dma_wait3A_83 : memref<324x64xi32, #tpu.memory_space<hbm>>) dst(%arg11 : memref<324x64xi32, #tpu.memory_space<vmem>>)
      tpu.yield
    }) : () -> ()
    %iota3A = tpu.iota {dimensions = array<i32: 0>} : vector<16xi32>
    %lt3A = arith.constant 3 : i32
    %lt3A_20 = vector.broadcast %lt3A : i32 to vector<16xi32>
    %lt3A_21 = arith.cmpi slt, %iota3A, %lt3A_20 : vector<16xi32>
    %eq3A = arith.constant 0 : i32
    %eq3A_22 = arith.cmpi eq, %arg0, %eq3A : i32
    %convert_element_type3A = arith.extui %eq3A_22 : i1 to i32
    %cond3A = arith.constant 0 : i32
    %cond3A_23 = arith.cmpi ne, %convert_element_type3A, %cond3A : i32
    scf.if %cond3A_23 {
      %dma_start3A = arith.constant 0 : i32
      %dma_start3A_70 = arith.constant 0 : i32
      %dma_start3A_71 = tpu.memref_slice %arg10[%dma_start3A, %dma_start3A_70] : memref<324x64xi32, #tpu.memory_space<vmem>> -> memref<1x64xi32, #tpu.memory_space<vmem>>
      %dma_start3A_72 = tpu.memref_squeeze %dma_start3A_71 : memref<1x64xi32, #tpu.memory_space<vmem>> -> memref<64xi32, #tpu.memory_space<vmem>>
      %dma_start3A_73 = arith.constant 0 : i32
      %dma_start3A_74 = arith.constant 0 : i32
      %dma_start3A_75 = tpu.memref_slice %arg2[%dma_start3A_73, %dma_start3A_74] : memref<10000x112xf32, #tpu.memory_space<hbm>> -> memref<10000x112xf32, #tpu.memory_space<hbm>>
      tpu.enqueue_indirect_dma source(%dma_start3A_75 : memref<10000x112xf32, #tpu.memory_space<hbm>>) target(%arg12 : memref<64x112xf32, #tpu.memory_space<vmem>>) offsets(%dma_start3A_72 : memref<64xi32, #tpu.memory_space<vmem>>) semaphore(%arg16 : memref<!tpu.dma_semaphore, #tpu.memory_space<semaphore_mem>>)
      %dma_start3A_76 = arith.constant 0 : i32
      %dma_start3A_77 = arith.constant 0 : i32
      %dma_start3A_78 = tpu.memref_slice %arg11[%dma_start3A_76, %dma_start3A_77] : memref<324x64xi32, #tpu.memory_space<vmem>> -> memref<1x64xi32, #tpu.memory_space<vmem>>
      %dma_start3A_79 = tpu.memref_squeeze %dma_start3A_78 : memref<1x64xi32, #tpu.memory_space<vmem>> -> memref<64xi32, #tpu.memory_space<vmem>>
      %dma_start3A_80 = arith.constant 0 : i32
      %dma_start3A_81 = arith.constant 0 : i32
      %dma_start3A_82 = tpu.memref_slice %arg4[%dma_start3A_80, %dma_start3A_81] : memref<10000x16xf32, #tpu.memory_space<hbm>> -> memref<10000x16xf32, #tpu.memory_space<hbm>>
      tpu.enqueue_indirect_dma source(%dma_start3A_82 : memref<10000x16xf32, #tpu.memory_space<hbm>>) target(%arg14 : memref<64x16xf32, #tpu.memory_space<vmem>>) offsets(%dma_start3A_79 : memref<64xi32, #tpu.memory_space<vmem>>) semaphore(%arg18 : memref<!tpu.dma_semaphore, #tpu.memory_space<semaphore_mem>>)
      %scan3A = arith.constant 0 : i32
      %scan3A_83 = arith.constant 0 : i32
      %scan3A_84 = arith.constant 162 : i32
      %scan3A_85 = arith.addi %scan3A_83, %scan3A_84 : i32
      %scan3A_86 = arith.constant 1 : i32
      scf.for %scan3A_88 = %scan3A_83 to %scan3A_85 step %scan3A_86  : i32 {
        %mul3A_89 = arith.constant 2 : i32
        %mul3A_90 = arith.muli %mul3A_89, %scan3A_88 : i32
        %add3A_91 = arith.constant 1 : i32
        %add3A_92 = arith.addi %mul3A_90, %add3A_91 : i32
        %dma_wait3A = arith.constant 0 : i32
        %dma_wait3A_93 = tpu.memref_slice %arg10[%mul3A_90, %dma_wait3A] : memref<324x64xi32, #tpu.memory_space<vmem>> -> memref<1x64xi32, #tpu.memory_space<vmem>>
        %dma_wait3A_94 = tpu.memref_squeeze %dma_wait3A_93 : memref<1x64xi32, #tpu.memory_space<vmem>> -> memref<64xi32, #tpu.memory_space<vmem>>
        %dma_wait3A_95 = arith.constant 0 : i32
        %dma_wait3A_96 = arith.constant 0 : i32
        %dma_wait3A_97 = tpu.memref_slice %arg2[%dma_wait3A_95, %dma_wait3A_96] : memref<10000x112xf32, #tpu.memory_space<hbm>> -> memref<10000x112xf32, #tpu.memory_space<hbm>>
        tpu.wait_indirect_dma semaphore(%arg16 : memref<!tpu.dma_semaphore, #tpu.memory_space<semaphore_mem>>) src(%dma_wait3A_97 : memref<10000x112xf32, #tpu.memory_space<hbm>>) dst(%arg12 : memref<64x112xf32, #tpu.memory_space<vmem>>)
        %dma_wait3A_98 = arith.constant 0 : i32
        %dma_wait3A_99 = tpu.memref_slice %arg11[%mul3A_90, %dma_wait3A_98] : memref<324x64xi32, #tpu.memory_space<vmem>> -> memref<1x64xi32, #tpu.memory_space<vmem>>
        %dma_wait3A_100 = tpu.memref_squeeze %dma_wait3A_99 : memref<1x64xi32, #tpu.memory_space<vmem>> -> memref<64xi32, #tpu.memory_space<vmem>>
        %dma_wait3A_101 = arith.constant 0 : i32
        %dma_wait3A_102 = arith.constant 0 : i32
        %dma_wait3A_103 = tpu.memref_slice %arg4[%dma_wait3A_101, %dma_wait3A_102] : memref<10000x16xf32, #tpu.memory_space<hbm>> -> memref<10000x16xf32, #tpu.memory_space<hbm>>
        tpu.wait_indirect_dma semaphore(%arg18 : memref<!tpu.dma_semaphore, #tpu.memory_space<semaphore_mem>>) src(%dma_wait3A_103 : memref<10000x16xf32, #tpu.memory_space<hbm>>) dst(%arg14 : memref<64x16xf32, #tpu.memory_space<vmem>>)
        %dma_start3A_104 = arith.constant 0 : i32
        %dma_start3A_105 = tpu.memref_slice %arg10[%add3A_92, %dma_start3A_104] : memref<324x64xi32, #tpu.memory_space<vmem>> -> memref<1x64xi32, #tpu.memory_space<vmem>>
        %dma_start3A_106 = tpu.memref_squeeze %dma_start3A_105 : memref<1x64xi32, #tpu.memory_space<vmem>> -> memref<64xi32, #tpu.memory_space<vmem>>
        %dma_start3A_107 = arith.constant 0 : i32
        %dma_start3A_108 = arith.constant 0 : i32
        %dma_start3A_109 = tpu.memref_slice %arg2[%dma_start3A_107, %dma_start3A_108] : memref<10000x112xf32, #tpu.memory_space<hbm>> -> memref<10000x112xf32, #tpu.memory_space<hbm>>
        tpu.enqueue_indirect_dma source(%dma_start3A_109 : memref<10000x112xf32, #tpu.memory_space<hbm>>) target(%arg13 : memref<64x112xf32, #tpu.memory_space<vmem>>) offsets(%dma_start3A_106 : memref<64xi32, #tpu.memory_space<vmem>>) semaphore(%arg17 : memref<!tpu.dma_semaphore, #tpu.memory_space<semaphore_mem>>)
        %dma_start3A_110 = arith.constant 0 : i32
        %dma_start3A_111 = tpu.memref_slice %arg11[%add3A_92, %dma_start3A_110] : memref<324x64xi32, #tpu.memory_space<vmem>> -> memref<1x64xi32, #tpu.memory_space<vmem>>
        %dma_start3A_112 = tpu.memref_squeeze %dma_start3A_111 : memref<1x64xi32, #tpu.memory_space<vmem>> -> memref<64xi32, #tpu.memory_space<vmem>>
        %dma_start3A_113 = arith.constant 0 : i32
        %dma_start3A_114 = arith.constant 0 : i32
        %dma_start3A_115 = tpu.memref_slice %arg4[%dma_start3A_113, %dma_start3A_114] : memref<10000x16xf32, #tpu.memory_space<hbm>> -> memref<10000x16xf32, #tpu.memory_space<hbm>>
        tpu.enqueue_indirect_dma source(%dma_start3A_115 : memref<10000x16xf32, #tpu.memory_space<hbm>>) target(%arg15 : memref<64x16xf32, #tpu.memory_space<vmem>>) offsets(%dma_start3A_112 : memref<64xi32, #tpu.memory_space<vmem>>) semaphore(%arg19 : memref<!tpu.dma_semaphore, #tpu.memory_space<semaphore_mem>>)
        %scan3A_116 = arith.constant 0 : i32
        %scan3A_117 = arith.constant 0 : i32
        %scan3A_118 = arith.constant 64 : i32
        %scan3A_119 = arith.addi %scan3A_117, %scan3A_118 : i32
        %scan3A_120 = arith.constant 1 : i32
        scf.for %scan3A_147 = %scan3A_117 to %scan3A_119 step %scan3A_120  : i32 {
          %get3A = arith.index_cast %scan3A_147 : i32 to index
          %get3A_148 = arith.constant 96 : index
          %get3A_149 = tpu.vector_load %arg12[%get3A, %get3A_148] {strides = array<i32>} : memref<64x112xf32, #tpu.memory_space<vmem>>, vector<1x16xf32>,
          %get3A_150 = vector.shape_cast %get3A_149 : vector<1x16xf32> to vector<16xf32>
          %get3A_151 = arith.index_cast %scan3A_147 : i32 to index
          %get3A_152 = arith.constant 0 : index
          %get3A_153 = tpu.vector_load %arg14[%get3A_151, %get3A_152] {strides = array<i32>} : memref<64x16xf32, #tpu.memory_space<vmem>>, vector<1x16xf32>,
          %get3A_154 = vector.shape_cast %get3A_153 : vector<1x16xf32> to vector<16xf32>
          %add3A_155 = arith.addf %get3A_150, %get3A_154 : vector<16xf32>
          %ge3A = arith.constant 0.000000e+00 : f32
          %ge3A_156 = vector.broadcast %ge3A : f32 to vector<16xf32>
          %ge3A_157 = arith.cmpf oge, %add3A_155, %ge3A_156 : vector<16xf32>
          %mul3A_158 = arith.constant 2.000000e-01 : f32
          %mul3A_159 = vector.broadcast %mul3A_158 : f32 to vector<16xf32>
          %mul3A_160 = arith.mulf %mul3A_159, %add3A_155 : vector<16xf32>
          %select_n3A = arith.select %ge3A_157, %add3A_155, %mul3A_160 : vector<16xi1>, vector<16xf32>
          %exp3A = math.exp %select_n3A : vector<16xf32>
          %jit3A = arith.constant 0.000000e+00 : f32
          %broadcast_in_dim3A = vector.broadcast %jit3A : f32 to vector<16xf32>
          %select_n3A_161 = arith.select %lt3A_21, %exp3A, %broadcast_in_dim3A : vector<16xi1>, vector<16xf32>
          %swap3A = arith.index_cast %scan3A_147 : i32 to index
          %swap3A_162 = arith.constant 96 : index
          %swap3A_163 = tpu.vector_load %arg12[%swap3A, %swap3A_162] {strides = array<i32>} : memref<64x112xf32, #tpu.memory_space<vmem>>, vector<1x16xf32>,
          %swap3A_164 = vector.shape_cast %swap3A_163 : vector<1x16xf32> to vector<16xf32>
          %swap3A_165 = vector.shape_cast %select_n3A_161 : vector<16xf32> to vector<1x16xf32>
          tpu.vector_store %arg12[%swap3A, %swap3A_162], %swap3A_165 {strides = array<i32>} : memref<64x112xf32, #tpu.memory_space<vmem>>, vector<1x16xf32>,
          %slice3A = vector.extract_strided_slice %select_n3A_161 {offsets = [0], sizes = [1], strides = [1]} : vector<16xf32> to vector<1xf32>
          %squeeze3A = vector.extract %slice3A[0] : f32 from vector<1xf32>
          %broadcast_in_dim3A_166 = vector.broadcast %squeeze3A : f32 to vector<16xf32>
          %slice3A_167 = vector.extract_strided_slice %select_n3A_161 {offsets = [1], sizes = [1], strides = [1]} : vector<16xf32> to vector<1xf32>
          %squeeze3A_168 = vector.extract %slice3A_167[0] : f32 from vector<1xf32>
          %broadcast_in_dim3A_169 = vector.broadcast %squeeze3A_168 : f32 to vector<16xf32>
          %slice3A_170 = vector.extract_strided_slice %select_n3A_161 {offsets = [2], sizes = [1], strides = [1]} : vector<16xf32> to vector<1xf32>
          %squeeze3A_171 = vector.extract %slice3A_170[0] : f32 from vector<1xf32>
          %broadcast_in_dim3A_172 = vector.broadcast %squeeze3A_171 : f32 to vector<16xf32>
          %get3A_173 = arith.index_cast %scan3A_147 : i32 to index
          %get3A_174 = arith.constant 0 : index
          %get3A_175 = tpu.vector_load %arg12[%get3A_173, %get3A_174] {strides = array<i32>} : memref<64x112xf32, #tpu.memory_space<vmem>>, vector<1x16xf32>,
          %get3A_176 = vector.shape_cast %get3A_175 : vector<1x16xf32> to vector<16xf32>
          %mul3A_177 = arith.mulf %get3A_176, %broadcast_in_dim3A_166 : vector<16xf32>
          %swap3A_178 = arith.index_cast %scan3A_147 : i32 to index
          %swap3A_179 = arith.constant 0 : index
          %swap3A_180 = tpu.vector_load %arg12[%swap3A_178, %swap3A_179] {strides = array<i32>} : memref<64x112xf32, #tpu.memory_space<vmem>>, vector<1x16xf32>,
          %swap3A_181 = vector.shape_cast %swap3A_180 : vector<1x16xf32> to vector<16xf32>
          %swap3A_182 = vector.shape_cast %mul3A_177 : vector<16xf32> to vector<1x16xf32>
          tpu.vector_store %arg12[%swap3A_178, %swap3A_179], %swap3A_182 {strides = array<i32>} : memref<64x112xf32, #tpu.memory_space<vmem>>, vector<1x16xf32>,
          %get3A_183 = arith.index_cast %scan3A_147 : i32 to index
          %get3A_184 = arith.constant 16 : index
          %get3A_185 = tpu.vector_load %arg12[%get3A_183, %get3A_184] {strides = array<i32>} : memref<64x112xf32, #tpu.memory_space<vmem>>, vector<1x16xf32>,
          %get3A_186 = vector.shape_cast %get3A_185 : vector<1x16xf32> to vector<16xf32>
          %mul3A_187 = arith.mulf %get3A_186, %broadcast_in_dim3A_166 : vector<16xf32>
          %swap3A_188 = arith.index_cast %scan3A_147 : i32 to index
          %swap3A_189 = arith.constant 16 : index
          %swap3A_190 = tpu.vector_load %arg12[%swap3A_188, %swap3A_189] {strides = array<i32>} : memref<64x112xf32, #tpu.memory_space<vmem>>, vector<1x16xf32>,
          %swap3A_191 = vector.shape_cast %swap3A_190 : vector<1x16xf32> to vector<16xf32>
          %swap3A_192 = vector.shape_cast %mul3A_187 : vector<16xf32> to vector<1x16xf32>
          tpu.vector_store %arg12[%swap3A_188, %swap3A_189], %swap3A_192 {strides = array<i32>} : memref<64x112xf32, #tpu.memory_space<vmem>>, vector<1x16xf32>,
          %get3A_193 = arith.index_cast %scan3A_147 : i32 to index
          %get3A_194 = arith.constant 32 : index
          %get3A_195 = tpu.vector_load %arg12[%get3A_193, %get3A_194] {strides = array<i32>} : memref<64x112xf32, #tpu.memory_space<vmem>>, vector<1x16xf32>,
          %get3A_196 = vector.shape_cast %get3A_195 : vector<1x16xf32> to vector<16xf32>
          %mul3A_197 = arith.mulf %get3A_196, %broadcast_in_dim3A_166 : vector<16xf32>
          %swap3A_198 = arith.index_cast %scan3A_147 : i32 to index
          %swap3A_199 = arith.constant 32 : index
          %swap3A_200 = tpu.vector_load %arg12[%swap3A_198, %swap3A_199] {strides = array<i32>} : memref<64x112xf32, #tpu.memory_space<vmem>>, vector<1x16xf32>,
          %swap3A_201 = vector.shape_cast %swap3A_200 : vector<1x16xf32> to vector<16xf32>
          %swap3A_202 = vector.shape_cast %mul3A_197 : vector<16xf32> to vector<1x16xf32>
          tpu.vector_store %arg12[%swap3A_198, %swap3A_199], %swap3A_202 {strides = array<i32>} : memref<64x112xf32, #tpu.memory_space<vmem>>, vector<1x16xf32>,
          %get3A_203 = arith.index_cast %scan3A_147 : i32 to index
          %get3A_204 = arith.constant 48 : index
          %get3A_205 = tpu.vector_load %arg12[%get3A_203, %get3A_204] {strides = array<i32>} : memref<64x112xf32, #tpu.memory_space<vmem>>, vector<1x16xf32>,
          %get3A_206 = vector.shape_cast %get3A_205 : vector<1x16xf32> to vector<16xf32>
          %mul3A_207 = arith.mulf %get3A_206, %broadcast_in_dim3A_166 : vector<16xf32>
          %swap3A_208 = arith.index_cast %scan3A_147 : i32 to index
          %swap3A_209 = arith.constant 48 : index
          %swap3A_210 = tpu.vector_load %arg12[%swap3A_208, %swap3A_209] {strides = array<i32>} : memref<64x112xf32, #tpu.memory_space<vmem>>, vector<1x16xf32>,
          %swap3A_211 = vector.shape_cast %swap3A_210 : vector<1x16xf32> to vector<16xf32>
          %swap3A_212 = vector.shape_cast %mul3A_207 : vector<16xf32> to vector<1x16xf32>
          tpu.vector_store %arg12[%swap3A_208, %swap3A_209], %swap3A_212 {strides = array<i32>} : memref<64x112xf32, #tpu.memory_space<vmem>>, vector<1x16xf32>,
          %get3A_213 = arith.index_cast %scan3A_147 : i32 to index
          %get3A_214 = arith.constant 64 : index
          %get3A_215 = tpu.vector_load %arg12[%get3A_213, %get3A_214] {strides = array<i32>} : memref<64x112xf32, #tpu.memory_space<vmem>>, vector<1x16xf32>,
          %get3A_216 = vector.shape_cast %get3A_215 : vector<1x16xf32> to vector<16xf32>
          %mul3A_217 = arith.mulf %get3A_216, %broadcast_in_dim3A_169 : vector<16xf32>
          %swap3A_218 = arith.index_cast %scan3A_147 : i32 to index
          %swap3A_219 = arith.constant 64 : index
          %swap3A_220 = tpu.vector_load %arg12[%swap3A_218, %swap3A_219] {strides = array<i32>} : memref<64x112xf32, #tpu.memory_space<vmem>>, vector<1x16xf32>,
          %swap3A_221 = vector.shape_cast %swap3A_220 : vector<1x16xf32> to vector<16xf32>
          %swap3A_222 = vector.shape_cast %mul3A_217 : vector<16xf32> to vector<1x16xf32>
          tpu.vector_store %arg12[%swap3A_218, %swap3A_219], %swap3A_222 {strides = array<i32>} : memref<64x112xf32, #tpu.memory_space<vmem>>, vector<1x16xf32>,
          %get3A_223 = arith.index_cast %scan3A_147 : i32 to index
          %get3A_224 = arith.constant 80 : index
          %get3A_225 = tpu.vector_load %arg12[%get3A_223, %get3A_224] {strides = array<i32>} : memref<64x112xf32, #tpu.memory_space<vmem>>, vector<1x16xf32>,
          %get3A_226 = vector.shape_cast %get3A_225 : vector<1x16xf32> to vector<16xf32>
          %mul3A_227 = arith.mulf %get3A_226, %broadcast_in_dim3A_169 : vector<16xf32>
          %swap3A_228 = arith.index_cast %scan3A_147 : i32 to index
          %swap3A_229 = arith.constant 80 : index
          %swap3A_230 = tpu.vector_load %arg12[%swap3A_228, %swap3A_229] {strides = array<i32>} : memref<64x112xf32, #tpu.memory_space<vmem>>, vector<1x16xf32>,
          %swap3A_231 = vector.shape_cast %swap3A_230 : vector<1x16xf32> to vector<16xf32>
          %swap3A_232 = vector.shape_cast %mul3A_227 : vector<16xf32> to vector<1x16xf32>
          tpu.vector_store %arg12[%swap3A_228, %swap3A_229], %swap3A_232 {strides = array<i32>} : memref<64x112xf32, #tpu.memory_space<vmem>>, vector<1x16xf32>,
        }
        %scan3A_121 = arith.constant 64 : i32
        "tpu.region"() ({
          %run_scoped3A = tpu.sem_alloc : memref<!tpu.dma_semaphore, #tpu.memory_space<semaphore_mem>>
          %dma_start3A_147 = arith.constant 0 : i32
          %dma_start3A_148 = tpu.memref_slice %arg11[%mul3A_90, %dma_start3A_147] : memref<324x64xi32, #tpu.memory_space<vmem>> -> memref<1x64xi32, #tpu.memory_space<vmem>>
          %dma_start3A_149 = tpu.memref_squeeze %dma_start3A_148 : memref<1x64xi32, #tpu.memory_space<vmem>> -> memref<64xi32, #tpu.memory_space<vmem>>
          %dma_start3A_150 = arith.constant 0 : i32
          %dma_start3A_151 = arith.constant 0 : i32
          %dma_start3A_152 = tpu.memref_slice %arg9[%dma_start3A_150, %dma_start3A_151] : memref<10240x112xf32, #tpu.memory_space<vmem_shared>> -> memref<10240x112xf32, #tpu.memory_space<vmem_shared>>
          tpu.enqueue_indirect_dma source(%arg12 : memref<64x112xf32, #tpu.memory_space<vmem>>) target(%dma_start3A_152 : memref<10240x112xf32, #tpu.memory_space<vmem_shared>>) offsets(%dma_start3A_149 : memref<64xi32, #tpu.memory_space<vmem>>) semaphore(%run_scoped3A : memref<!tpu.dma_semaphore, #tpu.memory_space<semaphore_mem>>) {add = true}
          %dma_wait3A_153 = arith.constant 0 : i32
          %dma_wait3A_154 = tpu.memref_slice %arg11[%mul3A_90, %dma_wait3A_153] : memref<324x64xi32, #tpu.memory_space<vmem>> -> memref<1x64xi32, #tpu.memory_space<vmem>>
          %dma_wait3A_155 = tpu.memref_squeeze %dma_wait3A_154 : memref<1x64xi32, #tpu.memory_space<vmem>> -> memref<64xi32, #tpu.memory_space<vmem>>
          %dma_wait3A_156 = arith.constant 0 : i32
          %dma_wait3A_157 = arith.constant 0 : i32
          %dma_wait3A_158 = tpu.memref_slice %arg9[%dma_wait3A_156, %dma_wait3A_157] : memref<10240x112xf32, #tpu.memory_space<vmem_shared>> -> memref<10240x112xf32, #tpu.memory_space<vmem_shared>>
          tpu.wait_indirect_dma semaphore(%run_scoped3A : memref<!tpu.dma_semaphore, #tpu.memory_space<semaphore_mem>>) src(%arg12 : memref<64x112xf32, #tpu.memory_space<vmem>>) dst(%dma_wait3A_158 : memref<10240x112xf32, #tpu.memory_space<vmem_shared>>)
          tpu.yield
        }) : () -> ()
        %dma_wait3A_122 = arith.constant 0 : i32
        %dma_wait3A_123 = tpu.memref_slice %arg10[%add3A_92, %dma_wait3A_122] : memref<324x64xi32, #tpu.memory_space<vmem>> -> memref<1x64xi32, #tpu.memory_space<vmem>>
        %dma_wait3A_124 = tpu.memref_squeeze %dma_wait3A_123 : memref<1x64xi32, #tpu.memory_space<vmem>> -> memref<64xi32, #tpu.memory_space<vmem>>
        %dma_wait3A_125 = arith.constant 0 : i32
        %dma_wait3A_126 = arith.constant 0 : i32
        %dma_wait3A_127 = tpu.memref_slice %arg2[%dma_wait3A_125, %dma_wait3A_126] : memref<10000x112xf32, #tpu.memory_space<hbm>> -> memref<10000x112xf32, #tpu.memory_space<hbm>>
        tpu.wait_indirect_dma semaphore(%arg17 : memref<!tpu.dma_semaphore, #tpu.memory_space<semaphore_mem>>) src(%dma_wait3A_127 : memref<10000x112xf32, #tpu.memory_space<hbm>>) dst(%arg13 : memref<64x112xf32, #tpu.memory_space<vmem>>)
        %dma_wait3A_128 = arith.constant 0 : i32
        %dma_wait3A_129 = tpu.memref_slice %arg11[%add3A_92, %dma_wait3A_128] : memref<324x64xi32, #tpu.memory_space<vmem>> -> memref<1x64xi32, #tpu.memory_space<vmem>>
        %dma_wait3A_130 = tpu.memref_squeeze %dma_wait3A_129 : memref<1x64xi32, #tpu.memory_space<vmem>> -> memref<64xi32, #tpu.memory_space<vmem>>
        %dma_wait3A_131 = arith.constant 0 : i32
        %dma_wait3A_132 = arith.constant 0 : i32
        %dma_wait3A_133 = tpu.memref_slice %arg4[%dma_wait3A_131, %dma_wait3A_132] : memref<10000x16xf32, #tpu.memory_space<hbm>> -> memref<10000x16xf32, #tpu.memory_space<hbm>>
        tpu.wait_indirect_dma semaphore(%arg19 : memref<!tpu.dma_semaphore, #tpu.memory_space<semaphore_mem>>) src(%dma_wait3A_133 : memref<10000x16xf32, #tpu.memory_space<hbm>>) dst(%arg15 : memref<64x16xf32, #tpu.memory_space<vmem>>)
        %add3A_134 = arith.constant 1 : i32
        %add3A_135 = arith.addi %add3A_92, %add3A_134 : i32
        %lt3A_136 = arith.constant 324 : i32
        %lt3A_137 = arith.cmpi slt, %add3A_135, %lt3A_136 : i32
        %convert_element_type3A_138 = arith.extui %lt3A_137 : i1 to i32
        %cond3A_139 = arith.constant 0 : i32
        %cond3A_140 = arith.cmpi ne, %convert_element_type3A_138, %cond3A_139 : i32
        scf.if %cond3A_140 {
          %add3A_147 = arith.constant 1 : i32
          %add3A_148 = arith.addi %add3A_92, %add3A_147 : i32
          %dma_start3A_149 = arith.constant 0 : i32
          %dma_start3A_150 = tpu.memref_slice %arg10[%add3A_148, %dma_start3A_149] : memref<324x64xi32, #tpu.memory_space<vmem>> -> memref<1x64xi32, #tpu.memory_space<vmem>>
          %dma_start3A_151 = tpu.memref_squeeze %dma_start3A_150 : memref<1x64xi32, #tpu.memory_space<vmem>> -> memref<64xi32, #tpu.memory_space<vmem>>
          %dma_start3A_152 = arith.constant 0 : i32
          %dma_start3A_153 = arith.constant 0 : i32
          %dma_start3A_154 = tpu.memref_slice %arg2[%dma_start3A_152, %dma_start3A_153] : memref<10000x112xf32, #tpu.memory_space<hbm>> -> memref<10000x112xf32, #tpu.memory_space<hbm>>
          tpu.enqueue_indirect_dma source(%dma_start3A_154 : memref<10000x112xf32, #tpu.memory_space<hbm>>) target(%arg12 : memref<64x112xf32, #tpu.memory_space<vmem>>) offsets(%dma_start3A_151 : memref<64xi32, #tpu.memory_space<vmem>>) semaphore(%arg16 : memref<!tpu.dma_semaphore, #tpu.memory_space<semaphore_mem>>)
          %dma_start3A_155 = arith.constant 0 : i32
          %dma_start3A_156 = tpu.memref_slice %arg11[%add3A_148, %dma_start3A_155] : memref<324x64xi32, #tpu.memory_space<vmem>> -> memref<1x64xi32, #tpu.memory_space<vmem>>
          %dma_start3A_157 = tpu.memref_squeeze %dma_start3A_156 : memref<1x64xi32, #tpu.memory_space<vmem>> -> memref<64xi32, #tpu.memory_space<vmem>>
          %dma_start3A_158 = arith.constant 0 : i32
          %dma_start3A_159 = arith.constant 0 : i32
          %dma_start3A_160 = tpu.memref_slice %arg4[%dma_start3A_158, %dma_start3A_159] : memref<10000x16xf32, #tpu.memory_space<hbm>> -> memref<10000x16xf32, #tpu.memory_space<hbm>>
          tpu.enqueue_indirect_dma source(%dma_start3A_160 : memref<10000x16xf32, #tpu.memory_space<hbm>>) target(%arg14 : memref<64x16xf32, #tpu.memory_space<vmem>>) offsets(%dma_start3A_157 : memref<64xi32, #tpu.memory_space<vmem>>) semaphore(%arg18 : memref<!tpu.dma_semaphore, #tpu.memory_space<semaphore_mem>>)
        } else {
        }
        %scan3A_141 = arith.constant 0 : i32
        %scan3A_142 = arith.constant 0 : i32
        %scan3A_143 = arith.constant 64 : i32
        %scan3A_144 = arith.addi %scan3A_142, %scan3A_143 : i32
        %scan3A_145 = arith.constant 1 : i32
        scf.for %scan3A_147 = %scan3A_142 to %scan3A_144 step %scan3A_145  : i32 {
          %get3A = arith.index_cast %scan3A_147 : i32 to index
          %get3A_148 = arith.constant 96 : index
          %get3A_149 = tpu.vector_load %arg13[%get3A, %get3A_148] {strides = array<i32>} : memref<64x112xf32, #tpu.memory_space<vmem>>, vector<1x16xf32>,
          %get3A_150 = vector.shape_cast %get3A_149 : vector<1x16xf32> to vector<16xf32>
          %get3A_151 = arith.index_cast %scan3A_147 : i32 to index
          %get3A_152 = arith.constant 0 : index
          %get3A_153 = tpu.vector_load %arg15[%get3A_151, %get3A_152] {strides = array<i32>} : memref<64x16xf32, #tpu.memory_space<vmem>>, vector<1x16xf32>,
          %get3A_154 = vector.shape_cast %get3A_153 : vector<1x16xf32> to vector<16xf32>
          %add3A_155 = arith.addf %get3A_150, %get3A_154 : vector<16xf32>
          %ge3A = arith.constant 0.000000e+00 : f32
          %ge3A_156 = vector.broadcast %ge3A : f32 to vector<16xf32>
          %ge3A_157 = arith.cmpf oge, %add3A_155, %ge3A_156 : vector<16xf32>
          %mul3A_158 = arith.constant 2.000000e-01 : f32
          %mul3A_159 = vector.broadcast %mul3A_158 : f32 to vector<16xf32>
          %mul3A_160 = arith.mulf %mul3A_159, %add3A_155 : vector<16xf32>
          %select_n3A = arith.select %ge3A_157, %add3A_155, %mul3A_160 : vector<16xi1>, vector<16xf32>
          %exp3A = math.exp %select_n3A : vector<16xf32>
          %jit3A = arith.constant 0.000000e+00 : f32
          %broadcast_in_dim3A = vector.broadcast %jit3A : f32 to vector<16xf32>
          %select_n3A_161 = arith.select %lt3A_21, %exp3A, %broadcast_in_dim3A : vector<16xi1>, vector<16xf32>
          %swap3A = arith.index_cast %scan3A_147 : i32 to index
          %swap3A_162 = arith.constant 96 : index
          %swap3A_163 = tpu.vector_load %arg13[%swap3A, %swap3A_162] {strides = array<i32>} : memref<64x112xf32, #tpu.memory_space<vmem>>, vector<1x16xf32>,
          %swap3A_164 = vector.shape_cast %swap3A_163 : vector<1x16xf32> to vector<16xf32>
          %swap3A_165 = vector.shape_cast %select_n3A_161 : vector<16xf32> to vector<1x16xf32>
          tpu.vector_store %arg13[%swap3A, %swap3A_162], %swap3A_165 {strides = array<i32>} : memref<64x112xf32, #tpu.memory_space<vmem>>, vector<1x16xf32>,
          %slice3A = vector.extract_strided_slice %select_n3A_161 {offsets = [0], sizes = [1], strides = [1]} : vector<16xf32> to vector<1xf32>
          %squeeze3A = vector.extract %slice3A[0] : f32 from vector<1xf32>
          %broadcast_in_dim3A_166 = vector.broadcast %squeeze3A : f32 to vector<16xf32>
          %slice3A_167 = vector.extract_strided_slice %select_n3A_161 {offsets = [1], sizes = [1], strides = [1]} : vector<16xf32> to vector<1xf32>
          %squeeze3A_168 = vector.extract %slice3A_167[0] : f32 from vector<1xf32>
          %broadcast_in_dim3A_169 = vector.broadcast %squeeze3A_168 : f32 to vector<16xf32>
          %slice3A_170 = vector.extract_strided_slice %select_n3A_161 {offsets = [2], sizes = [1], strides = [1]} : vector<16xf32> to vector<1xf32>
          %squeeze3A_171 = vector.extract %slice3A_170[0] : f32 from vector<1xf32>
          %broadcast_in_dim3A_172 = vector.broadcast %squeeze3A_171 : f32 to vector<16xf32>
          %get3A_173 = arith.index_cast %scan3A_147 : i32 to index
          %get3A_174 = arith.constant 0 : index
          %get3A_175 = tpu.vector_load %arg13[%get3A_173, %get3A_174] {strides = array<i32>} : memref<64x112xf32, #tpu.memory_space<vmem>>, vector<1x16xf32>,
          %get3A_176 = vector.shape_cast %get3A_175 : vector<1x16xf32> to vector<16xf32>
          %mul3A_177 = arith.mulf %get3A_176, %broadcast_in_dim3A_166 : vector<16xf32>
          %swap3A_178 = arith.index_cast %scan3A_147 : i32 to index
          %swap3A_179 = arith.constant 0 : index
          %swap3A_180 = tpu.vector_load %arg13[%swap3A_178, %swap3A_179] {strides = array<i32>} : memref<64x112xf32, #tpu.memory_space<vmem>>, vector<1x16xf32>,
          %swap3A_181 = vector.shape_cast %swap3A_180 : vector<1x16xf32> to vector<16xf32>
          %swap3A_182 = vector.shape_cast %mul3A_177 : vector<16xf32> to vector<1x16xf32>
          tpu.vector_store %arg13[%swap3A_178, %swap3A_179], %swap3A_182 {strides = array<i32>} : memref<64x112xf32, #tpu.memory_space<vmem>>, vector<1x16xf32>,
          %get3A_183 = arith.index_cast %scan3A_147 : i32 to index
          %get3A_184 = arith.constant 16 : index
          %get3A_185 = tpu.vector_load %arg13[%get3A_183, %get3A_184] {strides = array<i32>} : memref<64x112xf32, #tpu.memory_space<vmem>>, vector<1x16xf32>,
          %get3A_186 = vector.shape_cast %get3A_185 : vector<1x16xf32> to vector<16xf32>
          %mul3A_187 = arith.mulf %get3A_186, %broadcast_in_dim3A_166 : vector<16xf32>
          %swap3A_188 = arith.index_cast %scan3A_147 : i32 to index
          %swap3A_189 = arith.constant 16 : index
          %swap3A_190 = tpu.vector_load %arg13[%swap3A_188, %swap3A_189] {strides = array<i32>} : memref<64x112xf32, #tpu.memory_space<vmem>>, vector<1x16xf32>,
          %swap3A_191 = vector.shape_cast %swap3A_190 : vector<1x16xf32> to vector<16xf32>
          %swap3A_192 = vector.shape_cast %mul3A_187 : vector<16xf32> to vector<1x16xf32>
          tpu.vector_store %arg13[%swap3A_188, %swap3A_189], %swap3A_192 {strides = array<i32>} : memref<64x112xf32, #tpu.memory_space<vmem>>, vector<1x16xf32>,
          %get3A_193 = arith.index_cast %scan3A_147 : i32 to index
          %get3A_194 = arith.constant 32 : index
          %get3A_195 = tpu.vector_load %arg13[%get3A_193, %get3A_194] {strides = array<i32>} : memref<64x112xf32, #tpu.memory_space<vmem>>, vector<1x16xf32>,
          %get3A_196 = vector.shape_cast %get3A_195 : vector<1x16xf32> to vector<16xf32>
          %mul3A_197 = arith.mulf %get3A_196, %broadcast_in_dim3A_166 : vector<16xf32>
          %swap3A_198 = arith.index_cast %scan3A_147 : i32 to index
          %swap3A_199 = arith.constant 32 : index
          %swap3A_200 = tpu.vector_load %arg13[%swap3A_198, %swap3A_199] {strides = array<i32>} : memref<64x112xf32, #tpu.memory_space<vmem>>, vector<1x16xf32>,
          %swap3A_201 = vector.shape_cast %swap3A_200 : vector<1x16xf32> to vector<16xf32>
          %swap3A_202 = vector.shape_cast %mul3A_197 : vector<16xf32> to vector<1x16xf32>
          tpu.vector_store %arg13[%swap3A_198, %swap3A_199], %swap3A_202 {strides = array<i32>} : memref<64x112xf32, #tpu.memory_space<vmem>>, vector<1x16xf32>,
          %get3A_203 = arith.index_cast %scan3A_147 : i32 to index
          %get3A_204 = arith.constant 48 : index
          %get3A_205 = tpu.vector_load %arg13[%get3A_203, %get3A_204] {strides = array<i32>} : memref<64x112xf32, #tpu.memory_space<vmem>>, vector<1x16xf32>,
          %get3A_206 = vector.shape_cast %get3A_205 : vector<1x16xf32> to vector<16xf32>
          %mul3A_207 = arith.mulf %get3A_206, %broadcast_in_dim3A_166 : vector<16xf32>
          %swap3A_208 = arith.index_cast %scan3A_147 : i32 to index
          %swap3A_209 = arith.constant 48 : index
          %swap3A_210 = tpu.vector_load %arg13[%swap3A_208, %swap3A_209] {strides = array<i32>} : memref<64x112xf32, #tpu.memory_space<vmem>>, vector<1x16xf32>,
          %swap3A_211 = vector.shape_cast %swap3A_210 : vector<1x16xf32> to vector<16xf32>
          %swap3A_212 = vector.shape_cast %mul3A_207 : vector<16xf32> to vector<1x16xf32>
          tpu.vector_store %arg13[%swap3A_208, %swap3A_209], %swap3A_212 {strides = array<i32>} : memref<64x112xf32, #tpu.memory_space<vmem>>, vector<1x16xf32>,
          %get3A_213 = arith.index_cast %scan3A_147 : i32 to index
          %get3A_214 = arith.constant 64 : index
          %get3A_215 = tpu.vector_load %arg13[%get3A_213, %get3A_214] {strides = array<i32>} : memref<64x112xf32, #tpu.memory_space<vmem>>, vector<1x16xf32>,
          %get3A_216 = vector.shape_cast %get3A_215 : vector<1x16xf32> to vector<16xf32>
          %mul3A_217 = arith.mulf %get3A_216, %broadcast_in_dim3A_169 : vector<16xf32>
          %swap3A_218 = arith.index_cast %scan3A_147 : i32 to index
          %swap3A_219 = arith.constant 64 : index
          %swap3A_220 = tpu.vector_load %arg13[%swap3A_218, %swap3A_219] {strides = array<i32>} : memref<64x112xf32, #tpu.memory_space<vmem>>, vector<1x16xf32>,
          %swap3A_221 = vector.shape_cast %swap3A_220 : vector<1x16xf32> to vector<16xf32>
          %swap3A_222 = vector.shape_cast %mul3A_217 : vector<16xf32> to vector<1x16xf32>
          tpu.vector_store %arg13[%swap3A_218, %swap3A_219], %swap3A_222 {strides = array<i32>} : memref<64x112xf32, #tpu.memory_space<vmem>>, vector<1x16xf32>,
          %get3A_223 = arith.index_cast %scan3A_147 : i32 to index
          %get3A_224 = arith.constant 80 : index
          %get3A_225 = tpu.vector_load %arg13[%get3A_223, %get3A_224] {strides = array<i32>} : memref<64x112xf32, #tpu.memory_space<vmem>>, vector<1x16xf32>,
          %get3A_226 = vector.shape_cast %get3A_225 : vector<1x16xf32> to vector<16xf32>
          %mul3A_227 = arith.mulf %get3A_226, %broadcast_in_dim3A_169 : vector<16xf32>
          %swap3A_228 = arith.index_cast %scan3A_147 : i32 to index
          %swap3A_229 = arith.constant 80 : index
          %swap3A_230 = tpu.vector_load %arg13[%swap3A_228, %swap3A_229] {strides = array<i32>} : memref<64x112xf32, #tpu.memory_space<vmem>>, vector<1x16xf32>,
          %swap3A_231 = vector.shape_cast %swap3A_230 : vector<1x16xf32> to vector<16xf32>
          %swap3A_232 = vector.shape_cast %mul3A_227 : vector<16xf32> to vector<1x16xf32>
          tpu.vector_store %arg13[%swap3A_228, %swap3A_229], %swap3A_232 {strides = array<i32>} : memref<64x112xf32, #tpu.memory_space<vmem>>, vector<1x16xf32>,
        }
        %scan3A_146 = arith.constant 64 : i32
        "tpu.region"() ({
          %run_scoped3A = tpu.sem_alloc : memref<!tpu.dma_semaphore, #tpu.memory_space<semaphore_mem>>
          %dma_start3A_147 = arith.constant 0 : i32
          %dma_start3A_148 = tpu.memref_slice %arg11[%add3A_92, %dma_start3A_147] : memref<324x64xi32, #tpu.memory_space<vmem>> -> memref<1x64xi32, #tpu.memory_space<vmem>>
          %dma_start3A_149 = tpu.memref_squeeze %dma_start3A_148 : memref<1x64xi32, #tpu.memory_space<vmem>> -> memref<64xi32, #tpu.memory_space<vmem>>
          %dma_start3A_150 = arith.constant 0 : i32
          %dma_start3A_151 = arith.constant 0 : i32
          %dma_start3A_152 = tpu.memref_slice %arg9[%dma_start3A_150, %dma_start3A_151] : memref<10240x112xf32, #tpu.memory_space<vmem_shared>> -> memref<10240x112xf32, #tpu.memory_space<vmem_shared>>
          tpu.enqueue_indirect_dma source(%arg13 : memref<64x112xf32, #tpu.memory_space<vmem>>) target(%dma_start3A_152 : memref<10240x112xf32, #tpu.memory_space<vmem_shared>>) offsets(%dma_start3A_149 : memref<64xi32, #tpu.memory_space<vmem>>) semaphore(%run_scoped3A : memref<!tpu.dma_semaphore, #tpu.memory_space<semaphore_mem>>) {add = true}
          %dma_wait3A_153 = arith.constant 0 : i32
          %dma_wait3A_154 = tpu.memref_slice %arg11[%add3A_92, %dma_wait3A_153] : memref<324x64xi32, #tpu.memory_space<vmem>> -> memref<1x64xi32, #tpu.memory_space<vmem>>
          %dma_wait3A_155 = tpu.memref_squeeze %dma_wait3A_154 : memref<1x64xi32, #tpu.memory_space<vmem>> -> memref<64xi32, #tpu.memory_space<vmem>>
          %dma_wait3A_156 = arith.constant 0 : i32
          %dma_wait3A_157 = arith.constant 0 : i32
          %dma_wait3A_158 = tpu.memref_slice %arg9[%dma_wait3A_156, %dma_wait3A_157] : memref<10240x112xf32, #tpu.memory_space<vmem_shared>> -> memref<10240x112xf32, #tpu.memory_space<vmem_shared>>
          tpu.wait_indirect_dma semaphore(%run_scoped3A : memref<!tpu.dma_semaphore, #tpu.memory_space<semaphore_mem>>) src(%arg13 : memref<64x112xf32, #tpu.memory_space<vmem>>) dst(%dma_wait3A_158 : memref<10240x112xf32, #tpu.memory_space<vmem_shared>>)
          tpu.yield
        }) : () -> ()
      }
      %scan3A_87 = arith.constant 162 : i32
    } else {
    }
    %eq3A_24 = arith.constant 1 : i32
    %eq3A_25 = arith.cmpi eq, %arg0, %eq3A_24 : i32
    %convert_element_type3A_26 = arith.extui %eq3A_25 : i1 to i32
    %cond3A_27 = arith.constant 0 : i32
    %cond3A_28 = arith.cmpi ne, %convert_element_type3A_26, %cond3A_27 : i32
    scf.if %cond3A_28 {
      %dma_start3A = arith.constant 0 : i32
      %dma_start3A_70 = arith.constant 0 : i32
      %dma_start3A_71 = tpu.memref_slice %arg10[%dma_start3A, %dma_start3A_70] : memref<324x64xi32, #tpu.memory_space<vmem>> -> memref<1x64xi32, #tpu.memory_space<vmem>>
      %dma_start3A_72 = tpu.memref_squeeze %dma_start3A_71 : memref<1x64xi32, #tpu.memory_space<vmem>> -> memref<64xi32, #tpu.memory_space<vmem>>
      %dma_start3A_73 = arith.constant 0 : i32
      %dma_start3A_74 = arith.constant 0 : i32
      %dma_start3A_75 = tpu.memref_slice %arg3[%dma_start3A_73, %dma_start3A_74] : memref<10000x112xf32, #tpu.memory_space<hbm>> -> memref<10000x112xf32, #tpu.memory_space<hbm>>
      tpu.enqueue_indirect_dma source(%dma_start3A_75 : memref<10000x112xf32, #tpu.memory_space<hbm>>) target(%arg12 : memref<64x112xf32, #tpu.memory_space<vmem>>) offsets(%dma_start3A_72 : memref<64xi32, #tpu.memory_space<vmem>>) semaphore(%arg16 : memref<!tpu.dma_semaphore, #tpu.memory_space<semaphore_mem>>)
      %dma_start3A_76 = arith.constant 0 : i32
      %dma_start3A_77 = arith.constant 0 : i32
      %dma_start3A_78 = tpu.memref_slice %arg11[%dma_start3A_76, %dma_start3A_77] : memref<324x64xi32, #tpu.memory_space<vmem>> -> memref<1x64xi32, #tpu.memory_space<vmem>>
      %dma_start3A_79 = tpu.memref_squeeze %dma_start3A_78 : memref<1x64xi32, #tpu.memory_space<vmem>> -> memref<64xi32, #tpu.memory_space<vmem>>
      %dma_start3A_80 = arith.constant 0 : i32
      %dma_start3A_81 = arith.constant 0 : i32
      %dma_start3A_82 = tpu.memref_slice %arg4[%dma_start3A_80, %dma_start3A_81] : memref<10000x16xf32, #tpu.memory_space<hbm>> -> memref<10000x16xf32, #tpu.memory_space<hbm>>
      tpu.enqueue_indirect_dma source(%dma_start3A_82 : memref<10000x16xf32, #tpu.memory_space<hbm>>) target(%arg14 : memref<64x16xf32, #tpu.memory_space<vmem>>) offsets(%dma_start3A_79 : memref<64xi32, #tpu.memory_space<vmem>>) semaphore(%arg18 : memref<!tpu.dma_semaphore, #tpu.memory_space<semaphore_mem>>)
      %scan3A = arith.constant 0 : i32
      %scan3A_83 = arith.constant 0 : i32
      %scan3A_84 = arith.constant 162 : i32
      %scan3A_85 = arith.addi %scan3A_83, %scan3A_84 : i32
      %scan3A_86 = arith.constant 1 : i32
      scf.for %scan3A_88 = %scan3A_83 to %scan3A_85 step %scan3A_86  : i32 {
        %mul3A_89 = arith.constant 2 : i32
        %mul3A_90 = arith.muli %mul3A_89, %scan3A_88 : i32
        %add3A_91 = arith.constant 1 : i32
        %add3A_92 = arith.addi %mul3A_90, %add3A_91 : i32
        %dma_wait3A = arith.constant 0 : i32
        %dma_wait3A_93 = tpu.memref_slice %arg10[%mul3A_90, %dma_wait3A] : memref<324x64xi32, #tpu.memory_space<vmem>> -> memref<1x64xi32, #tpu.memory_space<vmem>>
        %dma_wait3A_94 = tpu.memref_squeeze %dma_wait3A_93 : memref<1x64xi32, #tpu.memory_space<vmem>> -> memref<64xi32, #tpu.memory_space<vmem>>
        %dma_wait3A_95 = arith.constant 0 : i32
        %dma_wait3A_96 = arith.constant 0 : i32
        %dma_wait3A_97 = tpu.memref_slice %arg3[%dma_wait3A_95, %dma_wait3A_96] : memref<10000x112xf32, #tpu.memory_space<hbm>> -> memref<10000x112xf32, #tpu.memory_space<hbm>>
        tpu.wait_indirect_dma semaphore(%arg16 : memref<!tpu.dma_semaphore, #tpu.memory_space<semaphore_mem>>) src(%dma_wait3A_97 : memref<10000x112xf32, #tpu.memory_space<hbm>>) dst(%arg12 : memref<64x112xf32, #tpu.memory_space<vmem>>)
        %dma_wait3A_98 = arith.constant 0 : i32
        %dma_wait3A_99 = tpu.memref_slice %arg11[%mul3A_90, %dma_wait3A_98] : memref<324x64xi32, #tpu.memory_space<vmem>> -> memref<1x64xi32, #tpu.memory_space<vmem>>
        %dma_wait3A_100 = tpu.memref_squeeze %dma_wait3A_99 : memref<1x64xi32, #tpu.memory_space<vmem>> -> memref<64xi32, #tpu.memory_space<vmem>>
        %dma_wait3A_101 = arith.constant 0 : i32
        %dma_wait3A_102 = arith.constant 0 : i32
        %dma_wait3A_103 = tpu.memref_slice %arg4[%dma_wait3A_101, %dma_wait3A_102] : memref<10000x16xf32, #tpu.memory_space<hbm>> -> memref<10000x16xf32, #tpu.memory_space<hbm>>
        tpu.wait_indirect_dma semaphore(%arg18 : memref<!tpu.dma_semaphore, #tpu.memory_space<semaphore_mem>>) src(%dma_wait3A_103 : memref<10000x16xf32, #tpu.memory_space<hbm>>) dst(%arg14 : memref<64x16xf32, #tpu.memory_space<vmem>>)
        %dma_start3A_104 = arith.constant 0 : i32
        %dma_start3A_105 = tpu.memref_slice %arg10[%add3A_92, %dma_start3A_104] : memref<324x64xi32, #tpu.memory_space<vmem>> -> memref<1x64xi32, #tpu.memory_space<vmem>>
        %dma_start3A_106 = tpu.memref_squeeze %dma_start3A_105 : memref<1x64xi32, #tpu.memory_space<vmem>> -> memref<64xi32, #tpu.memory_space<vmem>>
        %dma_start3A_107 = arith.constant 0 : i32
        %dma_start3A_108 = arith.constant 0 : i32
        %dma_start3A_109 = tpu.memref_slice %arg3[%dma_start3A_107, %dma_start3A_108] : memref<10000x112xf32, #tpu.memory_space<hbm>> -> memref<10000x112xf32, #tpu.memory_space<hbm>>
        tpu.enqueue_indirect_dma source(%dma_start3A_109 : memref<10000x112xf32, #tpu.memory_space<hbm>>) target(%arg13 : memref<64x112xf32, #tpu.memory_space<vmem>>) offsets(%dma_start3A_106 : memref<64xi32, #tpu.memory_space<vmem>>) semaphore(%arg17 : memref<!tpu.dma_semaphore, #tpu.memory_space<semaphore_mem>>)
        %dma_start3A_110 = arith.constant 0 : i32
        %dma_start3A_111 = tpu.memref_slice %arg11[%add3A_92, %dma_start3A_110] : memref<324x64xi32, #tpu.memory_space<vmem>> -> memref<1x64xi32, #tpu.memory_space<vmem>>
        %dma_start3A_112 = tpu.memref_squeeze %dma_start3A_111 : memref<1x64xi32, #tpu.memory_space<vmem>> -> memref<64xi32, #tpu.memory_space<vmem>>
        %dma_start3A_113 = arith.constant 0 : i32
        %dma_start3A_114 = arith.constant 0 : i32
        %dma_start3A_115 = tpu.memref_slice %arg4[%dma_start3A_113, %dma_start3A_114] : memref<10000x16xf32, #tpu.memory_space<hbm>> -> memref<10000x16xf32, #tpu.memory_space<hbm>>
        tpu.enqueue_indirect_dma source(%dma_start3A_115 : memref<10000x16xf32, #tpu.memory_space<hbm>>) target(%arg15 : memref<64x16xf32, #tpu.memory_space<vmem>>) offsets(%dma_start3A_112 : memref<64xi32, #tpu.memory_space<vmem>>) semaphore(%arg19 : memref<!tpu.dma_semaphore, #tpu.memory_space<semaphore_mem>>)
        %scan3A_116 = arith.constant 0 : i32
        %scan3A_117 = arith.constant 0 : i32
        %scan3A_118 = arith.constant 64 : i32
        %scan3A_119 = arith.addi %scan3A_117, %scan3A_118 : i32
        %scan3A_120 = arith.constant 1 : i32
        scf.for %scan3A_147 = %scan3A_117 to %scan3A_119 step %scan3A_120  : i32 {
          %get3A = arith.index_cast %scan3A_147 : i32 to index
          %get3A_148 = arith.constant 96 : index
          %get3A_149 = tpu.vector_load %arg12[%get3A, %get3A_148] {strides = array<i32>} : memref<64x112xf32, #tpu.memory_space<vmem>>, vector<1x16xf32>,
          %get3A_150 = vector.shape_cast %get3A_149 : vector<1x16xf32> to vector<16xf32>
          %get3A_151 = arith.index_cast %scan3A_147 : i32 to index
          %get3A_152 = arith.constant 0 : index
          %get3A_153 = tpu.vector_load %arg14[%get3A_151, %get3A_152] {strides = array<i32>} : memref<64x16xf32, #tpu.memory_space<vmem>>, vector<1x16xf32>,
          %get3A_154 = vector.shape_cast %get3A_153 : vector<1x16xf32> to vector<16xf32>
          %add3A_155 = arith.addf %get3A_150, %get3A_154 : vector<16xf32>
          %ge3A = arith.constant 0.000000e+00 : f32
          %ge3A_156 = vector.broadcast %ge3A : f32 to vector<16xf32>
          %ge3A_157 = arith.cmpf oge, %add3A_155, %ge3A_156 : vector<16xf32>
          %mul3A_158 = arith.constant 2.000000e-01 : f32
          %mul3A_159 = vector.broadcast %mul3A_158 : f32 to vector<16xf32>
          %mul3A_160 = arith.mulf %mul3A_159, %add3A_155 : vector<16xf32>
          %select_n3A = arith.select %ge3A_157, %add3A_155, %mul3A_160 : vector<16xi1>, vector<16xf32>
          %exp3A = math.exp %select_n3A : vector<16xf32>
          %jit3A = arith.constant 0.000000e+00 : f32
          %broadcast_in_dim3A = vector.broadcast %jit3A : f32 to vector<16xf32>
          %select_n3A_161 = arith.select %lt3A_21, %exp3A, %broadcast_in_dim3A : vector<16xi1>, vector<16xf32>
          %swap3A = arith.index_cast %scan3A_147 : i32 to index
          %swap3A_162 = arith.constant 96 : index
          %swap3A_163 = tpu.vector_load %arg12[%swap3A, %swap3A_162] {strides = array<i32>} : memref<64x112xf32, #tpu.memory_space<vmem>>, vector<1x16xf32>,
          %swap3A_164 = vector.shape_cast %swap3A_163 : vector<1x16xf32> to vector<16xf32>
          %swap3A_165 = vector.shape_cast %select_n3A_161 : vector<16xf32> to vector<1x16xf32>
          tpu.vector_store %arg12[%swap3A, %swap3A_162], %swap3A_165 {strides = array<i32>} : memref<64x112xf32, #tpu.memory_space<vmem>>, vector<1x16xf32>,
          %slice3A = vector.extract_strided_slice %select_n3A_161 {offsets = [0], sizes = [1], strides = [1]} : vector<16xf32> to vector<1xf32>
          %squeeze3A = vector.extract %slice3A[0] : f32 from vector<1xf32>
          %broadcast_in_dim3A_166 = vector.broadcast %squeeze3A : f32 to vector<16xf32>
          %slice3A_167 = vector.extract_strided_slice %select_n3A_161 {offsets = [1], sizes = [1], strides = [1]} : vector<16xf32> to vector<1xf32>
          %squeeze3A_168 = vector.extract %slice3A_167[0] : f32 from vector<1xf32>
          %broadcast_in_dim3A_169 = vector.broadcast %squeeze3A_168 : f32 to vector<16xf32>
          %slice3A_170 = vector.extract_strided_slice %select_n3A_161 {offsets = [2], sizes = [1], strides = [1]} : vector<16xf32> to vector<1xf32>
          %squeeze3A_171 = vector.extract %slice3A_170[0] : f32 from vector<1xf32>
          %broadcast_in_dim3A_172 = vector.broadcast %squeeze3A_171 : f32 to vector<16xf32>
          %get3A_173 = arith.index_cast %scan3A_147 : i32 to index
          %get3A_174 = arith.constant 0 : index
          %get3A_175 = tpu.vector_load %arg12[%get3A_173, %get3A_174] {strides = array<i32>} : memref<64x112xf32, #tpu.memory_space<vmem>>, vector<1x16xf32>,
          %get3A_176 = vector.shape_cast %get3A_175 : vector<1x16xf32> to vector<16xf32>
          %mul3A_177 = arith.mulf %get3A_176, %broadcast_in_dim3A_169 : vector<16xf32>
          %swap3A_178 = arith.index_cast %scan3A_147 : i32 to index
          %swap3A_179 = arith.constant 0 : index
          %swap3A_180 = tpu.vector_load %arg12[%swap3A_178, %swap3A_179] {strides = array<i32>} : memref<64x112xf32, #tpu.memory_space<vmem>>, vector<1x16xf32>,
          %swap3A_181 = vector.shape_cast %swap3A_180 : vector<1x16xf32> to vector<16xf32>
          %swap3A_182 = vector.shape_cast %mul3A_177 : vector<16xf32> to vector<1x16xf32>
          tpu.vector_store %arg12[%swap3A_178, %swap3A_179], %swap3A_182 {strides = array<i32>} : memref<64x112xf32, #tpu.memory_space<vmem>>, vector<1x16xf32>,
          %get3A_183 = arith.index_cast %scan3A_147 : i32 to index
          %get3A_184 = arith.constant 16 : index
          %get3A_185 = tpu.vector_load %arg12[%get3A_183, %get3A_184] {strides = array<i32>} : memref<64x112xf32, #tpu.memory_space<vmem>>, vector<1x16xf32>,
          %get3A_186 = vector.shape_cast %get3A_185 : vector<1x16xf32> to vector<16xf32>
          %mul3A_187 = arith.mulf %get3A_186, %broadcast_in_dim3A_169 : vector<16xf32>
          %swap3A_188 = arith.index_cast %scan3A_147 : i32 to index
          %swap3A_189 = arith.constant 16 : index
          %swap3A_190 = tpu.vector_load %arg12[%swap3A_188, %swap3A_189] {strides = array<i32>} : memref<64x112xf32, #tpu.memory_space<vmem>>, vector<1x16xf32>,
          %swap3A_191 = vector.shape_cast %swap3A_190 : vector<1x16xf32> to vector<16xf32>
          %swap3A_192 = vector.shape_cast %mul3A_187 : vector<16xf32> to vector<1x16xf32>
          tpu.vector_store %arg12[%swap3A_188, %swap3A_189], %swap3A_192 {strides = array<i32>} : memref<64x112xf32, #tpu.memory_space<vmem>>, vector<1x16xf32>,
          %get3A_193 = arith.index_cast %scan3A_147 : i32 to index
          %get3A_194 = arith.constant 32 : index
          %get3A_195 = tpu.vector_load %arg12[%get3A_193, %get3A_194] {strides = array<i32>} : memref<64x112xf32, #tpu.memory_space<vmem>>, vector<1x16xf32>,
          %get3A_196 = vector.shape_cast %get3A_195 : vector<1x16xf32> to vector<16xf32>
          %mul3A_197 = arith.mulf %get3A_196, %broadcast_in_dim3A_172 : vector<16xf32>
          %swap3A_198 = arith.index_cast %scan3A_147 : i32 to index
          %swap3A_199 = arith.constant 32 : index
          %swap3A_200 = tpu.vector_load %arg12[%swap3A_198, %swap3A_199] {strides = array<i32>} : memref<64x112xf32, #tpu.memory_space<vmem>>, vector<1x16xf32>,
          %swap3A_201 = vector.shape_cast %swap3A_200 : vector<1x16xf32> to vector<16xf32>
          %swap3A_202 = vector.shape_cast %mul3A_197 : vector<16xf32> to vector<1x16xf32>
          tpu.vector_store %arg12[%swap3A_198, %swap3A_199], %swap3A_202 {strides = array<i32>} : memref<64x112xf32, #tpu.memory_space<vmem>>, vector<1x16xf32>,
          %get3A_203 = arith.index_cast %scan3A_147 : i32 to index
          %get3A_204 = arith.constant 48 : index
          %get3A_205 = tpu.vector_load %arg12[%get3A_203, %get3A_204] {strides = array<i32>} : memref<64x112xf32, #tpu.memory_space<vmem>>, vector<1x16xf32>,
          %get3A_206 = vector.shape_cast %get3A_205 : vector<1x16xf32> to vector<16xf32>
          %mul3A_207 = arith.mulf %get3A_206, %broadcast_in_dim3A_172 : vector<16xf32>
          %swap3A_208 = arith.index_cast %scan3A_147 : i32 to index
          %swap3A_209 = arith.constant 48 : index
          %swap3A_210 = tpu.vector_load %arg12[%swap3A_208, %swap3A_209] {strides = array<i32>} : memref<64x112xf32, #tpu.memory_space<vmem>>, vector<1x16xf32>,
          %swap3A_211 = vector.shape_cast %swap3A_210 : vector<1x16xf32> to vector<16xf32>
          %swap3A_212 = vector.shape_cast %mul3A_207 : vector<16xf32> to vector<1x16xf32>
          tpu.vector_store %arg12[%swap3A_208, %swap3A_209], %swap3A_212 {strides = array<i32>} : memref<64x112xf32, #tpu.memory_space<vmem>>, vector<1x16xf32>,
          %get3A_213 = arith.index_cast %scan3A_147 : i32 to index
          %get3A_214 = arith.constant 64 : index
          %get3A_215 = tpu.vector_load %arg12[%get3A_213, %get3A_214] {strides = array<i32>} : memref<64x112xf32, #tpu.memory_space<vmem>>, vector<1x16xf32>,
          %get3A_216 = vector.shape_cast %get3A_215 : vector<1x16xf32> to vector<16xf32>
          %mul3A_217 = arith.mulf %get3A_216, %broadcast_in_dim3A_172 : vector<16xf32>
          %swap3A_218 = arith.index_cast %scan3A_147 : i32 to index
          %swap3A_219 = arith.constant 64 : index
          %swap3A_220 = tpu.vector_load %arg12[%swap3A_218, %swap3A_219] {strides = array<i32>} : memref<64x112xf32, #tpu.memory_space<vmem>>, vector<1x16xf32>,
          %swap3A_221 = vector.shape_cast %swap3A_220 : vector<1x16xf32> to vector<16xf32>
          %swap3A_222 = vector.shape_cast %mul3A_217 : vector<16xf32> to vector<1x16xf32>
          tpu.vector_store %arg12[%swap3A_218, %swap3A_219], %swap3A_222 {strides = array<i32>} : memref<64x112xf32, #tpu.memory_space<vmem>>, vector<1x16xf32>,
          %get3A_223 = arith.index_cast %scan3A_147 : i32 to index
          %get3A_224 = arith.constant 80 : index
          %get3A_225 = tpu.vector_load %arg12[%get3A_223, %get3A_224] {strides = array<i32>} : memref<64x112xf32, #tpu.memory_space<vmem>>, vector<1x16xf32>,
          %get3A_226 = vector.shape_cast %get3A_225 : vector<1x16xf32> to vector<16xf32>
          %mul3A_227 = arith.mulf %get3A_226, %broadcast_in_dim3A_172 : vector<16xf32>
          %swap3A_228 = arith.index_cast %scan3A_147 : i32 to index
          %swap3A_229 = arith.constant 80 : index
          %swap3A_230 = tpu.vector_load %arg12[%swap3A_228, %swap3A_229] {strides = array<i32>} : memref<64x112xf32, #tpu.memory_space<vmem>>, vector<1x16xf32>,
          %swap3A_231 = vector.shape_cast %swap3A_230 : vector<1x16xf32> to vector<16xf32>
          %swap3A_232 = vector.shape_cast %mul3A_227 : vector<16xf32> to vector<1x16xf32>
          tpu.vector_store %arg12[%swap3A_228, %swap3A_229], %swap3A_232 {strides = array<i32>} : memref<64x112xf32, #tpu.memory_space<vmem>>, vector<1x16xf32>,
        }
        %scan3A_121 = arith.constant 64 : i32
        "tpu.region"() ({
          %run_scoped3A = tpu.sem_alloc : memref<!tpu.dma_semaphore, #tpu.memory_space<semaphore_mem>>
          %dma_start3A_147 = arith.constant 0 : i32
          %dma_start3A_148 = tpu.memref_slice %arg11[%mul3A_90, %dma_start3A_147] : memref<324x64xi32, #tpu.memory_space<vmem>> -> memref<1x64xi32, #tpu.memory_space<vmem>>
          %dma_start3A_149 = tpu.memref_squeeze %dma_start3A_148 : memref<1x64xi32, #tpu.memory_space<vmem>> -> memref<64xi32, #tpu.memory_space<vmem>>
          %dma_start3A_150 = arith.constant 0 : i32
          %dma_start3A_151 = arith.constant 0 : i32
          %dma_start3A_152 = tpu.memref_slice %arg9[%dma_start3A_150, %dma_start3A_151] : memref<10240x112xf32, #tpu.memory_space<vmem_shared>> -> memref<10240x112xf32, #tpu.memory_space<vmem_shared>>
          tpu.enqueue_indirect_dma source(%arg12 : memref<64x112xf32, #tpu.memory_space<vmem>>) target(%dma_start3A_152 : memref<10240x112xf32, #tpu.memory_space<vmem_shared>>) offsets(%dma_start3A_149 : memref<64xi32, #tpu.memory_space<vmem>>) semaphore(%run_scoped3A : memref<!tpu.dma_semaphore, #tpu.memory_space<semaphore_mem>>) {add = true}
          %dma_wait3A_153 = arith.constant 0 : i32
          %dma_wait3A_154 = tpu.memref_slice %arg11[%mul3A_90, %dma_wait3A_153] : memref<324x64xi32, #tpu.memory_space<vmem>> -> memref<1x64xi32, #tpu.memory_space<vmem>>
          %dma_wait3A_155 = tpu.memref_squeeze %dma_wait3A_154 : memref<1x64xi32, #tpu.memory_space<vmem>> -> memref<64xi32, #tpu.memory_space<vmem>>
          %dma_wait3A_156 = arith.constant 0 : i32
          %dma_wait3A_157 = arith.constant 0 : i32
          %dma_wait3A_158 = tpu.memref_slice %arg9[%dma_wait3A_156, %dma_wait3A_157] : memref<10240x112xf32, #tpu.memory_space<vmem_shared>> -> memref<10240x112xf32, #tpu.memory_space<vmem_shared>>
          tpu.wait_indirect_dma semaphore(%run_scoped3A : memref<!tpu.dma_semaphore, #tpu.memory_space<semaphore_mem>>) src(%arg12 : memref<64x112xf32, #tpu.memory_space<vmem>>) dst(%dma_wait3A_158 : memref<10240x112xf32, #tpu.memory_space<vmem_shared>>)
          tpu.yield
        }) : () -> ()
        %dma_wait3A_122 = arith.constant 0 : i32
        %dma_wait3A_123 = tpu.memref_slice %arg10[%add3A_92, %dma_wait3A_122] : memref<324x64xi32, #tpu.memory_space<vmem>> -> memref<1x64xi32, #tpu.memory_space<vmem>>
        %dma_wait3A_124 = tpu.memref_squeeze %dma_wait3A_123 : memref<1x64xi32, #tpu.memory_space<vmem>> -> memref<64xi32, #tpu.memory_space<vmem>>
        %dma_wait3A_125 = arith.constant 0 : i32
        %dma_wait3A_126 = arith.constant 0 : i32
        %dma_wait3A_127 = tpu.memref_slice %arg3[%dma_wait3A_125, %dma_wait3A_126] : memref<10000x112xf32, #tpu.memory_space<hbm>> -> memref<10000x112xf32, #tpu.memory_space<hbm>>
        tpu.wait_indirect_dma semaphore(%arg17 : memref<!tpu.dma_semaphore, #tpu.memory_space<semaphore_mem>>) src(%dma_wait3A_127 : memref<10000x112xf32, #tpu.memory_space<hbm>>) dst(%arg13 : memref<64x112xf32, #tpu.memory_space<vmem>>)
        %dma_wait3A_128 = arith.constant 0 : i32
        %dma_wait3A_129 = tpu.memref_slice %arg11[%add3A_92, %dma_wait3A_128] : memref<324x64xi32, #tpu.memory_space<vmem>> -> memref<1x64xi32, #tpu.memory_space<vmem>>
        %dma_wait3A_130 = tpu.memref_squeeze %dma_wait3A_129 : memref<1x64xi32, #tpu.memory_space<vmem>> -> memref<64xi32, #tpu.memory_space<vmem>>
        %dma_wait3A_131 = arith.constant 0 : i32
        %dma_wait3A_132 = arith.constant 0 : i32
        %dma_wait3A_133 = tpu.memref_slice %arg4[%dma_wait3A_131, %dma_wait3A_132] : memref<10000x16xf32, #tpu.memory_space<hbm>> -> memref<10000x16xf32, #tpu.memory_space<hbm>>
        tpu.wait_indirect_dma semaphore(%arg19 : memref<!tpu.dma_semaphore, #tpu.memory_space<semaphore_mem>>) src(%dma_wait3A_133 : memref<10000x16xf32, #tpu.memory_space<hbm>>) dst(%arg15 : memref<64x16xf32, #tpu.memory_space<vmem>>)
        %add3A_134 = arith.constant 1 : i32
        %add3A_135 = arith.addi %add3A_92, %add3A_134 : i32
        %lt3A_136 = arith.constant 324 : i32
        %lt3A_137 = arith.cmpi slt, %add3A_135, %lt3A_136 : i32
        %convert_element_type3A_138 = arith.extui %lt3A_137 : i1 to i32
        %cond3A_139 = arith.constant 0 : i32
        %cond3A_140 = arith.cmpi ne, %convert_element_type3A_138, %cond3A_139 : i32
        scf.if %cond3A_140 {
          %add3A_147 = arith.constant 1 : i32
          %add3A_148 = arith.addi %add3A_92, %add3A_147 : i32
          %dma_start3A_149 = arith.constant 0 : i32
          %dma_start3A_150 = tpu.memref_slice %arg10[%add3A_148, %dma_start3A_149] : memref<324x64xi32, #tpu.memory_space<vmem>> -> memref<1x64xi32, #tpu.memory_space<vmem>>
          %dma_start3A_151 = tpu.memref_squeeze %dma_start3A_150 : memref<1x64xi32, #tpu.memory_space<vmem>> -> memref<64xi32, #tpu.memory_space<vmem>>
          %dma_start3A_152 = arith.constant 0 : i32
          %dma_start3A_153 = arith.constant 0 : i32
          %dma_start3A_154 = tpu.memref_slice %arg3[%dma_start3A_152, %dma_start3A_153] : memref<10000x112xf32, #tpu.memory_space<hbm>> -> memref<10000x112xf32, #tpu.memory_space<hbm>>
          tpu.enqueue_indirect_dma source(%dma_start3A_154 : memref<10000x112xf32, #tpu.memory_space<hbm>>) target(%arg12 : memref<64x112xf32, #tpu.memory_space<vmem>>) offsets(%dma_start3A_151 : memref<64xi32, #tpu.memory_space<vmem>>) semaphore(%arg16 : memref<!tpu.dma_semaphore, #tpu.memory_space<semaphore_mem>>)
          %dma_start3A_155 = arith.constant 0 : i32
          %dma_start3A_156 = tpu.memref_slice %arg11[%add3A_148, %dma_start3A_155] : memref<324x64xi32, #tpu.memory_space<vmem>> -> memref<1x64xi32, #tpu.memory_space<vmem>>
          %dma_start3A_157 = tpu.memref_squeeze %dma_start3A_156 : memref<1x64xi32, #tpu.memory_space<vmem>> -> memref<64xi32, #tpu.memory_space<vmem>>
          %dma_start3A_158 = arith.constant 0 : i32
          %dma_start3A_159 = arith.constant 0 : i32
          %dma_start3A_160 = tpu.memref_slice %arg4[%dma_start3A_158, %dma_start3A_159] : memref<10000x16xf32, #tpu.memory_space<hbm>> -> memref<10000x16xf32, #tpu.memory_space<hbm>>
          tpu.enqueue_indirect_dma source(%dma_start3A_160 : memref<10000x16xf32, #tpu.memory_space<hbm>>) target(%arg14 : memref<64x16xf32, #tpu.memory_space<vmem>>) offsets(%dma_start3A_157 : memref<64xi32, #tpu.memory_space<vmem>>) semaphore(%arg18 : memref<!tpu.dma_semaphore, #tpu.memory_space<semaphore_mem>>)
        } else {
        }
        %scan3A_141 = arith.constant 0 : i32
        %scan3A_142 = arith.constant 0 : i32
        %scan3A_143 = arith.constant 64 : i32
        %scan3A_144 = arith.addi %scan3A_142, %scan3A_143 : i32
        %scan3A_145 = arith.constant 1 : i32
        scf.for %scan3A_147 = %scan3A_142 to %scan3A_144 step %scan3A_145  : i32 {
          %get3A = arith.index_cast %scan3A_147 : i32 to index
          %get3A_148 = arith.constant 96 : index
          %get3A_149 = tpu.vector_load %arg13[%get3A, %get3A_148] {strides = array<i32>} : memref<64x112xf32, #tpu.memory_space<vmem>>, vector<1x16xf32>,
          %get3A_150 = vector.shape_cast %get3A_149 : vector<1x16xf32> to vector<16xf32>
          %get3A_151 = arith.index_cast %scan3A_147 : i32 to index
          %get3A_152 = arith.constant 0 : index
          %get3A_153 = tpu.vector_load %arg15[%get3A_151, %get3A_152] {strides = array<i32>} : memref<64x16xf32, #tpu.memory_space<vmem>>, vector<1x16xf32>,
          %get3A_154 = vector.shape_cast %get3A_153 : vector<1x16xf32> to vector<16xf32>
          %add3A_155 = arith.addf %get3A_150, %get3A_154 : vector<16xf32>
          %ge3A = arith.constant 0.000000e+00 : f32
          %ge3A_156 = vector.broadcast %ge3A : f32 to vector<16xf32>
          %ge3A_157 = arith.cmpf oge, %add3A_155, %ge3A_156 : vector<16xf32>
          %mul3A_158 = arith.constant 2.000000e-01 : f32
          %mul3A_159 = vector.broadcast %mul3A_158 : f32 to vector<16xf32>
          %mul3A_160 = arith.mulf %mul3A_159, %add3A_155 : vector<16xf32>
          %select_n3A = arith.select %ge3A_157, %add3A_155, %mul3A_160 : vector<16xi1>, vector<16xf32>
          %exp3A = math.exp %select_n3A : vector<16xf32>
          %jit3A = arith.constant 0.000000e+00 : f32
          %broadcast_in_dim3A = vector.broadcast %jit3A : f32 to vector<16xf32>
          %select_n3A_161 = arith.select %lt3A_21, %exp3A, %broadcast_in_dim3A : vector<16xi1>, vector<16xf32>
          %swap3A = arith.index_cast %scan3A_147 : i32 to index
          %swap3A_162 = arith.constant 96 : index
          %swap3A_163 = tpu.vector_load %arg13[%swap3A, %swap3A_162] {strides = array<i32>} : memref<64x112xf32, #tpu.memory_space<vmem>>, vector<1x16xf32>,
          %swap3A_164 = vector.shape_cast %swap3A_163 : vector<1x16xf32> to vector<16xf32>
          %swap3A_165 = vector.shape_cast %select_n3A_161 : vector<16xf32> to vector<1x16xf32>
          tpu.vector_store %arg13[%swap3A, %swap3A_162], %swap3A_165 {strides = array<i32>} : memref<64x112xf32, #tpu.memory_space<vmem>>, vector<1x16xf32>,
          %slice3A = vector.extract_strided_slice %select_n3A_161 {offsets = [0], sizes = [1], strides = [1]} : vector<16xf32> to vector<1xf32>
          %squeeze3A = vector.extract %slice3A[0] : f32 from vector<1xf32>
          %broadcast_in_dim3A_166 = vector.broadcast %squeeze3A : f32 to vector<16xf32>
          %slice3A_167 = vector.extract_strided_slice %select_n3A_161 {offsets = [1], sizes = [1], strides = [1]} : vector<16xf32> to vector<1xf32>
          %squeeze3A_168 = vector.extract %slice3A_167[0] : f32 from vector<1xf32>
          %broadcast_in_dim3A_169 = vector.broadcast %squeeze3A_168 : f32 to vector<16xf32>
          %slice3A_170 = vector.extract_strided_slice %select_n3A_161 {offsets = [2], sizes = [1], strides = [1]} : vector<16xf32> to vector<1xf32>
          %squeeze3A_171 = vector.extract %slice3A_170[0] : f32 from vector<1xf32>
          %broadcast_in_dim3A_172 = vector.broadcast %squeeze3A_171 : f32 to vector<16xf32>
          %get3A_173 = arith.index_cast %scan3A_147 : i32 to index
          %get3A_174 = arith.constant 0 : index
          %get3A_175 = tpu.vector_load %arg13[%get3A_173, %get3A_174] {strides = array<i32>} : memref<64x112xf32, #tpu.memory_space<vmem>>, vector<1x16xf32>,
          %get3A_176 = vector.shape_cast %get3A_175 : vector<1x16xf32> to vector<16xf32>
          %mul3A_177 = arith.mulf %get3A_176, %broadcast_in_dim3A_169 : vector<16xf32>
          %swap3A_178 = arith.index_cast %scan3A_147 : i32 to index
          %swap3A_179 = arith.constant 0 : index
          %swap3A_180 = tpu.vector_load %arg13[%swap3A_178, %swap3A_179] {strides = array<i32>} : memref<64x112xf32, #tpu.memory_space<vmem>>, vector<1x16xf32>,
          %swap3A_181 = vector.shape_cast %swap3A_180 : vector<1x16xf32> to vector<16xf32>
          %swap3A_182 = vector.shape_cast %mul3A_177 : vector<16xf32> to vector<1x16xf32>
          tpu.vector_store %arg13[%swap3A_178, %swap3A_179], %swap3A_182 {strides = array<i32>} : memref<64x112xf32, #tpu.memory_space<vmem>>, vector<1x16xf32>,
          %get3A_183 = arith.index_cast %scan3A_147 : i32 to index
          %get3A_184 = arith.constant 16 : index
          %get3A_185 = tpu.vector_load %arg13[%get3A_183, %get3A_184] {strides = array<i32>} : memref<64x112xf32, #tpu.memory_space<vmem>>, vector<1x16xf32>,
          %get3A_186 = vector.shape_cast %get3A_185 : vector<1x16xf32> to vector<16xf32>
          %mul3A_187 = arith.mulf %get3A_186, %broadcast_in_dim3A_169 : vector<16xf32>
          %swap3A_188 = arith.index_cast %scan3A_147 : i32 to index
          %swap3A_189 = arith.constant 16 : index
          %swap3A_190 = tpu.vector_load %arg13[%swap3A_188, %swap3A_189] {strides = array<i32>} : memref<64x112xf32, #tpu.memory_space<vmem>>, vector<1x16xf32>,
          %swap3A_191 = vector.shape_cast %swap3A_190 : vector<1x16xf32> to vector<16xf32>
          %swap3A_192 = vector.shape_cast %mul3A_187 : vector<16xf32> to vector<1x16xf32>
          tpu.vector_store %arg13[%swap3A_188, %swap3A_189], %swap3A_192 {strides = array<i32>} : memref<64x112xf32, #tpu.memory_space<vmem>>, vector<1x16xf32>,
          %get3A_193 = arith.index_cast %scan3A_147 : i32 to index
          %get3A_194 = arith.constant 32 : index
          %get3A_195 = tpu.vector_load %arg13[%get3A_193, %get3A_194] {strides = array<i32>} : memref<64x112xf32, #tpu.memory_space<vmem>>, vector<1x16xf32>,
          %get3A_196 = vector.shape_cast %get3A_195 : vector<1x16xf32> to vector<16xf32>
          %mul3A_197 = arith.mulf %get3A_196, %broadcast_in_dim3A_172 : vector<16xf32>
          %swap3A_198 = arith.index_cast %scan3A_147 : i32 to index
          %swap3A_199 = arith.constant 32 : index
          %swap3A_200 = tpu.vector_load %arg13[%swap3A_198, %swap3A_199] {strides = array<i32>} : memref<64x112xf32, #tpu.memory_space<vmem>>, vector<1x16xf32>,
          %swap3A_201 = vector.shape_cast %swap3A_200 : vector<1x16xf32> to vector<16xf32>
          %swap3A_202 = vector.shape_cast %mul3A_197 : vector<16xf32> to vector<1x16xf32>
          tpu.vector_store %arg13[%swap3A_198, %swap3A_199], %swap3A_202 {strides = array<i32>} : memref<64x112xf32, #tpu.memory_space<vmem>>, vector<1x16xf32>,
          %get3A_203 = arith.index_cast %scan3A_147 : i32 to index
          %get3A_204 = arith.constant 48 : index
          %get3A_205 = tpu.vector_load %arg13[%get3A_203, %get3A_204] {strides = array<i32>} : memref<64x112xf32, #tpu.memory_space<vmem>>, vector<1x16xf32>,
          %get3A_206 = vector.shape_cast %get3A_205 : vector<1x16xf32> to vector<16xf32>
          %mul3A_207 = arith.mulf %get3A_206, %broadcast_in_dim3A_172 : vector<16xf32>
          %swap3A_208 = arith.index_cast %scan3A_147 : i32 to index
          %swap3A_209 = arith.constant 48 : index
          %swap3A_210 = tpu.vector_load %arg13[%swap3A_208, %swap3A_209] {strides = array<i32>} : memref<64x112xf32, #tpu.memory_space<vmem>>, vector<1x16xf32>,
          %swap3A_211 = vector.shape_cast %swap3A_210 : vector<1x16xf32> to vector<16xf32>
          %swap3A_212 = vector.shape_cast %mul3A_207 : vector<16xf32> to vector<1x16xf32>
          tpu.vector_store %arg13[%swap3A_208, %swap3A_209], %swap3A_212 {strides = array<i32>} : memref<64x112xf32, #tpu.memory_space<vmem>>, vector<1x16xf32>,
          %get3A_213 = arith.index_cast %scan3A_147 : i32 to index
          %get3A_214 = arith.constant 64 : index
          %get3A_215 = tpu.vector_load %arg13[%get3A_213, %get3A_214] {strides = array<i32>} : memref<64x112xf32, #tpu.memory_space<vmem>>, vector<1x16xf32>,
          %get3A_216 = vector.shape_cast %get3A_215 : vector<1x16xf32> to vector<16xf32>
          %mul3A_217 = arith.mulf %get3A_216, %broadcast_in_dim3A_172 : vector<16xf32>
          %swap3A_218 = arith.index_cast %scan3A_147 : i32 to index
          %swap3A_219 = arith.constant 64 : index
          %swap3A_220 = tpu.vector_load %arg13[%swap3A_218, %swap3A_219] {strides = array<i32>} : memref<64x112xf32, #tpu.memory_space<vmem>>, vector<1x16xf32>,
          %swap3A_221 = vector.shape_cast %swap3A_220 : vector<1x16xf32> to vector<16xf32>
          %swap3A_222 = vector.shape_cast %mul3A_217 : vector<16xf32> to vector<1x16xf32>
          tpu.vector_store %arg13[%swap3A_218, %swap3A_219], %swap3A_222 {strides = array<i32>} : memref<64x112xf32, #tpu.memory_space<vmem>>, vector<1x16xf32>,
          %get3A_223 = arith.index_cast %scan3A_147 : i32 to index
          %get3A_224 = arith.constant 80 : index
          %get3A_225 = tpu.vector_load %arg13[%get3A_223, %get3A_224] {strides = array<i32>} : memref<64x112xf32, #tpu.memory_space<vmem>>, vector<1x16xf32>,
          %get3A_226 = vector.shape_cast %get3A_225 : vector<1x16xf32> to vector<16xf32>
          %mul3A_227 = arith.mulf %get3A_226, %broadcast_in_dim3A_172 : vector<16xf32>
          %swap3A_228 = arith.index_cast %scan3A_147 : i32 to index
          %swap3A_229 = arith.constant 80 : index
          %swap3A_230 = tpu.vector_load %arg13[%swap3A_228, %swap3A_229] {strides = array<i32>} : memref<64x112xf32, #tpu.memory_space<vmem>>, vector<1x16xf32>,
          %swap3A_231 = vector.shape_cast %swap3A_230 : vector<1x16xf32> to vector<16xf32>
          %swap3A_232 = vector.shape_cast %mul3A_227 : vector<16xf32> to vector<1x16xf32>
          tpu.vector_store %arg13[%swap3A_228, %swap3A_229], %swap3A_232 {strides = array<i32>} : memref<64x112xf32, #tpu.memory_space<vmem>>, vector<1x16xf32>,
        }
        %scan3A_146 = arith.constant 64 : i32
        "tpu.region"() ({
          %run_scoped3A = tpu.sem_alloc : memref<!tpu.dma_semaphore, #tpu.memory_space<semaphore_mem>>
          %dma_start3A_147 = arith.constant 0 : i32
          %dma_start3A_148 = tpu.memref_slice %arg11[%add3A_92, %dma_start3A_147] : memref<324x64xi32, #tpu.memory_space<vmem>> -> memref<1x64xi32, #tpu.memory_space<vmem>>
          %dma_start3A_149 = tpu.memref_squeeze %dma_start3A_148 : memref<1x64xi32, #tpu.memory_space<vmem>> -> memref<64xi32, #tpu.memory_space<vmem>>
          %dma_start3A_150 = arith.constant 0 : i32
          %dma_start3A_151 = arith.constant 0 : i32
          %dma_start3A_152 = tpu.memref_slice %arg9[%dma_start3A_150, %dma_start3A_151] : memref<10240x112xf32, #tpu.memory_space<vmem_shared>> -> memref<10240x112xf32, #tpu.memory_space<vmem_shared>>
          tpu.enqueue_indirect_dma source(%arg13 : memref<64x112xf32, #tpu.memory_space<vmem>>) target(%dma_start3A_152 : memref<10240x112xf32, #tpu.memory_space<vmem_shared>>) offsets(%dma_start3A_149 : memref<64xi32, #tpu.memory_space<vmem>>) semaphore(%run_scoped3A : memref<!tpu.dma_semaphore, #tpu.memory_space<semaphore_mem>>) {add = true}
          %dma_wait3A_153 = arith.constant 0 : i32
          %dma_wait3A_154 = tpu.memref_slice %arg11[%add3A_92, %dma_wait3A_153] : memref<324x64xi32, #tpu.memory_space<vmem>> -> memref<1x64xi32, #tpu.memory_space<vmem>>
          %dma_wait3A_155 = tpu.memref_squeeze %dma_wait3A_154 : memref<1x64xi32, #tpu.memory_space<vmem>> -> memref<64xi32, #tpu.memory_space<vmem>>
          %dma_wait3A_156 = arith.constant 0 : i32
          %dma_wait3A_157 = arith.constant 0 : i32
          %dma_wait3A_158 = tpu.memref_slice %arg9[%dma_wait3A_156, %dma_wait3A_157] : memref<10240x112xf32, #tpu.memory_space<vmem_shared>> -> memref<10240x112xf32, #tpu.memory_space<vmem_shared>>
          tpu.wait_indirect_dma semaphore(%run_scoped3A : memref<!tpu.dma_semaphore, #tpu.memory_space<semaphore_mem>>) src(%arg13 : memref<64x112xf32, #tpu.memory_space<vmem>>) dst(%dma_wait3A_158 : memref<10240x112xf32, #tpu.memory_space<vmem_shared>>)
          tpu.yield
        }) : () -> ()
      }
      %scan3A_87 = arith.constant 162 : i32
    } else {
    }
    %barrier3A_29 = arith.constant 0 : index
    tpu.barrier barrier_id(%barrier3A_29)
    %add3A_30 = arith.constant 0 : i32
    %add3A_31 = arith.addi %mul3A_0, %add3A_30 : i32
    "tpu.region"() ({
      %run_scoped3A = tpu.sem_alloc : memref<!tpu.dma_semaphore, #tpu.memory_space<semaphore_mem>>
      %dma_start3A = arith.constant 0 : i32
      %dma_start3A_70 = tpu.memref_slice %arg9[%add3A_31, %dma_start3A] : memref<10240x112xf32, #tpu.memory_space<vmem_shared>> -> memref<64x112xf32, #tpu.memory_space<vmem_shared>>
      %dma_start3A_71 = arith.constant 0 : i32
      %dma_start3A_72 = tpu.memref_slice %arg9[%add3A_31, %dma_start3A_71] : memref<10240x112xf32, #tpu.memory_space<vmem_shared>> -> memref<64x112xf32, #tpu.memory_space<vmem_shared>>
      tpu.enqueue_dma source(%dma_start3A_72 : memref<64x112xf32, #tpu.memory_space<vmem_shared>>) target(%arg12 : memref<64x112xf32, #tpu.memory_space<vmem>>) target_semaphore(%run_scoped3A : memref<!tpu.dma_semaphore, #tpu.memory_space<semaphore_mem>>)
      %dma_wait3A = arith.constant 0 : i32
      %dma_wait3A_73 = tpu.memref_slice %arg9[%add3A_31, %dma_wait3A] : memref<10240x112xf32, #tpu.memory_space<vmem_shared>> -> memref<64x112xf32, #tpu.memory_space<vmem_shared>>
      %dma_wait3A_74 = arith.constant 0 : i32
      %dma_wait3A_75 = tpu.memref_slice %arg9[%add3A_31, %dma_wait3A_74] : memref<10240x112xf32, #tpu.memory_space<vmem_shared>> -> memref<64x112xf32, #tpu.memory_space<vmem_shared>>
      tpu.wait_dma2 semaphore(%run_scoped3A : memref<!tpu.dma_semaphore, #tpu.memory_space<semaphore_mem>>) src(%dma_wait3A_75 : memref<64x112xf32, #tpu.memory_space<vmem_shared>>) dst(%arg12 : memref<64x112xf32, #tpu.memory_space<vmem>>)
      tpu.yield
    }) : () -> ()
    %add3A_32 = arith.constant 0 : i32
    %add3A_33 = arith.addi %mul3A_0, %add3A_32 : i32
    "tpu.region"() ({
      %run_scoped3A = tpu.sem_alloc : memref<!tpu.dma_semaphore, #tpu.memory_space<semaphore_mem>>
      %dma_start3A = arith.constant 0 : i32
      %dma_start3A_70 = tpu.memref_slice %arg8[%arg0, %add3A_33, %dma_start3A] : memref<2x10240x112xf32, #tpu.memory_space<hbm>> -> memref<1x64x112xf32, #tpu.memory_space<hbm>>
      %dma_start3A_71 = tpu.memref_squeeze %dma_start3A_70 : memref<1x64x112xf32, #tpu.memory_space<hbm>> -> memref<64x112xf32, #tpu.memory_space<hbm>>
      %dma_start3A_72 = arith.constant 0 : i32
      %dma_start3A_73 = tpu.memref_slice %arg8[%arg0, %add3A_33, %dma_start3A_72] : memref<2x10240x112xf32, #tpu.memory_space<hbm>> -> memref<1x64x112xf32, #tpu.memory_space<hbm>>
      %dma_start3A_74 = tpu.memref_squeeze %dma_start3A_73 : memref<1x64x112xf32, #tpu.memory_space<hbm>> -> memref<64x112xf32, #tpu.memory_space<hbm>>
      tpu.enqueue_dma source(%arg12 : memref<64x112xf32, #tpu.memory_space<vmem>>) target(%dma_start3A_74 : memref<64x112xf32, #tpu.memory_space<hbm>>) target_semaphore(%run_scoped3A : memref<!tpu.dma_semaphore, #tpu.memory_space<semaphore_mem>>)
      %dma_wait3A = arith.constant 0 : i32
      %dma_wait3A_75 = tpu.memref_slice %arg8[%arg0, %add3A_33, %dma_wait3A] : memref<2x10240x112xf32, #tpu.memory_space<hbm>> -> memref<1x64x112xf32, #tpu.memory_space<hbm>>
      %dma_wait3A_76 = tpu.memref_squeeze %dma_wait3A_75 : memref<1x64x112xf32, #tpu.memory_space<hbm>> -> memref<64x112xf32, #tpu.memory_space<hbm>>
      %dma_wait3A_77 = arith.constant 0 : i32
      %dma_wait3A_78 = tpu.memref_slice %arg8[%arg0, %add3A_33, %dma_wait3A_77] : memref<2x10240x112xf32, #tpu.memory_space<hbm>> -> memref<1x64x112xf32, #tpu.memory_space<hbm>>
      %dma_wait3A_79 = tpu.memref_squeeze %dma_wait3A_78 : memref<1x64x112xf32, #tpu.memory_space<hbm>> -> memref<64x112xf32, #tpu.memory_space<hbm>>
      tpu.wait_dma2 semaphore(%run_scoped3A : memref<!tpu.dma_semaphore, #tpu.memory_space<semaphore_mem>>) src(%arg12 : memref<64x112xf32, #tpu.memory_space<vmem>>) dst(%dma_wait3A_79 : memref<64x112xf32, #tpu.memory_space<hbm>>)
      tpu.yield
    }) : () -> ()
    %add3A_34 = arith.constant 64 : i32
    %add3A_35 = arith.addi %mul3A_0, %add3A_34 : i32
    "tpu.region"() ({
      %run_scoped3A = tpu.sem_alloc : memref<!tpu.dma_semaphore, #tpu.memory_space<semaphore_mem>>
      %dma_start3A = arith.constant 0 : i32
      %dma_start3A_70 = tpu.memref_slice %arg9[%add3A_35, %dma_start3A] : memref<10240x112xf32, #tpu.memory_space<vmem_shared>> -> memref<64x112xf32, #tpu.memory_space<vmem_shared>>
      %dma_start3A_71 = arith.constant 0 : i32
      %dma_start3A_72 = tpu.memref_slice %arg9[%add3A_35, %dma_start3A_71] : memref<10240x112xf32, #tpu.memory_space<vmem_shared>> -> memref<64x112xf32, #tpu.memory_space<vmem_shared>>
      tpu.enqueue_dma source(%dma_start3A_72 : memref<64x112xf32, #tpu.memory_space<vmem_shared>>) target(%arg12 : memref<64x112xf32, #tpu.memory_space<vmem>>) target_semaphore(%run_scoped3A : memref<!tpu.dma_semaphore, #tpu.memory_space<semaphore_mem>>)
      %dma_wait3A = arith.constant 0 : i32
      %dma_wait3A_73 = tpu.memref_slice %arg9[%add3A_35, %dma_wait3A] : memref<10240x112xf32, #tpu.memory_space<vmem_shared>> -> memref<64x112xf32, #tpu.memory_space<vmem_shared>>
      %dma_wait3A_74 = arith.constant 0 : i32
      %dma_wait3A_75 = tpu.memref_slice %arg9[%add3A_35, %dma_wait3A_74] : memref<10240x112xf32, #tpu.memory_space<vmem_shared>> -> memref<64x112xf32, #tpu.memory_space<vmem_shared>>
      tpu.wait_dma2 semaphore(%run_scoped3A : memref<!tpu.dma_semaphore, #tpu.memory_space<semaphore_mem>>) src(%dma_wait3A_75 : memref<64x112xf32, #tpu.memory_space<vmem_shared>>) dst(%arg12 : memref<64x112xf32, #tpu.memory_space<vmem>>)
      tpu.yield
    }) : () -> ()
    %add3A_36 = arith.constant 64 : i32
    %add3A_37 = arith.addi %mul3A_0, %add3A_36 : i32
    "tpu.region"() ({
      %run_scoped3A = tpu.sem_alloc : memref<!tpu.dma_semaphore, #tpu.memory_space<semaphore_mem>>
      %dma_start3A = arith.constant 0 : i32
      %dma_start3A_70 = tpu.memref_slice %arg8[%arg0, %add3A_37, %dma_start3A] : memref<2x10240x112xf32, #tpu.memory_space<hbm>> -> memref<1x64x112xf32, #tpu.memory_space<hbm>>
      %dma_start3A_71 = tpu.memref_squeeze %dma_start3A_70 : memref<1x64x112xf32, #tpu.memory_space<hbm>> -> memref<64x112xf32, #tpu.memory_space<hbm>>
      %dma_start3A_72 = arith.constant 0 : i32
      %dma_start3A_73 = tpu.memref_slice %arg8[%arg0, %add3A_37, %dma_start3A_72] : memref<2x10240x112xf32, #tpu.memory_space<hbm>> -> memref<1x64x112xf32, #tpu.memory_space<hbm>>
      %dma_start3A_74 = tpu.memref_squeeze %dma_start3A_73 : memref<1x64x112xf32, #tpu.memory_space<hbm>> -> memref<64x112xf32, #tpu.memory_space<hbm>>
      tpu.enqueue_dma source(%arg12 : memref<64x112xf32, #tpu.memory_space<vmem>>) target(%dma_start3A_74 : memref<64x112xf32, #tpu.memory_space<hbm>>) target_semaphore(%run_scoped3A : memref<!tpu.dma_semaphore, #tpu.memory_space<semaphore_mem>>)
      %dma_wait3A = arith.constant 0 : i32
      %dma_wait3A_75 = tpu.memref_slice %arg8[%arg0, %add3A_37, %dma_wait3A] : memref<2x10240x112xf32, #tpu.memory_space<hbm>> -> memref<1x64x112xf32, #tpu.memory_space<hbm>>
      %dma_wait3A_76 = tpu.memref_squeeze %dma_wait3A_75 : memref<1x64x112xf32, #tpu.memory_space<hbm>> -> memref<64x112xf32, #tpu.memory_space<hbm>>
      %dma_wait3A_77 = arith.constant 0 : i32
      %dma_wait3A_78 = tpu.memref_slice %arg8[%arg0, %add3A_37, %dma_wait3A_77] : memref<2x10240x112xf32, #tpu.memory_space<hbm>> -> memref<1x64x112xf32, #tpu.memory_space<hbm>>
      %dma_wait3A_79 = tpu.memref_squeeze %dma_wait3A_78 : memref<1x64x112xf32, #tpu.memory_space<hbm>> -> memref<64x112xf32, #tpu.memory_space<hbm>>
      tpu.wait_dma2 semaphore(%run_scoped3A : memref<!tpu.dma_semaphore, #tpu.memory_space<semaphore_mem>>) src(%arg12 : memref<64x112xf32, #tpu.memory_space<vmem>>) dst(%dma_wait3A_79 : memref<64x112xf32, #tpu.memory_space<hbm>>)
      tpu.yield
    }) : () -> ()
    %add3A_38 = arith.constant 128 : i32
    %add3A_39 = arith.addi %mul3A_0, %add3A_38 : i32
    "tpu.region"() ({
      %run_scoped3A = tpu.sem_alloc : memref<!tpu.dma_semaphore, #tpu.memory_space<semaphore_mem>>
      %dma_start3A = arith.constant 0 : i32
      %dma_start3A_70 = tpu.memref_slice %arg9[%add3A_39, %dma_start3A] : memref<10240x112xf32, #tpu.memory_space<vmem_shared>> -> memref<64x112xf32, #tpu.memory_space<vmem_shared>>
      %dma_start3A_71 = arith.constant 0 : i32
      %dma_start3A_72 = tpu.memref_slice %arg9[%add3A_39, %dma_start3A_71] : memref<10240x112xf32, #tpu.memory_space<vmem_shared>> -> memref<64x112xf32, #tpu.memory_space<vmem_shared>>
      tpu.enqueue_dma source(%dma_start3A_72 : memref<64x112xf32, #tpu.memory_space<vmem_shared>>) target(%arg12 : memref<64x112xf32, #tpu.memory_space<vmem>>) target_semaphore(%run_scoped3A : memref<!tpu.dma_semaphore, #tpu.memory_space<semaphore_mem>>)
      %dma_wait3A = arith.constant 0 : i32
      %dma_wait3A_73 = tpu.memref_slice %arg9[%add3A_39, %dma_wait3A] : memref<10240x112xf32, #tpu.memory_space<vmem_shared>> -> memref<64x112xf32, #tpu.memory_space<vmem_shared>>
      %dma_wait3A_74 = arith.constant 0 : i32
      %dma_wait3A_75 = tpu.memref_slice %arg9[%add3A_39, %dma_wait3A_74] : memref<10240x112xf32, #tpu.memory_space<vmem_shared>> -> memref<64x112xf32, #tpu.memory_space<vmem_shared>>
      tpu.wait_dma2 semaphore(%run_scoped3A : memref<!tpu.dma_semaphore, #tpu.memory_space<semaphore_mem>>) src(%dma_wait3A_75 : memref<64x112xf32, #tpu.memory_space<vmem_shared>>) dst(%arg12 : memref<64x112xf32, #tpu.memory_space<vmem>>)
      tpu.yield
    }) : () -> ()
    %add3A_40 = arith.constant 128 : i32
    %add3A_41 = arith.addi %mul3A_0, %add3A_40 : i32
    "tpu.region"() ({
      %run_scoped3A = tpu.sem_alloc : memref<!tpu.dma_semaphore, #tpu.memory_space<semaphore_mem>>
      %dma_start3A = arith.constant 0 : i32
      %dma_start3A_70 = tpu.memref_slice %arg8[%arg0, %add3A_41, %dma_start3A] : memref<2x10240x112xf32, #tpu.memory_space<hbm>> -> memref<1x64x112xf32, #tpu.memory_space<hbm>>
      %dma_start3A_71 = tpu.memref_squeeze %dma_start3A_70 : memref<1x64x112xf32, #tpu.memory_space<hbm>> -> memref<64x112xf32, #tpu.memory_space<hbm>>
      %dma_start3A_72 = arith.constant 0 : i32
      %dma_start3A_73 = tpu.memref_slice %arg8[%arg0, %add3A_41, %dma_start3A_72] : memref<2x10240x112xf32, #tpu.memory_space<hbm>> -> memref<1x64x112xf32, #tpu.memory_space<hbm>>
      %dma_start3A_74 = tpu.memref_squeeze %dma_start3A_73 : memref<1x64x112xf32, #tpu.memory_space<hbm>> -> memref<64x112xf32, #tpu.memory_space<hbm>>
      tpu.enqueue_dma source(%arg12 : memref<64x112xf32, #tpu.memory_space<vmem>>) target(%dma_start3A_74 : memref<64x112xf32, #tpu.memory_space<hbm>>) target_semaphore(%run_scoped3A : memref<!tpu.dma_semaphore, #tpu.memory_space<semaphore_mem>>)
      %dma_wait3A = arith.constant 0 : i32
      %dma_wait3A_75 = tpu.memref_slice %arg8[%arg0, %add3A_41, %dma_wait3A] : memref<2x10240x112xf32, #tpu.memory_space<hbm>> -> memref<1x64x112xf32, #tpu.memory_space<hbm>>
      %dma_wait3A_76 = tpu.memref_squeeze %dma_wait3A_75 : memref<1x64x112xf32, #tpu.memory_space<hbm>> -> memref<64x112xf32, #tpu.memory_space<hbm>>
      %dma_wait3A_77 = arith.constant 0 : i32
      %dma_wait3A_78 = tpu.memref_slice %arg8[%arg0, %add3A_41, %dma_wait3A_77] : memref<2x10240x112xf32, #tpu.memory_space<hbm>> -> memref<1x64x112xf32, #tpu.memory_space<hbm>>
      %dma_wait3A_79 = tpu.memref_squeeze %dma_wait3A_78 : memref<1x64x112xf32, #tpu.memory_space<hbm>> -> memref<64x112xf32, #tpu.memory_space<hbm>>
      tpu.wait_dma2 semaphore(%run_scoped3A : memref<!tpu.dma_semaphore, #tpu.memory_space<semaphore_mem>>) src(%arg12 : memref<64x112xf32, #tpu.memory_space<vmem>>) dst(%dma_wait3A_79 : memref<64x112xf32, #tpu.memory_space<hbm>>)
      tpu.yield
    }) : () -> ()
    %add3A_42 = arith.constant 192 : i32
    %add3A_43 = arith.addi %mul3A_0, %add3A_42 : i32
    "tpu.region"() ({
      %run_scoped3A = tpu.sem_alloc : memref<!tpu.dma_semaphore, #tpu.memory_space<semaphore_mem>>
      %dma_start3A = arith.constant 0 : i32
      %dma_start3A_70 = tpu.memref_slice %arg9[%add3A_43, %dma_start3A] : memref<10240x112xf32, #tpu.memory_space<vmem_shared>> -> memref<64x112xf32, #tpu.memory_space<vmem_shared>>
      %dma_start3A_71 = arith.constant 0 : i32
      %dma_start3A_72 = tpu.memref_slice %arg9[%add3A_43, %dma_start3A_71] : memref<10240x112xf32, #tpu.memory_space<vmem_shared>> -> memref<64x112xf32, #tpu.memory_space<vmem_shared>>
      tpu.enqueue_dma source(%dma_start3A_72 : memref<64x112xf32, #tpu.memory_space<vmem_shared>>) target(%arg12 : memref<64x112xf32, #tpu.memory_space<vmem>>) target_semaphore(%run_scoped3A : memref<!tpu.dma_semaphore, #tpu.memory_space<semaphore_mem>>)
      %dma_wait3A = arith.constant 0 : i32
      %dma_wait3A_73 = tpu.memref_slice %arg9[%add3A_43, %dma_wait3A] : memref<10240x112xf32, #tpu.memory_space<vmem_shared>> -> memref<64x112xf32, #tpu.memory_space<vmem_shared>>
      %dma_wait3A_74 = arith.constant 0 : i32
      %dma_wait3A_75 = tpu.memref_slice %arg9[%add3A_43, %dma_wait3A_74] : memref<10240x112xf32, #tpu.memory_space<vmem_shared>> -> memref<64x112xf32, #tpu.memory_space<vmem_shared>>
      tpu.wait_dma2 semaphore(%run_scoped3A : memref<!tpu.dma_semaphore, #tpu.memory_space<semaphore_mem>>) src(%dma_wait3A_75 : memref<64x112xf32, #tpu.memory_space<vmem_shared>>) dst(%arg12 : memref<64x112xf32, #tpu.memory_space<vmem>>)
      tpu.yield
    }) : () -> ()
    %add3A_44 = arith.constant 192 : i32
    %add3A_45 = arith.addi %mul3A_0, %add3A_44 : i32
    "tpu.region"() ({
      %run_scoped3A = tpu.sem_alloc : memref<!tpu.dma_semaphore, #tpu.memory_space<semaphore_mem>>
      %dma_start3A = arith.constant 0 : i32
      %dma_start3A_70 = tpu.memref_slice %arg8[%arg0, %add3A_45, %dma_start3A] : memref<2x10240x112xf32, #tpu.memory_space<hbm>> -> memref<1x64x112xf32, #tpu.memory_space<hbm>>
      %dma_start3A_71 = tpu.memref_squeeze %dma_start3A_70 : memref<1x64x112xf32, #tpu.memory_space<hbm>> -> memref<64x112xf32, #tpu.memory_space<hbm>>
      %dma_start3A_72 = arith.constant 0 : i32
      %dma_start3A_73 = tpu.memref_slice %arg8[%arg0, %add3A_45, %dma_start3A_72] : memref<2x10240x112xf32, #tpu.memory_space<hbm>> -> memref<1x64x112xf32, #tpu.memory_space<hbm>>
      %dma_start3A_74 = tpu.memref_squeeze %dma_start3A_73 : memref<1x64x112xf32, #tpu.memory_space<hbm>> -> memref<64x112xf32, #tpu.memory_space<hbm>>
      tpu.enqueue_dma source(%arg12 : memref<64x112xf32, #tpu.memory_space<vmem>>) target(%dma_start3A_74 : memref<64x112xf32, #tpu.memory_space<hbm>>) target_semaphore(%run_scoped3A : memref<!tpu.dma_semaphore, #tpu.memory_space<semaphore_mem>>)
      %dma_wait3A = arith.constant 0 : i32
      %dma_wait3A_75 = tpu.memref_slice %arg8[%arg0, %add3A_45, %dma_wait3A] : memref<2x10240x112xf32, #tpu.memory_space<hbm>> -> memref<1x64x112xf32, #tpu.memory_space<hbm>>
      %dma_wait3A_76 = tpu.memref_squeeze %dma_wait3A_75 : memref<1x64x112xf32, #tpu.memory_space<hbm>> -> memref<64x112xf32, #tpu.memory_space<hbm>>
      %dma_wait3A_77 = arith.constant 0 : i32
      %dma_wait3A_78 = tpu.memref_slice %arg8[%arg0, %add3A_45, %dma_wait3A_77] : memref<2x10240x112xf32, #tpu.memory_space<hbm>> -> memref<1x64x112xf32, #tpu.memory_space<hbm>>
      %dma_wait3A_79 = tpu.memref_squeeze %dma_wait3A_78 : memref<1x64x112xf32, #tpu.memory_space<hbm>> -> memref<64x112xf32, #tpu.memory_space<hbm>>
      tpu.wait_dma2 semaphore(%run_scoped3A : memref<!tpu.dma_semaphore, #tpu.memory_space<semaphore_mem>>) src(%arg12 : memref<64x112xf32, #tpu.memory_space<vmem>>) dst(%dma_wait3A_79 : memref<64x112xf32, #tpu.memory_space<hbm>>)
      tpu.yield
    }) : () -> ()
    %add3A_46 = arith.constant 256 : i32
    %add3A_47 = arith.addi %mul3A_0, %add3A_46 : i32
    "tpu.region"() ({
      %run_scoped3A = tpu.sem_alloc : memref<!tpu.dma_semaphore, #tpu.memory_space<semaphore_mem>>
      %dma_start3A = arith.constant 0 : i32
      %dma_start3A_70 = tpu.memref_slice %arg9[%add3A_47, %dma_start3A] : memref<10240x112xf32, #tpu.memory_space<vmem_shared>> -> memref<64x112xf32, #tpu.memory_space<vmem_shared>>
      %dma_start3A_71 = arith.constant 0 : i32
      %dma_start3A_72 = tpu.memref_slice %arg9[%add3A_47, %dma_start3A_71] : memref<10240x112xf32, #tpu.memory_space<vmem_shared>> -> memref<64x112xf32, #tpu.memory_space<vmem_shared>>
      tpu.enqueue_dma source(%dma_start3A_72 : memref<64x112xf32, #tpu.memory_space<vmem_shared>>) target(%arg12 : memref<64x112xf32, #tpu.memory_space<vmem>>) target_semaphore(%run_scoped3A : memref<!tpu.dma_semaphore, #tpu.memory_space<semaphore_mem>>)
      %dma_wait3A = arith.constant 0 : i32
      %dma_wait3A_73 = tpu.memref_slice %arg9[%add3A_47, %dma_wait3A] : memref<10240x112xf32, #tpu.memory_space<vmem_shared>> -> memref<64x112xf32, #tpu.memory_space<vmem_shared>>
      %dma_wait3A_74 = arith.constant 0 : i32
      %dma_wait3A_75 = tpu.memref_slice %arg9[%add3A_47, %dma_wait3A_74] : memref<10240x112xf32, #tpu.memory_space<vmem_shared>> -> memref<64x112xf32, #tpu.memory_space<vmem_shared>>
      tpu.wait_dma2 semaphore(%run_scoped3A : memref<!tpu.dma_semaphore, #tpu.memory_space<semaphore_mem>>) src(%dma_wait3A_75 : memref<64x112xf32, #tpu.memory_space<vmem_shared>>) dst(%arg12 : memref<64x112xf32, #tpu.memory_space<vmem>>)
      tpu.yield
    }) : () -> ()
    %add3A_48 = arith.constant 256 : i32
    %add3A_49 = arith.addi %mul3A_0, %add3A_48 : i32
    "tpu.region"() ({
      %run_scoped3A = tpu.sem_alloc : memref<!tpu.dma_semaphore, #tpu.memory_space<semaphore_mem>>
      %dma_start3A = arith.constant 0 : i32
      %dma_start3A_70 = tpu.memref_slice %arg8[%arg0, %add3A_49, %dma_start3A] : memref<2x10240x112xf32, #tpu.memory_space<hbm>> -> memref<1x64x112xf32, #tpu.memory_space<hbm>>
      %dma_start3A_71 = tpu.memref_squeeze %dma_start3A_70 : memref<1x64x112xf32, #tpu.memory_space<hbm>> -> memref<64x112xf32, #tpu.memory_space<hbm>>
      %dma_start3A_72 = arith.constant 0 : i32
      %dma_start3A_73 = tpu.memref_slice %arg8[%arg0, %add3A_49, %dma_start3A_72] : memref<2x10240x112xf32, #tpu.memory_space<hbm>> -> memref<1x64x112xf32, #tpu.memory_space<hbm>>
      %dma_start3A_74 = tpu.memref_squeeze %dma_start3A_73 : memref<1x64x112xf32, #tpu.memory_space<hbm>> -> memref<64x112xf32, #tpu.memory_space<hbm>>
      tpu.enqueue_dma source(%arg12 : memref<64x112xf32, #tpu.memory_space<vmem>>) target(%dma_start3A_74 : memref<64x112xf32, #tpu.memory_space<hbm>>) target_semaphore(%run_scoped3A : memref<!tpu.dma_semaphore, #tpu.memory_space<semaphore_mem>>)
      %dma_wait3A = arith.constant 0 : i32
      %dma_wait3A_75 = tpu.memref_slice %arg8[%arg0, %add3A_49, %dma_wait3A] : memref<2x10240x112xf32, #tpu.memory_space<hbm>> -> memref<1x64x112xf32, #tpu.memory_space<hbm>>
      %dma_wait3A_76 = tpu.memref_squeeze %dma_wait3A_75 : memref<1x64x112xf32, #tpu.memory_space<hbm>> -> memref<64x112xf32, #tpu.memory_space<hbm>>
      %dma_wait3A_77 = arith.constant 0 : i32
      %dma_wait3A_78 = tpu.memref_slice %arg8[%arg0, %add3A_49, %dma_wait3A_77] : memref<2x10240x112xf32, #tpu.memory_space<hbm>> -> memref<1x64x112xf32, #tpu.memory_space<hbm>>
      %dma_wait3A_79 = tpu.memref_squeeze %dma_wait3A_78 : memref<1x64x112xf32, #tpu.memory_space<hbm>> -> memref<64x112xf32, #tpu.memory_space<hbm>>
      tpu.wait_dma2 semaphore(%run_scoped3A : memref<!tpu.dma_semaphore, #tpu.memory_space<semaphore_mem>>) src(%arg12 : memref<64x112xf32, #tpu.memory_space<vmem>>) dst(%dma_wait3A_79 : memref<64x112xf32, #tpu.memory_space<hbm>>)
      tpu.yield
    }) : () -> ()
    %add3A_50 = arith.constant 320 : i32
    %add3A_51 = arith.addi %mul3A_0, %add3A_50 : i32
    "tpu.region"() ({
      %run_scoped3A = tpu.sem_alloc : memref<!tpu.dma_semaphore, #tpu.memory_space<semaphore_mem>>
      %dma_start3A = arith.constant 0 : i32
      %dma_start3A_70 = tpu.memref_slice %arg9[%add3A_51, %dma_start3A] : memref<10240x112xf32, #tpu.memory_space<vmem_shared>> -> memref<64x112xf32, #tpu.memory_space<vmem_shared>>
      %dma_start3A_71 = arith.constant 0 : i32
      %dma_start3A_72 = tpu.memref_slice %arg9[%add3A_51, %dma_start3A_71] : memref<10240x112xf32, #tpu.memory_space<vmem_shared>> -> memref<64x112xf32, #tpu.memory_space<vmem_shared>>
      tpu.enqueue_dma source(%dma_start3A_72 : memref<64x112xf32, #tpu.memory_space<vmem_shared>>) target(%arg12 : memref<64x112xf32, #tpu.memory_space<vmem>>) target_semaphore(%run_scoped3A : memref<!tpu.dma_semaphore, #tpu.memory_space<semaphore_mem>>)
      %dma_wait3A = arith.constant 0 : i32
      %dma_wait3A_73 = tpu.memref_slice %arg9[%add3A_51, %dma_wait3A] : memref<10240x112xf32, #tpu.memory_space<vmem_shared>> -> memref<64x112xf32, #tpu.memory_space<vmem_shared>>
      %dma_wait3A_74 = arith.constant 0 : i32
      %dma_wait3A_75 = tpu.memref_slice %arg9[%add3A_51, %dma_wait3A_74] : memref<10240x112xf32, #tpu.memory_space<vmem_shared>> -> memref<64x112xf32, #tpu.memory_space<vmem_shared>>
      tpu.wait_dma2 semaphore(%run_scoped3A : memref<!tpu.dma_semaphore, #tpu.memory_space<semaphore_mem>>) src(%dma_wait3A_75 : memref<64x112xf32, #tpu.memory_space<vmem_shared>>) dst(%arg12 : memref<64x112xf32, #tpu.memory_space<vmem>>)
      tpu.yield
    }) : () -> ()
    %add3A_52 = arith.constant 320 : i32
    %add3A_53 = arith.addi %mul3A_0, %add3A_52 : i32
    "tpu.region"() ({
      %run_scoped3A = tpu.sem_alloc : memref<!tpu.dma_semaphore, #tpu.memory_space<semaphore_mem>>
      %dma_start3A = arith.constant 0 : i32
      %dma_start3A_70 = tpu.memref_slice %arg8[%arg0, %add3A_53, %dma_start3A] : memref<2x10240x112xf32, #tpu.memory_space<hbm>> -> memref<1x64x112xf32, #tpu.memory_space<hbm>>
      %dma_start3A_71 = tpu.memref_squeeze %dma_start3A_70 : memref<1x64x112xf32, #tpu.memory_space<hbm>> -> memref<64x112xf32, #tpu.memory_space<hbm>>
      %dma_start3A_72 = arith.constant 0 : i32
      %dma_start3A_73 = tpu.memref_slice %arg8[%arg0, %add3A_53, %dma_start3A_72] : memref<2x10240x112xf32, #tpu.memory_space<hbm>> -> memref<1x64x112xf32, #tpu.memory_space<hbm>>
      %dma_start3A_74 = tpu.memref_squeeze %dma_start3A_73 : memref<1x64x112xf32, #tpu.memory_space<hbm>> -> memref<64x112xf32, #tpu.memory_space<hbm>>
      tpu.enqueue_dma source(%arg12 : memref<64x112xf32, #tpu.memory_space<vmem>>) target(%dma_start3A_74 : memref<64x112xf32, #tpu.memory_space<hbm>>) target_semaphore(%run_scoped3A : memref<!tpu.dma_semaphore, #tpu.memory_space<semaphore_mem>>)
      %dma_wait3A = arith.constant 0 : i32
      %dma_wait3A_75 = tpu.memref_slice %arg8[%arg0, %add3A_53, %dma_wait3A] : memref<2x10240x112xf32, #tpu.memory_space<hbm>> -> memref<1x64x112xf32, #tpu.memory_space<hbm>>
      %dma_wait3A_76 = tpu.memref_squeeze %dma_wait3A_75 : memref<1x64x112xf32, #tpu.memory_space<hbm>> -> memref<64x112xf32, #tpu.memory_space<hbm>>
      %dma_wait3A_77 = arith.constant 0 : i32
      %dma_wait3A_78 = tpu.memref_slice %arg8[%arg0, %add3A_53, %dma_wait3A_77] : memref<2x10240x112xf32, #tpu.memory_space<hbm>> -> memref<1x64x112xf32, #tpu.memory_space<hbm>>
      %dma_wait3A_79 = tpu.memref_squeeze %dma_wait3A_78 : memref<1x64x112xf32, #tpu.memory_space<hbm>> -> memref<64x112xf32, #tpu.memory_space<hbm>>
      tpu.wait_dma2 semaphore(%run_scoped3A : memref<!tpu.dma_semaphore, #tpu.memory_space<semaphore_mem>>) src(%arg12 : memref<64x112xf32, #tpu.memory_space<vmem>>) dst(%dma_wait3A_79 : memref<64x112xf32, #tpu.memory_space<hbm>>)
      tpu.yield
    }) : () -> ()
    %add3A_54 = arith.constant 384 : i32
    %add3A_55 = arith.addi %mul3A_0, %add3A_54 : i32
    "tpu.region"() ({
      %run_scoped3A = tpu.sem_alloc : memref<!tpu.dma_semaphore, #tpu.memory_space<semaphore_mem>>
      %dma_start3A = arith.constant 0 : i32
      %dma_start3A_70 = tpu.memref_slice %arg9[%add3A_55, %dma_start3A] : memref<10240x112xf32, #tpu.memory_space<vmem_shared>> -> memref<64x112xf32, #tpu.memory_space<vmem_shared>>
      %dma_start3A_71 = arith.constant 0 : i32
      %dma_start3A_72 = tpu.memref_slice %arg9[%add3A_55, %dma_start3A_71] : memref<10240x112xf32, #tpu.memory_space<vmem_shared>> -> memref<64x112xf32, #tpu.memory_space<vmem_shared>>
      tpu.enqueue_dma source(%dma_start3A_72 : memref<64x112xf32, #tpu.memory_space<vmem_shared>>) target(%arg12 : memref<64x112xf32, #tpu.memory_space<vmem>>) target_semaphore(%run_scoped3A : memref<!tpu.dma_semaphore, #tpu.memory_space<semaphore_mem>>)
      %dma_wait3A = arith.constant 0 : i32
      %dma_wait3A_73 = tpu.memref_slice %arg9[%add3A_55, %dma_wait3A] : memref<10240x112xf32, #tpu.memory_space<vmem_shared>> -> memref<64x112xf32, #tpu.memory_space<vmem_shared>>
      %dma_wait3A_74 = arith.constant 0 : i32
      %dma_wait3A_75 = tpu.memref_slice %arg9[%add3A_55, %dma_wait3A_74] : memref<10240x112xf32, #tpu.memory_space<vmem_shared>> -> memref<64x112xf32, #tpu.memory_space<vmem_shared>>
      tpu.wait_dma2 semaphore(%run_scoped3A : memref<!tpu.dma_semaphore, #tpu.memory_space<semaphore_mem>>) src(%dma_wait3A_75 : memref<64x112xf32, #tpu.memory_space<vmem_shared>>) dst(%arg12 : memref<64x112xf32, #tpu.memory_space<vmem>>)
      tpu.yield
    }) : () -> ()
    %add3A_56 = arith.constant 384 : i32
    %add3A_57 = arith.addi %mul3A_0, %add3A_56 : i32
    "tpu.region"() ({
      %run_scoped3A = tpu.sem_alloc : memref<!tpu.dma_semaphore, #tpu.memory_space<semaphore_mem>>
      %dma_start3A = arith.constant 0 : i32
      %dma_start3A_70 = tpu.memref_slice %arg8[%arg0, %add3A_57, %dma_start3A] : memref<2x10240x112xf32, #tpu.memory_space<hbm>> -> memref<1x64x112xf32, #tpu.memory_space<hbm>>
      %dma_start3A_71 = tpu.memref_squeeze %dma_start3A_70 : memref<1x64x112xf32, #tpu.memory_space<hbm>> -> memref<64x112xf32, #tpu.memory_space<hbm>>
      %dma_start3A_72 = arith.constant 0 : i32
      %dma_start3A_73 = tpu.memref_slice %arg8[%arg0, %add3A_57, %dma_start3A_72] : memref<2x10240x112xf32, #tpu.memory_space<hbm>> -> memref<1x64x112xf32, #tpu.memory_space<hbm>>
      %dma_start3A_74 = tpu.memref_squeeze %dma_start3A_73 : memref<1x64x112xf32, #tpu.memory_space<hbm>> -> memref<64x112xf32, #tpu.memory_space<hbm>>
      tpu.enqueue_dma source(%arg12 : memref<64x112xf32, #tpu.memory_space<vmem>>) target(%dma_start3A_74 : memref<64x112xf32, #tpu.memory_space<hbm>>) target_semaphore(%run_scoped3A : memref<!tpu.dma_semaphore, #tpu.memory_space<semaphore_mem>>)
      %dma_wait3A = arith.constant 0 : i32
      %dma_wait3A_75 = tpu.memref_slice %arg8[%arg0, %add3A_57, %dma_wait3A] : memref<2x10240x112xf32, #tpu.memory_space<hbm>> -> memref<1x64x112xf32, #tpu.memory_space<hbm>>
      %dma_wait3A_76 = tpu.memref_squeeze %dma_wait3A_75 : memref<1x64x112xf32, #tpu.memory_space<hbm>> -> memref<64x112xf32, #tpu.memory_space<hbm>>
      %dma_wait3A_77 = arith.constant 0 : i32
      %dma_wait3A_78 = tpu.memref_slice %arg8[%arg0, %add3A_57, %dma_wait3A_77] : memref<2x10240x112xf32, #tpu.memory_space<hbm>> -> memref<1x64x112xf32, #tpu.memory_space<hbm>>
      %dma_wait3A_79 = tpu.memref_squeeze %dma_wait3A_78 : memref<1x64x112xf32, #tpu.memory_space<hbm>> -> memref<64x112xf32, #tpu.memory_space<hbm>>
      tpu.wait_dma2 semaphore(%run_scoped3A : memref<!tpu.dma_semaphore, #tpu.memory_space<semaphore_mem>>) src(%arg12 : memref<64x112xf32, #tpu.memory_space<vmem>>) dst(%dma_wait3A_79 : memref<64x112xf32, #tpu.memory_space<hbm>>)
      tpu.yield
    }) : () -> ()
    %add3A_58 = arith.constant 448 : i32
    %add3A_59 = arith.addi %mul3A_0, %add3A_58 : i32
    "tpu.region"() ({
      %run_scoped3A = tpu.sem_alloc : memref<!tpu.dma_semaphore, #tpu.memory_space<semaphore_mem>>
      %dma_start3A = arith.constant 0 : i32
      %dma_start3A_70 = tpu.memref_slice %arg9[%add3A_59, %dma_start3A] : memref<10240x112xf32, #tpu.memory_space<vmem_shared>> -> memref<64x112xf32, #tpu.memory_space<vmem_shared>>
      %dma_start3A_71 = arith.constant 0 : i32
      %dma_start3A_72 = tpu.memref_slice %arg9[%add3A_59, %dma_start3A_71] : memref<10240x112xf32, #tpu.memory_space<vmem_shared>> -> memref<64x112xf32, #tpu.memory_space<vmem_shared>>
      tpu.enqueue_dma source(%dma_start3A_72 : memref<64x112xf32, #tpu.memory_space<vmem_shared>>) target(%arg12 : memref<64x112xf32, #tpu.memory_space<vmem>>) target_semaphore(%run_scoped3A : memref<!tpu.dma_semaphore, #tpu.memory_space<semaphore_mem>>)
      %dma_wait3A = arith.constant 0 : i32
      %dma_wait3A_73 = tpu.memref_slice %arg9[%add3A_59, %dma_wait3A] : memref<10240x112xf32, #tpu.memory_space<vmem_shared>> -> memref<64x112xf32, #tpu.memory_space<vmem_shared>>
      %dma_wait3A_74 = arith.constant 0 : i32
      %dma_wait3A_75 = tpu.memref_slice %arg9[%add3A_59, %dma_wait3A_74] : memref<10240x112xf32, #tpu.memory_space<vmem_shared>> -> memref<64x112xf32, #tpu.memory_space<vmem_shared>>
      tpu.wait_dma2 semaphore(%run_scoped3A : memref<!tpu.dma_semaphore, #tpu.memory_space<semaphore_mem>>) src(%dma_wait3A_75 : memref<64x112xf32, #tpu.memory_space<vmem_shared>>) dst(%arg12 : memref<64x112xf32, #tpu.memory_space<vmem>>)
      tpu.yield
    }) : () -> ()
    %add3A_60 = arith.constant 448 : i32
    %add3A_61 = arith.addi %mul3A_0, %add3A_60 : i32
    "tpu.region"() ({
      %run_scoped3A = tpu.sem_alloc : memref<!tpu.dma_semaphore, #tpu.memory_space<semaphore_mem>>
      %dma_start3A = arith.constant 0 : i32
      %dma_start3A_70 = tpu.memref_slice %arg8[%arg0, %add3A_61, %dma_start3A] : memref<2x10240x112xf32, #tpu.memory_space<hbm>> -> memref<1x64x112xf32, #tpu.memory_space<hbm>>
      %dma_start3A_71 = tpu.memref_squeeze %dma_start3A_70 : memref<1x64x112xf32, #tpu.memory_space<hbm>> -> memref<64x112xf32, #tpu.memory_space<hbm>>
      %dma_start3A_72 = arith.constant 0 : i32
      %dma_start3A_73 = tpu.memref_slice %arg8[%arg0, %add3A_61, %dma_start3A_72] : memref<2x10240x112xf32, #tpu.memory_space<hbm>> -> memref<1x64x112xf32, #tpu.memory_space<hbm>>
      %dma_start3A_74 = tpu.memref_squeeze %dma_start3A_73 : memref<1x64x112xf32, #tpu.memory_space<hbm>> -> memref<64x112xf32, #tpu.memory_space<hbm>>
      tpu.enqueue_dma source(%arg12 : memref<64x112xf32, #tpu.memory_space<vmem>>) target(%dma_start3A_74 : memref<64x112xf32, #tpu.memory_space<hbm>>) target_semaphore(%run_scoped3A : memref<!tpu.dma_semaphore, #tpu.memory_space<semaphore_mem>>)
      %dma_wait3A = arith.constant 0 : i32
      %dma_wait3A_75 = tpu.memref_slice %arg8[%arg0, %add3A_61, %dma_wait3A] : memref<2x10240x112xf32, #tpu.memory_space<hbm>> -> memref<1x64x112xf32, #tpu.memory_space<hbm>>
      %dma_wait3A_76 = tpu.memref_squeeze %dma_wait3A_75 : memref<1x64x112xf32, #tpu.memory_space<hbm>> -> memref<64x112xf32, #tpu.memory_space<hbm>>
      %dma_wait3A_77 = arith.constant 0 : i32
      %dma_wait3A_78 = tpu.memref_slice %arg8[%arg0, %add3A_61, %dma_wait3A_77] : memref<2x10240x112xf32, #tpu.memory_space<hbm>> -> memref<1x64x112xf32, #tpu.memory_space<hbm>>
      %dma_wait3A_79 = tpu.memref_squeeze %dma_wait3A_78 : memref<1x64x112xf32, #tpu.memory_space<hbm>> -> memref<64x112xf32, #tpu.memory_space<hbm>>
      tpu.wait_dma2 semaphore(%run_scoped3A : memref<!tpu.dma_semaphore, #tpu.memory_space<semaphore_mem>>) src(%arg12 : memref<64x112xf32, #tpu.memory_space<vmem>>) dst(%dma_wait3A_79 : memref<64x112xf32, #tpu.memory_space<hbm>>)
      tpu.yield
    }) : () -> ()
    %add3A_62 = arith.constant 512 : i32
    %add3A_63 = arith.addi %mul3A_0, %add3A_62 : i32
    "tpu.region"() ({
      %run_scoped3A = tpu.sem_alloc : memref<!tpu.dma_semaphore, #tpu.memory_space<semaphore_mem>>
      %dma_start3A = arith.constant 0 : i32
      %dma_start3A_70 = tpu.memref_slice %arg9[%add3A_63, %dma_start3A] : memref<10240x112xf32, #tpu.memory_space<vmem_shared>> -> memref<64x112xf32, #tpu.memory_space<vmem_shared>>
      %dma_start3A_71 = arith.constant 0 : i32
      %dma_start3A_72 = tpu.memref_slice %arg9[%add3A_63, %dma_start3A_71] : memref<10240x112xf32, #tpu.memory_space<vmem_shared>> -> memref<64x112xf32, #tpu.memory_space<vmem_shared>>
      tpu.enqueue_dma source(%dma_start3A_72 : memref<64x112xf32, #tpu.memory_space<vmem_shared>>) target(%arg12 : memref<64x112xf32, #tpu.memory_space<vmem>>) target_semaphore(%run_scoped3A : memref<!tpu.dma_semaphore, #tpu.memory_space<semaphore_mem>>)
      %dma_wait3A = arith.constant 0 : i32
      %dma_wait3A_73 = tpu.memref_slice %arg9[%add3A_63, %dma_wait3A] : memref<10240x112xf32, #tpu.memory_space<vmem_shared>> -> memref<64x112xf32, #tpu.memory_space<vmem_shared>>
      %dma_wait3A_74 = arith.constant 0 : i32
      %dma_wait3A_75 = tpu.memref_slice %arg9[%add3A_63, %dma_wait3A_74] : memref<10240x112xf32, #tpu.memory_space<vmem_shared>> -> memref<64x112xf32, #tpu.memory_space<vmem_shared>>
      tpu.wait_dma2 semaphore(%run_scoped3A : memref<!tpu.dma_semaphore, #tpu.memory_space<semaphore_mem>>) src(%dma_wait3A_75 : memref<64x112xf32, #tpu.memory_space<vmem_shared>>) dst(%arg12 : memref<64x112xf32, #tpu.memory_space<vmem>>)
      tpu.yield
    }) : () -> ()
    %add3A_64 = arith.constant 512 : i32
    %add3A_65 = arith.addi %mul3A_0, %add3A_64 : i32
    "tpu.region"() ({
      %run_scoped3A = tpu.sem_alloc : memref<!tpu.dma_semaphore, #tpu.memory_space<semaphore_mem>>
      %dma_start3A = arith.constant 0 : i32
      %dma_start3A_70 = tpu.memref_slice %arg8[%arg0, %add3A_65, %dma_start3A] : memref<2x10240x112xf32, #tpu.memory_space<hbm>> -> memref<1x64x112xf32, #tpu.memory_space<hbm>>
      %dma_start3A_71 = tpu.memref_squeeze %dma_start3A_70 : memref<1x64x112xf32, #tpu.memory_space<hbm>> -> memref<64x112xf32, #tpu.memory_space<hbm>>
      %dma_start3A_72 = arith.constant 0 : i32
      %dma_start3A_73 = tpu.memref_slice %arg8[%arg0, %add3A_65, %dma_start3A_72] : memref<2x10240x112xf32, #tpu.memory_space<hbm>> -> memref<1x64x112xf32, #tpu.memory_space<hbm>>
      %dma_start3A_74 = tpu.memref_squeeze %dma_start3A_73 : memref<1x64x112xf32, #tpu.memory_space<hbm>> -> memref<64x112xf32, #tpu.memory_space<hbm>>
      tpu.enqueue_dma source(%arg12 : memref<64x112xf32, #tpu.memory_space<vmem>>) target(%dma_start3A_74 : memref<64x112xf32, #tpu.memory_space<hbm>>) target_semaphore(%run_scoped3A : memref<!tpu.dma_semaphore, #tpu.memory_space<semaphore_mem>>)
      %dma_wait3A = arith.constant 0 : i32
      %dma_wait3A_75 = tpu.memref_slice %arg8[%arg0, %add3A_65, %dma_wait3A] : memref<2x10240x112xf32, #tpu.memory_space<hbm>> -> memref<1x64x112xf32, #tpu.memory_space<hbm>>
      %dma_wait3A_76 = tpu.memref_squeeze %dma_wait3A_75 : memref<1x64x112xf32, #tpu.memory_space<hbm>> -> memref<64x112xf32, #tpu.memory_space<hbm>>
      %dma_wait3A_77 = arith.constant 0 : i32
      %dma_wait3A_78 = tpu.memref_slice %arg8[%arg0, %add3A_65, %dma_wait3A_77] : memref<2x10240x112xf32, #tpu.memory_space<hbm>> -> memref<1x64x112xf32, #tpu.memory_space<hbm>>
      %dma_wait3A_79 = tpu.memref_squeeze %dma_wait3A_78 : memref<1x64x112xf32, #tpu.memory_space<hbm>> -> memref<64x112xf32, #tpu.memory_space<hbm>>
      tpu.wait_dma2 semaphore(%run_scoped3A : memref<!tpu.dma_semaphore, #tpu.memory_space<semaphore_mem>>) src(%arg12 : memref<64x112xf32, #tpu.memory_space<vmem>>) dst(%dma_wait3A_79 : memref<64x112xf32, #tpu.memory_space<hbm>>)
      tpu.yield
    }) : () -> ()
    %add3A_66 = arith.constant 576 : i32
    %add3A_67 = arith.addi %mul3A_0, %add3A_66 : i32
    "tpu.region"() ({
      %run_scoped3A = tpu.sem_alloc : memref<!tpu.dma_semaphore, #tpu.memory_space<semaphore_mem>>
      %dma_start3A = arith.constant 0 : i32
      %dma_start3A_70 = tpu.memref_slice %arg9[%add3A_67, %dma_start3A] : memref<10240x112xf32, #tpu.memory_space<vmem_shared>> -> memref<64x112xf32, #tpu.memory_space<vmem_shared>>
      %dma_start3A_71 = arith.constant 0 : i32
      %dma_start3A_72 = tpu.memref_slice %arg9[%add3A_67, %dma_start3A_71] : memref<10240x112xf32, #tpu.memory_space<vmem_shared>> -> memref<64x112xf32, #tpu.memory_space<vmem_shared>>
      tpu.enqueue_dma source(%dma_start3A_72 : memref<64x112xf32, #tpu.memory_space<vmem_shared>>) target(%arg12 : memref<64x112xf32, #tpu.memory_space<vmem>>) target_semaphore(%run_scoped3A : memref<!tpu.dma_semaphore, #tpu.memory_space<semaphore_mem>>)
      %dma_wait3A = arith.constant 0 : i32
      %dma_wait3A_73 = tpu.memref_slice %arg9[%add3A_67, %dma_wait3A] : memref<10240x112xf32, #tpu.memory_space<vmem_shared>> -> memref<64x112xf32, #tpu.memory_space<vmem_shared>>
      %dma_wait3A_74 = arith.constant 0 : i32
      %dma_wait3A_75 = tpu.memref_slice %arg9[%add3A_67, %dma_wait3A_74] : memref<10240x112xf32, #tpu.memory_space<vmem_shared>> -> memref<64x112xf32, #tpu.memory_space<vmem_shared>>
      tpu.wait_dma2 semaphore(%run_scoped3A : memref<!tpu.dma_semaphore, #tpu.memory_space<semaphore_mem>>) src(%dma_wait3A_75 : memref<64x112xf32, #tpu.memory_space<vmem_shared>>) dst(%arg12 : memref<64x112xf32, #tpu.memory_space<vmem>>)
      tpu.yield
    }) : () -> ()
    %add3A_68 = arith.constant 576 : i32
    %add3A_69 = arith.addi %mul3A_0, %add3A_68 : i32
    "tpu.region"() ({
      %run_scoped3A = tpu.sem_alloc : memref<!tpu.dma_semaphore, #tpu.memory_space<semaphore_mem>>
      %dma_start3A = arith.constant 0 : i32
      %dma_start3A_70 = tpu.memref_slice %arg8[%arg0, %add3A_69, %dma_start3A] : memref<2x10240x112xf32, #tpu.memory_space<hbm>> -> memref<1x64x112xf32, #tpu.memory_space<hbm>>
      %dma_start3A_71 = tpu.memref_squeeze %dma_start3A_70 : memref<1x64x112xf32, #tpu.memory_space<hbm>> -> memref<64x112xf32, #tpu.memory_space<hbm>>
      %dma_start3A_72 = arith.constant 0 : i32
      %dma_start3A_73 = tpu.memref_slice %arg8[%arg0, %add3A_69, %dma_start3A_72] : memref<2x10240x112xf32, #tpu.memory_space<hbm>> -> memref<1x64x112xf32, #tpu.memory_space<hbm>>
      %dma_start3A_74 = tpu.memref_squeeze %dma_start3A_73 : memref<1x64x112xf32, #tpu.memory_space<hbm>> -> memref<64x112xf32, #tpu.memory_space<hbm>>
      tpu.enqueue_dma source(%arg12 : memref<64x112xf32, #tpu.memory_space<vmem>>) target(%dma_start3A_74 : memref<64x112xf32, #tpu.memory_space<hbm>>) target_semaphore(%run_scoped3A : memref<!tpu.dma_semaphore, #tpu.memory_space<semaphore_mem>>)
      %dma_wait3A = arith.constant 0 : i32
      %dma_wait3A_75 = tpu.memref_slice %arg8[%arg0, %add3A_69, %dma_wait3A] : memref<2x10240x112xf32, #tpu.memory_space<hbm>> -> memref<1x64x112xf32, #tpu.memory_space<hbm>>
      %dma_wait3A_76 = tpu.memref_squeeze %dma_wait3A_75 : memref<1x64x112xf32, #tpu.memory_space<hbm>> -> memref<64x112xf32, #tpu.memory_space<hbm>>
      %dma_wait3A_77 = arith.constant 0 : i32
      %dma_wait3A_78 = tpu.memref_slice %arg8[%arg0, %add3A_69, %dma_wait3A_77] : memref<2x10240x112xf32, #tpu.memory_space<hbm>> -> memref<1x64x112xf32, #tpu.memory_space<hbm>>
      %dma_wait3A_79 = tpu.memref_squeeze %dma_wait3A_78 : memref<1x64x112xf32, #tpu.memory_space<hbm>> -> memref<64x112xf32, #tpu.memory_space<hbm>>
      tpu.wait_dma2 semaphore(%run_scoped3A : memref<!tpu.dma_semaphore, #tpu.memory_space<semaphore_mem>>) src(%arg12 : memref<64x112xf32, #tpu.memory_space<vmem>>) dst(%dma_wait3A_79 : memref<64x112xf32, #tpu.memory_space<hbm>>)
      tpu.yield
    }) : () -> ()
    return
  }
}

module attributes {stable_mosaic.version = 14 : i64} {
  func.func @_proj_body(%arg0: i32, %arg1: memref<1000x128xf32, #tpu.memory_space<vmem>>, %arg2: memref<128x112xf32, #tpu.memory_space<vmem>>, %arg3: memref<128x112xf32, #tpu.memory_space<vmem>>, %arg4: memref<128x16xf32, #tpu.memory_space<vmem>>, %arg5: memref<2x1000x112xf32, #tpu.memory_space<vmem>>, %arg6: memref<1000x16xf32, #tpu.memory_space<vmem>>) attributes {dimension_semantics = [#tpu.dimension_semantics<arbitrary>], iteration_bounds = array<i64: 10>, scalar_prefetch = 0 : i64, scratch_operands = 0 : i64, tpu.core_type = #tpu.core_type<tc>, window_params = [{transform_indices = @transform_0, window_bounds = array<i64: 1000, 128>}, {pipeline_mode = #tpu.pipeline_mode<synchronous>, transform_indices = @transform_1, window_bounds = array<i64: 128, 112>}, {pipeline_mode = #tpu.pipeline_mode<synchronous>, transform_indices = @transform_2, window_bounds = array<i64: 128, 112>}, {pipeline_mode = #tpu.pipeline_mode<synchronous>, transform_indices = @transform_3, window_bounds = array<i64: 128, 16>}, {transform_indices = @transform_4, window_bounds = array<i64: 2, 1000, 112>}, {transform_indices = @transform_5, window_bounds = array<i64: 1000, 16>}]} {
    %get3A = arith.constant 0 : index
    %get3A_0 = arith.constant 0 : index
    %get3A_1 = vector.load %arg1[%get3A, %get3A_0] : memref<1000x128xf32, #tpu.memory_space<vmem>>, vector<1000x128xf32>
    %get3A_2 = arith.constant 0 : index
    %get3A_3 = arith.constant 0 : index
    %get3A_4 = vector.load %arg2[%get3A_2, %get3A_3] : memref<128x112xf32, #tpu.memory_space<vmem>>, vector<128x112xf32>
    %dot_general3A = arith.constant dense<0.000000e+00> : vector<1000x112xf32>
    %dot_general3A_5 = tpu.matmul %get3A_1, %get3A_4, %dot_general3A {dimension_numbers = #tpu.dot_dimension_numbers<[1], [0], [0], [1], [0, 0, 1, 1], [], []>, transpose_lhs_hint = false} : vector<1000x128xf32>, vector<128x112xf32>, vector<1000x112xf32> -> vector<1000x112xf32>
    %swap3A = arith.constant 0 : index
    %swap3A_6 = arith.constant 0 : index
    %swap3A_7 = arith.constant 0 : index
    %swap3A_8 = vector.load %arg5[%swap3A, %swap3A_6, %swap3A_7] : memref<2x1000x112xf32, #tpu.memory_space<vmem>>, vector<1x1000x112xf32>
    %swap3A_9 = vector.shape_cast %swap3A_8 : vector<1x1000x112xf32> to vector<1000x112xf32>
    %swap3A_10 = vector.shape_cast %dot_general3A_5 : vector<1000x112xf32> to vector<1x1000x112xf32>
    tpu.vector_store %arg5[%swap3A, %swap3A_6, %swap3A_7], %swap3A_10 {strides = array<i32>} : memref<2x1000x112xf32, #tpu.memory_space<vmem>>, vector<1x1000x112xf32>,
    %get3A_11 = arith.constant 0 : index
    %get3A_12 = arith.constant 0 : index
    %get3A_13 = vector.load %arg3[%get3A_11, %get3A_12] : memref<128x112xf32, #tpu.memory_space<vmem>>, vector<128x112xf32>
    %dot_general3A_14 = arith.constant dense<0.000000e+00> : vector<1000x112xf32>
    %dot_general3A_15 = tpu.matmul %get3A_1, %get3A_13, %dot_general3A_14 {dimension_numbers = #tpu.dot_dimension_numbers<[1], [0], [0], [1], [0, 0, 1, 1], [], []>, transpose_lhs_hint = false} : vector<1000x128xf32>, vector<128x112xf32>, vector<1000x112xf32> -> vector<1000x112xf32>
    %swap3A_16 = arith.constant 1 : index
    %swap3A_17 = arith.constant 0 : index
    %swap3A_18 = arith.constant 0 : index
    %swap3A_19 = vector.load %arg5[%swap3A_16, %swap3A_17, %swap3A_18] : memref<2x1000x112xf32, #tpu.memory_space<vmem>>, vector<1x1000x112xf32>
    %swap3A_20 = vector.shape_cast %swap3A_19 : vector<1x1000x112xf32> to vector<1000x112xf32>
    %swap3A_21 = vector.shape_cast %dot_general3A_15 : vector<1000x112xf32> to vector<1x1000x112xf32>
    tpu.vector_store %arg5[%swap3A_16, %swap3A_17, %swap3A_18], %swap3A_21 {strides = array<i32>} : memref<2x1000x112xf32, #tpu.memory_space<vmem>>, vector<1x1000x112xf32>,
    %get3A_22 = arith.constant 0 : index
    %get3A_23 = arith.constant 0 : index
    %get3A_24 = vector.load %arg4[%get3A_22, %get3A_23] : memref<128x16xf32, #tpu.memory_space<vmem>>, vector<128x16xf32>
    %dot_general3A_25 = arith.constant dense<0.000000e+00> : vector<1000x16xf32>
    %dot_general3A_26 = tpu.matmul %get3A_1, %get3A_24, %dot_general3A_25 {dimension_numbers = #tpu.dot_dimension_numbers<[1], [0], [0], [1], [0, 0, 1, 1], [], []>, transpose_lhs_hint = false} : vector<1000x128xf32>, vector<128x16xf32>, vector<1000x16xf32> -> vector<1000x16xf32>
    %swap3A_27 = arith.constant 0 : index
    %swap3A_28 = arith.constant 0 : index
    %swap3A_29 = vector.load %arg6[%swap3A_27, %swap3A_28] : memref<1000x16xf32, #tpu.memory_space<vmem>>, vector<1000x16xf32>
    tpu.vector_store %arg6[%swap3A_27, %swap3A_28], %dot_general3A_26 {strides = array<i32>} : memref<1000x16xf32, #tpu.memory_space<vmem>>, vector<1000x16xf32>,
    return
  }
  func.func @transform_0(%arg0: i32) -> (i32, i32) {
    %c0_i32 = arith.constant 0 : i32
    %c0_i32_0 = arith.constant 0 : i32
    return %arg0, %c0_i32 : i32, i32
  }
  func.func @transform_1(%arg0: i32) -> (i32, i32) {
    %c0_i32 = arith.constant 0 : i32
    %c0_i32_0 = arith.constant 0 : i32
    %c0_i32_1 = arith.constant 0 : i32
    return %c0_i32, %c0_i32_0 : i32, i32
  }
  func.func @transform_2(%arg0: i32) -> (i32, i32) {
    %c0_i32 = arith.constant 0 : i32
    %c0_i32_0 = arith.constant 0 : i32
    %c0_i32_1 = arith.constant 0 : i32
    return %c0_i32, %c0_i32_0 : i32, i32
  }
  func.func @transform_3(%arg0: i32) -> (i32, i32) {
    %c0_i32 = arith.constant 0 : i32
    %c0_i32_0 = arith.constant 0 : i32
    %c0_i32_1 = arith.constant 0 : i32
    return %c0_i32, %c0_i32_0 : i32, i32
  }
  func.func @transform_4(%arg0: i32) -> (i32, i32, i32) {
    %c0_i32 = arith.constant 0 : i32
    %c0_i32_0 = arith.constant 0 : i32
    %c0_i32_1 = arith.constant 0 : i32
    return %c0_i32, %arg0, %c0_i32_0 : i32, i32, i32
  }
  func.func @transform_5(%arg0: i32) -> (i32, i32) {
    %c0_i32 = arith.constant 0 : i32
    %c0_i32_0 = arith.constant 0 : i32
    return %arg0, %c0_i32 : i32, i32
  }
}

module attributes {stable_mosaic.version = 14 : i64} {
  func.func @_combine_body(%arg0: i32, %arg1: memref<2x1000x112xf32, #tpu.memory_space<vmem>>, %arg2: memref<112x3xf32, #tpu.memory_space<vmem>>, %arg3: memref<3x192xf32, #tpu.memory_space<vmem>>, %arg4: memref<1x192xf32, #tpu.memory_space<vmem>>, %arg5: memref<192x112xf32, #tpu.memory_space<vmem>>, %arg6: memref<192x112xf32, #tpu.memory_space<vmem>>, %arg7: memref<192x16xf32, #tpu.memory_space<vmem>>, %arg8: memref<2x1000x112xf32, #tpu.memory_space<vmem>>, %arg9: memref<1000x16xf32, #tpu.memory_space<vmem>>) attributes {dimension_semantics = [#tpu.dimension_semantics<arbitrary>], iteration_bounds = array<i64: 10>, scalar_prefetch = 0 : i64, scratch_operands = 0 : i64, tpu.core_type = #tpu.core_type<tc>, window_params = [{transform_indices = @transform_0, window_bounds = array<i64: 2, 1000, 112>}, {pipeline_mode = #tpu.pipeline_mode<synchronous>, transform_indices = @transform_1, window_bounds = array<i64: 112, 3>}, {pipeline_mode = #tpu.pipeline_mode<synchronous>, transform_indices = @transform_2, window_bounds = array<i64: 3, 192>}, {pipeline_mode = #tpu.pipeline_mode<synchronous>, transform_indices = @transform_3, window_bounds = array<i64: 1, 192>}, {pipeline_mode = #tpu.pipeline_mode<synchronous>, transform_indices = @transform_4, window_bounds = array<i64: 192, 112>}, {pipeline_mode = #tpu.pipeline_mode<synchronous>, transform_indices = @transform_5, window_bounds = array<i64: 192, 112>}, {pipeline_mode = #tpu.pipeline_mode<synchronous>, transform_indices = @transform_6, window_bounds = array<i64: 192, 16>}, {transform_indices = @transform_7, window_bounds = array<i64: 2, 1000, 112>}, {transform_indices = @transform_8, window_bounds = array<i64: 1000, 16>}]} {
    %get3A = arith.constant 0 : index
    %get3A_0 = arith.constant 0 : index
    %get3A_1 = arith.constant 0 : index
    %get3A_2 = vector.load %arg1[%get3A, %get3A_0, %get3A_1] : memref<2x1000x112xf32, #tpu.memory_space<vmem>>, vector<1x1000x112xf32>
    %get3A_3 = vector.shape_cast %get3A_2 : vector<1x1000x112xf32> to vector<1000x112xf32>
    %get3A_4 = arith.constant 1 : index
    %get3A_5 = arith.constant 0 : index
    %get3A_6 = arith.constant 0 : index
    %get3A_7 = vector.load %arg1[%get3A_4, %get3A_5, %get3A_6] : memref<2x1000x112xf32, #tpu.memory_space<vmem>>, vector<1x1000x112xf32>
    %get3A_8 = vector.shape_cast %get3A_7 : vector<1x1000x112xf32> to vector<1000x112xf32>
    %slice3A = vector.extract_strided_slice %get3A_3 {offsets = [0, 0], sizes = [1000, 96], strides = [1, 1]} : vector<1000x112xf32> to vector<1000x96xf32>
    %slice3A_9 = vector.extract_strided_slice %get3A_8 {offsets = [0, 0], sizes = [1000, 96], strides = [1, 1]} : vector<1000x112xf32> to vector<1000x96xf32>
    %concatenate3A = tpu.concatenate %slice3A, %slice3A_9 in 1 : vector<1000x96xf32>, vector<1000x96xf32> -> vector<1000x192xf32>
    %get3A_10 = arith.constant 0 : index
    %get3A_11 = arith.constant 0 : index
    %get3A_12 = vector.load %arg2[%get3A_10, %get3A_11] : memref<112x3xf32, #tpu.memory_space<vmem>>, vector<112x3xf32>
    %dot_general3A = arith.constant dense<0.000000e+00> : vector<1000x3xf32>
    %dot_general3A_13 = tpu.matmul %get3A_3, %get3A_12, %dot_general3A {dimension_numbers = #tpu.dot_dimension_numbers<[1], [0], [0], [1], [0, 0, 1, 1], [], []>, transpose_lhs_hint = false} : vector<1000x112xf32>, vector<112x3xf32>, vector<1000x3xf32> -> vector<1000x3xf32>
    %add3A = arith.constant 1.000000e-16 : f32
    %add3A_14 = vector.broadcast %add3A : f32 to vector<1000x3xf32>
    %add3A_15 = arith.addf %dot_general3A_13, %add3A_14 : vector<1000x3xf32>
    %div3A = arith.constant 1.000000e+00 : f32
    %div3A_16 = vector.broadcast %div3A : f32 to vector<1000x3xf32>
    %div3A_17 = arith.divf %div3A_16, %add3A_15 : vector<1000x3xf32>
    %get3A_18 = arith.constant 0 : index
    %get3A_19 = arith.constant 0 : index
    %get3A_20 = vector.load %arg3[%get3A_18, %get3A_19] : memref<3x192xf32, #tpu.memory_space<vmem>>, vector<3x192xf32>
    %dot_general3A_21 = arith.constant dense<0.000000e+00> : vector<1000x192xf32>
    %dot_general3A_22 = tpu.matmul %div3A_17, %get3A_20, %dot_general3A_21 {dimension_numbers = #tpu.dot_dimension_numbers<[1], [0], [0], [1], [0, 0, 1, 1], [], []>, transpose_lhs_hint = false} : vector<1000x3xf32>, vector<3x192xf32>, vector<1000x192xf32> -> vector<1000x192xf32>
    %mul3A = arith.mulf %concatenate3A, %dot_general3A_22 : vector<1000x192xf32>
    %get3A_23 = arith.constant 0 : index
    %get3A_24 = arith.constant 0 : index
    %get3A_25 = vector.load %arg4[%get3A_23, %get3A_24] : memref<1x192xf32, #tpu.memory_space<vmem>>, vector<1x192xf32>
    %add3A_26 = vector.broadcast %get3A_25 : vector<1x192xf32> to vector<1000x192xf32>
    %add3A_27 = arith.addf %mul3A, %add3A_26 : vector<1000x192xf32>
    %max3A = arith.constant 0.000000e+00 : f32
    %max3A_28 = vector.broadcast %max3A : f32 to vector<1000x192xf32>
    %max3A_29 = arith.maximumf %add3A_27, %max3A_28 : vector<1000x192xf32>
    %get3A_30 = arith.constant 0 : index
    %get3A_31 = arith.constant 0 : index
    %get3A_32 = vector.load %arg5[%get3A_30, %get3A_31] : memref<192x112xf32, #tpu.memory_space<vmem>>, vector<192x112xf32>
    %dot_general3A_33 = arith.constant dense<0.000000e+00> : vector<1000x112xf32>
    %dot_general3A_34 = tpu.matmul %max3A_29, %get3A_32, %dot_general3A_33 {dimension_numbers = #tpu.dot_dimension_numbers<[1], [0], [0], [1], [0, 0, 1, 1], [], []>, transpose_lhs_hint = false} : vector<1000x192xf32>, vector<192x112xf32>, vector<1000x112xf32> -> vector<1000x112xf32>
    %swap3A = arith.constant 0 : index
    %swap3A_35 = arith.constant 0 : index
    %swap3A_36 = arith.constant 0 : index
    %swap3A_37 = vector.load %arg8[%swap3A, %swap3A_35, %swap3A_36] : memref<2x1000x112xf32, #tpu.memory_space<vmem>>, vector<1x1000x112xf32>
    %swap3A_38 = vector.shape_cast %swap3A_37 : vector<1x1000x112xf32> to vector<1000x112xf32>
    %swap3A_39 = vector.shape_cast %dot_general3A_34 : vector<1000x112xf32> to vector<1x1000x112xf32>
    tpu.vector_store %arg8[%swap3A, %swap3A_35, %swap3A_36], %swap3A_39 {strides = array<i32>} : memref<2x1000x112xf32, #tpu.memory_space<vmem>>, vector<1x1000x112xf32>,
    %get3A_40 = arith.constant 0 : index
    %get3A_41 = arith.constant 0 : index
    %get3A_42 = vector.load %arg6[%get3A_40, %get3A_41] : memref<192x112xf32, #tpu.memory_space<vmem>>, vector<192x112xf32>
    %dot_general3A_43 = arith.constant dense<0.000000e+00> : vector<1000x112xf32>
    %dot_general3A_44 = tpu.matmul %max3A_29, %get3A_42, %dot_general3A_43 {dimension_numbers = #tpu.dot_dimension_numbers<[1], [0], [0], [1], [0, 0, 1, 1], [], []>, transpose_lhs_hint = false} : vector<1000x192xf32>, vector<192x112xf32>, vector<1000x112xf32> -> vector<1000x112xf32>
    %swap3A_45 = arith.constant 1 : index
    %swap3A_46 = arith.constant 0 : index
    %swap3A_47 = arith.constant 0 : index
    %swap3A_48 = vector.load %arg8[%swap3A_45, %swap3A_46, %swap3A_47] : memref<2x1000x112xf32, #tpu.memory_space<vmem>>, vector<1x1000x112xf32>
    %swap3A_49 = vector.shape_cast %swap3A_48 : vector<1x1000x112xf32> to vector<1000x112xf32>
    %swap3A_50 = vector.shape_cast %dot_general3A_44 : vector<1000x112xf32> to vector<1x1000x112xf32>
    tpu.vector_store %arg8[%swap3A_45, %swap3A_46, %swap3A_47], %swap3A_50 {strides = array<i32>} : memref<2x1000x112xf32, #tpu.memory_space<vmem>>, vector<1x1000x112xf32>,
    %get3A_51 = arith.constant 0 : index
    %get3A_52 = arith.constant 0 : index
    %get3A_53 = vector.load %arg7[%get3A_51, %get3A_52] : memref<192x16xf32, #tpu.memory_space<vmem>>, vector<192x16xf32>
    %dot_general3A_54 = arith.constant dense<0.000000e+00> : vector<1000x16xf32>
    %dot_general3A_55 = tpu.matmul %max3A_29, %get3A_53, %dot_general3A_54 {dimension_numbers = #tpu.dot_dimension_numbers<[1], [0], [0], [1], [0, 0, 1, 1], [], []>, transpose_lhs_hint = false} : vector<1000x192xf32>, vector<192x16xf32>, vector<1000x16xf32> -> vector<1000x16xf32>
    %swap3A_56 = arith.constant 0 : index
    %swap3A_57 = arith.constant 0 : index
    %swap3A_58 = vector.load %arg9[%swap3A_56, %swap3A_57] : memref<1000x16xf32, #tpu.memory_space<vmem>>, vector<1000x16xf32>
    tpu.vector_store %arg9[%swap3A_56, %swap3A_57], %dot_general3A_55 {strides = array<i32>} : memref<1000x16xf32, #tpu.memory_space<vmem>>, vector<1000x16xf32>,
    return
  }
  func.func @transform_0(%arg0: i32) -> (i32, i32, i32) {
    %c0_i32 = arith.constant 0 : i32
    %c0_i32_0 = arith.constant 0 : i32
    %c0_i32_1 = arith.constant 0 : i32
    return %c0_i32, %arg0, %c0_i32_0 : i32, i32, i32
  }
  func.func @transform_1(%arg0: i32) -> (i32, i32) {
    %c0_i32 = arith.constant 0 : i32
    %c0_i32_0 = arith.constant 0 : i32
    %c0_i32_1 = arith.constant 0 : i32
    return %c0_i32, %c0_i32_0 : i32, i32
  }
  func.func @transform_2(%arg0: i32) -> (i32, i32) {
    %c0_i32 = arith.constant 0 : i32
    %c0_i32_0 = arith.constant 0 : i32
    %c0_i32_1 = arith.constant 0 : i32
    return %c0_i32, %c0_i32_0 : i32, i32
  }
  func.func @transform_3(%arg0: i32) -> (i32, i32) {
    %c0_i32 = arith.constant 0 : i32
    %c0_i32_0 = arith.constant 0 : i32
    %c0_i32_1 = arith.constant 0 : i32
    return %c0_i32, %c0_i32_0 : i32, i32
  }
  func.func @transform_4(%arg0: i32) -> (i32, i32) {
    %c0_i32 = arith.constant 0 : i32
    %c0_i32_0 = arith.constant 0 : i32
    %c0_i32_1 = arith.constant 0 : i32
    return %c0_i32, %c0_i32_0 : i32, i32
  }
  func.func @transform_5(%arg0: i32) -> (i32, i32) {
    %c0_i32 = arith.constant 0 : i32
    %c0_i32_0 = arith.constant 0 : i32
    %c0_i32_1 = arith.constant 0 : i32
    return %c0_i32, %c0_i32_0 : i32, i32
  }
  func.func @transform_6(%arg0: i32) -> (i32, i32) {
    %c0_i32 = arith.constant 0 : i32
    %c0_i32_0 = arith.constant 0 : i32
    %c0_i32_1 = arith.constant 0 : i32
    return %c0_i32, %c0_i32_0 : i32, i32
  }
  func.func @transform_7(%arg0: i32) -> (i32, i32, i32) {
    %c0_i32 = arith.constant 0 : i32
    %c0_i32_0 = arith.constant 0 : i32
    %c0_i32_1 = arith.constant 0 : i32
    return %c0_i32, %arg0, %c0_i32_0 : i32, i32, i32
  }
  func.func @transform_8(%arg0: i32) -> (i32, i32) {
    %c0_i32 = arith.constant 0 : i32
    %c0_i32_0 = arith.constant 0 : i32
    return %arg0, %c0_i32 : i32, i32
  }
}

module attributes {stable_mosaic.version = 14 : i64} {
  func.func @_final_body(%arg0: i32, %arg1: memref<2x1000x112xf32, #tpu.memory_space<vmem>>, %arg2: memref<112x3xf32, #tpu.memory_space<vmem>>, %arg3: memref<3x192xf32, #tpu.memory_space<vmem>>, %arg4: memref<1x192xf32, #tpu.memory_space<vmem>>, %arg5: memref<192x40xf32, #tpu.memory_space<vmem>>, %arg6: memref<1x40xf32, #tpu.memory_space<vmem>>, %arg7: memref<1000x40xf32, #tpu.memory_space<vmem>>) attributes {dimension_semantics = [#tpu.dimension_semantics<arbitrary>], iteration_bounds = array<i64: 10>, scalar_prefetch = 0 : i64, scratch_operands = 0 : i64, tpu.core_type = #tpu.core_type<tc>, window_params = [{transform_indices = @transform_0, window_bounds = array<i64: 2, 1000, 112>}, {pipeline_mode = #tpu.pipeline_mode<synchronous>, transform_indices = @transform_1, window_bounds = array<i64: 112, 3>}, {pipeline_mode = #tpu.pipeline_mode<synchronous>, transform_indices = @transform_2, window_bounds = array<i64: 3, 192>}, {pipeline_mode = #tpu.pipeline_mode<synchronous>, transform_indices = @transform_3, window_bounds = array<i64: 1, 192>}, {pipeline_mode = #tpu.pipeline_mode<synchronous>, transform_indices = @transform_4, window_bounds = array<i64: 192, 40>}, {pipeline_mode = #tpu.pipeline_mode<synchronous>, transform_indices = @transform_5, window_bounds = array<i64: 1, 40>}, {transform_indices = @transform_6, window_bounds = array<i64: 1000, 40>}]} {
    %get3A = arith.constant 0 : index
    %get3A_0 = arith.constant 0 : index
    %get3A_1 = arith.constant 0 : index
    %get3A_2 = vector.load %arg1[%get3A, %get3A_0, %get3A_1] : memref<2x1000x112xf32, #tpu.memory_space<vmem>>, vector<1x1000x112xf32>
    %get3A_3 = vector.shape_cast %get3A_2 : vector<1x1000x112xf32> to vector<1000x112xf32>
    %get3A_4 = arith.constant 1 : index
    %get3A_5 = arith.constant 0 : index
    %get3A_6 = arith.constant 0 : index
    %get3A_7 = vector.load %arg1[%get3A_4, %get3A_5, %get3A_6] : memref<2x1000x112xf32, #tpu.memory_space<vmem>>, vector<1x1000x112xf32>
    %get3A_8 = vector.shape_cast %get3A_7 : vector<1x1000x112xf32> to vector<1000x112xf32>
    %slice3A = vector.extract_strided_slice %get3A_3 {offsets = [0, 0], sizes = [1000, 96], strides = [1, 1]} : vector<1000x112xf32> to vector<1000x96xf32>
    %slice3A_9 = vector.extract_strided_slice %get3A_8 {offsets = [0, 0], sizes = [1000, 96], strides = [1, 1]} : vector<1000x112xf32> to vector<1000x96xf32>
    %concatenate3A = tpu.concatenate %slice3A, %slice3A_9 in 1 : vector<1000x96xf32>, vector<1000x96xf32> -> vector<1000x192xf32>
    %get3A_10 = arith.constant 0 : index
    %get3A_11 = arith.constant 0 : index
    %get3A_12 = vector.load %arg2[%get3A_10, %get3A_11] : memref<112x3xf32, #tpu.memory_space<vmem>>, vector<112x3xf32>
    %dot_general3A = arith.constant dense<0.000000e+00> : vector<1000x3xf32>
    %dot_general3A_13 = tpu.matmul %get3A_3, %get3A_12, %dot_general3A {dimension_numbers = #tpu.dot_dimension_numbers<[1], [0], [0], [1], [0, 0, 1, 1], [], []>, transpose_lhs_hint = false} : vector<1000x112xf32>, vector<112x3xf32>, vector<1000x3xf32> -> vector<1000x3xf32>
    %add3A = arith.constant 1.000000e-16 : f32
    %add3A_14 = vector.broadcast %add3A : f32 to vector<1000x3xf32>
    %add3A_15 = arith.addf %dot_general3A_13, %add3A_14 : vector<1000x3xf32>
    %div3A = arith.constant 1.000000e+00 : f32
    %div3A_16 = vector.broadcast %div3A : f32 to vector<1000x3xf32>
    %div3A_17 = arith.divf %div3A_16, %add3A_15 : vector<1000x3xf32>
    %get3A_18 = arith.constant 0 : index
    %get3A_19 = arith.constant 0 : index
    %get3A_20 = vector.load %arg3[%get3A_18, %get3A_19] : memref<3x192xf32, #tpu.memory_space<vmem>>, vector<3x192xf32>
    %dot_general3A_21 = arith.constant dense<0.000000e+00> : vector<1000x192xf32>
    %dot_general3A_22 = tpu.matmul %div3A_17, %get3A_20, %dot_general3A_21 {dimension_numbers = #tpu.dot_dimension_numbers<[1], [0], [0], [1], [0, 0, 1, 1], [], []>, transpose_lhs_hint = false} : vector<1000x3xf32>, vector<3x192xf32>, vector<1000x192xf32> -> vector<1000x192xf32>
    %mul3A = arith.mulf %concatenate3A, %dot_general3A_22 : vector<1000x192xf32>
    %get3A_23 = arith.constant 0 : index
    %get3A_24 = arith.constant 0 : index
    %get3A_25 = vector.load %arg4[%get3A_23, %get3A_24] : memref<1x192xf32, #tpu.memory_space<vmem>>, vector<1x192xf32>
    %add3A_26 = vector.broadcast %get3A_25 : vector<1x192xf32> to vector<1000x192xf32>
    %add3A_27 = arith.addf %mul3A, %add3A_26 : vector<1000x192xf32>
    %max3A = arith.constant 0.000000e+00 : f32
    %max3A_28 = vector.broadcast %max3A : f32 to vector<1000x192xf32>
    %max3A_29 = arith.maximumf %add3A_27, %max3A_28 : vector<1000x192xf32>
    %get3A_30 = arith.constant 0 : index
    %get3A_31 = arith.constant 0 : index
    %get3A_32 = vector.load %arg5[%get3A_30, %get3A_31] : memref<192x40xf32, #tpu.memory_space<vmem>>, vector<192x40xf32>
    %dot_general3A_33 = arith.constant dense<0.000000e+00> : vector<1000x40xf32>
    %dot_general3A_34 = tpu.matmul %max3A_29, %get3A_32, %dot_general3A_33 {dimension_numbers = #tpu.dot_dimension_numbers<[1], [0], [0], [1], [0, 0, 1, 1], [], []>, transpose_lhs_hint = false} : vector<1000x192xf32>, vector<192x40xf32>, vector<1000x40xf32> -> vector<1000x40xf32>
    %get3A_35 = arith.constant 0 : index
    %get3A_36 = arith.constant 0 : index
    %get3A_37 = vector.load %arg6[%get3A_35, %get3A_36] : memref<1x40xf32, #tpu.memory_space<vmem>>, vector<1x40xf32>
    %add3A_38 = vector.broadcast %get3A_37 : vector<1x40xf32> to vector<1000x40xf32>
    %add3A_39 = arith.addf %dot_general3A_34, %add3A_38 : vector<1000x40xf32>
    %swap3A = arith.constant 0 : index
    %swap3A_40 = arith.constant 0 : index
    %swap3A_41 = vector.load %arg7[%swap3A, %swap3A_40] : memref<1000x40xf32, #tpu.memory_space<vmem>>, vector<1000x40xf32>
    tpu.vector_store %arg7[%swap3A, %swap3A_40], %add3A_39 {strides = array<i32>} : memref<1000x40xf32, #tpu.memory_space<vmem>>, vector<1000x40xf32>,
    return
  }
  func.func @transform_0(%arg0: i32) -> (i32, i32, i32) {
    %c0_i32 = arith.constant 0 : i32
    %c0_i32_0 = arith.constant 0 : i32
    %c0_i32_1 = arith.constant 0 : i32
    return %c0_i32, %arg0, %c0_i32_0 : i32, i32, i32
  }
  func.func @transform_1(%arg0: i32) -> (i32, i32) {
    %c0_i32 = arith.constant 0 : i32
    %c0_i32_0 = arith.constant 0 : i32
    %c0_i32_1 = arith.constant 0 : i32
    return %c0_i32, %c0_i32_0 : i32, i32
  }
  func.func @transform_2(%arg0: i32) -> (i32, i32) {
    %c0_i32 = arith.constant 0 : i32
    %c0_i32_0 = arith.constant 0 : i32
    %c0_i32_1 = arith.constant 0 : i32
    return %c0_i32, %c0_i32_0 : i32, i32
  }
  func.func @transform_3(%arg0: i32) -> (i32, i32) {
    %c0_i32 = arith.constant 0 : i32
    %c0_i32_0 = arith.constant 0 : i32
    %c0_i32_1 = arith.constant 0 : i32
    return %c0_i32, %c0_i32_0 : i32, i32
  }
  func.func @transform_4(%arg0: i32) -> (i32, i32) {
    %c0_i32 = arith.constant 0 : i32
    %c0_i32_0 = arith.constant 0 : i32
    %c0_i32_1 = arith.constant 0 : i32
    return %c0_i32, %c0_i32_0 : i32, i32
  }
  func.func @transform_5(%arg0: i32) -> (i32, i32) {
    %c0_i32 = arith.constant 0 : i32
    %c0_i32_0 = arith.constant 0 : i32
    %c0_i32_1 = arith.constant 0 : i32
    return %c0_i32, %c0_i32_0 : i32, i32
  }
  func.func @transform_6(%arg0: i32) -> (i32, i32) {
    %c0_i32 = arith.constant 0 : i32
    %c0_i32_0 = arith.constant 0 : i32
    return %arg0, %c0_i32 : i32, i32
  }
}

</mosaic_0001>

<sc_bundles>
// kernel: kernel.10.cloned.1.call-start
scs
__scs_entry_jumppad:
0x0: {  	(pc) =	sbr.rel $0x88, $3  }
0x1: {  	(tag) =	ssettag $0x0;
	lr =	simm.s32 $0x1  }
0x2: {  	[smem:$0x3F95] =	sst lr;
	_ =	strace $0xD0000000  }
0x3: {  	_ = 	snop  }
0x4: {  	_ = 	snop  }
0x5: {  	_ = 	snop  }
0x6: {  	_ = 	snop  }
0x7: {  	_ = 	snop  }
__scs_overlays_trampoline_lowered:
0x8: {  	[smem:$0x3FA4] =	sst s0  }
0x9: {  	[smem:$0x3FA5] =	sst s1  }
0xa: {  	[smem:$0x3FA6] =	sst s2  }
0xb: {  	[smem:$0x3FA7] =	sst s3  }
0xc: {  	[smem:$0x3FA8] =	sst s4  }
0xd: {  	[smem:$0x3FA9] =	sst s5  }
0xe: {  	[smem:$0x3FAA] =	sst s6  }
0xf: {  	[smem:$0x3FAB] =	sst s7  }
0x10: {  	[smem:$0x3FAC] =	sst s8  }
0x11: {  	[smem:$0x3FAD] =	sst s9;
	s0 =	simm.s32 @!p0 $0x0  }
0x12: {  	s1 =	sld [smem:$0x3F93];
	s0 =	simm.s32 @p0 $0x1  }
0x13: {  	[smem:$0x3FAE] =	sst s0;
	s0 =	simm.s32 @!p1 $0x0  }
0x14: {  	s2 =	sld [smem:$0x3F92];
	s0 =	simm.s32 @p1 $0x1  }
0x15: {  	[smem:$0x3FAF] =	sst s0;
	s0 =	simm.s32 @!p2 $0x0  }
0x16: {  	s3 =	sld [smem:$0x3FDB];
	s0 =	simm.s32 @p2 $0x1  }
0x17: {  	s4 =	simm.s32 $0x1BF5;
	[smem:$0x3FB1] =	sst s0  }
0x18: {  	s0 =	sld [smem:$0x3F94];
	_ =	swait.ge [sflag:s4], $0x0  }
0x19: {  	s7 =	sld [smem:$0x3F95]  }
0x1a: {  	s8 =	sadd.s32 $0xFFFFE003, lr  }
0x1b: {  	s9 =	sadd.s32 $0xFFFFFEF7, lr;
	s5 =	simm.s32 $0xFFFFFFFF;
	p2 =	slt.u32 s8, $0xFFFFF086  }
0x1c: {  	p1 =	slt.u32 s9, $0xF7A;
	s5 =	simm.s32 @!p2 $0x0  }
0x1d: {  	s5 =	simm.s32 @p1 $0x1;
	p0 =	seq.s32 s7, s2  }
0x1e: {  	s7 =	smul.u32 @!p0 $0xF7A, s2;
	p2 =	seq.s32 @!p0 s5, $0x0  }
0x1f: {  	s9 =	smul.u32 $0xF7A, s1;
	s8 =	simm.s32 @!p0 $0x1BF5;
	p2 =	por !p2, p0  }
0x20: {  	[sflag:s8] =	ssyncset.s32 @!p0 $0xFFFFF086;
	s6 =	sadd.s32 @!p0 s3, s7;
	s7 =	simm.s32 @!p0 $0x108  }
0x21: {  	s3 =	sadd.s32 s3, s9;
	s6 =	sadd.s32 @!p0 $0x88, s6;
	s7 =	simm.s32 @p2 $0x1082  }
0x22: {  	[simem:s7], [sflag:s8] =	dma.local @!p0 [hbm:s6], $0xF7A  }
0x23: {  	s9 =	sor.u32 $0xD0000000, s2;
	s6 =	simm.s32 $0x108;
	_ =	swait.ge @!p0 [sflag:s8], $0x0  }
0x24: {  	s3 =	sadd.s32 $0x88, s3;
	s6 =	simm.s32 @!p1 $0x1082;
	[sflag:s4] =	ssyncset.s32 $0xFFFFF086  }
0x25: {  	[simem:s6], [sflag:s4] =	dma.local [hbm:s3], $0xF7A  }
0x26: {  	[smem:$0x3F95] =	sst s1;
	(tag) =	ssettag s2;
	_ =	strace s9  }
0x27: {  	s1 =	sld [smem:$0x3FA5]  }
0x28: {  	s2 =	sld [smem:$0x3FA6]  }
0x29: {  	s4 =	sld [smem:$0x3FA8]  }
0x2a: {  	p0 =	seq.s32 s5, $0x0;
	s5 =	sld [smem:$0x3FA9]  }
0x2b: {  	s6 =	sld [smem:$0x3FAA]  }
0x2c: {  	s7 =	sld [smem:$0x3FAB]  }
0x2d: {  	s3 =	simm.s32 $0x108;
	s8 =	sld [smem:$0x3FAC]  }
0x2e: {  	s3 =	simm.s32 @!p0 $0x1082;
	s9 =	sld [smem:$0x3FAD]  }
0x2f: {  	lr =	sadd.s32 s0, s3;
	s0 =	sld [smem:$0x3FA4]  }
0x30: {  	s3 =	sld [smem:$0x3FA7]  }
0x31: {  	[smem:$0x3FB0] =	sst s10  }
0x32: {  	s10 =	sld [smem:$0x3FAE];
	_ =	sdelay $0x3  }
0x33: {  	p0 =	seq.s32 s10, $0x1;
	s10 =	sld [smem:$0x3FB0];
	_ =	sdelay $0x3  }
0x34: {  	[smem:$0x3FB0] =	sst s10  }
0x35: {  	s10 =	sld [smem:$0x3FAF];
	_ =	sdelay $0x3  }
0x36: {  	p1 =	seq.s32 s10, $0x1;
	s10 =	sld [smem:$0x3FB0];
	_ =	sdelay $0x3  }
0x37: {  	[smem:$0x3FB0] =	sst s10  }
0x38: {  	s10 =	sld [smem:$0x3FB1]  }
0x39: {  	_ = 	snop;
	(pc) =	sbr.ind lr, $3  }
0x3a: {  	_ = 	snop  }
0x3b: {  	_ = 	snop  }
0x3c: {  	p2 =	seq.s32 s10, $0x1;
	s10 =	sld [smem:$0x3FB0]  }
0x3d: {  	_ =	shalt  }
0x3e: {  	_ =	shalt  }
0x3f: {  	_ =	shalt  }
0x40: {  	_ =	shalt  }
0x41: {  	_ =	shalt  }
0x42: {  	_ =	shalt  }
0x43: {  	_ =	shalt  }
0x44: {  	_ =	shalt  }
0x45: {  	_ =	shalt  }
0x46: {  	_ =	shalt  }
0x47: {  	_ =	shalt  }
0x48: {  	_ =	shalt  }
0x49: {  	_ =	shalt  }
0x4a: {  	_ =	shalt  }
0x4b: {  	_ =	shalt  }
0x4c: {  	_ =	shalt  }
0x4d: {  	_ =	shalt  }
0x4e: {  	_ =	shalt  }
0x4f: {  	_ =	shalt  }
0x50: {  	_ =	shalt  }
0x51: {  	_ =	shalt  }
0x52: {  	_ =	shalt  }
0x53: {  	_ =	shalt  }
0x54: {  	_ =	shalt  }
0x55: {  	_ =	shalt  }
0x56: {  	_ =	shalt  }
0x57: {  	_ =	shalt  }
0x58: {  	_ =	shalt  }
0x59: {  	_ =	shalt  }
0x5a: {  	_ =	shalt  }
0x5b: {  	_ =	shalt  }
0x5c: {  	_ =	shalt  }
0x5d: {  	_ =	shalt  }
0x5e: {  	_ =	shalt  }
0x5f: {  	_ =	shalt  }
0x60: {  	_ =	shalt  }
0x61: {  	_ =	shalt  }
0x62: {  	_ =	shalt  }
0x63: {  	_ =	shalt  }
0x64: {  	_ =	shalt  }
0x65: {  	_ =	shalt  }
0x66: {  	_ =	shalt  }
0x67: {  	_ =	shalt  }
0x68: {  	_ =	shalt  }
0x69: {  	_ =	shalt  }
0x6a: {  	_ =	shalt  }
0x6b: {  	_ =	shalt  }
0x6c: {  	_ =	shalt  }
0x6d: {  	_ =	shalt  }
0x6e: {  	_ =	shalt  }
0x6f: {  	_ =	shalt  }
0x70: {  	_ =	shalt  }
0x71: {  	_ =	shalt  }
0x72: {  	_ =	shalt  }
0x73: {  	_ =	shalt  }
0x74: {  	_ =	shalt  }
0x75: {  	_ =	shalt  }
0x76: {  	_ =	shalt  }
0x77: {  	_ =	shalt  }
0x78: {  	_ =	shalt  }
0x79: {  	_ =	shalt  }
0x7a: {  	_ =	shalt  }
0x7b: {  	_ =	shalt  }
0x7c: {  	_ =	shalt  }
0x7d: {  	_ =	shalt  }
0x7e: {  	_ =	shalt  }
0x7f: {  	_ =	shalt  }
0x80: {  	_ =	shalt  }
0x81: {  	_ =	shalt  }
0x82: {  	_ =	shalt  }
0x83: {  	_ =	shalt  }
0x84: {  	_ =	shalt  }
0x85: {  	_ =	shalt  }
0x86: {  	_ =	shalt  }
0x87: {  	_ =	shalt  }
.Lfunc_end0:
.L_simem_size_0:
called_computation.1_lowered:
.L_overlay_start_0:
0x88: {  	s2 =	sld [smem:$0x3FD9]  }
0x89: {  	s3 =	sld [smem:$0x3FFE];
	_ =	sdelay $0x1  }
0x8a: {  	s1 =	srdreg.scid  }
0x8b: {  	s0 =	sand.u32 $0x1, s1  }
0x8c: {  	s17 =	sshll.u32 s0, $0xA;
	s2 =	sadd.s32 s3, s2  }
0x8d: {  	s2 =	sadd.s32 s2, s17  }
0x8e: {  	[smem:$0x3FBC] =	sst s2  }
0x8f: {  	_ = 	snop  }
0x90: {  	s2 =	sld [smem:$0x3FD0];
	(tm) =	ssettm $0x1  }
0x91: {  	s18 =	sld [smem:$0x3FFB];
	_ =	sdelay $0x3  }
0x92: {  	_ =	strace s18  }
0x93: {  	s3 =	sld [smem:$0x3FFC];
	_ =	sdelay $0x3  }
0x94: {  	_ =	strace s3  }
0x95: {  	s3 =	sld [smem:$0x3FFD];
	_ =	sdelay $0x3  }
0x96: {  	_ =	strace s3  }
0x97: {  	_ =	strace $0x8FFFFFFF  }
0x98: {  	s19 =	sld [smem:$0x3FDB];
	_ =	sdelay $0x1  }
0x99: {  	s4 =	simm.s32 $_scs_section_size  }
0x9a: {  	s5 =	simm.s32 $_size__tile_overlayer_lowered;
	s6 =	simm.s32 $_tile_overlayer_lowered  }
0x9b: {  	s22 =	simm.s32 $0x1BFF;
	s21 =	sshll.u32 s6, $0x1;
	s3 =	sadd.s32 s4, s19  }
0x9c: {  	s7 =	simm.s32 $0x0;
	s20 =	sshll.u32 s5, $0x1;
	s5 =	sadd.s32 s21, s3  }
0x9d: {  	[timem:s7], [sflag:s22] =	dma.local [hbm:s5], s20  }
0x9e: {  	_ =	swait.ge [sflag:s22], s20  }
0x9f: {  	s4 =	ssub.s32 $0x0, s20;
	[sflag:s22] =	ssyncset.done $0x0  }
0xa0: {  	[sflag:s22] =	ssyncadd.s32 s4;
	_ =	sdelay $0x1  }
0xa1: {  	s23 =	simm.s32 $0x1B8B  }
0xa2: {  	_ =	swait.ge [sflag:s23], $0x1  }
0xa3: {  	[sflag:s23] =	ssyncset.done $0x0  }
0xa4: {  	s25 =	simm.s32 $0x1B8E;
	s24 =	sld [smem:$0x3FFE];
	[sflag:s23] =	ssyncadd.s32 $0xFFFFFFFF  }
0xa5: {  	s26 =	simm.s32 $execute0_lowered;
	[smem:$0x3FD2] =	sst s25  }
0xa6: {  	s5 =	sshll.u32 s26, $0x1;
	_ =	strace $0x80000049;
	[dreg:$0x1] =	wrdreg $0xFFFFFFFF  }
0xa7: {  	s28 =	simm.s32 $_size_execute0_lowered;
	s3 =	sadd.s32 s3, s5;
	[dreg:$0x0] =	wrdreg $0x0  }
0xa8: {  	s5 =	sshll.u32 s28, $0x1;
	[dreg:$0x2] =	wrdreg s3  }
0xa9: {  	[dreg:$0x3] =	wrdreg s5  }
0xaa: {  	[dreg:$0x4] =	wrdreg $0xC0  }
0xab: {  	_ =	task [dreg:s7], $0x5FFFF  }
0xac: {  	[dreg:$0x1] =	wrdreg $0xFFFFFFFF  }
0xad: {  	[dreg:$0x0] =	wrdreg $0x60  }
0xae: {  	[dreg:$0x2] =	wrdreg s24  }
0xaf: {  	[dreg:$0x3] =	wrdreg s2  }
0xb0: {  	[dreg:$0x4] =	wrdreg $0x0  }
0xb1: {  	[dreg:$0x5] =	wrdreg $0x9  }
0xb2: {  	_ =	task.clear_ibuf [dreg:s7], $0x6FFFF;
	_ =	strace $0x90000049  }
0xb3: {  	s29 =	simm.s32 $0x9;
	_ =	strace $0x8000004B  }
0xb4: {  	_ =	swait.ge [sflag:s29], $0x1  }
0xb5: {  	[sflag:s29] =	ssyncadd.s32 $0xFFFFFFFF  }
0xb6: {  	_ =	strace $0x9000004B  }
0xb7: {  	_ =	sfence  }
0xb8: {  	s30 =	sld [smem:$0x0];
	_ =	sdelay $0x2  }
0xb9: {  	s31 =	sshll.u32 s1, $0xD;
	s1 =	sshrl.u32 s1, $0x2  }
0xba: {  	s3 =	sand.u32 $0x4000, s31;
	s1 =	sadd.s32 s1, s30  }
0xbb: {  	s0 =	sor.u32 s3, s0;
	s1 =	sshll.u32 s1, $0x11  }
0xbc: {  	s0 =	sor.u32 s1, s0  }
0xbd: {  	s0 =	sadd.s32 $0x8F2B, s0  }
0xbe: {  	[sflag:s0] =	ssyncadd.remote.s32 $0x1  }
0xbf: {  	_ =	sfence.sel $0xFFFF  }
0xc0: {  	[dreg:$0x0] =	wrdreg $0xFFFFFFFF;
	(pc) =	sbr.abs _section_cstart, $3  }
0xc1: {  	[dreg:$0x1] =	wrdreg $0xFFFFFFFF  }
0xc2: {  	_ =	task.clear_ibuf [dreg:s7], $0x2FFFF;
	_ =	strace $0x9FFFFFFF  }
0xc3: {  	(tm) =	ssettm $0x7FFFFFFF  }
tec
execute0_lowered:
.L_overlay_start_1:
0x0: {  	(tag) =	ssettag $0x1  }
0x1: {  	s2 =	rddreg [dreg:$0x0];
	s0 =	srdreg.scid  }
0x2: {  	s3 =	rddreg [dreg:$0x1];
	s17 =	stileid.u32  }
0x3: {  	s1 =	simm.s32 $0x0;
	s4 =	sand.u32 $0x1, s0;
	s5 =	smul.u32 $0x11800, s17  }
0x4: {  	[smem:$0x7FF] =	sst s1;
	s7 =	sadd.s32 $0x56000, s2;
	s0 =	ssub.s32 $0x2, s4  }
0x5: {  	s11 =	smul.u32 $0x118000, s4;
	p0 =	seq.s32 s4, $0x1;
	s6 =	sshrl.u32 s0, $0x1  }
0x6: {  	s8 =	sadd.s32 $0x3800, s5;
	s9 =	sadd.s32 $0x5400, s5;
	s10 =	sadd.s32 $0x7000, s5  }
0x7: {  	s12 =	sadd.s32 $0x8C00, s5;
	s13 =	sadd.s32 $0xA800, s5;
	s14 =	sadd.s32 $0xC400, s5  }
0x8: {  	s18 =	sadd.s32 $0xE000, s5;
	s19 =	sadd.s32 $0xFC00, s5;
	s0 =	ssub.s32 s0, s6  }
0x9: {  	s6 =	sadd.s32 $0x1C00, s5;
	s26 =	sadd.s32 s5, s11;
	s16 =	sadd.s32 s11, s8  }
0xa: {  	s20 =	sadd.s32 s11, s10;
	s21 =	sadd.s32 s11, s12;
	s24 =	sadd.s32 s11, s13  }
0xb: {  	s25 =	sadd.s32 s11, s14;
	s15 =	sadd.s32 s11, s6;
	s4 =	sshrl.u32 s26, $0x3  }
0xc: {  	s23 =	sshrl.u32 s21, $0x3;
	s26 =	sadd.s32 s11, s18;
	s4 =	sadd.s32 s7, s4  }
0xd: {  	s0 =	smax.u32 s0, $0x1;
	s15 =	sshrl.u32 s15, $0x3;
	[dreg:$0x4] =	wrdreg s4  }
0xe: {  	s29 =	sadd.s32 s7, s15;
	s15 =	sshrl.u32 s16, $0x3;
	s16 =	sadd.s32 s11, s9  }
0xf: {  	[dreg:$0x5] =	wrdreg s29;
	s4 =	sadd.s32 s7, s15;
	s15 =	sshrl.u32 s20, $0x3  }
0x10: {  	s20 =	smul.u32 $0xA20, s17;
	s17 =	sadd.s32 $0x46A00, s2;
	[dreg:$0x6] =	wrdreg s4  }
0x11: {  	s4 =	sshrl.u32 s16, $0x3;
	s22 =	sadd.s32 s7, s15;
	s15 =	sshrl.u32 s25, $0x3  }
0x12: {  	s16 =	sadd.s32 s11, s19;
	s11 =	rddreg [dreg:$0x2];
	s4 =	sadd.s32 s7, s4  }
0x13: {  	[dreg:$0x8] =	wrdreg s22;
	s29 =	sadd.s32 s7, s15;
	s15 =	sshrl.u32 s26, $0x3  }
0x14: {  	s21 =	sshrl.u32 s16, $0x3;
	s3 =	sadd.s32 s3, s20;
	s22 =	sadd.s32 s20, s2  }
0x15: {  	s16 =	sadd.s32 $0x2200, s2;
	s30 =	sadd.s32 s5, s11;
	s31 =	sadd.s32 s6, s11  }
0x16: {  	s25 =	sadd.s32 s10, s11;
	s26 =	sadd.s32 s13, s11;
	s28 =	sadd.s32 s14, s11  }
0x17: {  	s20 =	sadd.s32 s18, s11;
	s10 =	simm.s32 $0x1BA00;
	s5 =	simm.s32 $0x1  }
0x18: {  	s6 =	simm.s32 $0x3;
	[dreg:$0x7] =	wrdreg s4;
	s4 =	sadd.s32 s7, s23  }
0x19: {  	s13 =	simm.s32 $0x0;
	[dreg:$0x9] =	wrdreg s4;
	s4 =	sshrl.u32 s24, $0x3  }
0x1a: {  	[dreg:$0xb] =	wrdreg s29;
	s23 =	sadd.s32 s8, s11;
	s4 =	sadd.s32 s7, s4  }
0x1b: {  	s29 =	sadd.s32 s12, s11;
	[dreg:$0xa] =	wrdreg s4;
	s4 =	sadd.s32 s7, s15  }
0x1c: {  	s18 =	smov.u32 s25;
	[dreg:$0xc] =	wrdreg s4;
	s4 =	sadd.s32 s7, s21  }
0x1d: {  	s8 =	simm.s32 $0x1F600;
	s15 =	sadd.s32 $0x24600, s2;
	[dreg:$0xd] =	wrdreg s4  }
0x1e: {  	s2 =	sadd.s32 $0x55C00, s2;
	_ =	strace $0x8000004A;
	[dreg:$0xe] =	wrdreg s3  }
0x1f: {  	s12 =	simm.s32 $0x4;
	s24 =	sadd.s32 s9, s11;
	[dreg:$0xf] =	wrdreg s2  }
.Ltmp0:
0x20: {  	s9 =	simm.s32 $0x2;
	[dreg:$0x14] =	wrdreg s0;
	(pc) =	sbr.rel .LBB2_1-.Ltmp0, $4  }
0x21: {  	s14 =	smov.u32 s24;
	s21 =	sadd.s32 s19, s11;
	[dreg:$0x10] =	wrdreg s20  }
0x22: {  	s19 =	smov.u32 s29;
	s7 =	simm.s32 $0x1D600;
	[dreg:$0x11] =	wrdreg s28  }
0x23: {  	s4 =	simm.s32 $0x40;
	s3 =	sadd.s32 $0x4BA00, s22;
	[dreg:$0x12] =	wrdreg s21  }
0x24: {  	vm0 =	vmmov $0x7;
	s0 =	simm.s32 $0x5;
	[dreg:$0x13] =	wrdreg s3;
	s3 =	smov.u32 s23  }
.LBB2_14:
0x25: {  	[bflag:$0x0] =	sbarrier.arrive $0xFFFF  }
0x26: {  	[tilespmem:s10], [sflag:$0x5] =	stream.linear.gather [spmem:s29], $0x1C00, $0x38;
	[tilespmem:$0x1FA00] =	vst v63  }
0x27: {  	_ =	swait.ge [sflag:s0], $0x1C00  }
0x28: {  	[sflag:s0] =	ssyncset.done $0x0  }
0x29: {  	s2 =	rddreg [dreg:$0x4];
	[sflag:s0] =	ssyncadd.s32 $0xFFFFE400  }
0x2a: {  	[hbm4b:s2+s1] =	stream.linear.scatter [tilespmem:s10], [sflag:$0x5], $0x1C00, $0x38;
	[tilespmem:$0x1FA00] =	vst v63  }
0x2b: {  	_ =	swait.ge [sflag:s0], $0x1C00  }
0x2c: {  	[sflag:s0] =	ssyncset.done $0x0  }
0x2d: {  	[sflag:s0] =	ssyncadd.s32 $0xFFFFE400  }
0x2e: {  	[tilespmem:s10], [sflag:$0x5] =	stream.linear.gather [spmem:s21], $0x1C00, $0x38;
	[tilespmem:$0x1FA00] =	vst v63  }
0x2f: {  	_ =	swait.ge [sflag:s0], $0x1C00  }
0x30: {  	[sflag:s0] =	ssyncset.done $0x0  }
0x31: {  	s14 =	rddreg [dreg:$0x5];
	[sflag:s0] =	ssyncadd.s32 $0xFFFFE400  }
0x32: {  	[hbm4b:s14+s1] =	stream.linear.scatter [tilespmem:s10], [sflag:$0x5], $0x1C00, $0x38;
	[tilespmem:$0x1FA00] =	vst v63  }
0x33: {  	_ =	swait.ge [sflag:s0], $0x1C00  }
0x34: {  	[sflag:s0] =	ssyncset.done $0x0  }
0x35: {  	[sflag:s0] =	ssyncadd.s32 $0xFFFFE400  }
0x36: {  	[tilespmem:s10], [sflag:$0x5] =	stream.linear.gather [spmem:s22], $0x1C00, $0x38;
	[tilespmem:$0x1FA00] =	vst v63  }
0x37: {  	_ =	swait.ge [sflag:s0], $0x1C00  }
0x38: {  	[sflag:s0] =	ssyncset.done $0x0  }
0x39: {  	s18 =	rddreg [dreg:$0x6];
	[sflag:s0] =	ssyncadd.s32 $0xFFFFE400  }
0x3a: {  	[hbm4b:s18+s1] =	stream.linear.scatter [tilespmem:s10], [sflag:$0x5], $0x1C00, $0x38;
	[tilespmem:$0x1FA00] =	vst v63  }
0x3b: {  	_ =	swait.ge [sflag:s0], $0x1C00  }
0x3c: {  	[sflag:s0] =	ssyncset.done $0x0  }
0x3d: {  	[sflag:s0] =	ssyncadd.s32 $0xFFFFE400  }
0x3e: {  	[tilespmem:s10], [sflag:$0x5] =	stream.linear.gather [spmem:s23], $0x1C00, $0x38;
	[tilespmem:$0x1FA00] =	vst v63  }
0x3f: {  	_ =	swait.ge [sflag:s0], $0x1C00  }
0x40: {  	[sflag:s0] =	ssyncset.done $0x0  }
0x41: {  	s19 =	rddreg [dreg:$0x7];
	[sflag:s0] =	ssyncadd.s32 $0xFFFFE400  }
0x42: {  	[hbm4b:s19+s1] =	stream.linear.scatter [tilespmem:s10], [sflag:$0x5], $0x1C00, $0x38;
	[tilespmem:$0x1FA00] =	vst v63  }
0x43: {  	_ =	swait.ge [sflag:s0], $0x1C00  }
0x44: {  	[sflag:s0] =	ssyncset.done $0x0  }
0x45: {  	[sflag:s0] =	ssyncadd.s32 $0xFFFFE400  }
0x46: {  	[tilespmem:s10], [sflag:$0x5] =	stream.linear.gather [spmem:s24], $0x1C00, $0x38;
	[tilespmem:$0x1FA00] =	vst v63  }
0x47: {  	_ =	swait.ge [sflag:s0], $0x1C00  }
0x48: {  	[sflag:s0] =	ssyncset.done $0x0  }
0x49: {  	s20 =	rddreg [dreg:$0x8];
	[sflag:s0] =	ssyncadd.s32 $0xFFFFE400  }
0x4a: {  	[hbm4b:s20+s1] =	stream.linear.scatter [tilespmem:s10], [sflag:$0x5], $0x1C00, $0x38;
	[tilespmem:$0x1FA00] =	vst v63  }
0x4b: {  	_ =	swait.ge [sflag:s0], $0x1C00  }
0x4c: {  	[sflag:s0] =	ssyncset.done $0x0  }
0x4d: {  	[sflag:s0] =	ssyncadd.s32 $0xFFFFE400  }
0x4e: {  	[tilespmem:s10], [sflag:$0x5] =	stream.linear.gather [spmem:s25], $0x1C00, $0x38;
	[tilespmem:$0x1FA00] =	vst v63  }
0x4f: {  	_ =	swait.ge [sflag:s0], $0x1C00  }
0x50: {  	[sflag:s0] =	ssyncset.done $0x0  }
0x51: {  	s31 =	smov.u32 s21;
	s21 =	rddreg [dreg:$0x9];
	[sflag:s0] =	ssyncadd.s32 $0xFFFFE400  }
0x52: {  	[hbm4b:s21+s1] =	stream.linear.scatter [tilespmem:s10], [sflag:$0x5], $0x1C00, $0x38;
	[tilespmem:$0x1FA00] =	vst v63  }
0x53: {  	_ =	swait.ge [sflag:s0], $0x1C00  }
0x54: {  	[sflag:s0] =	ssyncset.done $0x0  }
0x55: {  	[sflag:s0] =	ssyncadd.s32 $0xFFFFE400  }
0x56: {  	[tilespmem:s10], [sflag:$0x5] =	stream.linear.gather [spmem:s26], $0x1C00, $0x38;
	[tilespmem:$0x1FA00] =	vst v63  }
0x57: {  	_ =	swait.ge [sflag:s0], $0x1C00  }
0x58: {  	[sflag:s0] =	ssyncset.done $0x0  }
0x59: {  	s3 =	smov.u32 s22;
	s22 =	rddreg [dreg:$0xa];
	[sflag:s0] =	ssyncadd.s32 $0xFFFFE400  }
0x5a: {  	[hbm4b:s22+s1] =	stream.linear.scatter [tilespmem:s10], [sflag:$0x5], $0x1C00, $0x38;
	[tilespmem:$0x1FA00] =	vst v63  }
0x5b: {  	_ =	swait.ge [sflag:s0], $0x1C00  }
0x5c: {  	[sflag:s0] =	ssyncset.done $0x0  }
0x5d: {  	s28 =	rddreg [dreg:$0x11];
	[sflag:s0] =	ssyncadd.s32 $0xFFFFE400  }
0x5e: {  	[tilespmem:s10], [sflag:$0x5] =	stream.linear.gather [spmem:s28], $0x1C00, $0x38;
	[tilespmem:$0x1FA00] =	vst v63  }
0x5f: {  	_ =	swait.ge [sflag:s0], $0x1C00  }
0x60: {  	[sflag:s0] =	ssyncset.done $0x0  }
0x61: {  	s14 =	smov.u32 s23;
	s23 =	rddreg [dreg:$0xb];
	[sflag:s0] =	ssyncadd.s32 $0xFFFFE400  }
0x62: {  	[hbm4b:s23+s1] =	stream.linear.scatter [tilespmem:s10], [sflag:$0x5], $0x1C00, $0x38;
	[tilespmem:$0x1FA00] =	vst v63  }
0x63: {  	_ =	swait.ge [sflag:s0], $0x1C00  }
0x64: {  	[sflag:s0] =	ssyncset.done $0x0  }
0x65: {  	s20 =	rddreg [dreg:$0x10];
	[sflag:s0] =	ssyncadd.s32 $0xFFFFE400  }
0x66: {  	[tilespmem:s10], [sflag:$0x5] =	stream.linear.gather [spmem:s20], $0x1C00, $0x38;
	[tilespmem:$0x1FA00] =	vst v63  }
0x67: {  	_ =	swait.ge [sflag:s0], $0x1C00  }
0x68: {  	[sflag:s0] =	ssyncset.done $0x0  }
0x69: {  	s18 =	smov.u32 s24;
	s24 =	rddreg [dreg:$0xc];
	[sflag:s0] =	ssyncadd.s32 $0xFFFFE400  }
0x6a: {  	[hbm4b:s24+s1] =	stream.linear.scatter [tilespmem:s10], [sflag:$0x5], $0x1C00, $0x38;
	[tilespmem:$0x1FA00] =	vst v63  }
0x6b: {  	_ =	swait.ge [sflag:s0], $0x1C00  }
0x6c: {  	[sflag:s0] =	ssyncset.done $0x0  }
0x6d: {  	s21 =	rddreg [dreg:$0x12];
	[sflag:s0] =	ssyncadd.s32 $0xFFFFE400  }
0x6e: {  	[tilespmem:s10], [sflag:$0x5] =	stream.linear.gather [spmem:s21], $0x1C00, $0x38;
	[tilespmem:$0x1FA00] =	vst v63  }
0x6f: {  	_ =	swait.ge [sflag:s0], $0x1C00  }
0x70: {  	[sflag:s0] =	ssyncset.done $0x0  }
0x71: {  	s19 =	smov.u32 s25;
	s25 =	rddreg [dreg:$0xd];
	[sflag:s0] =	ssyncadd.s32 $0xFFFFE400  }
0x72: {  	[hbm4b:s25+s1] =	stream.linear.scatter [tilespmem:s10], [sflag:$0x5], $0x1C00, $0x38;
	[tilespmem:$0x1FA00] =	vst v63  }
0x73: {  	_ =	swait.ge [sflag:s0], $0x1C00  }
0x74: {  	s30 =	smov.u32 s29;
	s13 =	sadd.s32 $0x1, s13;
	s29 =	rddreg [dreg:$0x14]  }
0x75: {  	p1 =	sne.s32 s13, s29  }
.Ltmp1:
0x76: {  	_ = 	snop;
	(pc) =	sbr.rel @!p1 .LBB2_15-.Ltmp1, $3  }
0x77: {  	_ =	sdelay $0x1  }
0x78: {  	[sflag:s0] =	ssyncset.done $0x0  }
0x79: {  	[sflag:s0] =	ssyncadd.s32 $0xFFFFE400  }
.LBB2_1:
0x7a: {  	s2 =	rddreg [dreg:$0xf]  }
0x7b: {  	[tilespmem:s10], [sflag:$0x5] =	stream.linear.gather [hbm4b:s2+s1], $0x1C00, $0x38;
	[tilespmem:$0x1FA00] =	vst v63  }
0x7c: {  	_ =	swait.ge [sflag:s0], $0x1C00  }
0x7d: {  	[sflag:s0] =	ssyncset.done $0x0  }
0x7e: {  	[sflag:s0] =	ssyncadd.s32 $0xFFFFE400  }
0x7f: {  	[spmem:s30] =	stream.linear.scatter [tilespmem:s10], [sflag:$0x5], $0x1C00, $0x38;
	[tilespmem:$0x1FA00] =	vst v63  }
0x80: {  	_ =	swait.ge [sflag:s0], $0x1C00  }
0x81: {  	[sflag:s0] =	ssyncset.done $0x0  }
0x82: {  	[sflag:s0] =	ssyncadd.s32 $0xFFFFE400  }
0x83: {  	[spmem:s31] =	stream.linear.scatter [tilespmem:s10], [sflag:$0x5], $0x1C00, $0x38;
	[tilespmem:$0x1FA00] =	vst v63  }
0x84: {  	_ =	swait.ge [sflag:s0], $0x1C00  }
0x85: {  	[sflag:s0] =	ssyncset.done $0x0  }
0x86: {  	[sflag:s0] =	ssyncadd.s32 $0xFFFFE400  }
0x87: {  	[spmem:s3] =	stream.linear.scatter [tilespmem:s10], [sflag:$0x5], $0x1C00, $0x38;
	[tilespmem:$0x1FA00] =	vst v63  }
0x88: {  	_ =	swait.ge [sflag:s0], $0x1C00  }
0x89: {  	[sflag:s0] =	ssyncset.done $0x0  }
0x8a: {  	[sflag:s0] =	ssyncadd.s32 $0xFFFFE400  }
0x8b: {  	[spmem:s14] =	stream.linear.scatter [tilespmem:s10], [sflag:$0x5], $0x1C00, $0x38;
	[tilespmem:$0x1FA00] =	vst v63  }
0x8c: {  	_ =	swait.ge [sflag:s0], $0x1C00  }
0x8d: {  	[sflag:s0] =	ssyncset.done $0x0  }
0x8e: {  	[sflag:s0] =	ssyncadd.s32 $0xFFFFE400  }
0x8f: {  	[spmem:s18] =	stream.linear.scatter [tilespmem:s10], [sflag:$0x5], $0x1C00, $0x38;
	[tilespmem:$0x1FA00] =	vst v63  }
0x90: {  	_ =	swait.ge [sflag:s0], $0x1C00  }
0x91: {  	[sflag:s0] =	ssyncset.done $0x0  }
0x92: {  	[sflag:s0] =	ssyncadd.s32 $0xFFFFE400  }
0x93: {  	[spmem:s19] =	stream.linear.scatter [tilespmem:s10], [sflag:$0x5], $0x1C00, $0x38;
	[tilespmem:$0x1FA00] =	vst v63  }
0x94: {  	_ =	swait.ge [sflag:s0], $0x1C00  }
0x95: {  	[sflag:s0] =	ssyncset.done $0x0  }
0x96: {  	[sflag:s0] =	ssyncadd.s32 $0xFFFFE400  }
0x97: {  	[spmem:s26] =	stream.linear.scatter [tilespmem:s10], [sflag:$0x5], $0x1C00, $0x38;
	[tilespmem:$0x1FA00] =	vst v63  }
0x98: {  	_ =	swait.ge [sflag:s0], $0x1C00  }
0x99: {  	[sflag:s0] =	ssyncset.done $0x0  }
0x9a: {  	[sflag:s0] =	ssyncadd.s32 $0xFFFFE400  }
0x9b: {  	[spmem:s28] =	stream.linear.scatter [tilespmem:s10], [sflag:$0x5], $0x1C00, $0x38;
	[tilespmem:$0x1FA00] =	vst v63  }
0x9c: {  	_ =	swait.ge [sflag:s0], $0x1C00  }
0x9d: {  	[sflag:s0] =	ssyncset.done $0x0  }
0x9e: {  	[sflag:s0] =	ssyncadd.s32 $0xFFFFE400  }
0x9f: {  	[spmem:s20] =	stream.linear.scatter [tilespmem:s10], [sflag:$0x5], $0x1C00, $0x38;
	[tilespmem:$0x1FA00] =	vst v63  }
0xa0: {  	_ =	swait.ge [sflag:s0], $0x1C00  }
0xa1: {  	[sflag:s0] =	ssyncset.done $0x0  }
0xa2: {  	s2 =	smov.u32 s21;
	[sflag:s0] =	ssyncadd.s32 $0xFFFFE400  }
0xa3: {  	[spmem:s2] =	stream.linear.scatter [tilespmem:s10], [sflag:$0x5], $0x1C00, $0x38;
	[tilespmem:$0x1FA00] =	vst v63  }
0xa4: {  	_ =	swait.ge [sflag:s0], $0x1C00  }
0xa5: {  	[sflag:s0] =	ssyncset.done $0x0  }
0xa6: {  	[sflag:s0] =	ssyncadd.s32 $0xFFFFE400  }
0xa7: {  	[bflag:$0x0] =	sbarrier.arrive $0xFFFF  }
0xa8: {  	s22 =	smov.u32 s3;
	s3 =	simm.s32 $0x11800;
	s28 =	rddreg [dreg:$0xe]  }
0xa9: {  	[tilespmem:s3], [sflag:$0x5] =	stream.linear.gather [hbm4b:s28+s1], $0x5100, $0x38;
	[tilespmem:$0x1FA00] =	vst v63  }
0xaa: {  	s29 =	smov.u32 s30;
	_ =	swait.ge [sflag:s0], $0x5100  }
0xab: {  	s21 =	smov.u32 s31;
	s31 =	simm.s32 $0x16900;
	[sflag:s0] =	ssyncset.done $0x0  }
.Ltmp2:
0xac: {  	s30 =	rddreg [dreg:$0x13];
	[sflag:s0] =	ssyncadd.s32 $0xFFFFAF00;
	(pc) =	sbr.rel @!p0 .LBB2_2-.Ltmp2, $4  }
0xad: {  	[tilespmem:s31], [sflag:$0x5] =	stream.linear.gather [hbm4b:s30+s1], $0x5100, $0x38;
	[tilespmem:$0x1FA00] =	vst v63  }
0xae: {  	_ =	swait.ge [sflag:s0], $0x5100  }
0xaf: {  	s23 =	smov.u32 s14;
	s24 =	smov.u32 s18;
	[sflag:s0] =	ssyncset.done $0x0  }
0xb0: {  	s25 =	smov.u32 s19;
	s2 =	simm.s32 $0x16900;
	[sflag:s0] =	ssyncadd.s32 $0xFFFFAF00  }
0xb1: {  	[tilespmem:s10], [sflag:$0x1] =	stream.indirect.gather [hbm4b:s16+s4], $0x70, s3, s4, $0xb8;
	[tilespmem:$0x1FA00] =	vst v63  }
0xb2: {  	s31 =	simm.s32 $0x1F200;
	s14 =	simm.s32 $0x0  }
0xb3: {  	[tilespmem:s31], [sflag:$0x3] =	stream.indirect.gather [hbm4b:s17+s4], $0x10, s2, s4, $0xb8;
	[tilespmem:$0x1FA00] =	vst v63  }
.LBB2_9:
0xb4: {  	_ =	swait.ge [sflag:s5], $0x1C00  }
0xb5: {  	[sflag:s5] =	ssyncset.done $0x0  }
0xb6: {  	[sflag:s5] =	ssyncadd.s32 $0xFFFFE400  }
0xb7: {  	_ =	swait.ge [sflag:s6], $0x400  }
0xb8: {  	s2 =	sshll.u32 s14, $0x7;
	[sflag:s6] =	ssyncset.done $0x0  }
0xb9: {  	s3 =	sadd.s32 $0x11840, s2;
	[sflag:s6] =	ssyncadd.s32 $0xFFFFFC00  }
0xba: {  	[tilespmem:s7], [sflag:$0x2] =	stream.indirect.gather [hbm4b:s16+s4], $0x70, s3, s4, $0xb8;
	[tilespmem:$0x1FA00] =	vst v63  }
0xbb: {  	s18 =	sadd.s32 $0x16940, s2;
	s3 =	simm.s32 $0x1BA30  }
0xbc: {  	[tilespmem:s8], [sflag:$0x4] =	stream.indirect.gather [hbm4b:s17+s4], $0x10, s18, s4, $0xb8;
	[tilespmem:$0x1FA00] =	vst v63  }
0xbd: {  	s19 =	simm.s32 $0x0;
	s31 =	simm.s32 $0x40;
	s30 =	simm.s32 $0x1BA30;
	v0 =	vld [tilespmem:s3+$0x30]  }
.LBB2_10:
0xbe: {  	p1 =	sne.s32 s31, $0xFC0;
	v1 =	vld [tilespmem:s19+$0x1F200];
	_ =	sdelay $0x4  }
0xbf: {  	v0 =	vadd.f32 v1, v0;
	_ =	sdelay $0x1  }
0xc0: {  	v1 =	vmul.f32 $2.000000030e-01, v0  }
0xc1: {  	vm1 =	vge.f32 v0, $0.0e+00  }
0xc2: {  	v0 =	vsel vm1, v0, v1  }
0xc3: {  	v0 =	vmul.f32 $1.442695020e+00, v0;
	_ =	sdelay $0x1  }
0xc4: {  	(erf) = vpow2.f32 v0;
	_ =	sdelay $0x3  }
0xc5: {  	v0 =	vld [tilespmem:s3+$0xFFFFFFF0]  }
0xc6: {  	v1 =	vld [tilespmem:s3+$0x20]  }
0xc7: {  	v2 =	vld [tilespmem:s3+$0x10]  }
0xc8: {  	v3 =	vld [tilespmem:s3+$0x0]  }
0xc9: {  	v4 =	vld [tilespmem:s3+$0xFFFFFFE0]  }
0xca: {  	v5 =	vld [tilespmem:s3+$0xFFFFFFD0];
	v6 =	vpop (erf)  }
0xcb: {  	v7 =	vnsel vm0, $0x0, v6;
	v8 =	vbroadcast v6, $0x1;
	v6 =	vbroadcast v6, $0x2  }
0xcc: {  	[tilespmem:s3+$0x30] =	vst v7  }
0xcd: {  	v2 =	vmul.f32 v2, v6;
	v1 =	vmul.f32 v1, v6  }
0xce: {  	v0 =	vmul.f32 v6, v0;
	v3 =	vmul.f32 v3, v6  }
0xcf: {  	v4 =	vmul.f32 v8, v4;
	v5 =	vmul.f32 v8, v5;
	[tilespmem:s3+$0x20] =	vst v1  }
.Ltmp3:
0xd0: {  	[tilespmem:s3+$0x10] =	vst v2;
	(pc) =	sbr.rel @p1 .LBB2_10-.Ltmp3, $4  }
0xd1: {  	[tilespmem:s3+$0x0] =	vst v3  }
0xd2: {  	[tilespmem:s3+$0xFFFFFFF0] =	vst v0  }
0xd3: {  	s3 =	sadd.s32 $0x70, s3;
	[tilespmem:s30+$0xFFFFFFE0] =	vst v4  }
0xd4: {  	s19 =	sshra.s32 s31, $0x2;
	s31 =	sadd.s32 $0x40, s31;
	v0 =	vld [tilespmem:s3+$0x30];
	[tilespmem:s30+$0xFFFFFFD0] =	vst v5;
	s30 =	smov.u32 s3  }
0xd5: {  	v1 =	vld [tilespmem:s19+$0x1F200];
	_ =	sdelay $0x4  }
0xd6: {  	v0 =	vadd.f32 v1, v0;
	_ =	sdelay $0x1  }
0xd7: {  	v1 =	vmul.f32 $2.000000030e-01, v0  }
0xd8: {  	vm1 =	vge.f32 v0, $0.0e+00  }
0xd9: {  	v0 =	vsel vm1, v0, v1  }
0xda: {  	v0 =	vmul.f32 $1.442695020e+00, v0;
	_ =	sdelay $0x1  }
0xdb: {  	(erf) = vpow2.f32 v0;
	_ =	sdelay $0x6  }
0xdc: {  	v0 =	vld [tilespmem:s3+$0x20]  }
0xdd: {  	v1 =	vld [tilespmem:s3+$0x10]  }
0xde: {  	v2 =	vld [tilespmem:s3+$0x0];
	v3 =	vpop (erf)  }
0xdf: {  	v4 =	vld [tilespmem:s3+$0xFFFFFFF0];
	v5 =	vbroadcast v3, $0x2  }
0xe0: {  	v6 =	vld [tilespmem:s3+$0xFFFFFFE0]  }
0xe1: {  	v7 =	vld [tilespmem:s3+$0xFFFFFFD0];
	v8 =	vnsel vm0, $0x0, v3;
	v0 =	vmul.f32 v0, v5  }
0xe2: {  	[tilespmem:s3+$0x30] =	vst v8;
	v1 =	vmul.f32 v1, v5  }
0xe3: {  	v3 =	vbroadcast v3, $0x1;
	v2 =	vmul.f32 v2, v5;
	[tilespmem:s3+$0x20] =	vst v0  }
0xe4: {  	v0 =	vmul.f32 v5, v4;
	[tilespmem:s3+$0x10] =	vst v1  }
0xe5: {  	v1 =	vmul.f32 v3, v6;
	[tilespmem:s3+$0x0] =	vst v2  }
0xe6: {  	v2 =	vmul.f32 v3, v7;
	[tilespmem:s3+$0xFFFFFFF0] =	vst v0  }
0xe7: {  	s31 =	sand.u32 $0x3FFFFF80, s2;
	[tilespmem:s30+$0xFFFFFFE0] =	vst v1  }
0xe8: {  	s3 =	sadd.s32 $0x16900, s31;
	[tilespmem:s30+$0xFFFFFFD0] =	vst v2  }
0xe9: {  	[spmem:s11] =	stream.indirect.scatter.add.f32 [tilespmem:s10], [sflag:$0x5], $0x70, s3, s4, $0xb8;
	[tilespmem:$0x1FA00] =	vst v63  }
0xea: {  	_ =	swait.ge [sflag:s0], $0x1C00  }
0xeb: {  	[sflag:s0] =	ssyncset.done $0x0  }
0xec: {  	[sflag:s0] =	ssyncadd.s32 $0xFFFFE400  }
0xed: {  	_ =	swait.ge [sflag:s9], $0x1C00  }
0xee: {  	[sflag:s9] =	ssyncset.done $0x0  }
0xef: {  	[sflag:s9] =	ssyncadd.s32 $0xFFFFE400  }
0xf0: {  	p1 =	seq.s32 s14, $0xA1;
	_ =	swait.ge [sflag:s12], $0x400  }
0xf1: {  	s19 =	simm.s32 @!p1 $0x40;
	[sflag:s12] =	ssyncset.done $0x0  }
0xf2: {  	s30 =	simm.s32 @!p1 $0x1BA00;
	s3 =	sadd.s32 @!p1 $0x11880, s2;
	[sflag:s12] =	ssyncadd.s32 $0xFFFFFC00  }
0xf3: {  	[tilespmem:s30], [sflag:$0x1] =	stream.indirect.gather @!p1 [hbm4b:s16+s19], $0x70, s3, s19, $0xb8;
	[tilespmem:$0x1FA00] =	vst v63  }
0xf4: {  	s2 =	sadd.s32 @!p1 $0x16980, s2;
	s3 =	simm.s32 @!p1 $0x1F200  }
0xf5: {  	[tilespmem:s3], [sflag:$0x3] =	stream.indirect.gather @!p1 [hbm4b:s17+s19], $0x10, s2, s19, $0xb8;
	[tilespmem:$0x1FA00] =	vst v63  }
0xf6: {  	s2 =	simm.s32 $0x1D630  }
0xf7: {  	s30 =	simm.s32 $0x40;
	s19 =	simm.s32 $0x0;
	s3 =	simm.s32 $0x1D630;
	v0 =	vld [tilespmem:s2+$0x30]  }
.LBB2_12:
0xf8: {  	p1 =	sne.s32 s30, $0xFC0;
	v1 =	vld [tilespmem:s19+$0x1F600];
	_ =	sdelay $0x4  }
0xf9: {  	v0 =	vadd.f32 v1, v0;
	_ =	sdelay $0x1  }
0xfa: {  	v1 =	vmul.f32 $2.000000030e-01, v0  }
0xfb: {  	vm1 =	vge.f32 v0, $0.0e+00  }
0xfc: {  	v0 =	vsel vm1, v0, v1  }
0xfd: {  	v0 =	vmul.f32 $1.442695020e+00, v0;
	_ =	sdelay $0x1  }
0xfe: {  	(erf) = vpow2.f32 v0;
	_ =	sdelay $0x3  }
0xff: {  	v0 =	vld [tilespmem:s2+$0xFFFFFFF0]  }
0x100: {  	v1 =	vld [tilespmem:s2+$0x20]  }
0x101: {  	v2 =	vld [tilespmem:s2+$0x10]  }
0x102: {  	v3 =	vld [tilespmem:s2+$0x0]  }
0x103: {  	v4 =	vld [tilespmem:s2+$0xFFFFFFE0]  }
0x104: {  	v5 =	vld [tilespmem:s2+$0xFFFFFFD0];
	v6 =	vpop (erf)  }
0x105: {  	v7 =	vnsel vm0, $0x0, v6;
	v8 =	vbroadcast v6, $0x1;
	v6 =	vbroadcast v6, $0x2  }
0x106: {  	[tilespmem:s2+$0x30] =	vst v7  }
0x107: {  	v2 =	vmul.f32 v2, v6;
	v1 =	vmul.f32 v1, v6  }
0x108: {  	v0 =	vmul.f32 v6, v0;
	v3 =	vmul.f32 v3, v6  }
0x109: {  	v4 =	vmul.f32 v8, v4;
	v5 =	vmul.f32 v8, v5;
	[tilespmem:s2+$0x20] =	vst v1  }
.Ltmp4:
0x10a: {  	[tilespmem:s2+$0x10] =	vst v2;
	(pc) =	sbr.rel @p1 .LBB2_12-.Ltmp4, $4  }
0x10b: {  	[tilespmem:s2+$0x0] =	vst v3  }
0x10c: {  	[tilespmem:s2+$0xFFFFFFF0] =	vst v0  }
0x10d: {  	s2 =	sadd.s32 $0x70, s2;
	[tilespmem:s3+$0xFFFFFFE0] =	vst v4  }
0x10e: {  	s19 =	sshra.s32 s30, $0x2;
	s30 =	sadd.s32 $0x40, s30;
	v0 =	vld [tilespmem:s2+$0x30];
	[tilespmem:s3+$0xFFFFFFD0] =	vst v5;
	s3 =	smov.u32 s2  }
0x10f: {  	v1 =	vld [tilespmem:s19+$0x1F600];
	_ =	sdelay $0x4  }
0x110: {  	v0 =	vadd.f32 v1, v0;
	_ =	sdelay $0x1  }
0x111: {  	v1 =	vmul.f32 $2.000000030e-01, v0  }
0x112: {  	vm1 =	vge.f32 v0, $0.0e+00  }
0x113: {  	v0 =	vsel vm1, v0, v1  }
0x114: {  	v0 =	vmul.f32 $1.442695020e+00, v0;
	_ =	sdelay $0x1  }
0x115: {  	(erf) = vpow2.f32 v0;
	_ =	sdelay $0x6  }
0x116: {  	v59 =	vld [tilespmem:s2+$0x20]  }
0x117: {  	v60 =	vld [tilespmem:s2+$0x10]  }
0x118: {  	v2 =	vld [tilespmem:s2+$0x0];
	v3 =	vpop (erf)  }
0x119: {  	v4 =	vld [tilespmem:s2+$0xFFFFFFF0];
	v5 =	vbroadcast v3, $0x2  }
0x11a: {  	v6 =	vld [tilespmem:s2+$0xFFFFFFE0]  }
0x11b: {  	v7 =	vld [tilespmem:s2+$0xFFFFFFD0];
	v8 =	vnsel vm0, $0x0, v3;
	v0 =	vmul.f32 v59, v5  }
0x11c: {  	[tilespmem:s2+$0x30] =	vst v8;
	v1 =	vmul.f32 v60, v5  }
0x11d: {  	v3 =	vbroadcast v3, $0x1;
	v2 =	vmul.f32 v2, v5;
	[tilespmem:s2+$0x20] =	vst v0  }
0x11e: {  	v61 =	vmul.f32 v5, v4;
	[tilespmem:s2+$0x10] =	vst v1  }
0x11f: {  	v62 =	vmul.f32 v3, v6;
	[tilespmem:s2+$0x0] =	vst v2  }
0x120: {  	v63 =	vmul.f32 v3, v7;
	[tilespmem:s2+$0xFFFFFFF0] =	vst v61  }
0x121: {  	s14 =	sadd.s32 $0x1, s14;
	[tilespmem:s3+$0xFFFFFFE0] =	vst v62  }
0x122: {  	p1 =	sne.s32 s14, $0xA2;
	[tilespmem:s3+$0xFFFFFFD0] =	vst v63  }
0x123: {  	[spmem:s11] =	stream.indirect.scatter.add.f32 [tilespmem:s7], [sflag:$0x5], $0x70, s18, s4, $0xb8;
	[tilespmem:$0x1FA00] =	vst v63  }
.Ltmp5:
0x124: {  	_ = 	snop;
	(pc) =	sbr.rel @p1 .LBB2_9-.Ltmp5, $4  }
.Ltmp6:
0x125: {  	_ = 	snop;
	(pc) =	sbr.rel @!p1 .LBB2_14-.Ltmp6, $4  }
0x126: {  	_ =	swait.ge [sflag:s0], $0x1C00  }
0x127: {  	[sflag:s0] =	ssyncset.done $0x0  }
0x128: {  	[sflag:s0] =	ssyncadd.s32 $0xFFFFE400  }
0x129: {  	_ = 	snop  }
.LBB2_2:
0x12a: {  	[tilespmem:s10], [sflag:$0x1] =	stream.indirect.gather [hbm4b:s15+s4], $0x70, s3, s4, $0xb8;
	[tilespmem:$0x1FA00] =	vst v63  }
0x12b: {  	s31 =	simm.s32 $0x1F200;
	s14 =	simm.s32 $0x0  }
0x12c: {  	[tilespmem:s31], [sflag:$0x3] =	stream.indirect.gather [hbm4b:s17+s4], $0x10, s2, s4, $0xb8;
	[tilespmem:$0x1FA00] =	vst v63  }
.LBB2_3:
0x12d: {  	_ =	swait.ge [sflag:s5], $0x1C00  }
0x12e: {  	[sflag:s5] =	ssyncset.done $0x0  }
0x12f: {  	[sflag:s5] =	ssyncadd.s32 $0xFFFFE400  }
0x130: {  	_ =	swait.ge [sflag:s6], $0x400  }
0x131: {  	s2 =	sshll.u32 s14, $0x7;
	[sflag:s6] =	ssyncset.done $0x0  }
0x132: {  	s3 =	sadd.s32 $0x11840, s2;
	[sflag:s6] =	ssyncadd.s32 $0xFFFFFC00  }
0x133: {  	[tilespmem:s7], [sflag:$0x2] =	stream.indirect.gather [hbm4b:s15+s4], $0x70, s3, s4, $0xb8;
	[tilespmem:$0x1FA00] =	vst v63  }
0x134: {  	s18 =	sadd.s32 $0x16940, s2;
	s3 =	simm.s32 $0x1BA30  }
0x135: {  	[tilespmem:s8], [sflag:$0x4] =	stream.indirect.gather [hbm4b:s17+s4], $0x10, s18, s4, $0xb8;
	[tilespmem:$0x1FA00] =	vst v63  }
0x136: {  	s19 =	simm.s32 $0x0;
	s31 =	simm.s32 $0x40;
	s30 =	simm.s32 $0x1BA30;
	v0 =	vld [tilespmem:s3+$0x30]  }
.LBB2_4:
0x137: {  	p1 =	sne.s32 s31, $0xFC0;
	v1 =	vld [tilespmem:s19+$0x1F200];
	_ =	sdelay $0x4  }
0x138: {  	v0 =	vadd.f32 v1, v0;
	_ =	sdelay $0x1  }
0x139: {  	v1 =	vmul.f32 $2.000000030e-01, v0  }
0x13a: {  	vm1 =	vge.f32 v0, $0.0e+00  }
0x13b: {  	v0 =	vsel vm1, v0, v1  }
0x13c: {  	v0 =	vmul.f32 $1.442695020e+00, v0;
	_ =	sdelay $0x1  }
0x13d: {  	(erf) = vpow2.f32 v0;
	_ =	sdelay $0x3  }
0x13e: {  	v0 =	vld [tilespmem:s3+$0xFFFFFFF0]  }
0x13f: {  	v1 =	vld [tilespmem:s3+$0x20]  }
0x140: {  	v2 =	vld [tilespmem:s3+$0x10]  }
0x141: {  	v3 =	vld [tilespmem:s3+$0x0]  }
0x142: {  	v4 =	vld [tilespmem:s3+$0xFFFFFFE0]  }
0x143: {  	v5 =	vld [tilespmem:s3+$0xFFFFFFD0];
	v6 =	vpop (erf)  }
0x144: {  	v7 =	vnsel vm0, $0x0, v6;
	v8 =	vbroadcast v6, $0x0;
	v6 =	vbroadcast v6, $0x1  }
0x145: {  	[tilespmem:s3+$0x30] =	vst v7  }
0x146: {  	v2 =	vmul.f32 v2, v6;
	v1 =	vmul.f32 v1, v6  }
0x147: {  	v0 =	vmul.f32 v8, v0;
	v3 =	vmul.f32 v3, v8  }
0x148: {  	v4 =	vmul.f32 v8, v4;
	v5 =	vmul.f32 v8, v5;
	[tilespmem:s3+$0x20] =	vst v1  }
.Ltmp7:
0x149: {  	[tilespmem:s3+$0x10] =	vst v2;
	(pc) =	sbr.rel @p1 .LBB2_4-.Ltmp7, $4  }
0x14a: {  	[tilespmem:s3+$0x0] =	vst v3  }
0x14b: {  	[tilespmem:s3+$0xFFFFFFF0] =	vst v0  }
0x14c: {  	s3 =	sadd.s32 $0x70, s3;
	[tilespmem:s30+$0xFFFFFFE0] =	vst v4  }
0x14d: {  	s19 =	sshra.s32 s31, $0x2;
	s31 =	sadd.s32 $0x40, s31;
	v0 =	vld [tilespmem:s3+$0x30];
	[tilespmem:s30+$0xFFFFFFD0] =	vst v5;
	s30 =	smov.u32 s3  }
0x14e: {  	v1 =	vld [tilespmem:s19+$0x1F200];
	_ =	sdelay $0x4  }
0x14f: {  	v0 =	vadd.f32 v1, v0;
	_ =	sdelay $0x1  }
0x150: {  	v1 =	vmul.f32 $2.000000030e-01, v0  }
0x151: {  	vm1 =	vge.f32 v0, $0.0e+00  }
0x152: {  	v0 =	vsel vm1, v0, v1  }
0x153: {  	v0 =	vmul.f32 $1.442695020e+00, v0;
	_ =	sdelay $0x1  }
0x154: {  	(erf) = vpow2.f32 v0;
	_ =	sdelay $0x6  }
0x155: {  	v0 =	vld [tilespmem:s3+$0x20]  }
0x156: {  	v1 =	vld [tilespmem:s3+$0x10]  }
0x157: {  	v2 =	vld [tilespmem:s3+$0x0];
	v3 =	vpop (erf)  }
0x158: {  	v4 =	vld [tilespmem:s3+$0xFFFFFFF0];
	v5 =	vbroadcast v3, $0x1  }
0x159: {  	v6 =	vld [tilespmem:s3+$0xFFFFFFE0]  }
0x15a: {  	v7 =	vld [tilespmem:s3+$0xFFFFFFD0];
	v8 =	vnsel vm0, $0x0, v3;
	v3 =	vbroadcast v3, $0x0;
	v0 =	vmul.f32 v0, v5  }
0x15b: {  	[tilespmem:s3+$0x30] =	vst v8;
	v1 =	vmul.f32 v1, v5  }
0x15c: {  	v2 =	vmul.f32 v2, v3;
	[tilespmem:s3+$0x20] =	vst v0  }
0x15d: {  	v0 =	vmul.f32 v3, v4;
	[tilespmem:s3+$0x10] =	vst v1  }
0x15e: {  	v1 =	vmul.f32 v3, v6;
	[tilespmem:s3+$0x0] =	vst v2  }
0x15f: {  	v2 =	vmul.f32 v3, v7;
	[tilespmem:s3+$0xFFFFFFF0] =	vst v0  }
0x160: {  	s31 =	sand.u32 $0x3FFFFF80, s2;
	[tilespmem:s30+$0xFFFFFFE0] =	vst v1  }
0x161: {  	s3 =	sadd.s32 $0x16900, s31;
	[tilespmem:s30+$0xFFFFFFD0] =	vst v2  }
0x162: {  	[spmem:s11] =	stream.indirect.scatter.add.f32 [tilespmem:s10], [sflag:$0x5], $0x70, s3, s4, $0xb8;
	[tilespmem:$0x1FA00] =	vst v63  }
0x163: {  	_ =	swait.ge [sflag:s0], $0x1C00  }
0x164: {  	[sflag:s0] =	ssyncset.done $0x0  }
0x165: {  	[sflag:s0] =	ssyncadd.s32 $0xFFFFE400  }
0x166: {  	_ =	swait.ge [sflag:s9], $0x1C00  }
0x167: {  	[sflag:s9] =	ssyncset.done $0x0  }
0x168: {  	[sflag:s9] =	ssyncadd.s32 $0xFFFFE400  }
0x169: {  	p1 =	seq.s32 s14, $0xA1;
	_ =	swait.ge [sflag:s12], $0x400  }
0x16a: {  	s19 =	simm.s32 @!p1 $0x40;
	[sflag:s12] =	ssyncset.done $0x0  }
0x16b: {  	s30 =	simm.s32 @!p1 $0x1BA00;
	s3 =	sadd.s32 @!p1 $0x11880, s2;
	[sflag:s12] =	ssyncadd.s32 $0xFFFFFC00  }
0x16c: {  	[tilespmem:s30], [sflag:$0x1] =	stream.indirect.gather @!p1 [hbm4b:s15+s19], $0x70, s3, s19, $0xb8;
	[tilespmem:$0x1FA00] =	vst v63  }
0x16d: {  	s2 =	sadd.s32 @!p1 $0x16980, s2;
	s3 =	simm.s32 @!p1 $0x1F200  }
0x16e: {  	[tilespmem:s3], [sflag:$0x3] =	stream.indirect.gather @!p1 [hbm4b:s17+s19], $0x10, s2, s19, $0xb8;
	[tilespmem:$0x1FA00] =	vst v63  }
0x16f: {  	s2 =	simm.s32 $0x1D630  }
0x170: {  	s30 =	simm.s32 $0x40;
	s19 =	simm.s32 $0x0;
	s3 =	simm.s32 $0x1D630;
	v0 =	vld [tilespmem:s2+$0x30]  }
.LBB2_6:
0x171: {  	p1 =	sne.s32 s30, $0xFC0;
	v1 =	vld [tilespmem:s19+$0x1F600];
	_ =	sdelay $0x4  }
0x172: {  	v0 =	vadd.f32 v1, v0;
	_ =	sdelay $0x1  }
0x173: {  	v1 =	vmul.f32 $2.000000030e-01, v0  }
0x174: {  	vm1 =	vge.f32 v0, $0.0e+00  }
0x175: {  	v0 =	vsel vm1, v0, v1  }
0x176: {  	v0 =	vmul.f32 $1.442695020e+00, v0;
	_ =	sdelay $0x1  }
0x177: {  	(erf) = vpow2.f32 v0;
	_ =	sdelay $0x3  }
0x178: {  	v0 =	vld [tilespmem:s2+$0xFFFFFFF0]  }
0x179: {  	v1 =	vld [tilespmem:s2+$0x20]  }
0x17a: {  	v2 =	vld [tilespmem:s2+$0x10]  }
0x17b: {  	v3 =	vld [tilespmem:s2+$0x0]  }
0x17c: {  	v4 =	vld [tilespmem:s2+$0xFFFFFFE0]  }
0x17d: {  	v5 =	vld [tilespmem:s2+$0xFFFFFFD0];
	v6 =	vpop (erf)  }
0x17e: {  	v7 =	vnsel vm0, $0x0, v6;
	v8 =	vbroadcast v6, $0x0;
	v6 =	vbroadcast v6, $0x1  }
0x17f: {  	[tilespmem:s2+$0x30] =	vst v7  }
0x180: {  	v2 =	vmul.f32 v2, v6;
	v1 =	vmul.f32 v1, v6  }
0x181: {  	v0 =	vmul.f32 v8, v0;
	v3 =	vmul.f32 v3, v8  }
0x182: {  	v4 =	vmul.f32 v8, v4;
	v5 =	vmul.f32 v8, v5;
	[tilespmem:s2+$0x20] =	vst v1  }
.Ltmp8:
0x183: {  	[tilespmem:s2+$0x10] =	vst v2;
	(pc) =	sbr.rel @p1 .LBB2_6-.Ltmp8, $4  }
0x184: {  	[tilespmem:s2+$0x0] =	vst v3  }
0x185: {  	[tilespmem:s2+$0xFFFFFFF0] =	vst v0  }
0x186: {  	s2 =	sadd.s32 $0x70, s2;
	[tilespmem:s3+$0xFFFFFFE0] =	vst v4  }
0x187: {  	s19 =	sshra.s32 s30, $0x2;
	s30 =	sadd.s32 $0x40, s30;
	v0 =	vld [tilespmem:s2+$0x30];
	[tilespmem:s3+$0xFFFFFFD0] =	vst v5;
	s3 =	smov.u32 s2  }
0x188: {  	v1 =	vld [tilespmem:s19+$0x1F600];
	_ =	sdelay $0x4  }
0x189: {  	v0 =	vadd.f32 v1, v0;
	_ =	sdelay $0x1  }
0x18a: {  	v1 =	vmul.f32 $2.000000030e-01, v0  }
0x18b: {  	vm1 =	vge.f32 v0, $0.0e+00  }
0x18c: {  	v0 =	vsel vm1, v0, v1  }
0x18d: {  	v0 =	vmul.f32 $1.442695020e+00, v0;
	_ =	sdelay $0x1  }
0x18e: {  	(erf) = vpow2.f32 v0;
	_ =	sdelay $0x6  }
0x18f: {  	v59 =	vld [tilespmem:s2+$0x20]  }
0x190: {  	v60 =	vld [tilespmem:s2+$0x10]  }
0x191: {  	v2 =	vld [tilespmem:s2+$0x0];
	v3 =	vpop (erf)  }
0x192: {  	v4 =	vld [tilespmem:s2+$0xFFFFFFF0];
	v5 =	vbroadcast v3, $0x1  }
0x193: {  	v6 =	vld [tilespmem:s2+$0xFFFFFFE0]  }
0x194: {  	v7 =	vld [tilespmem:s2+$0xFFFFFFD0];
	v8 =	vnsel vm0, $0x0, v3;
	v3 =	vbroadcast v3, $0x0;
	v0 =	vmul.f32 v59, v5  }
0x195: {  	[tilespmem:s2+$0x30] =	vst v8;
	v1 =	vmul.f32 v60, v5  }
0x196: {  	v2 =	vmul.f32 v2, v3;
	[tilespmem:s2+$0x20] =	vst v0  }
0x197: {  	v61 =	vmul.f32 v3, v4;
	[tilespmem:s2+$0x10] =	vst v1  }
0x198: {  	v62 =	vmul.f32 v3, v6;
	[tilespmem:s2+$0x0] =	vst v2  }
0x199: {  	v63 =	vmul.f32 v3, v7;
	[tilespmem:s2+$0xFFFFFFF0] =	vst v61  }
0x19a: {  	s14 =	sadd.s32 $0x1, s14;
	[tilespmem:s3+$0xFFFFFFE0] =	vst v62  }
0x19b: {  	p1 =	seq.s32 s14, $0xA2;
	[tilespmem:s3+$0xFFFFFFD0] =	vst v63  }
0x19c: {  	[spmem:s11] =	stream.indirect.scatter.add.f32 [tilespmem:s7], [sflag:$0x5], $0x70, s18, s4, $0xb8;
	[tilespmem:$0x1FA00] =	vst v63  }
.Ltmp9:
0x19d: {  	_ = 	snop;
	(pc) =	sbr.rel @!p1 .LBB2_3-.Ltmp9, $4  }
.Ltmp10:
0x19e: {  	_ = 	snop;
	(pc) =	sbr.rel @p1 .LBB2_14-.Ltmp10, $4  }
0x19f: {  	_ =	swait.ge [sflag:s0], $0x1C00  }
0x1a0: {  	[sflag:s0] =	ssyncset.done $0x0  }
0x1a1: {  	[sflag:s0] =	ssyncadd.s32 $0xFFFFE400  }
0x1a2: {  	_ = 	snop  }
.LBB2_15:
0x1a3: {  	_ =	sfence.sel $0x180000  }
0x1a4: {  	[bflag:$0x0] =	sbarrier.arrive $0xFFFF  }
0x1a5: {  	_ =	strace $0x9000004A  }
0x1a6: {  	s0 =	stileid.u32;
	[bflag:$0x2] =	sbarrier.arrive $0xFFFF  }
0x1a7: {  	p0 =	sne.s32 s0, $0x0;
	s0 =	rddreg [dreg:$0x3]  }
0x1a8: {  	s0 =	sadd.s32 @!p0 $0x100000, s0  }
0x1a9: {  	[sflag:s0] =	ssyncadd.tile.s32 @!p0 $0x1;
	_ =	shalt  }
.Lfunc_end2:
_tile_overlayer_lowered:
.L_overlay_start_2:
0x1aa: {  	(tag) =	ssettag $0x2  }
0x1ab: {  	s0 =	rddreg [dreg:$0x0];
	s2 =	stileid.u32  }
0x1ac: {  	s1 =	rddreg [dreg:$0x1];
	p0 =	sne.s32 s2, $0x0  }
0x1ad: {  	s3 =	rddreg [dreg:$0x2];
	[bflag:$0x3] =	sbarrier.arrive $0xFFFF;
	s2 =	simm.s32 @!p0 $0x1C05  }
0x1ae: {  	[timem:s3], [sflag:s2] =	dma.local @!p0 [hbm:s0], s1  }
0x1af: {  	s0 =	simm.s32 @!p0 $0x5  }
0x1b0: {  	_ =	swait.ge @!p0 [sflag:s0], s1  }
0x1b1: {  	s1 =	ssub.s32 @!p0 $0x0, s1;
	[sflag:s0] =	ssyncset.done @!p0 $0x0  }
0x1b2: {  	[sflag:s0] =	ssyncadd.s32 @!p0 s1  }
0x1b3: {  	[bflag:$0x3] =	sbarrier.arrive $0xFFFF  }
0x1b4: {  	_ =	shalt  }

// kernel: kernel.7.cloned.1.call-start
scs
__scs_entry_jumppad:
0x0: {  	(pc) =	sbr.rel $0x88, $3  }
0x1: {  	(tag) =	ssettag $0x0;
	lr =	simm.s32 $0x1  }
0x2: {  	[smem:$0x3F95] =	sst lr;
	_ =	strace $0xD0000000  }
0x3: {  	_ = 	snop  }
0x4: {  	_ = 	snop  }
0x5: {  	_ = 	snop  }
0x6: {  	_ = 	snop  }
0x7: {  	_ = 	snop  }
__scs_overlays_trampoline_lowered:
0x8: {  	[smem:$0x3FA4] =	sst s0  }
0x9: {  	[smem:$0x3FA5] =	sst s1  }
0xa: {  	[smem:$0x3FA6] =	sst s2  }
0xb: {  	[smem:$0x3FA7] =	sst s3  }
0xc: {  	[smem:$0x3FA8] =	sst s4  }
0xd: {  	[smem:$0x3FA9] =	sst s5  }
0xe: {  	[smem:$0x3FAA] =	sst s6  }
0xf: {  	[smem:$0x3FAB] =	sst s7  }
0x10: {  	[smem:$0x3FAC] =	sst s8  }
0x11: {  	[smem:$0x3FAD] =	sst s9;
	s0 =	simm.s32 @!p0 $0x0  }
0x12: {  	s1 =	sld [smem:$0x3F93];
	s0 =	simm.s32 @p0 $0x1  }
0x13: {  	[smem:$0x3FAE] =	sst s0;
	s0 =	simm.s32 @!p1 $0x0  }
0x14: {  	s2 =	sld [smem:$0x3F92];
	s0 =	simm.s32 @p1 $0x1  }
0x15: {  	[smem:$0x3FAF] =	sst s0;
	s0 =	simm.s32 @!p2 $0x0  }
0x16: {  	s3 =	sld [smem:$0x3FDB];
	s0 =	simm.s32 @p2 $0x1  }
0x17: {  	s4 =	simm.s32 $0x1BF5;
	[smem:$0x3FB1] =	sst s0  }
0x18: {  	s0 =	sld [smem:$0x3F94];
	_ =	swait.ge [sflag:s4], $0x0  }
0x19: {  	s7 =	sld [smem:$0x3F95]  }
0x1a: {  	s8 =	sadd.s32 $0xFFFFE003, lr  }
0x1b: {  	s9 =	sadd.s32 $0xFFFFFEF7, lr;
	s5 =	simm.s32 $0xFFFFFFFF;
	p2 =	slt.u32 s8, $0xFFFFF086  }
0x1c: {  	p1 =	slt.u32 s9, $0xF7A;
	s5 =	simm.s32 @!p2 $0x0  }
0x1d: {  	s5 =	simm.s32 @p1 $0x1;
	p0 =	seq.s32 s7, s2  }
0x1e: {  	s7 =	smul.u32 @!p0 $0xF7A, s2;
	p2 =	seq.s32 @!p0 s5, $0x0  }
0x1f: {  	s9 =	smul.u32 $0xF7A, s1;
	s8 =	simm.s32 @!p0 $0x1BF5;
	p2 =	por !p2, p0  }
0x20: {  	[sflag:s8] =	ssyncset.s32 @!p0 $0xFFFFF086;
	s6 =	sadd.s32 @!p0 s3, s7;
	s7 =	simm.s32 @!p0 $0x108  }
0x21: {  	s3 =	sadd.s32 s3, s9;
	s6 =	sadd.s32 @!p0 $0x88, s6;
	s7 =	simm.s32 @p2 $0x1082  }
0x22: {  	[simem:s7], [sflag:s8] =	dma.local @!p0 [hbm:s6], $0xF7A  }
0x23: {  	s9 =	sor.u32 $0xD0000000, s2;
	s6 =	simm.s32 $0x108;
	_ =	swait.ge @!p0 [sflag:s8], $0x0  }
0x24: {  	s3 =	sadd.s32 $0x88, s3;
	s6 =	simm.s32 @!p1 $0x1082;
	[sflag:s4] =	ssyncset.s32 $0xFFFFF086  }
0x25: {  	[simem:s6], [sflag:s4] =	dma.local [hbm:s3], $0xF7A  }
0x26: {  	[smem:$0x3F95] =	sst s1;
	(tag) =	ssettag s2;
	_ =	strace s9  }
0x27: {  	s1 =	sld [smem:$0x3FA5]  }
0x28: {  	s2 =	sld [smem:$0x3FA6]  }
0x29: {  	s4 =	sld [smem:$0x3FA8]  }
0x2a: {  	p0 =	seq.s32 s5, $0x0;
	s5 =	sld [smem:$0x3FA9]  }
0x2b: {  	s6 =	sld [smem:$0x3FAA]  }
0x2c: {  	s7 =	sld [smem:$0x3FAB]  }
0x2d: {  	s3 =	simm.s32 $0x108;
	s8 =	sld [smem:$0x3FAC]  }
0x2e: {  	s3 =	simm.s32 @!p0 $0x1082;
	s9 =	sld [smem:$0x3FAD]  }
0x2f: {  	lr =	sadd.s32 s0, s3;
	s0 =	sld [smem:$0x3FA4]  }
0x30: {  	s3 =	sld [smem:$0x3FA7]  }
0x31: {  	[smem:$0x3FB0] =	sst s10  }
0x32: {  	s10 =	sld [smem:$0x3FAE];
	_ =	sdelay $0x3  }
0x33: {  	p0 =	seq.s32 s10, $0x1;
	s10 =	sld [smem:$0x3FB0];
	_ =	sdelay $0x3  }
0x34: {  	[smem:$0x3FB0] =	sst s10  }
0x35: {  	s10 =	sld [smem:$0x3FAF];
	_ =	sdelay $0x3  }
0x36: {  	p1 =	seq.s32 s10, $0x1;
	s10 =	sld [smem:$0x3FB0];
	_ =	sdelay $0x3  }
0x37: {  	[smem:$0x3FB0] =	sst s10  }
0x38: {  	s10 =	sld [smem:$0x3FB1]  }
0x39: {  	_ = 	snop;
	(pc) =	sbr.ind lr, $3  }
0x3a: {  	_ = 	snop  }
0x3b: {  	_ = 	snop  }
0x3c: {  	p2 =	seq.s32 s10, $0x1;
	s10 =	sld [smem:$0x3FB0]  }
0x3d: {  	_ =	shalt  }
0x3e: {  	_ =	shalt  }
0x3f: {  	_ =	shalt  }
0x40: {  	_ =	shalt  }
0x41: {  	_ =	shalt  }
0x42: {  	_ =	shalt  }
0x43: {  	_ =	shalt  }
0x44: {  	_ =	shalt  }
0x45: {  	_ =	shalt  }
0x46: {  	_ =	shalt  }
0x47: {  	_ =	shalt  }
0x48: {  	_ =	shalt  }
0x49: {  	_ =	shalt  }
0x4a: {  	_ =	shalt  }
0x4b: {  	_ =	shalt  }
0x4c: {  	_ =	shalt  }
0x4d: {  	_ =	shalt  }
0x4e: {  	_ =	shalt  }
0x4f: {  	_ =	shalt  }
0x50: {  	_ =	shalt  }
0x51: {  	_ =	shalt  }
0x52: {  	_ =	shalt  }
0x53: {  	_ =	shalt  }
0x54: {  	_ =	shalt  }
0x55: {  	_ =	shalt  }
0x56: {  	_ =	shalt  }
0x57: {  	_ =	shalt  }
0x58: {  	_ =	shalt  }
0x59: {  	_ =	shalt  }
0x5a: {  	_ =	shalt  }
0x5b: {  	_ =	shalt  }
0x5c: {  	_ =	shalt  }
0x5d: {  	_ =	shalt  }
0x5e: {  	_ =	shalt  }
0x5f: {  	_ =	shalt  }
0x60: {  	_ =	shalt  }
0x61: {  	_ =	shalt  }
0x62: {  	_ =	shalt  }
0x63: {  	_ =	shalt  }
0x64: {  	_ =	shalt  }
0x65: {  	_ =	shalt  }
0x66: {  	_ =	shalt  }
0x67: {  	_ =	shalt  }
0x68: {  	_ =	shalt  }
0x69: {  	_ =	shalt  }
0x6a: {  	_ =	shalt  }
0x6b: {  	_ =	shalt  }
0x6c: {  	_ =	shalt  }
0x6d: {  	_ =	shalt  }
0x6e: {  	_ =	shalt  }
0x6f: {  	_ =	shalt  }
0x70: {  	_ =	shalt  }
0x71: {  	_ =	shalt  }
0x72: {  	_ =	shalt  }
0x73: {  	_ =	shalt  }
0x74: {  	_ =	shalt  }
0x75: {  	_ =	shalt  }
0x76: {  	_ =	shalt  }
0x77: {  	_ =	shalt  }
0x78: {  	_ =	shalt  }
0x79: {  	_ =	shalt  }
0x7a: {  	_ =	shalt  }
0x7b: {  	_ =	shalt  }
0x7c: {  	_ =	shalt  }
0x7d: {  	_ =	shalt  }
0x7e: {  	_ =	shalt  }
0x7f: {  	_ =	shalt  }
0x80: {  	_ =	shalt  }
0x81: {  	_ =	shalt  }
0x82: {  	_ =	shalt  }
0x83: {  	_ =	shalt  }
0x84: {  	_ =	shalt  }
0x85: {  	_ =	shalt  }
0x86: {  	_ =	shalt  }
0x87: {  	_ =	shalt  }
.Lfunc_end0:
.L_simem_size_0:
called_computation_lowered:
.L_overlay_start_0:
0x88: {  	s2 =	sld [smem:$0x3FD9]  }
0x89: {  	s3 =	sld [smem:$0x3FFE];
	_ =	sdelay $0x1  }
0x8a: {  	s1 =	srdreg.scid  }
0x8b: {  	s0 =	sand.u32 $0x1, s1  }
0x8c: {  	s17 =	sshll.u32 s0, $0xA;
	s2 =	sadd.s32 s3, s2  }
0x8d: {  	s2 =	sadd.s32 s2, s17  }
0x8e: {  	[smem:$0x3FBC] =	sst s2  }
0x8f: {  	_ = 	snop  }
0x90: {  	s2 =	sld [smem:$0x3FD0];
	(tm) =	ssettm $0x1  }
0x91: {  	s18 =	sld [smem:$0x3FFB];
	_ =	sdelay $0x3  }
0x92: {  	_ =	strace s18  }
0x93: {  	s3 =	sld [smem:$0x3FFC];
	_ =	sdelay $0x3  }
0x94: {  	_ =	strace s3  }
0x95: {  	s3 =	sld [smem:$0x3FFD];
	_ =	sdelay $0x3  }
0x96: {  	_ =	strace s3  }
0x97: {  	_ =	strace $0x8FFFFFFF  }
0x98: {  	s19 =	sld [smem:$0x3FDB];
	_ =	sdelay $0x1  }
0x99: {  	s4 =	simm.s32 $_scs_section_size  }
0x9a: {  	s5 =	simm.s32 $_size__tile_overlayer_lowered;
	s6 =	simm.s32 $_tile_overlayer_lowered  }
0x9b: {  	s22 =	simm.s32 $0x1BFF;
	s21 =	sshll.u32 s6, $0x1;
	s3 =	sadd.s32 s4, s19  }
0x9c: {  	s7 =	simm.s32 $0x0;
	s20 =	sshll.u32 s5, $0x1;
	s5 =	sadd.s32 s21, s3  }
0x9d: {  	[timem:s7], [sflag:s22] =	dma.local [hbm:s5], s20  }
0x9e: {  	_ =	swait.ge [sflag:s22], s20  }
0x9f: {  	s4 =	ssub.s32 $0x0, s20;
	[sflag:s22] =	ssyncset.done $0x0  }
0xa0: {  	[sflag:s22] =	ssyncadd.s32 s4;
	_ =	sdelay $0x1  }
0xa1: {  	s23 =	simm.s32 $0x1B8B  }
0xa2: {  	_ =	swait.ge [sflag:s23], $0x1  }
0xa3: {  	[sflag:s23] =	ssyncset.done $0x0  }
0xa4: {  	s25 =	simm.s32 $0x1B8E;
	s24 =	sld [smem:$0x3FFE];
	[sflag:s23] =	ssyncadd.s32 $0xFFFFFFFF  }
0xa5: {  	s26 =	simm.s32 $execute0_lowered;
	[smem:$0x3FD2] =	sst s25  }
0xa6: {  	s5 =	sshll.u32 s26, $0x1;
	_ =	strace $0x80000046;
	[dreg:$0x1] =	wrdreg $0xFFFFFFFF  }
0xa7: {  	s28 =	simm.s32 $_size_execute0_lowered;
	s3 =	sadd.s32 s3, s5;
	[dreg:$0x0] =	wrdreg $0x0  }
0xa8: {  	s5 =	sshll.u32 s28, $0x1;
	[dreg:$0x2] =	wrdreg s3  }
0xa9: {  	[dreg:$0x3] =	wrdreg s5  }
0xaa: {  	[dreg:$0x4] =	wrdreg $0xC0  }
0xab: {  	_ =	task [dreg:s7], $0x5FFFF  }
0xac: {  	[dreg:$0x1] =	wrdreg $0xFFFFFFFF  }
0xad: {  	[dreg:$0x0] =	wrdreg $0x60  }
0xae: {  	[dreg:$0x2] =	wrdreg s24  }
0xaf: {  	[dreg:$0x3] =	wrdreg s2  }
0xb0: {  	[dreg:$0x4] =	wrdreg $0x0  }
0xb1: {  	[dreg:$0x5] =	wrdreg $0x9  }
0xb2: {  	_ =	task.clear_ibuf [dreg:s7], $0x6FFFF;
	_ =	strace $0x90000046  }
0xb3: {  	s29 =	simm.s32 $0x9;
	_ =	strace $0x80000048  }
0xb4: {  	_ =	swait.ge [sflag:s29], $0x1  }
0xb5: {  	[sflag:s29] =	ssyncadd.s32 $0xFFFFFFFF  }
0xb6: {  	_ =	strace $0x90000048  }
0xb7: {  	_ =	sfence  }
0xb8: {  	s30 =	sld [smem:$0x0];
	_ =	sdelay $0x2  }
0xb9: {  	s31 =	sshll.u32 s1, $0xD;
	s1 =	sshrl.u32 s1, $0x2  }
0xba: {  	s3 =	sand.u32 $0x4000, s31;
	s1 =	sadd.s32 s1, s30  }
0xbb: {  	s0 =	sor.u32 s3, s0;
	s1 =	sshll.u32 s1, $0x11  }
0xbc: {  	s0 =	sor.u32 s1, s0  }
0xbd: {  	s0 =	sadd.s32 $0x8F2B, s0  }
0xbe: {  	[sflag:s0] =	ssyncadd.remote.s32 $0x1  }
0xbf: {  	_ =	sfence.sel $0xFFFF  }
0xc0: {  	[dreg:$0x0] =	wrdreg $0xFFFFFFFF;
	(pc) =	sbr.abs _section_cstart, $3  }
0xc1: {  	[dreg:$0x1] =	wrdreg $0xFFFFFFFF  }
0xc2: {  	_ =	task.clear_ibuf [dreg:s7], $0x2FFFF;
	_ =	strace $0x9FFFFFFF  }
0xc3: {  	(tm) =	ssettm $0x7FFFFFFF  }
tec
execute0_lowered:
.L_overlay_start_1:
0x0: {  	(tag) =	ssettag $0x1  }
0x1: {  	s2 =	rddreg [dreg:$0x0];
	s0 =	srdreg.scid  }
0x2: {  	s3 =	rddreg [dreg:$0x1];
	s17 =	stileid.u32  }
0x3: {  	s1 =	simm.s32 $0x0;
	s4 =	sand.u32 $0x1, s0;
	s5 =	smul.u32 $0x11800, s17  }
0x4: {  	[smem:$0x7FF] =	sst s1;
	s7 =	sadd.s32 $0x56000, s2;
	s0 =	ssub.s32 $0x2, s4  }
0x5: {  	s11 =	smul.u32 $0x118000, s4;
	p0 =	seq.s32 s4, $0x1;
	s6 =	sshrl.u32 s0, $0x1  }
0x6: {  	s8 =	sadd.s32 $0x3800, s5;
	s9 =	sadd.s32 $0x5400, s5;
	s10 =	sadd.s32 $0x7000, s5  }
0x7: {  	s12 =	sadd.s32 $0x8C00, s5;
	s13 =	sadd.s32 $0xA800, s5;
	s14 =	sadd.s32 $0xC400, s5  }
0x8: {  	s18 =	sadd.s32 $0xE000, s5;
	s19 =	sadd.s32 $0xFC00, s5;
	s0 =	ssub.s32 s0, s6  }
0x9: {  	s6 =	sadd.s32 $0x1C00, s5;
	s26 =	sadd.s32 s5, s11;
	s16 =	sadd.s32 s11, s8  }
0xa: {  	s20 =	sadd.s32 s11, s10;
	s21 =	sadd.s32 s11, s12;
	s24 =	sadd.s32 s11, s13  }
0xb: {  	s25 =	sadd.s32 s11, s14;
	s15 =	sadd.s32 s11, s6;
	s4 =	sshrl.u32 s26, $0x3  }
0xc: {  	s23 =	sshrl.u32 s21, $0x3;
	s26 =	sadd.s32 s11, s18;
	s4 =	sadd.s32 s7, s4  }
0xd: {  	s0 =	smax.u32 s0, $0x1;
	s15 =	sshrl.u32 s15, $0x3;
	[dreg:$0x4] =	wrdreg s4  }
0xe: {  	s29 =	sadd.s32 s7, s15;
	s15 =	sshrl.u32 s16, $0x3;
	s16 =	sadd.s32 s11, s9  }
0xf: {  	[dreg:$0x5] =	wrdreg s29;
	s4 =	sadd.s32 s7, s15;
	s15 =	sshrl.u32 s20, $0x3  }
0x10: {  	s20 =	smul.u32 $0xA20, s17;
	s17 =	sadd.s32 $0x46A00, s2;
	[dreg:$0x6] =	wrdreg s4  }
0x11: {  	s4 =	sshrl.u32 s16, $0x3;
	s22 =	sadd.s32 s7, s15;
	s15 =	sshrl.u32 s25, $0x3  }
0x12: {  	s16 =	sadd.s32 s11, s19;
	s11 =	rddreg [dreg:$0x2];
	s4 =	sadd.s32 s7, s4  }
0x13: {  	[dreg:$0x8] =	wrdreg s22;
	s29 =	sadd.s32 s7, s15;
	s15 =	sshrl.u32 s26, $0x3  }
0x14: {  	s21 =	sshrl.u32 s16, $0x3;
	s3 =	sadd.s32 s3, s20;
	s22 =	sadd.s32 s20, s2  }
0x15: {  	s16 =	sadd.s32 $0x2200, s2;
	s30 =	sadd.s32 s5, s11;
	s31 =	sadd.s32 s6, s11  }
0x16: {  	s25 =	sadd.s32 s10, s11;
	s26 =	sadd.s32 s13, s11;
	s28 =	sadd.s32 s14, s11  }
0x17: {  	s20 =	sadd.s32 s18, s11;
	s10 =	simm.s32 $0x1BA00;
	s5 =	simm.s32 $0x1  }
0x18: {  	s6 =	simm.s32 $0x3;
	[dreg:$0x7] =	wrdreg s4;
	s4 =	sadd.s32 s7, s23  }
0x19: {  	s13 =	simm.s32 $0x0;
	[dreg:$0x9] =	wrdreg s4;
	s4 =	sshrl.u32 s24, $0x3  }
0x1a: {  	[dreg:$0xb] =	wrdreg s29;
	s23 =	sadd.s32 s8, s11;
	s4 =	sadd.s32 s7, s4  }
0x1b: {  	s29 =	sadd.s32 s12, s11;
	[dreg:$0xa] =	wrdreg s4;
	s4 =	sadd.s32 s7, s15  }
0x1c: {  	s18 =	smov.u32 s25;
	[dreg:$0xc] =	wrdreg s4;
	s4 =	sadd.s32 s7, s21  }
0x1d: {  	s8 =	simm.s32 $0x1F600;
	s15 =	sadd.s32 $0x24600, s2;
	[dreg:$0xd] =	wrdreg s4  }
0x1e: {  	s2 =	sadd.s32 $0x55C00, s2;
	_ =	strace $0x80000047;
	[dreg:$0xe] =	wrdreg s3  }
0x1f: {  	s12 =	simm.s32 $0x4;
	s24 =	sadd.s32 s9, s11;
	[dreg:$0xf] =	wrdreg s2  }
.Ltmp0:
0x20: {  	s9 =	simm.s32 $0x2;
	[dreg:$0x14] =	wrdreg s0;
	(pc) =	sbr.rel .LBB2_1-.Ltmp0, $4  }
0x21: {  	s14 =	smov.u32 s24;
	s21 =	sadd.s32 s19, s11;
	[dreg:$0x10] =	wrdreg s20  }
0x22: {  	s19 =	smov.u32 s29;
	s7 =	simm.s32 $0x1D600;
	[dreg:$0x11] =	wrdreg s28  }
0x23: {  	s4 =	simm.s32 $0x40;
	s3 =	sadd.s32 $0x4BA00, s22;
	[dreg:$0x12] =	wrdreg s21  }
0x24: {  	vm0 =	vmmov $0x7;
	s0 =	simm.s32 $0x5;
	[dreg:$0x13] =	wrdreg s3;
	s3 =	smov.u32 s23  }
.LBB2_14:
0x25: {  	[bflag:$0x0] =	sbarrier.arrive $0xFFFF  }
0x26: {  	[tilespmem:s10], [sflag:$0x5] =	stream.linear.gather [spmem:s29], $0x1C00, $0x38;
	[tilespmem:$0x1FA00] =	vst v63  }
0x27: {  	_ =	swait.ge [sflag:s0], $0x1C00  }
0x28: {  	[sflag:s0] =	ssyncset.done $0x0  }
0x29: {  	s2 =	rddreg [dreg:$0x4];
	[sflag:s0] =	ssyncadd.s32 $0xFFFFE400  }
0x2a: {  	[hbm4b:s2+s1] =	stream.linear.scatter [tilespmem:s10], [sflag:$0x5], $0x1C00, $0x38;
	[tilespmem:$0x1FA00] =	vst v63  }
0x2b: {  	_ =	swait.ge [sflag:s0], $0x1C00  }
0x2c: {  	[sflag:s0] =	ssyncset.done $0x0  }
0x2d: {  	[sflag:s0] =	ssyncadd.s32 $0xFFFFE400  }
0x2e: {  	[tilespmem:s10], [sflag:$0x5] =	stream.linear.gather [spmem:s21], $0x1C00, $0x38;
	[tilespmem:$0x1FA00] =	vst v63  }
0x2f: {  	_ =	swait.ge [sflag:s0], $0x1C00  }
0x30: {  	[sflag:s0] =	ssyncset.done $0x0  }
0x31: {  	s14 =	rddreg [dreg:$0x5];
	[sflag:s0] =	ssyncadd.s32 $0xFFFFE400  }
0x32: {  	[hbm4b:s14+s1] =	stream.linear.scatter [tilespmem:s10], [sflag:$0x5], $0x1C00, $0x38;
	[tilespmem:$0x1FA00] =	vst v63  }
0x33: {  	_ =	swait.ge [sflag:s0], $0x1C00  }
0x34: {  	[sflag:s0] =	ssyncset.done $0x0  }
0x35: {  	[sflag:s0] =	ssyncadd.s32 $0xFFFFE400  }
0x36: {  	[tilespmem:s10], [sflag:$0x5] =	stream.linear.gather [spmem:s22], $0x1C00, $0x38;
	[tilespmem:$0x1FA00] =	vst v63  }
0x37: {  	_ =	swait.ge [sflag:s0], $0x1C00  }
0x38: {  	[sflag:s0] =	ssyncset.done $0x0  }
0x39: {  	s18 =	rddreg [dreg:$0x6];
	[sflag:s0] =	ssyncadd.s32 $0xFFFFE400  }
0x3a: {  	[hbm4b:s18+s1] =	stream.linear.scatter [tilespmem:s10], [sflag:$0x5], $0x1C00, $0x38;
	[tilespmem:$0x1FA00] =	vst v63  }
0x3b: {  	_ =	swait.ge [sflag:s0], $0x1C00  }
0x3c: {  	[sflag:s0] =	ssyncset.done $0x0  }
0x3d: {  	[sflag:s0] =	ssyncadd.s32 $0xFFFFE400  }
0x3e: {  	[tilespmem:s10], [sflag:$0x5] =	stream.linear.gather [spmem:s23], $0x1C00, $0x38;
	[tilespmem:$0x1FA00] =	vst v63  }
0x3f: {  	_ =	swait.ge [sflag:s0], $0x1C00  }
0x40: {  	[sflag:s0] =	ssyncset.done $0x0  }
0x41: {  	s19 =	rddreg [dreg:$0x7];
	[sflag:s0] =	ssyncadd.s32 $0xFFFFE400  }
0x42: {  	[hbm4b:s19+s1] =	stream.linear.scatter [tilespmem:s10], [sflag:$0x5], $0x1C00, $0x38;
	[tilespmem:$0x1FA00] =	vst v63  }
0x43: {  	_ =	swait.ge [sflag:s0], $0x1C00  }
0x44: {  	[sflag:s0] =	ssyncset.done $0x0  }
0x45: {  	[sflag:s0] =	ssyncadd.s32 $0xFFFFE400  }
0x46: {  	[tilespmem:s10], [sflag:$0x5] =	stream.linear.gather [spmem:s24], $0x1C00, $0x38;
	[tilespmem:$0x1FA00] =	vst v63  }
0x47: {  	_ =	swait.ge [sflag:s0], $0x1C00  }
0x48: {  	[sflag:s0] =	ssyncset.done $0x0  }
0x49: {  	s20 =	rddreg [dreg:$0x8];
	[sflag:s0] =	ssyncadd.s32 $0xFFFFE400  }
0x4a: {  	[hbm4b:s20+s1] =	stream.linear.scatter [tilespmem:s10], [sflag:$0x5], $0x1C00, $0x38;
	[tilespmem:$0x1FA00] =	vst v63  }
0x4b: {  	_ =	swait.ge [sflag:s0], $0x1C00  }
0x4c: {  	[sflag:s0] =	ssyncset.done $0x0  }
0x4d: {  	[sflag:s0] =	ssyncadd.s32 $0xFFFFE400  }
0x4e: {  	[tilespmem:s10], [sflag:$0x5] =	stream.linear.gather [spmem:s25], $0x1C00, $0x38;
	[tilespmem:$0x1FA00] =	vst v63  }
0x4f: {  	_ =	swait.ge [sflag:s0], $0x1C00  }
0x50: {  	[sflag:s0] =	ssyncset.done $0x0  }
0x51: {  	s31 =	smov.u32 s21;
	s21 =	rddreg [dreg:$0x9];
	[sflag:s0] =	ssyncadd.s32 $0xFFFFE400  }
0x52: {  	[hbm4b:s21+s1] =	stream.linear.scatter [tilespmem:s10], [sflag:$0x5], $0x1C00, $0x38;
	[tilespmem:$0x1FA00] =	vst v63  }
0x53: {  	_ =	swait.ge [sflag:s0], $0x1C00  }
0x54: {  	[sflag:s0] =	ssyncset.done $0x0  }
0x55: {  	[sflag:s0] =	ssyncadd.s32 $0xFFFFE400  }
0x56: {  	[tilespmem:s10], [sflag:$0x5] =	stream.linear.gather [spmem:s26], $0x1C00, $0x38;
	[tilespmem:$0x1FA00] =	vst v63  }
0x57: {  	_ =	swait.ge [sflag:s0], $0x1C00  }
0x58: {  	[sflag:s0] =	ssyncset.done $0x0  }
0x59: {  	s3 =	smov.u32 s22;
	s22 =	rddreg [dreg:$0xa];
	[sflag:s0] =	ssyncadd.s32 $0xFFFFE400  }
0x5a: {  	[hbm4b:s22+s1] =	stream.linear.scatter [tilespmem:s10], [sflag:$0x5], $0x1C00, $0x38;
	[tilespmem:$0x1FA00] =	vst v63  }
0x5b: {  	_ =	swait.ge [sflag:s0], $0x1C00  }
0x5c: {  	[sflag:s0] =	ssyncset.done $0x0  }
0x5d: {  	s28 =	rddreg [dreg:$0x11];
	[sflag:s0] =	ssyncadd.s32 $0xFFFFE400  }
0x5e: {  	[tilespmem:s10], [sflag:$0x5] =	stream.linear.gather [spmem:s28], $0x1C00, $0x38;
	[tilespmem:$0x1FA00] =	vst v63  }
0x5f: {  	_ =	swait.ge [sflag:s0], $0x1C00  }
0x60: {  	[sflag:s0] =	ssyncset.done $0x0  }
0x61: {  	s14 =	smov.u32 s23;
	s23 =	rddreg [dreg:$0xb];
	[sflag:s0] =	ssyncadd.s32 $0xFFFFE400  }
0x62: {  	[hbm4b:s23+s1] =	stream.linear.scatter [tilespmem:s10], [sflag:$0x5], $0x1C00, $0x38;
	[tilespmem:$0x1FA00] =	vst v63  }
0x63: {  	_ =	swait.ge [sflag:s0], $0x1C00  }
0x64: {  	[sflag:s0] =	ssyncset.done $0x0  }
0x65: {  	s20 =	rddreg [dreg:$0x10];
	[sflag:s0] =	ssyncadd.s32 $0xFFFFE400  }
0x66: {  	[tilespmem:s10], [sflag:$0x5] =	stream.linear.gather [spmem:s20], $0x1C00, $0x38;
	[tilespmem:$0x1FA00] =	vst v63  }
0x67: {  	_ =	swait.ge [sflag:s0], $0x1C00  }
0x68: {  	[sflag:s0] =	ssyncset.done $0x0  }
0x69: {  	s18 =	smov.u32 s24;
	s24 =	rddreg [dreg:$0xc];
	[sflag:s0] =	ssyncadd.s32 $0xFFFFE400  }
0x6a: {  	[hbm4b:s24+s1] =	stream.linear.scatter [tilespmem:s10], [sflag:$0x5], $0x1C00, $0x38;
	[tilespmem:$0x1FA00] =	vst v63  }
0x6b: {  	_ =	swait.ge [sflag:s0], $0x1C00  }
0x6c: {  	[sflag:s0] =	ssyncset.done $0x0  }
0x6d: {  	s21 =	rddreg [dreg:$0x12];
	[sflag:s0] =	ssyncadd.s32 $0xFFFFE400  }
0x6e: {  	[tilespmem:s10], [sflag:$0x5] =	stream.linear.gather [spmem:s21], $0x1C00, $0x38;
	[tilespmem:$0x1FA00] =	vst v63  }
0x6f: {  	_ =	swait.ge [sflag:s0], $0x1C00  }
0x70: {  	[sflag:s0] =	ssyncset.done $0x0  }
0x71: {  	s19 =	smov.u32 s25;
	s25 =	rddreg [dreg:$0xd];
	[sflag:s0] =	ssyncadd.s32 $0xFFFFE400  }
0x72: {  	[hbm4b:s25+s1] =	stream.linear.scatter [tilespmem:s10], [sflag:$0x5], $0x1C00, $0x38;
	[tilespmem:$0x1FA00] =	vst v63  }
0x73: {  	_ =	swait.ge [sflag:s0], $0x1C00  }
0x74: {  	s30 =	smov.u32 s29;
	s13 =	sadd.s32 $0x1, s13;
	s29 =	rddreg [dreg:$0x14]  }
0x75: {  	p1 =	sne.s32 s13, s29  }
.Ltmp1:
0x76: {  	_ = 	snop;
	(pc) =	sbr.rel @!p1 .LBB2_15-.Ltmp1, $3  }
0x77: {  	_ =	sdelay $0x1  }
0x78: {  	[sflag:s0] =	ssyncset.done $0x0  }
0x79: {  	[sflag:s0] =	ssyncadd.s32 $0xFFFFE400  }
.LBB2_1:
0x7a: {  	s2 =	rddreg [dreg:$0xf]  }
0x7b: {  	[tilespmem:s10], [sflag:$0x5] =	stream.linear.gather [hbm4b:s2+s1], $0x1C00, $0x38;
	[tilespmem:$0x1FA00] =	vst v63  }
0x7c: {  	_ =	swait.ge [sflag:s0], $0x1C00  }
0x7d: {  	[sflag:s0] =	ssyncset.done $0x0  }
0x7e: {  	[sflag:s0] =	ssyncadd.s32 $0xFFFFE400  }
0x7f: {  	[spmem:s30] =	stream.linear.scatter [tilespmem:s10], [sflag:$0x5], $0x1C00, $0x38;
	[tilespmem:$0x1FA00] =	vst v63  }
0x80: {  	_ =	swait.ge [sflag:s0], $0x1C00  }
0x81: {  	[sflag:s0] =	ssyncset.done $0x0  }
0x82: {  	[sflag:s0] =	ssyncadd.s32 $0xFFFFE400  }
0x83: {  	[spmem:s31] =	stream.linear.scatter [tilespmem:s10], [sflag:$0x5], $0x1C00, $0x38;
	[tilespmem:$0x1FA00] =	vst v63  }
0x84: {  	_ =	swait.ge [sflag:s0], $0x1C00  }
0x85: {  	[sflag:s0] =	ssyncset.done $0x0  }
0x86: {  	[sflag:s0] =	ssyncadd.s32 $0xFFFFE400  }
0x87: {  	[spmem:s3] =	stream.linear.scatter [tilespmem:s10], [sflag:$0x5], $0x1C00, $0x38;
	[tilespmem:$0x1FA00] =	vst v63  }
0x88: {  	_ =	swait.ge [sflag:s0], $0x1C00  }
0x89: {  	[sflag:s0] =	ssyncset.done $0x0  }
0x8a: {  	[sflag:s0] =	ssyncadd.s32 $0xFFFFE400  }
0x8b: {  	[spmem:s14] =	stream.linear.scatter [tilespmem:s10], [sflag:$0x5], $0x1C00, $0x38;
	[tilespmem:$0x1FA00] =	vst v63  }
0x8c: {  	_ =	swait.ge [sflag:s0], $0x1C00  }
0x8d: {  	[sflag:s0] =	ssyncset.done $0x0  }
0x8e: {  	[sflag:s0] =	ssyncadd.s32 $0xFFFFE400  }
0x8f: {  	[spmem:s18] =	stream.linear.scatter [tilespmem:s10], [sflag:$0x5], $0x1C00, $0x38;
	[tilespmem:$0x1FA00] =	vst v63  }
0x90: {  	_ =	swait.ge [sflag:s0], $0x1C00  }
0x91: {  	[sflag:s0] =	ssyncset.done $0x0  }
0x92: {  	[sflag:s0] =	ssyncadd.s32 $0xFFFFE400  }
0x93: {  	[spmem:s19] =	stream.linear.scatter [tilespmem:s10], [sflag:$0x5], $0x1C00, $0x38;
	[tilespmem:$0x1FA00] =	vst v63  }
0x94: {  	_ =	swait.ge [sflag:s0], $0x1C00  }
0x95: {  	[sflag:s0] =	ssyncset.done $0x0  }
0x96: {  	[sflag:s0] =	ssyncadd.s32 $0xFFFFE400  }
0x97: {  	[spmem:s26] =	stream.linear.scatter [tilespmem:s10], [sflag:$0x5], $0x1C00, $0x38;
	[tilespmem:$0x1FA00] =	vst v63  }
0x98: {  	_ =	swait.ge [sflag:s0], $0x1C00  }
0x99: {  	[sflag:s0] =	ssyncset.done $0x0  }
0x9a: {  	[sflag:s0] =	ssyncadd.s32 $0xFFFFE400  }
0x9b: {  	[spmem:s28] =	stream.linear.scatter [tilespmem:s10], [sflag:$0x5], $0x1C00, $0x38;
	[tilespmem:$0x1FA00] =	vst v63  }
0x9c: {  	_ =	swait.ge [sflag:s0], $0x1C00  }
0x9d: {  	[sflag:s0] =	ssyncset.done $0x0  }
0x9e: {  	[sflag:s0] =	ssyncadd.s32 $0xFFFFE400  }
0x9f: {  	[spmem:s20] =	stream.linear.scatter [tilespmem:s10], [sflag:$0x5], $0x1C00, $0x38;
	[tilespmem:$0x1FA00] =	vst v63  }
0xa0: {  	_ =	swait.ge [sflag:s0], $0x1C00  }
0xa1: {  	[sflag:s0] =	ssyncset.done $0x0  }
0xa2: {  	s2 =	smov.u32 s21;
	[sflag:s0] =	ssyncadd.s32 $0xFFFFE400  }
0xa3: {  	[spmem:s2] =	stream.linear.scatter [tilespmem:s10], [sflag:$0x5], $0x1C00, $0x38;
	[tilespmem:$0x1FA00] =	vst v63  }
0xa4: {  	_ =	swait.ge [sflag:s0], $0x1C00  }
0xa5: {  	[sflag:s0] =	ssyncset.done $0x0  }
0xa6: {  	[sflag:s0] =	ssyncadd.s32 $0xFFFFE400  }
0xa7: {  	[bflag:$0x0] =	sbarrier.arrive $0xFFFF  }
0xa8: {  	s22 =	smov.u32 s3;
	s3 =	simm.s32 $0x11800;
	s28 =	rddreg [dreg:$0xe]  }
0xa9: {  	[tilespmem:s3], [sflag:$0x5] =	stream.linear.gather [hbm4b:s28+s1], $0x5100, $0x38;
	[tilespmem:$0x1FA00] =	vst v63  }
0xaa: {  	s29 =	smov.u32 s30;
	_ =	swait.ge [sflag:s0], $0x5100  }
0xab: {  	s21 =	smov.u32 s31;
	s31 =	simm.s32 $0x16900;
	[sflag:s0] =	ssyncset.done $0x0  }
.Ltmp2:
0xac: {  	s30 =	rddreg [dreg:$0x13];
	[sflag:s0] =	ssyncadd.s32 $0xFFFFAF00;
	(pc) =	sbr.rel @!p0 .LBB2_2-.Ltmp2, $4  }
0xad: {  	[tilespmem:s31], [sflag:$0x5] =	stream.linear.gather [hbm4b:s30+s1], $0x5100, $0x38;
	[tilespmem:$0x1FA00] =	vst v63  }
0xae: {  	_ =	swait.ge [sflag:s0], $0x5100  }
0xaf: {  	s23 =	smov.u32 s14;
	s24 =	smov.u32 s18;
	[sflag:s0] =	ssyncset.done $0x0  }
0xb0: {  	s25 =	smov.u32 s19;
	s2 =	simm.s32 $0x16900;
	[sflag:s0] =	ssyncadd.s32 $0xFFFFAF00  }
0xb1: {  	[tilespmem:s10], [sflag:$0x1] =	stream.indirect.gather [hbm4b:s16+s4], $0x70, s3, s4, $0xb8;
	[tilespmem:$0x1FA00] =	vst v63  }
0xb2: {  	s31 =	simm.s32 $0x1F200;
	s14 =	simm.s32 $0x0  }
0xb3: {  	[tilespmem:s31], [sflag:$0x3] =	stream.indirect.gather [hbm4b:s17+s4], $0x10, s2, s4, $0xb8;
	[tilespmem:$0x1FA00] =	vst v63  }
.LBB2_9:
0xb4: {  	_ =	swait.ge [sflag:s5], $0x1C00  }
0xb5: {  	[sflag:s5] =	ssyncset.done $0x0  }
0xb6: {  	[sflag:s5] =	ssyncadd.s32 $0xFFFFE400  }
0xb7: {  	_ =	swait.ge [sflag:s6], $0x400  }
0xb8: {  	s2 =	sshll.u32 s14, $0x7;
	[sflag:s6] =	ssyncset.done $0x0  }
0xb9: {  	s3 =	sadd.s32 $0x11840, s2;
	[sflag:s6] =	ssyncadd.s32 $0xFFFFFC00  }
0xba: {  	[tilespmem:s7], [sflag:$0x2] =	stream.indirect.gather [hbm4b:s16+s4], $0x70, s3, s4, $0xb8;
	[tilespmem:$0x1FA00] =	vst v63  }
0xbb: {  	s18 =	sadd.s32 $0x16940, s2;
	s3 =	simm.s32 $0x1BA30  }
0xbc: {  	[tilespmem:s8], [sflag:$0x4] =	stream.indirect.gather [hbm4b:s17+s4], $0x10, s18, s4, $0xb8;
	[tilespmem:$0x1FA00] =	vst v63  }
0xbd: {  	s19 =	simm.s32 $0x0;
	s31 =	simm.s32 $0x40;
	s30 =	simm.s32 $0x1BA30;
	v0 =	vld [tilespmem:s3+$0x30]  }
.LBB2_10:
0xbe: {  	p1 =	sne.s32 s31, $0xFC0;
	v1 =	vld [tilespmem:s19+$0x1F200];
	_ =	sdelay $0x4  }
0xbf: {  	v0 =	vadd.f32 v1, v0;
	_ =	sdelay $0x1  }
0xc0: {  	v1 =	vmul.f32 $2.000000030e-01, v0  }
0xc1: {  	vm1 =	vge.f32 v0, $0.0e+00  }
0xc2: {  	v0 =	vsel vm1, v0, v1  }
0xc3: {  	v0 =	vmul.f32 $1.442695020e+00, v0;
	_ =	sdelay $0x1  }
0xc4: {  	(erf) = vpow2.f32 v0;
	_ =	sdelay $0x3  }
0xc5: {  	v0 =	vld [tilespmem:s3+$0xFFFFFFF0]  }
0xc6: {  	v1 =	vld [tilespmem:s3+$0x20]  }
0xc7: {  	v2 =	vld [tilespmem:s3+$0x10]  }
0xc8: {  	v3 =	vld [tilespmem:s3+$0x0]  }
0xc9: {  	v4 =	vld [tilespmem:s3+$0xFFFFFFE0]  }
0xca: {  	v5 =	vld [tilespmem:s3+$0xFFFFFFD0];
	v6 =	vpop (erf)  }
0xcb: {  	v7 =	vnsel vm0, $0x0, v6;
	v8 =	vbroadcast v6, $0x1;
	v6 =	vbroadcast v6, $0x2  }
0xcc: {  	[tilespmem:s3+$0x30] =	vst v7  }
0xcd: {  	v2 =	vmul.f32 v2, v6;
	v1 =	vmul.f32 v1, v6  }
0xce: {  	v0 =	vmul.f32 v6, v0;
	v3 =	vmul.f32 v3, v6  }
0xcf: {  	v4 =	vmul.f32 v8, v4;
	v5 =	vmul.f32 v8, v5;
	[tilespmem:s3+$0x20] =	vst v1  }
.Ltmp3:
0xd0: {  	[tilespmem:s3+$0x10] =	vst v2;
	(pc) =	sbr.rel @p1 .LBB2_10-.Ltmp3, $4  }
0xd1: {  	[tilespmem:s3+$0x0] =	vst v3  }
0xd2: {  	[tilespmem:s3+$0xFFFFFFF0] =	vst v0  }
0xd3: {  	s3 =	sadd.s32 $0x70, s3;
	[tilespmem:s30+$0xFFFFFFE0] =	vst v4  }
0xd4: {  	s19 =	sshra.s32 s31, $0x2;
	s31 =	sadd.s32 $0x40, s31;
	v0 =	vld [tilespmem:s3+$0x30];
	[tilespmem:s30+$0xFFFFFFD0] =	vst v5;
	s30 =	smov.u32 s3  }
0xd5: {  	v1 =	vld [tilespmem:s19+$0x1F200];
	_ =	sdelay $0x4  }
0xd6: {  	v0 =	vadd.f32 v1, v0;
	_ =	sdelay $0x1  }
0xd7: {  	v1 =	vmul.f32 $2.000000030e-01, v0  }
0xd8: {  	vm1 =	vge.f32 v0, $0.0e+00  }
0xd9: {  	v0 =	vsel vm1, v0, v1  }
0xda: {  	v0 =	vmul.f32 $1.442695020e+00, v0;
	_ =	sdelay $0x1  }
0xdb: {  	(erf) = vpow2.f32 v0;
	_ =	sdelay $0x6  }
0xdc: {  	v0 =	vld [tilespmem:s3+$0x20]  }
0xdd: {  	v1 =	vld [tilespmem:s3+$0x10]  }
0xde: {  	v2 =	vld [tilespmem:s3+$0x0];
	v3 =	vpop (erf)  }
0xdf: {  	v4 =	vld [tilespmem:s3+$0xFFFFFFF0];
	v5 =	vbroadcast v3, $0x2  }
0xe0: {  	v6 =	vld [tilespmem:s3+$0xFFFFFFE0]  }
0xe1: {  	v7 =	vld [tilespmem:s3+$0xFFFFFFD0];
	v8 =	vnsel vm0, $0x0, v3;
	v0 =	vmul.f32 v0, v5  }
0xe2: {  	[tilespmem:s3+$0x30] =	vst v8;
	v1 =	vmul.f32 v1, v5  }
0xe3: {  	v3 =	vbroadcast v3, $0x1;
	v2 =	vmul.f32 v2, v5;
	[tilespmem:s3+$0x20] =	vst v0  }
0xe4: {  	v0 =	vmul.f32 v5, v4;
	[tilespmem:s3+$0x10] =	vst v1  }
0xe5: {  	v1 =	vmul.f32 v3, v6;
	[tilespmem:s3+$0x0] =	vst v2  }
0xe6: {  	v2 =	vmul.f32 v3, v7;
	[tilespmem:s3+$0xFFFFFFF0] =	vst v0  }
0xe7: {  	s31 =	sand.u32 $0x3FFFFF80, s2;
	[tilespmem:s30+$0xFFFFFFE0] =	vst v1  }
0xe8: {  	s3 =	sadd.s32 $0x16900, s31;
	[tilespmem:s30+$0xFFFFFFD0] =	vst v2  }
0xe9: {  	[spmem:s11] =	stream.indirect.scatter.add.f32 [tilespmem:s10], [sflag:$0x5], $0x70, s3, s4, $0xb8;
	[tilespmem:$0x1FA00] =	vst v63  }
0xea: {  	_ =	swait.ge [sflag:s0], $0x1C00  }
0xeb: {  	[sflag:s0] =	ssyncset.done $0x0  }
0xec: {  	[sflag:s0] =	ssyncadd.s32 $0xFFFFE400  }
0xed: {  	_ =	swait.ge [sflag:s9], $0x1C00  }
0xee: {  	[sflag:s9] =	ssyncset.done $0x0  }
0xef: {  	[sflag:s9] =	ssyncadd.s32 $0xFFFFE400  }
0xf0: {  	p1 =	seq.s32 s14, $0xA1;
	_ =	swait.ge [sflag:s12], $0x400  }
0xf1: {  	s19 =	simm.s32 @!p1 $0x40;
	[sflag:s12] =	ssyncset.done $0x0  }
0xf2: {  	s30 =	simm.s32 @!p1 $0x1BA00;
	s3 =	sadd.s32 @!p1 $0x11880, s2;
	[sflag:s12] =	ssyncadd.s32 $0xFFFFFC00  }
0xf3: {  	[tilespmem:s30], [sflag:$0x1] =	stream.indirect.gather @!p1 [hbm4b:s16+s19], $0x70, s3, s19, $0xb8;
	[tilespmem:$0x1FA00] =	vst v63  }
0xf4: {  	s2 =	sadd.s32 @!p1 $0x16980, s2;
	s3 =	simm.s32 @!p1 $0x1F200  }
0xf5: {  	[tilespmem:s3], [sflag:$0x3] =	stream.indirect.gather @!p1 [hbm4b:s17+s19], $0x10, s2, s19, $0xb8;
	[tilespmem:$0x1FA00] =	vst v63  }
0xf6: {  	s2 =	simm.s32 $0x1D630  }
0xf7: {  	s30 =	simm.s32 $0x40;
	s19 =	simm.s32 $0x0;
	s3 =	simm.s32 $0x1D630;
	v0 =	vld [tilespmem:s2+$0x30]  }
.LBB2_12:
0xf8: {  	p1 =	sne.s32 s30, $0xFC0;
	v1 =	vld [tilespmem:s19+$0x1F600];
	_ =	sdelay $0x4  }
0xf9: {  	v0 =	vadd.f32 v1, v0;
	_ =	sdelay $0x1  }
0xfa: {  	v1 =	vmul.f32 $2.000000030e-01, v0  }
0xfb: {  	vm1 =	vge.f32 v0, $0.0e+00  }
0xfc: {  	v0 =	vsel vm1, v0, v1  }
0xfd: {  	v0 =	vmul.f32 $1.442695020e+00, v0;
	_ =	sdelay $0x1  }
0xfe: {  	(erf) = vpow2.f32 v0;
	_ =	sdelay $0x3  }
0xff: {  	v0 =	vld [tilespmem:s2+$0xFFFFFFF0]  }
0x100: {  	v1 =	vld [tilespmem:s2+$0x20]  }
0x101: {  	v2 =	vld [tilespmem:s2+$0x10]  }
0x102: {  	v3 =	vld [tilespmem:s2+$0x0]  }
0x103: {  	v4 =	vld [tilespmem:s2+$0xFFFFFFE0]  }
0x104: {  	v5 =	vld [tilespmem:s2+$0xFFFFFFD0];
	v6 =	vpop (erf)  }
0x105: {  	v7 =	vnsel vm0, $0x0, v6;
	v8 =	vbroadcast v6, $0x1;
	v6 =	vbroadcast v6, $0x2  }
0x106: {  	[tilespmem:s2+$0x30] =	vst v7  }
0x107: {  	v2 =	vmul.f32 v2, v6;
	v1 =	vmul.f32 v1, v6  }
0x108: {  	v0 =	vmul.f32 v6, v0;
	v3 =	vmul.f32 v3, v6  }
0x109: {  	v4 =	vmul.f32 v8, v4;
	v5 =	vmul.f32 v8, v5;
	[tilespmem:s2+$0x20] =	vst v1  }
.Ltmp4:
0x10a: {  	[tilespmem:s2+$0x10] =	vst v2;
	(pc) =	sbr.rel @p1 .LBB2_12-.Ltmp4, $4  }
0x10b: {  	[tilespmem:s2+$0x0] =	vst v3  }
0x10c: {  	[tilespmem:s2+$0xFFFFFFF0] =	vst v0  }
0x10d: {  	s2 =	sadd.s32 $0x70, s2;
	[tilespmem:s3+$0xFFFFFFE0] =	vst v4  }
0x10e: {  	s19 =	sshra.s32 s30, $0x2;
	s30 =	sadd.s32 $0x40, s30;
	v0 =	vld [tilespmem:s2+$0x30];
	[tilespmem:s3+$0xFFFFFFD0] =	vst v5;
	s3 =	smov.u32 s2  }
0x10f: {  	v1 =	vld [tilespmem:s19+$0x1F600];
	_ =	sdelay $0x4  }
0x110: {  	v0 =	vadd.f32 v1, v0;
	_ =	sdelay $0x1  }
0x111: {  	v1 =	vmul.f32 $2.000000030e-01, v0  }
0x112: {  	vm1 =	vge.f32 v0, $0.0e+00  }
0x113: {  	v0 =	vsel vm1, v0, v1  }
0x114: {  	v0 =	vmul.f32 $1.442695020e+00, v0;
	_ =	sdelay $0x1  }
0x115: {  	(erf) = vpow2.f32 v0;
	_ =	sdelay $0x6  }
0x116: {  	v59 =	vld [tilespmem:s2+$0x20]  }
0x117: {  	v60 =	vld [tilespmem:s2+$0x10]  }
0x118: {  	v2 =	vld [tilespmem:s2+$0x0];
	v3 =	vpop (erf)  }
0x119: {  	v4 =	vld [tilespmem:s2+$0xFFFFFFF0];
	v5 =	vbroadcast v3, $0x2  }
0x11a: {  	v6 =	vld [tilespmem:s2+$0xFFFFFFE0]  }
0x11b: {  	v7 =	vld [tilespmem:s2+$0xFFFFFFD0];
	v8 =	vnsel vm0, $0x0, v3;
	v0 =	vmul.f32 v59, v5  }
0x11c: {  	[tilespmem:s2+$0x30] =	vst v8;
	v1 =	vmul.f32 v60, v5  }
0x11d: {  	v3 =	vbroadcast v3, $0x1;
	v2 =	vmul.f32 v2, v5;
	[tilespmem:s2+$0x20] =	vst v0  }
0x11e: {  	v61 =	vmul.f32 v5, v4;
	[tilespmem:s2+$0x10] =	vst v1  }
0x11f: {  	v62 =	vmul.f32 v3, v6;
	[tilespmem:s2+$0x0] =	vst v2  }
0x120: {  	v63 =	vmul.f32 v3, v7;
	[tilespmem:s2+$0xFFFFFFF0] =	vst v61  }
0x121: {  	s14 =	sadd.s32 $0x1, s14;
	[tilespmem:s3+$0xFFFFFFE0] =	vst v62  }
0x122: {  	p1 =	sne.s32 s14, $0xA2;
	[tilespmem:s3+$0xFFFFFFD0] =	vst v63  }
0x123: {  	[spmem:s11] =	stream.indirect.scatter.add.f32 [tilespmem:s7], [sflag:$0x5], $0x70, s18, s4, $0xb8;
	[tilespmem:$0x1FA00] =	vst v63  }
.Ltmp5:
0x124: {  	_ = 	snop;
	(pc) =	sbr.rel @p1 .LBB2_9-.Ltmp5, $4  }
.Ltmp6:
0x125: {  	_ = 	snop;
	(pc) =	sbr.rel @!p1 .LBB2_14-.Ltmp6, $4  }
0x126: {  	_ =	swait.ge [sflag:s0], $0x1C00  }
0x127: {  	[sflag:s0] =	ssyncset.done $0x0  }
0x128: {  	[sflag:s0] =	ssyncadd.s32 $0xFFFFE400  }
0x129: {  	_ = 	snop  }
.LBB2_2:
0x12a: {  	[tilespmem:s10], [sflag:$0x1] =	stream.indirect.gather [hbm4b:s15+s4], $0x70, s3, s4, $0xb8;
	[tilespmem:$0x1FA00] =	vst v63  }
0x12b: {  	s31 =	simm.s32 $0x1F200;
	s14 =	simm.s32 $0x0  }
0x12c: {  	[tilespmem:s31], [sflag:$0x3] =	stream.indirect.gather [hbm4b:s17+s4], $0x10, s2, s4, $0xb8;
	[tilespmem:$0x1FA00] =	vst v63  }
.LBB2_3:
0x12d: {  	_ =	swait.ge [sflag:s5], $0x1C00  }
0x12e: {  	[sflag:s5] =	ssyncset.done $0x0  }
0x12f: {  	[sflag:s5] =	ssyncadd.s32 $0xFFFFE400  }
0x130: {  	_ =	swait.ge [sflag:s6], $0x400  }
0x131: {  	s2 =	sshll.u32 s14, $0x7;
	[sflag:s6] =	ssyncset.done $0x0  }
0x132: {  	s3 =	sadd.s32 $0x11840, s2;
	[sflag:s6] =	ssyncadd.s32 $0xFFFFFC00  }
0x133: {  	[tilespmem:s7], [sflag:$0x2] =	stream.indirect.gather [hbm4b:s15+s4], $0x70, s3, s4, $0xb8;
	[tilespmem:$0x1FA00] =	vst v63  }
0x134: {  	s18 =	sadd.s32 $0x16940, s2;
	s3 =	simm.s32 $0x1BA30  }
0x135: {  	[tilespmem:s8], [sflag:$0x4] =	stream.indirect.gather [hbm4b:s17+s4], $0x10, s18, s4, $0xb8;
	[tilespmem:$0x1FA00] =	vst v63  }
0x136: {  	s19 =	simm.s32 $0x0;
	s31 =	simm.s32 $0x40;
	s30 =	simm.s32 $0x1BA30;
	v0 =	vld [tilespmem:s3+$0x30]  }
.LBB2_4:
0x137: {  	p1 =	sne.s32 s31, $0xFC0;
	v1 =	vld [tilespmem:s19+$0x1F200];
	_ =	sdelay $0x4  }
0x138: {  	v0 =	vadd.f32 v1, v0;
	_ =	sdelay $0x1  }
0x139: {  	v1 =	vmul.f32 $2.000000030e-01, v0  }
0x13a: {  	vm1 =	vge.f32 v0, $0.0e+00  }
0x13b: {  	v0 =	vsel vm1, v0, v1  }
0x13c: {  	v0 =	vmul.f32 $1.442695020e+00, v0;
	_ =	sdelay $0x1  }
0x13d: {  	(erf) = vpow2.f32 v0;
	_ =	sdelay $0x3  }
0x13e: {  	v0 =	vld [tilespmem:s3+$0xFFFFFFF0]  }
0x13f: {  	v1 =	vld [tilespmem:s3+$0x20]  }
0x140: {  	v2 =	vld [tilespmem:s3+$0x10]  }
0x141: {  	v3 =	vld [tilespmem:s3+$0x0]  }
0x142: {  	v4 =	vld [tilespmem:s3+$0xFFFFFFE0]  }
0x143: {  	v5 =	vld [tilespmem:s3+$0xFFFFFFD0];
	v6 =	vpop (erf)  }
0x144: {  	v7 =	vnsel vm0, $0x0, v6;
	v8 =	vbroadcast v6, $0x0;
	v6 =	vbroadcast v6, $0x1  }
0x145: {  	[tilespmem:s3+$0x30] =	vst v7  }
0x146: {  	v2 =	vmul.f32 v2, v6;
	v1 =	vmul.f32 v1, v6  }
0x147: {  	v0 =	vmul.f32 v8, v0;
	v3 =	vmul.f32 v3, v8  }
0x148: {  	v4 =	vmul.f32 v8, v4;
	v5 =	vmul.f32 v8, v5;
	[tilespmem:s3+$0x20] =	vst v1  }
.Ltmp7:
0x149: {  	[tilespmem:s3+$0x10] =	vst v2;
	(pc) =	sbr.rel @p1 .LBB2_4-.Ltmp7, $4  }
0x14a: {  	[tilespmem:s3+$0x0] =	vst v3  }
0x14b: {  	[tilespmem:s3+$0xFFFFFFF0] =	vst v0  }
0x14c: {  	s3 =	sadd.s32 $0x70, s3;
	[tilespmem:s30+$0xFFFFFFE0] =	vst v4  }
0x14d: {  	s19 =	sshra.s32 s31, $0x2;
	s31 =	sadd.s32 $0x40, s31;
	v0 =	vld [tilespmem:s3+$0x30];
	[tilespmem:s30+$0xFFFFFFD0] =	vst v5;
	s30 =	smov.u32 s3  }
0x14e: {  	v1 =	vld [tilespmem:s19+$0x1F200];
	_ =	sdelay $0x4  }
0x14f: {  	v0 =	vadd.f32 v1, v0;
	_ =	sdelay $0x1  }
0x150: {  	v1 =	vmul.f32 $2.000000030e-01, v0  }
0x151: {  	vm1 =	vge.f32 v0, $0.0e+00  }
0x152: {  	v0 =	vsel vm1, v0, v1  }
0x153: {  	v0 =	vmul.f32 $1.442695020e+00, v0;
	_ =	sdelay $0x1  }
0x154: {  	(erf) = vpow2.f32 v0;
	_ =	sdelay $0x6  }
0x155: {  	v0 =	vld [tilespmem:s3+$0x20]  }
0x156: {  	v1 =	vld [tilespmem:s3+$0x10]  }
0x157: {  	v2 =	vld [tilespmem:s3+$0x0];
	v3 =	vpop (erf)  }
0x158: {  	v4 =	vld [tilespmem:s3+$0xFFFFFFF0];
	v5 =	vbroadcast v3, $0x1  }
0x159: {  	v6 =	vld [tilespmem:s3+$0xFFFFFFE0]  }
0x15a: {  	v7 =	vld [tilespmem:s3+$0xFFFFFFD0];
	v8 =	vnsel vm0, $0x0, v3;
	v3 =	vbroadcast v3, $0x0;
	v0 =	vmul.f32 v0, v5  }
0x15b: {  	[tilespmem:s3+$0x30] =	vst v8;
	v1 =	vmul.f32 v1, v5  }
0x15c: {  	v2 =	vmul.f32 v2, v3;
	[tilespmem:s3+$0x20] =	vst v0  }
0x15d: {  	v0 =	vmul.f32 v3, v4;
	[tilespmem:s3+$0x10] =	vst v1  }
0x15e: {  	v1 =	vmul.f32 v3, v6;
	[tilespmem:s3+$0x0] =	vst v2  }
0x15f: {  	v2 =	vmul.f32 v3, v7;
	[tilespmem:s3+$0xFFFFFFF0] =	vst v0  }
0x160: {  	s31 =	sand.u32 $0x3FFFFF80, s2;
	[tilespmem:s30+$0xFFFFFFE0] =	vst v1  }
0x161: {  	s3 =	sadd.s32 $0x16900, s31;
	[tilespmem:s30+$0xFFFFFFD0] =	vst v2  }
0x162: {  	[spmem:s11] =	stream.indirect.scatter.add.f32 [tilespmem:s10], [sflag:$0x5], $0x70, s3, s4, $0xb8;
	[tilespmem:$0x1FA00] =	vst v63  }
0x163: {  	_ =	swait.ge [sflag:s0], $0x1C00  }
0x164: {  	[sflag:s0] =	ssyncset.done $0x0  }
0x165: {  	[sflag:s0] =	ssyncadd.s32 $0xFFFFE400  }
0x166: {  	_ =	swait.ge [sflag:s9], $0x1C00  }
0x167: {  	[sflag:s9] =	ssyncset.done $0x0  }
0x168: {  	[sflag:s9] =	ssyncadd.s32 $0xFFFFE400  }
0x169: {  	p1 =	seq.s32 s14, $0xA1;
	_ =	swait.ge [sflag:s12], $0x400  }
0x16a: {  	s19 =	simm.s32 @!p1 $0x40;
	[sflag:s12] =	ssyncset.done $0x0  }
0x16b: {  	s30 =	simm.s32 @!p1 $0x1BA00;
	s3 =	sadd.s32 @!p1 $0x11880, s2;
	[sflag:s12] =	ssyncadd.s32 $0xFFFFFC00  }
0x16c: {  	[tilespmem:s30], [sflag:$0x1] =	stream.indirect.gather @!p1 [hbm4b:s15+s19], $0x70, s3, s19, $0xb8;
	[tilespmem:$0x1FA00] =	vst v63  }
0x16d: {  	s2 =	sadd.s32 @!p1 $0x16980, s2;
	s3 =	simm.s32 @!p1 $0x1F200  }
0x16e: {  	[tilespmem:s3], [sflag:$0x3] =	stream.indirect.gather @!p1 [hbm4b:s17+s19], $0x10, s2, s19, $0xb8;
	[tilespmem:$0x1FA00] =	vst v63  }
0x16f: {  	s2 =	simm.s32 $0x1D630  }
0x170: {  	s30 =	simm.s32 $0x40;
	s19 =	simm.s32 $0x0;
	s3 =	simm.s32 $0x1D630;
	v0 =	vld [tilespmem:s2+$0x30]  }
.LBB2_6:
0x171: {  	p1 =	sne.s32 s30, $0xFC0;
	v1 =	vld [tilespmem:s19+$0x1F600];
	_ =	sdelay $0x4  }
0x172: {  	v0 =	vadd.f32 v1, v0;
	_ =	sdelay $0x1  }
0x173: {  	v1 =	vmul.f32 $2.000000030e-01, v0  }
0x174: {  	vm1 =	vge.f32 v0, $0.0e+00  }
0x175: {  	v0 =	vsel vm1, v0, v1  }
0x176: {  	v0 =	vmul.f32 $1.442695020e+00, v0;
	_ =	sdelay $0x1  }
0x177: {  	(erf) = vpow2.f32 v0;
	_ =	sdelay $0x3  }
0x178: {  	v0 =	vld [tilespmem:s2+$0xFFFFFFF0]  }
0x179: {  	v1 =	vld [tilespmem:s2+$0x20]  }
0x17a: {  	v2 =	vld [tilespmem:s2+$0x10]  }
0x17b: {  	v3 =	vld [tilespmem:s2+$0x0]  }
0x17c: {  	v4 =	vld [tilespmem:s2+$0xFFFFFFE0]  }
0x17d: {  	v5 =	vld [tilespmem:s2+$0xFFFFFFD0];
	v6 =	vpop (erf)  }
0x17e: {  	v7 =	vnsel vm0, $0x0, v6;
	v8 =	vbroadcast v6, $0x0;
	v6 =	vbroadcast v6, $0x1  }
0x17f: {  	[tilespmem:s2+$0x30] =	vst v7  }
0x180: {  	v2 =	vmul.f32 v2, v6;
	v1 =	vmul.f32 v1, v6  }
0x181: {  	v0 =	vmul.f32 v8, v0;
	v3 =	vmul.f32 v3, v8  }
0x182: {  	v4 =	vmul.f32 v8, v4;
	v5 =	vmul.f32 v8, v5;
	[tilespmem:s2+$0x20] =	vst v1  }
.Ltmp8:
0x183: {  	[tilespmem:s2+$0x10] =	vst v2;
	(pc) =	sbr.rel @p1 .LBB2_6-.Ltmp8, $4  }
0x184: {  	[tilespmem:s2+$0x0] =	vst v3  }
0x185: {  	[tilespmem:s2+$0xFFFFFFF0] =	vst v0  }
0x186: {  	s2 =	sadd.s32 $0x70, s2;
	[tilespmem:s3+$0xFFFFFFE0] =	vst v4  }
0x187: {  	s19 =	sshra.s32 s30, $0x2;
	s30 =	sadd.s32 $0x40, s30;
	v0 =	vld [tilespmem:s2+$0x30];
	[tilespmem:s3+$0xFFFFFFD0] =	vst v5;
	s3 =	smov.u32 s2  }
0x188: {  	v1 =	vld [tilespmem:s19+$0x1F600];
	_ =	sdelay $0x4  }
0x189: {  	v0 =	vadd.f32 v1, v0;
	_ =	sdelay $0x1  }
0x18a: {  	v1 =	vmul.f32 $2.000000030e-01, v0  }
0x18b: {  	vm1 =	vge.f32 v0, $0.0e+00  }
0x18c: {  	v0 =	vsel vm1, v0, v1  }
0x18d: {  	v0 =	vmul.f32 $1.442695020e+00, v0;
	_ =	sdelay $0x1  }
0x18e: {  	(erf) = vpow2.f32 v0;
	_ =	sdelay $0x6  }
0x18f: {  	v59 =	vld [tilespmem:s2+$0x20]  }
0x190: {  	v60 =	vld [tilespmem:s2+$0x10]  }
0x191: {  	v2 =	vld [tilespmem:s2+$0x0];
	v3 =	vpop (erf)  }
0x192: {  	v4 =	vld [tilespmem:s2+$0xFFFFFFF0];
	v5 =	vbroadcast v3, $0x1  }
0x193: {  	v6 =	vld [tilespmem:s2+$0xFFFFFFE0]  }
0x194: {  	v7 =	vld [tilespmem:s2+$0xFFFFFFD0];
	v8 =	vnsel vm0, $0x0, v3;
	v3 =	vbroadcast v3, $0x0;
	v0 =	vmul.f32 v59, v5  }
0x195: {  	[tilespmem:s2+$0x30] =	vst v8;
	v1 =	vmul.f32 v60, v5  }
0x196: {  	v2 =	vmul.f32 v2, v3;
	[tilespmem:s2+$0x20] =	vst v0  }
0x197: {  	v61 =	vmul.f32 v3, v4;
	[tilespmem:s2+$0x10] =	vst v1  }
0x198: {  	v62 =	vmul.f32 v3, v6;
	[tilespmem:s2+$0x0] =	vst v2  }
0x199: {  	v63 =	vmul.f32 v3, v7;
	[tilespmem:s2+$0xFFFFFFF0] =	vst v61  }
0x19a: {  	s14 =	sadd.s32 $0x1, s14;
	[tilespmem:s3+$0xFFFFFFE0] =	vst v62  }
0x19b: {  	p1 =	seq.s32 s14, $0xA2;
	[tilespmem:s3+$0xFFFFFFD0] =	vst v63  }
0x19c: {  	[spmem:s11] =	stream.indirect.scatter.add.f32 [tilespmem:s7], [sflag:$0x5], $0x70, s18, s4, $0xb8;
	[tilespmem:$0x1FA00] =	vst v63  }
.Ltmp9:
0x19d: {  	_ = 	snop;
	(pc) =	sbr.rel @!p1 .LBB2_3-.Ltmp9, $4  }
.Ltmp10:
0x19e: {  	_ = 	snop;
	(pc) =	sbr.rel @p1 .LBB2_14-.Ltmp10, $4  }
0x19f: {  	_ =	swait.ge [sflag:s0], $0x1C00  }
0x1a0: {  	[sflag:s0] =	ssyncset.done $0x0  }
0x1a1: {  	[sflag:s0] =	ssyncadd.s32 $0xFFFFE400  }
0x1a2: {  	_ = 	snop  }
.LBB2_15:
0x1a3: {  	_ =	sfence.sel $0x180000  }
0x1a4: {  	[bflag:$0x0] =	sbarrier.arrive $0xFFFF  }
0x1a5: {  	_ =	strace $0x90000047  }
0x1a6: {  	s0 =	stileid.u32;
	[bflag:$0x2] =	sbarrier.arrive $0xFFFF  }
0x1a7: {  	p0 =	sne.s32 s0, $0x0;
	s0 =	rddreg [dreg:$0x3]  }
0x1a8: {  	s0 =	sadd.s32 @!p0 $0x100000, s0  }
0x1a9: {  	[sflag:s0] =	ssyncadd.tile.s32 @!p0 $0x1;
	_ =	shalt  }
.Lfunc_end2:
_tile_overlayer_lowered:
.L_overlay_start_2:
0x1aa: {  	(tag) =	ssettag $0x2  }
0x1ab: {  	s0 =	rddreg [dreg:$0x0];
	s2 =	stileid.u32  }
0x1ac: {  	s1 =	rddreg [dreg:$0x1];
	p0 =	sne.s32 s2, $0x0  }
0x1ad: {  	s3 =	rddreg [dreg:$0x2];
	[bflag:$0x3] =	sbarrier.arrive $0xFFFF;
	s2 =	simm.s32 @!p0 $0x1C05  }
0x1ae: {  	[timem:s3], [sflag:s2] =	dma.local @!p0 [hbm:s0], s1  }
0x1af: {  	s0 =	simm.s32 @!p0 $0x5  }
0x1b0: {  	_ =	swait.ge @!p0 [sflag:s0], s1  }
0x1b1: {  	s1 =	ssub.s32 @!p0 $0x0, s1;
	[sflag:s0] =	ssyncset.done @!p0 $0x0  }
0x1b2: {  	[sflag:s0] =	ssyncadd.s32 @!p0 s1  }
0x1b3: {  	[bflag:$0x3] =	sbarrier.arrive $0xFFFF  }
0x1b4: {  	_ =	shalt  }

</sc_bundles>
